<compile_context>
chip_gen: v7x
topology: tpu7x:2x2x1
jax: 0.10.2.dev20260603
libtpu: 0.0.44.dev20260713+nightly
codegen_flags: <defaults>
</compile_context>

<pallas_src>
import functools

import jax
import jax.numpy as jnp
from jax import lax
from jax.experimental import pallas as pl
from jax.experimental.pallas import tpu as pltpu
from jax.experimental.pallas import tpu_sc as plsc

B = 16384
D = 32
NUM_CORES = 2
NUM_SUBCORES = 16
NW = NUM_CORES * NUM_SUBCORES
BPW = B // NW
CHUNK = 1
NSETS = 8
NGROUPS = BPW // 16


@functools.partial(
    pl.kernel,
    out_type=jax.ShapeDtypeStruct((B,), jnp.float32),
    mesh=plsc.VectorSubcoreMesh(core_axis_name="c", subcore_axis_name="s"),
    scratch_types=[
        pltpu.VMEM((BPW + 16,), jnp.int32),
        pltpu.VMEM((BPW + 16,), jnp.int32),
        pltpu.VMEM((NSETS, CHUNK, D, 128), jnp.float32),
        pltpu.VMEM((NSETS, CHUNK, D, 128), jnp.float32),
        pltpu.VMEM((BPW,), jnp.float32),
        pltpu.SemaphoreType.DMA,
        pltpu.SemaphoreType.DMA,
        pltpu.SemaphoreType.DMA,
        pltpu.SemaphoreType.DMA,
        pltpu.SemaphoreType.DMA,
        pltpu.SemaphoreType.DMA,
        pltpu.SemaphoreType.DMA,
        pltpu.SemaphoreType.DMA,
    ],
    compiler_params=pltpu.CompilerParams(needs_layout_passes=False),
)
def _sc_dot(uidx_hbm, iidx_hbm, utab_t_hbm, itab_t_hbm, out_hbm,
            uidx_v, iidx_v, ublk_v, iblk_v, out_v,
            semh0, semh1, semh2, semh3, semh4, semh5, semh6, semh7):
    wid = lax.axis_index("s") * NUM_CORES + lax.axis_index("c")
    base = wid * BPW
    semh = (semh0, semh1, semh2, semh3, semh4, semh5, semh6, semh7)

    pltpu.sync_copy(uidx_hbm.at[pl.ds(base, BPW)], uidx_v.at[pl.ds(0, BPW)])
    pltpu.sync_copy(iidx_hbm.at[pl.ds(base, BPW)], iidx_v.at[pl.ds(0, BPW)])

    lanes16 = lax.iota(jnp.int32, 16)
    d_lo = lanes16
    d_hi = lanes16 + 16

    def issue_hbm(uvec, ivec, k0, st):
        for i in range(CHUNK):
            r0u = pl.multiple_of((uvec[k0 + i] // 128) * 128, 128)
            r0i = pl.multiple_of((ivec[k0 + i] // 128) * 128, 128)
            pltpu.async_copy(utab_t_hbm.at[:, pl.ds(r0u, 128)],
                             ublk_v.at[st, i], semh[st])
            pltpu.async_copy(itab_t_hbm.at[:, pl.ds(r0i, 128)],
                             iblk_v.at[st, i], semh[st])

    def drain_hbm(st):
        for i in range(CHUNK):
            pltpu.make_async_copy(utab_t_hbm.at[:, pl.ds(0, 128)],
                                  ublk_v.at[st, i], semh[st]).wait()
            pltpu.make_async_copy(utab_t_hbm.at[:, pl.ds(0, 128)],
                                  iblk_v.at[st, i], semh[st]).wait()

    uvec0 = uidx_v[pl.ds(0, 16)]
    ivec0 = iidx_v[pl.ds(0, 16)]
    for j in range(NSETS):
        issue_hbm(uvec0, ivec0, j, j)

    def group_body(q, carry):
        g0 = q * 16
        uvec = uidx_v[pl.ds(g0, 16)]
        ivec = iidx_v[pl.ds(g0, 16)]
        uvec_n = uidx_v[pl.ds(g0 + 16, 16)]
        ivec_n = iidx_v[pl.ds(g0 + 16, 16)]
        res = jnp.zeros((16,), jnp.float32)
        for j in range(16):
            st = j % NSETS
            drain_hbm(st)
            for i in range(CHUNK):
                k = j + i
                lu = jnp.full((16,), uvec[k] % 128, jnp.int32)
                li = jnp.full((16,), ivec[k] % 128, jnp.int32)
                st_s = jnp.full((16,), st, jnp.int32)
                i_s = jnp.full((16,), i, jnp.int32)
                u1 = plsc.load_gather(ublk_v, [st_s, i_s, d_lo, lu])
                u2 = plsc.load_gather(ublk_v, [st_s, i_s, d_hi, lu])
                v1 = plsc.load_gather(iblk_v, [st_s, i_s, d_lo, li])
                v2 = plsc.load_gather(iblk_v, [st_s, i_s, d_hi, li])
                dot = jnp.sum(u1 * v1 + u2 * v2)
                res = jnp.where(lanes16 == k, dot, res)
            if j < 8:
                issue_hbm(uvec, ivec, j + 8, st)
            else:
                @pl.when(q < NGROUPS - 1)
                def _():
                    issue_hbm(uvec_n, ivec_n, j - 8, st)
        out_v[pl.ds(g0, 16)] = res
        return carry

    lax.fori_loop(0, NGROUPS, group_body, 0)

    pltpu.sync_copy(out_v, out_hbm.at[pl.ds(base, BPW)])


def kernel(user_inputs, item_inputs, user_table, item_table):
    y = _sc_dot(user_inputs.astype(jnp.int32), item_inputs.astype(jnp.int32),
                user_table.T, item_table.T)
    return y.reshape(B, 1)

# --- scband reference (transcript-rebuilt; emitter-appended) ---
"""Pipeline reference for scband-classification-model-80951543595713 (READ-ONLY COPY).

The authoritative reference and input builder live on the scoring server;
editing this copy changes nothing except your own understanding.
"""

import jax, jax.numpy as jnp
import numpy as np

EMBED_DIM = 32
NUM_USERS = 1000000 + 1
NUM_ITEMS = 1000000 + 1
BATCH = 16384

def setup_inputs(seed: int = 0) -> dict:
    key = jax.random.key(seed)
    k1, k2, k3, k4 = jax.random.split(key, 4)
    user_inputs = jax.random.randint(k1, (BATCH,), 0, 1000000, dtype=jnp.int64 if jax.config.jax_enable_x64 else jnp.int32)
    item_inputs = jax.random.randint(k2, (BATCH,), 0, 1000000, dtype=jnp.int64 if jax.config.jax_enable_x64 else jnp.int32)
    # Keras Embedding default init: uniform in [-0.05, 0.05]
    user_table = jax.random.uniform(k3, (NUM_USERS, EMBED_DIM), minval=-0.05, maxval=0.05, dtype=jnp.float32)
    item_table = jax.random.uniform(k4, (NUM_ITEMS, EMBED_DIM), minval=-0.05, maxval=0.05, dtype=jnp.float32)
    return {"user_inputs": user_inputs, "item_inputs": item_inputs,
            "user_table": user_table, "item_table": item_table}

def reference(user_inputs, item_inputs, user_table, item_table):
    # user_embedding lookup -> [B, 1, D] conceptually, Flatten -> [B, D]
    user_vecs = jnp.take(user_table, user_inputs, axis=0)  # [B, D]
    item_vecs = jnp.take(item_table, item_inputs, axis=0)  # [B, D]
    # model_type == 'dot': Dot(axes=1) -> [B, 1]
    y = jnp.sum(user_vecs * item_vecs, axis=1, keepdims=True)
    return y

if __name__ == "__main__":
    import jax
    _d = setup_inputs()
    print(jax.jit(kernel)(*tuple(_d.values())))

</pallas_src>

<mosaic_0001>
#map = affine_map<(d0, d1) -> (0)>
#map1 = affine_map<(d0, d1) -> (0, 0)>
module attributes {stable_mosaic.version = 14 : i64} {
  func.func @_sc_dot(%arg0: i32, %arg1: i32, %arg2: memref<16384xi32, #tpu.memory_space<hbm>>, %arg3: memref<16384xi32, #tpu.memory_space<hbm>>, %arg4: memref<32x1000001xf32, #tpu.memory_space<hbm>>, %arg5: memref<32x1000001xf32, #tpu.memory_space<hbm>>, %arg6: memref<16384xf32, #tpu.memory_space<hbm>>, %arg7: memref<528xi32, #tpu.memory_space<vmem>>, %arg8: memref<528xi32, #tpu.memory_space<vmem>>, %arg9: memref<8x1x32x128xf32, #tpu.memory_space<vmem>>, %arg10: memref<8x1x32x128xf32, #tpu.memory_space<vmem>>, %arg11: memref<512xf32, #tpu.memory_space<vmem>>, %arg12: memref<!tpu.dma_semaphore, #tpu.memory_space<semaphore_mem>>, %arg13: memref<!tpu.dma_semaphore, #tpu.memory_space<semaphore_mem>>, %arg14: memref<!tpu.dma_semaphore, #tpu.memory_space<semaphore_mem>>, %arg15: memref<!tpu.dma_semaphore, #tpu.memory_space<semaphore_mem>>, %arg16: memref<!tpu.dma_semaphore, #tpu.memory_space<semaphore_mem>>, %arg17: memref<!tpu.dma_semaphore, #tpu.memory_space<semaphore_mem>>, %arg18: memref<!tpu.dma_semaphore, #tpu.memory_space<semaphore_mem>>, %arg19: memref<!tpu.dma_semaphore, #tpu.memory_space<semaphore_mem>>) attributes {dimension_semantics = [#tpu.dimension_semantics<core_parallel>, #tpu.dimension_semantics<subcore_parallel>], iteration_bounds = array<i64: 2, 16>, scalar_prefetch = 0 : i64, scratch_operands = 13 : i64, tpu.core_type = #tpu.core_type<sc_vector_subcore>, window_params = [{transform_indices = #map}, {transform_indices = #map}, {transform_indices = #map1}, {transform_indices = #map1}, {transform_indices = #map}]} {
    %mul3A = arith.constant 2 : i32
    %mul3A_0 = arith.muli %arg1, %mul3A : i32
    %add3A = arith.addi %mul3A_0, %arg0 : i32
    %mul3A_1 = arith.constant 512 : i32
    %mul3A_2 = arith.muli %add3A, %mul3A_1 : i32
    "tpu.region"() ({
      %run_scoped3A = tpu.sem_alloc : memref<!tpu.dma_semaphore, #tpu.memory_space<semaphore_mem>>
      %dma_start3A_690 = arith.constant 0 : i32
      %dma_start3A_691 = tpu.memref_slice %arg7[%dma_start3A_690] : memref<528xi32, #tpu.memory_space<vmem>> -> memref<512xi32, #tpu.memory_space<vmem>>
      %dma_start3A_692 = tpu.memref_slice %arg2[%mul3A_2] : memref<16384xi32, #tpu.memory_space<hbm>> -> memref<512xi32, #tpu.memory_space<hbm>>
      %dma_start3A_693 = arith.constant 0 : i32
      %dma_start3A_694 = tpu.memref_slice %arg7[%dma_start3A_693] : memref<528xi32, #tpu.memory_space<vmem>> -> memref<512xi32, #tpu.memory_space<vmem>>
      %dma_start3A_695 = tpu.memref_slice %arg2[%mul3A_2] : memref<16384xi32, #tpu.memory_space<hbm>> -> memref<512xi32, #tpu.memory_space<hbm>>
      tpu.enqueue_dma source(%dma_start3A_695 : memref<512xi32, #tpu.memory_space<hbm>>) target(%dma_start3A_694 : memref<512xi32, #tpu.memory_space<vmem>>) target_semaphore(%run_scoped3A : memref<!tpu.dma_semaphore, #tpu.memory_space<semaphore_mem>>)
      %dma_wait3A = arith.constant 0 : i32
      %dma_wait3A_696 = tpu.memref_slice %arg7[%dma_wait3A] : memref<528xi32, #tpu.memory_space<vmem>> -> memref<512xi32, #tpu.memory_space<vmem>>
      %dma_wait3A_697 = tpu.memref_slice %arg2[%mul3A_2] : memref<16384xi32, #tpu.memory_space<hbm>> -> memref<512xi32, #tpu.memory_space<hbm>>
      %dma_wait3A_698 = arith.constant 0 : i32
      %dma_wait3A_699 = tpu.memref_slice %arg7[%dma_wait3A_698] : memref<528xi32, #tpu.memory_space<vmem>> -> memref<512xi32, #tpu.memory_space<vmem>>
      %dma_wait3A_700 = tpu.memref_slice %arg2[%mul3A_2] : memref<16384xi32, #tpu.memory_space<hbm>> -> memref<512xi32, #tpu.memory_space<hbm>>
      tpu.wait_dma2 semaphore(%run_scoped3A : memref<!tpu.dma_semaphore, #tpu.memory_space<semaphore_mem>>) src(%dma_wait3A_700 : memref<512xi32, #tpu.memory_space<hbm>>) dst(%dma_wait3A_699 : memref<512xi32, #tpu.memory_space<vmem>>)
      tpu.yield
    }) : () -> ()
    "tpu.region"() ({
      %run_scoped3A = tpu.sem_alloc : memref<!tpu.dma_semaphore, #tpu.memory_space<semaphore_mem>>
      %dma_start3A_690 = arith.constant 0 : i32
      %dma_start3A_691 = tpu.memref_slice %arg8[%dma_start3A_690] : memref<528xi32, #tpu.memory_space<vmem>> -> memref<512xi32, #tpu.memory_space<vmem>>
      %dma_start3A_692 = tpu.memref_slice %arg3[%mul3A_2] : memref<16384xi32, #tpu.memory_space<hbm>> -> memref<512xi32, #tpu.memory_space<hbm>>
      %dma_start3A_693 = arith.constant 0 : i32
      %dma_start3A_694 = tpu.memref_slice %arg8[%dma_start3A_693] : memref<528xi32, #tpu.memory_space<vmem>> -> memref<512xi32, #tpu.memory_space<vmem>>
      %dma_start3A_695 = tpu.memref_slice %arg3[%mul3A_2] : memref<16384xi32, #tpu.memory_space<hbm>> -> memref<512xi32, #tpu.memory_space<hbm>>
      tpu.enqueue_dma source(%dma_start3A_695 : memref<512xi32, #tpu.memory_space<hbm>>) target(%dma_start3A_694 : memref<512xi32, #tpu.memory_space<vmem>>) target_semaphore(%run_scoped3A : memref<!tpu.dma_semaphore, #tpu.memory_space<semaphore_mem>>)
      %dma_wait3A = arith.constant 0 : i32
      %dma_wait3A_696 = tpu.memref_slice %arg8[%dma_wait3A] : memref<528xi32, #tpu.memory_space<vmem>> -> memref<512xi32, #tpu.memory_space<vmem>>
      %dma_wait3A_697 = tpu.memref_slice %arg3[%mul3A_2] : memref<16384xi32, #tpu.memory_space<hbm>> -> memref<512xi32, #tpu.memory_space<hbm>>
      %dma_wait3A_698 = arith.constant 0 : i32
      %dma_wait3A_699 = tpu.memref_slice %arg8[%dma_wait3A_698] : memref<528xi32, #tpu.memory_space<vmem>> -> memref<512xi32, #tpu.memory_space<vmem>>
      %dma_wait3A_700 = tpu.memref_slice %arg3[%mul3A_2] : memref<16384xi32, #tpu.memory_space<hbm>> -> memref<512xi32, #tpu.memory_space<hbm>>
      tpu.wait_dma2 semaphore(%run_scoped3A : memref<!tpu.dma_semaphore, #tpu.memory_space<semaphore_mem>>) src(%dma_wait3A_700 : memref<512xi32, #tpu.memory_space<hbm>>) dst(%dma_wait3A_699 : memref<512xi32, #tpu.memory_space<vmem>>)
      tpu.yield
    }) : () -> ()
    %iota3A = tpu.iota {dimensions = array<i32: 0>} : vector<16xi32>
    %add3A_3 = arith.constant 16 : i32
    %add3A_4 = vector.broadcast %add3A_3 : i32 to vector<16xi32>
    %add3A_5 = arith.addi %iota3A, %add3A_4 : vector<16xi32>
    %get3A = arith.constant 0 : index
    %get3A_6 = tpu.vector_load %arg7[%get3A] {strides = array<i32>} : memref<528xi32, #tpu.memory_space<vmem>>, vector<16xi32>,
    %get3A_7 = arith.constant 0 : index
    %get3A_8 = tpu.vector_load %arg8[%get3A_7] {strides = array<i32>} : memref<528xi32, #tpu.memory_space<vmem>>, vector<16xi32>,
    %slice3A = vector.extract_strided_slice %get3A_6 {offsets = [0], sizes = [1], strides = [1]} : vector<16xi32> to vector<1xi32>
    %squeeze3A = vector.extract %slice3A[0] : i32 from vector<1xi32>
    %jit3A = arith.constant 128 : i32
    %div3A = arith.divsi %squeeze3A, %jit3A : i32
    %sign3A = arith.constant 0 : i32
    %sign3A_9 = arith.cmpi sgt, %squeeze3A, %sign3A : i32
    %sign3A_10 = arith.extui %sign3A_9 : i1 to i32
    %sign3A_11 = arith.constant 0 : i32
    %sign3A_12 = arith.cmpi slt, %squeeze3A, %sign3A_11 : i32
    %sign3A_13 = arith.extui %sign3A_12 : i1 to i32
    %sign3A_14 = arith.subi %sign3A_10, %sign3A_13 : i32
    %sign3A_15 = arith.constant 0 : i32
    %sign3A_16 = arith.cmpi sgt, %jit3A, %sign3A_15 : i32
    %sign3A_17 = arith.extui %sign3A_16 : i1 to i32
    %sign3A_18 = arith.constant 0 : i32
    %sign3A_19 = arith.cmpi slt, %jit3A, %sign3A_18 : i32
    %sign3A_20 = arith.extui %sign3A_19 : i1 to i32
    %sign3A_21 = arith.subi %sign3A_17, %sign3A_20 : i32
    %ne3A = arith.cmpi ne, %sign3A_14, %sign3A_21 : i32
    %rem3A = arith.remsi %squeeze3A, %jit3A : i32
    %ne3A_22 = arith.constant 0 : i32
    %ne3A_23 = arith.cmpi ne, %rem3A, %ne3A_22 : i32
    %and3A = arith.andi %ne3A, %ne3A_23 : i1
    %sub3A = arith.constant 1 : i32
    %sub3A_24 = arith.subi %div3A, %sub3A : i32
    %select_n3A = arith.select %and3A, %sub3A_24, %div3A : i32
    %mul3A_25 = arith.constant 128 : i32
    %mul3A_26 = arith.muli %select_n3A, %mul3A_25 : i32
    %multiple_of3A = tpu.assume_multiple %mul3A_26, 128 : i32
    %slice3A_27 = vector.extract_strided_slice %get3A_8 {offsets = [0], sizes = [1], strides = [1]} : vector<16xi32> to vector<1xi32>
    %squeeze3A_28 = vector.extract %slice3A_27[0] : i32 from vector<1xi32>
    %jit3A_29 = arith.constant 128 : i32
    %div3A_30 = arith.divsi %squeeze3A_28, %jit3A_29 : i32
    %sign3A_31 = arith.constant 0 : i32
    %sign3A_32 = arith.cmpi sgt, %squeeze3A_28, %sign3A_31 : i32
    %sign3A_33 = arith.extui %sign3A_32 : i1 to i32
    %sign3A_34 = arith.constant 0 : i32
    %sign3A_35 = arith.cmpi slt, %squeeze3A_28, %sign3A_34 : i32
    %sign3A_36 = arith.extui %sign3A_35 : i1 to i32
    %sign3A_37 = arith.subi %sign3A_33, %sign3A_36 : i32
    %sign3A_38 = arith.constant 0 : i32
    %sign3A_39 = arith.cmpi sgt, %jit3A_29, %sign3A_38 : i32
    %sign3A_40 = arith.extui %sign3A_39 : i1 to i32
    %sign3A_41 = arith.constant 0 : i32
    %sign3A_42 = arith.cmpi slt, %jit3A_29, %sign3A_41 : i32
    %sign3A_43 = arith.extui %sign3A_42 : i1 to i32
    %sign3A_44 = arith.subi %sign3A_40, %sign3A_43 : i32
    %ne3A_45 = arith.cmpi ne, %sign3A_37, %sign3A_44 : i32
    %rem3A_46 = arith.remsi %squeeze3A_28, %jit3A_29 : i32
    %ne3A_47 = arith.constant 0 : i32
    %ne3A_48 = arith.cmpi ne, %rem3A_46, %ne3A_47 : i32
    %and3A_49 = arith.andi %ne3A_45, %ne3A_48 : i1
    %sub3A_50 = arith.constant 1 : i32
    %sub3A_51 = arith.subi %div3A_30, %sub3A_50 : i32
    %select_n3A_52 = arith.select %and3A_49, %sub3A_51, %div3A_30 : i32
    %mul3A_53 = arith.constant 128 : i32
    %mul3A_54 = arith.muli %select_n3A_52, %mul3A_53 : i32
    %multiple_of3A_55 = tpu.assume_multiple %mul3A_54, 128 : i32
    %dma_start3A = arith.constant 0 : i32
    %dma_start3A_56 = arith.constant 0 : i32
    %dma_start3A_57 = arith.constant 0 : i32
    %dma_start3A_58 = arith.constant 0 : i32
    %dma_start3A_59 = tpu.memref_slice %arg9[%dma_start3A, %dma_start3A_56, %dma_start3A_57, %dma_start3A_58] : memref<8x1x32x128xf32, #tpu.memory_space<vmem>> -> memref<1x1x32x128xf32, #tpu.memory_space<vmem>>
    %dma_start3A_60 = tpu.memref_squeeze %dma_start3A_59 : memref<1x1x32x128xf32, #tpu.memory_space<vmem>> -> memref<32x128xf32, #tpu.memory_space<vmem>>
    %dma_start3A_61 = arith.constant 0 : i32
    %dma_start3A_62 = tpu.memref_slice %arg4[%dma_start3A_61, %multiple_of3A] : memref<32x1000001xf32, #tpu.memory_space<hbm>> -> memref<32x128xf32, #tpu.memory_space<hbm>>
    %dma_start3A_63 = arith.constant 0 : i32
    %dma_start3A_64 = arith.constant 0 : i32
    %dma_start3A_65 = tpu.memref_slice %arg9[%dma_start3A, %dma_start3A_56, %dma_start3A_63, %dma_start3A_64] : memref<8x1x32x128xf32, #tpu.memory_space<vmem>> -> memref<1x1x32x128xf32, #tpu.memory_space<vmem>>
    %dma_start3A_66 = tpu.memref_squeeze %dma_start3A_65 : memref<1x1x32x128xf32, #tpu.memory_space<vmem>> -> memref<32x128xf32, #tpu.memory_space<vmem>>
    %dma_start3A_67 = arith.constant 0 : i32
    %dma_start3A_68 = tpu.memref_slice %arg4[%dma_start3A_67, %multiple_of3A] : memref<32x1000001xf32, #tpu.memory_space<hbm>> -> memref<32x128xf32, #tpu.memory_space<hbm>>
    tpu.enqueue_dma source(%dma_start3A_68 : memref<32x128xf32, #tpu.memory_space<hbm>>) target(%dma_start3A_66 : memref<32x128xf32, #tpu.memory_space<vmem>>) target_semaphore(%arg12 : memref<!tpu.dma_semaphore, #tpu.memory_space<semaphore_mem>>)
    %dma_start3A_69 = arith.constant 0 : i32
    %dma_start3A_70 = arith.constant 0 : i32
    %dma_start3A_71 = arith.constant 0 : i32
    %dma_start3A_72 = arith.constant 0 : i32
    %dma_start3A_73 = tpu.memref_slice %arg10[%dma_start3A_69, %dma_start3A_70, %dma_start3A_71, %dma_start3A_72] : memref<8x1x32x128xf32, #tpu.memory_space<vmem>> -> memref<1x1x32x128xf32, #tpu.memory_space<vmem>>
    %dma_start3A_74 = tpu.memref_squeeze %dma_start3A_73 : memref<1x1x32x128xf32, #tpu.memory_space<vmem>> -> memref<32x128xf32, #tpu.memory_space<vmem>>
    %dma_start3A_75 = arith.constant 0 : i32
    %dma_start3A_76 = tpu.memref_slice %arg5[%dma_start3A_75, %multiple_of3A_55] : memref<32x1000001xf32, #tpu.memory_space<hbm>> -> memref<32x128xf32, #tpu.memory_space<hbm>>
    %dma_start3A_77 = arith.constant 0 : i32
    %dma_start3A_78 = arith.constant 0 : i32
    %dma_start3A_79 = tpu.memref_slice %arg10[%dma_start3A_69, %dma_start3A_70, %dma_start3A_77, %dma_start3A_78] : memref<8x1x32x128xf32, #tpu.memory_space<vmem>> -> memref<1x1x32x128xf32, #tpu.memory_space<vmem>>
    %dma_start3A_80 = tpu.memref_squeeze %dma_start3A_79 : memref<1x1x32x128xf32, #tpu.memory_space<vmem>> -> memref<32x128xf32, #tpu.memory_space<vmem>>
    %dma_start3A_81 = arith.constant 0 : i32
    %dma_start3A_82 = tpu.memref_slice %arg5[%dma_start3A_81, %multiple_of3A_55] : memref<32x1000001xf32, #tpu.memory_space<hbm>> -> memref<32x128xf32, #tpu.memory_space<hbm>>
    tpu.enqueue_dma source(%dma_start3A_82 : memref<32x128xf32, #tpu.memory_space<hbm>>) target(%dma_start3A_80 : memref<32x128xf32, #tpu.memory_space<vmem>>) target_semaphore(%arg12 : memref<!tpu.dma_semaphore, #tpu.memory_space<semaphore_mem>>)
    %slice3A_83 = vector.extract_strided_slice %get3A_6 {offsets = [1], sizes = [1], strides = [1]} : vector<16xi32> to vector<1xi32>
    %squeeze3A_84 = vector.extract %slice3A_83[0] : i32 from vector<1xi32>
    %jit3A_85 = arith.constant 128 : i32
    %div3A_86 = arith.divsi %squeeze3A_84, %jit3A_85 : i32
    %sign3A_87 = arith.constant 0 : i32
    %sign3A_88 = arith.cmpi sgt, %squeeze3A_84, %sign3A_87 : i32
    %sign3A_89 = arith.extui %sign3A_88 : i1 to i32
    %sign3A_90 = arith.constant 0 : i32
    %sign3A_91 = arith.cmpi slt, %squeeze3A_84, %sign3A_90 : i32
    %sign3A_92 = arith.extui %sign3A_91 : i1 to i32
    %sign3A_93 = arith.subi %sign3A_89, %sign3A_92 : i32
    %sign3A_94 = arith.constant 0 : i32
    %sign3A_95 = arith.cmpi sgt, %jit3A_85, %sign3A_94 : i32
    %sign3A_96 = arith.extui %sign3A_95 : i1 to i32
    %sign3A_97 = arith.constant 0 : i32
    %sign3A_98 = arith.cmpi slt, %jit3A_85, %sign3A_97 : i32
    %sign3A_99 = arith.extui %sign3A_98 : i1 to i32
    %sign3A_100 = arith.subi %sign3A_96, %sign3A_99 : i32
    %ne3A_101 = arith.cmpi ne, %sign3A_93, %sign3A_100 : i32
    %rem3A_102 = arith.remsi %squeeze3A_84, %jit3A_85 : i32
    %ne3A_103 = arith.constant 0 : i32
    %ne3A_104 = arith.cmpi ne, %rem3A_102, %ne3A_103 : i32
    %and3A_105 = arith.andi %ne3A_101, %ne3A_104 : i1
    %sub3A_106 = arith.constant 1 : i32
    %sub3A_107 = arith.subi %div3A_86, %sub3A_106 : i32
    %select_n3A_108 = arith.select %and3A_105, %sub3A_107, %div3A_86 : i32
    %mul3A_109 = arith.constant 128 : i32
    %mul3A_110 = arith.muli %select_n3A_108, %mul3A_109 : i32
    %multiple_of3A_111 = tpu.assume_multiple %mul3A_110, 128 : i32
    %slice3A_112 = vector.extract_strided_slice %get3A_8 {offsets = [1], sizes = [1], strides = [1]} : vector<16xi32> to vector<1xi32>
    %squeeze3A_113 = vector.extract %slice3A_112[0] : i32 from vector<1xi32>
    %jit3A_114 = arith.constant 128 : i32
    %div3A_115 = arith.divsi %squeeze3A_113, %jit3A_114 : i32
    %sign3A_116 = arith.constant 0 : i32
    %sign3A_117 = arith.cmpi sgt, %squeeze3A_113, %sign3A_116 : i32
    %sign3A_118 = arith.extui %sign3A_117 : i1 to i32
    %sign3A_119 = arith.constant 0 : i32
    %sign3A_120 = arith.cmpi slt, %squeeze3A_113, %sign3A_119 : i32
    %sign3A_121 = arith.extui %sign3A_120 : i1 to i32
    %sign3A_122 = arith.subi %sign3A_118, %sign3A_121 : i32
    %sign3A_123 = arith.constant 0 : i32
    %sign3A_124 = arith.cmpi sgt, %jit3A_114, %sign3A_123 : i32
    %sign3A_125 = arith.extui %sign3A_124 : i1 to i32
    %sign3A_126 = arith.constant 0 : i32
    %sign3A_127 = arith.cmpi slt, %jit3A_114, %sign3A_126 : i32
    %sign3A_128 = arith.extui %sign3A_127 : i1 to i32
    %sign3A_129 = arith.subi %sign3A_125, %sign3A_128 : i32
    %ne3A_130 = arith.cmpi ne, %sign3A_122, %sign3A_129 : i32
    %rem3A_131 = arith.remsi %squeeze3A_113, %jit3A_114 : i32
    %ne3A_132 = arith.constant 0 : i32
    %ne3A_133 = arith.cmpi ne, %rem3A_131, %ne3A_132 : i32
    %and3A_134 = arith.andi %ne3A_130, %ne3A_133 : i1
    %sub3A_135 = arith.constant 1 : i32
    %sub3A_136 = arith.subi %div3A_115, %sub3A_135 : i32
    %select_n3A_137 = arith.select %and3A_134, %sub3A_136, %div3A_115 : i32
    %mul3A_138 = arith.constant 128 : i32
    %mul3A_139 = arith.muli %select_n3A_137, %mul3A_138 : i32
    %multiple_of3A_140 = tpu.assume_multiple %mul3A_139, 128 : i32
    %dma_start3A_141 = arith.constant 1 : i32
    %dma_start3A_142 = arith.constant 0 : i32
    %dma_start3A_143 = arith.constant 0 : i32
    %dma_start3A_144 = arith.constant 0 : i32
    %dma_start3A_145 = tpu.memref_slice %arg9[%dma_start3A_141, %dma_start3A_142, %dma_start3A_143, %dma_start3A_144] : memref<8x1x32x128xf32, #tpu.memory_space<vmem>> -> memref<1x1x32x128xf32, #tpu.memory_space<vmem>>
    %dma_start3A_146 = tpu.memref_squeeze %dma_start3A_145 : memref<1x1x32x128xf32, #tpu.memory_space<vmem>> -> memref<32x128xf32, #tpu.memory_space<vmem>>
    %dma_start3A_147 = arith.constant 0 : i32
    %dma_start3A_148 = tpu.memref_slice %arg4[%dma_start3A_147, %multiple_of3A_111] : memref<32x1000001xf32, #tpu.memory_space<hbm>> -> memref<32x128xf32, #tpu.memory_space<hbm>>
    %dma_start3A_149 = arith.constant 0 : i32
    %dma_start3A_150 = arith.constant 0 : i32
    %dma_start3A_151 = tpu.memref_slice %arg9[%dma_start3A_141, %dma_start3A_142, %dma_start3A_149, %dma_start3A_150] : memref<8x1x32x128xf32, #tpu.memory_space<vmem>> -> memref<1x1x32x128xf32, #tpu.memory_space<vmem>>
    %dma_start3A_152 = tpu.memref_squeeze %dma_start3A_151 : memref<1x1x32x128xf32, #tpu.memory_space<vmem>> -> memref<32x128xf32, #tpu.memory_space<vmem>>
    %dma_start3A_153 = arith.constant 0 : i32
    %dma_start3A_154 = tpu.memref_slice %arg4[%dma_start3A_153, %multiple_of3A_111] : memref<32x1000001xf32, #tpu.memory_space<hbm>> -> memref<32x128xf32, #tpu.memory_space<hbm>>
    tpu.enqueue_dma source(%dma_start3A_154 : memref<32x128xf32, #tpu.memory_space<hbm>>) target(%dma_start3A_152 : memref<32x128xf32, #tpu.memory_space<vmem>>) target_semaphore(%arg13 : memref<!tpu.dma_semaphore, #tpu.memory_space<semaphore_mem>>)
    %dma_start3A_155 = arith.constant 1 : i32
    %dma_start3A_156 = arith.constant 0 : i32
    %dma_start3A_157 = arith.constant 0 : i32
    %dma_start3A_158 = arith.constant 0 : i32
    %dma_start3A_159 = tpu.memref_slice %arg10[%dma_start3A_155, %dma_start3A_156, %dma_start3A_157, %dma_start3A_158] : memref<8x1x32x128xf32, #tpu.memory_space<vmem>> -> memref<1x1x32x128xf32, #tpu.memory_space<vmem>>
    %dma_start3A_160 = tpu.memref_squeeze %dma_start3A_159 : memref<1x1x32x128xf32, #tpu.memory_space<vmem>> -> memref<32x128xf32, #tpu.memory_space<vmem>>
    %dma_start3A_161 = arith.constant 0 : i32
    %dma_start3A_162 = tpu.memref_slice %arg5[%dma_start3A_161, %multiple_of3A_140] : memref<32x1000001xf32, #tpu.memory_space<hbm>> -> memref<32x128xf32, #tpu.memory_space<hbm>>
    %dma_start3A_163 = arith.constant 0 : i32
    %dma_start3A_164 = arith.constant 0 : i32
    %dma_start3A_165 = tpu.memref_slice %arg10[%dma_start3A_155, %dma_start3A_156, %dma_start3A_163, %dma_start3A_164] : memref<8x1x32x128xf32, #tpu.memory_space<vmem>> -> memref<1x1x32x128xf32, #tpu.memory_space<vmem>>
    %dma_start3A_166 = tpu.memref_squeeze %dma_start3A_165 : memref<1x1x32x128xf32, #tpu.memory_space<vmem>> -> memref<32x128xf32, #tpu.memory_space<vmem>>
    %dma_start3A_167 = arith.constant 0 : i32
    %dma_start3A_168 = tpu.memref_slice %arg5[%dma_start3A_167, %multiple_of3A_140] : memref<32x1000001xf32, #tpu.memory_space<hbm>> -> memref<32x128xf32, #tpu.memory_space<hbm>>
    tpu.enqueue_dma source(%dma_start3A_168 : memref<32x128xf32, #tpu.memory_space<hbm>>) target(%dma_start3A_166 : memref<32x128xf32, #tpu.memory_space<vmem>>) target_semaphore(%arg13 : memref<!tpu.dma_semaphore, #tpu.memory_space<semaphore_mem>>)
    %slice3A_169 = vector.extract_strided_slice %get3A_6 {offsets = [2], sizes = [1], strides = [1]} : vector<16xi32> to vector<1xi32>
    %squeeze3A_170 = vector.extract %slice3A_169[0] : i32 from vector<1xi32>
    %jit3A_171 = arith.constant 128 : i32
    %div3A_172 = arith.divsi %squeeze3A_170, %jit3A_171 : i32
    %sign3A_173 = arith.constant 0 : i32
    %sign3A_174 = arith.cmpi sgt, %squeeze3A_170, %sign3A_173 : i32
    %sign3A_175 = arith.extui %sign3A_174 : i1 to i32
    %sign3A_176 = arith.constant 0 : i32
    %sign3A_177 = arith.cmpi slt, %squeeze3A_170, %sign3A_176 : i32
    %sign3A_178 = arith.extui %sign3A_177 : i1 to i32
    %sign3A_179 = arith.subi %sign3A_175, %sign3A_178 : i32
    %sign3A_180 = arith.constant 0 : i32
    %sign3A_181 = arith.cmpi sgt, %jit3A_171, %sign3A_180 : i32
    %sign3A_182 = arith.extui %sign3A_181 : i1 to i32
    %sign3A_183 = arith.constant 0 : i32
    %sign3A_184 = arith.cmpi slt, %jit3A_171, %sign3A_183 : i32
    %sign3A_185 = arith.extui %sign3A_184 : i1 to i32
    %sign3A_186 = arith.subi %sign3A_182, %sign3A_185 : i32
    %ne3A_187 = arith.cmpi ne, %sign3A_179, %sign3A_186 : i32
    %rem3A_188 = arith.remsi %squeeze3A_170, %jit3A_171 : i32
    %ne3A_189 = arith.constant 0 : i32
    %ne3A_190 = arith.cmpi ne, %rem3A_188, %ne3A_189 : i32
    %and3A_191 = arith.andi %ne3A_187, %ne3A_190 : i1
    %sub3A_192 = arith.constant 1 : i32
    %sub3A_193 = arith.subi %div3A_172, %sub3A_192 : i32
    %select_n3A_194 = arith.select %and3A_191, %sub3A_193, %div3A_172 : i32
    %mul3A_195 = arith.constant 128 : i32
    %mul3A_196 = arith.muli %select_n3A_194, %mul3A_195 : i32
    %multiple_of3A_197 = tpu.assume_multiple %mul3A_196, 128 : i32
    %slice3A_198 = vector.extract_strided_slice %get3A_8 {offsets = [2], sizes = [1], strides = [1]} : vector<16xi32> to vector<1xi32>
    %squeeze3A_199 = vector.extract %slice3A_198[0] : i32 from vector<1xi32>
    %jit3A_200 = arith.constant 128 : i32
    %div3A_201 = arith.divsi %squeeze3A_199, %jit3A_200 : i32
    %sign3A_202 = arith.constant 0 : i32
    %sign3A_203 = arith.cmpi sgt, %squeeze3A_199, %sign3A_202 : i32
    %sign3A_204 = arith.extui %sign3A_203 : i1 to i32
    %sign3A_205 = arith.constant 0 : i32
    %sign3A_206 = arith.cmpi slt, %squeeze3A_199, %sign3A_205 : i32
    %sign3A_207 = arith.extui %sign3A_206 : i1 to i32
    %sign3A_208 = arith.subi %sign3A_204, %sign3A_207 : i32
    %sign3A_209 = arith.constant 0 : i32
    %sign3A_210 = arith.cmpi sgt, %jit3A_200, %sign3A_209 : i32
    %sign3A_211 = arith.extui %sign3A_210 : i1 to i32
    %sign3A_212 = arith.constant 0 : i32
    %sign3A_213 = arith.cmpi slt, %jit3A_200, %sign3A_212 : i32
    %sign3A_214 = arith.extui %sign3A_213 : i1 to i32
    %sign3A_215 = arith.subi %sign3A_211, %sign3A_214 : i32
    %ne3A_216 = arith.cmpi ne, %sign3A_208, %sign3A_215 : i32
    %rem3A_217 = arith.remsi %squeeze3A_199, %jit3A_200 : i32
    %ne3A_218 = arith.constant 0 : i32
    %ne3A_219 = arith.cmpi ne, %rem3A_217, %ne3A_218 : i32
    %and3A_220 = arith.andi %ne3A_216, %ne3A_219 : i1
    %sub3A_221 = arith.constant 1 : i32
    %sub3A_222 = arith.subi %div3A_201, %sub3A_221 : i32
    %select_n3A_223 = arith.select %and3A_220, %sub3A_222, %div3A_201 : i32
    %mul3A_224 = arith.constant 128 : i32
    %mul3A_225 = arith.muli %select_n3A_223, %mul3A_224 : i32
    %multiple_of3A_226 = tpu.assume_multiple %mul3A_225, 128 : i32
    %dma_start3A_227 = arith.constant 2 : i32
    %dma_start3A_228 = arith.constant 0 : i32
    %dma_start3A_229 = arith.constant 0 : i32
    %dma_start3A_230 = arith.constant 0 : i32
    %dma_start3A_231 = tpu.memref_slice %arg9[%dma_start3A_227, %dma_start3A_228, %dma_start3A_229, %dma_start3A_230] : memref<8x1x32x128xf32, #tpu.memory_space<vmem>> -> memref<1x1x32x128xf32, #tpu.memory_space<vmem>>
    %dma_start3A_232 = tpu.memref_squeeze %dma_start3A_231 : memref<1x1x32x128xf32, #tpu.memory_space<vmem>> -> memref<32x128xf32, #tpu.memory_space<vmem>>
    %dma_start3A_233 = arith.constant 0 : i32
    %dma_start3A_234 = tpu.memref_slice %arg4[%dma_start3A_233, %multiple_of3A_197] : memref<32x1000001xf32, #tpu.memory_space<hbm>> -> memref<32x128xf32, #tpu.memory_space<hbm>>
    %dma_start3A_235 = arith.constant 0 : i32
    %dma_start3A_236 = arith.constant 0 : i32
    %dma_start3A_237 = tpu.memref_slice %arg9[%dma_start3A_227, %dma_start3A_228, %dma_start3A_235, %dma_start3A_236] : memref<8x1x32x128xf32, #tpu.memory_space<vmem>> -> memref<1x1x32x128xf32, #tpu.memory_space<vmem>>
    %dma_start3A_238 = tpu.memref_squeeze %dma_start3A_237 : memref<1x1x32x128xf32, #tpu.memory_space<vmem>> -> memref<32x128xf32, #tpu.memory_space<vmem>>
    %dma_start3A_239 = arith.constant 0 : i32
    %dma_start3A_240 = tpu.memref_slice %arg4[%dma_start3A_239, %multiple_of3A_197] : memref<32x1000001xf32, #tpu.memory_space<hbm>> -> memref<32x128xf32, #tpu.memory_space<hbm>>
    tpu.enqueue_dma source(%dma_start3A_240 : memref<32x128xf32, #tpu.memory_space<hbm>>) target(%dma_start3A_238 : memref<32x128xf32, #tpu.memory_space<vmem>>) target_semaphore(%arg14 : memref<!tpu.dma_semaphore, #tpu.memory_space<semaphore_mem>>)
    %dma_start3A_241 = arith.constant 2 : i32
    %dma_start3A_242 = arith.constant 0 : i32
    %dma_start3A_243 = arith.constant 0 : i32
    %dma_start3A_244 = arith.constant 0 : i32
    %dma_start3A_245 = tpu.memref_slice %arg10[%dma_start3A_241, %dma_start3A_242, %dma_start3A_243, %dma_start3A_244] : memref<8x1x32x128xf32, #tpu.memory_space<vmem>> -> memref<1x1x32x128xf32, #tpu.memory_space<vmem>>
    %dma_start3A_246 = tpu.memref_squeeze %dma_start3A_245 : memref<1x1x32x128xf32, #tpu.memory_space<vmem>> -> memref<32x128xf32, #tpu.memory_space<vmem>>
    %dma_start3A_247 = arith.constant 0 : i32
    %dma_start3A_248 = tpu.memref_slice %arg5[%dma_start3A_247, %multiple_of3A_226] : memref<32x1000001xf32, #tpu.memory_space<hbm>> -> memref<32x128xf32, #tpu.memory_space<hbm>>
    %dma_start3A_249 = arith.constant 0 : i32
    %dma_start3A_250 = arith.constant 0 : i32
    %dma_start3A_251 = tpu.memref_slice %arg10[%dma_start3A_241, %dma_start3A_242, %dma_start3A_249, %dma_start3A_250] : memref<8x1x32x128xf32, #tpu.memory_space<vmem>> -> memref<1x1x32x128xf32, #tpu.memory_space<vmem>>
    %dma_start3A_252 = tpu.memref_squeeze %dma_start3A_251 : memref<1x1x32x128xf32, #tpu.memory_space<vmem>> -> memref<32x128xf32, #tpu.memory_space<vmem>>
    %dma_start3A_253 = arith.constant 0 : i32
    %dma_start3A_254 = tpu.memref_slice %arg5[%dma_start3A_253, %multiple_of3A_226] : memref<32x1000001xf32, #tpu.memory_space<hbm>> -> memref<32x128xf32, #tpu.memory_space<hbm>>
    tpu.enqueue_dma source(%dma_start3A_254 : memref<32x128xf32, #tpu.memory_space<hbm>>) target(%dma_start3A_252 : memref<32x128xf32, #tpu.memory_space<vmem>>) target_semaphore(%arg14 : memref<!tpu.dma_semaphore, #tpu.memory_space<semaphore_mem>>)
    %slice3A_255 = vector.extract_strided_slice %get3A_6 {offsets = [3], sizes = [1], strides = [1]} : vector<16xi32> to vector<1xi32>
    %squeeze3A_256 = vector.extract %slice3A_255[0] : i32 from vector<1xi32>
    %jit3A_257 = arith.constant 128 : i32
    %div3A_258 = arith.divsi %squeeze3A_256, %jit3A_257 : i32
    %sign3A_259 = arith.constant 0 : i32
    %sign3A_260 = arith.cmpi sgt, %squeeze3A_256, %sign3A_259 : i32
    %sign3A_261 = arith.extui %sign3A_260 : i1 to i32
    %sign3A_262 = arith.constant 0 : i32
    %sign3A_263 = arith.cmpi slt, %squeeze3A_256, %sign3A_262 : i32
    %sign3A_264 = arith.extui %sign3A_263 : i1 to i32
    %sign3A_265 = arith.subi %sign3A_261, %sign3A_264 : i32
    %sign3A_266 = arith.constant 0 : i32
    %sign3A_267 = arith.cmpi sgt, %jit3A_257, %sign3A_266 : i32
    %sign3A_268 = arith.extui %sign3A_267 : i1 to i32
    %sign3A_269 = arith.constant 0 : i32
    %sign3A_270 = arith.cmpi slt, %jit3A_257, %sign3A_269 : i32
    %sign3A_271 = arith.extui %sign3A_270 : i1 to i32
    %sign3A_272 = arith.subi %sign3A_268, %sign3A_271 : i32
    %ne3A_273 = arith.cmpi ne, %sign3A_265, %sign3A_272 : i32
    %rem3A_274 = arith.remsi %squeeze3A_256, %jit3A_257 : i32
    %ne3A_275 = arith.constant 0 : i32
    %ne3A_276 = arith.cmpi ne, %rem3A_274, %ne3A_275 : i32
    %and3A_277 = arith.andi %ne3A_273, %ne3A_276 : i1
    %sub3A_278 = arith.constant 1 : i32
    %sub3A_279 = arith.subi %div3A_258, %sub3A_278 : i32
    %select_n3A_280 = arith.select %and3A_277, %sub3A_279, %div3A_258 : i32
    %mul3A_281 = arith.constant 128 : i32
    %mul3A_282 = arith.muli %select_n3A_280, %mul3A_281 : i32
    %multiple_of3A_283 = tpu.assume_multiple %mul3A_282, 128 : i32
    %slice3A_284 = vector.extract_strided_slice %get3A_8 {offsets = [3], sizes = [1], strides = [1]} : vector<16xi32> to vector<1xi32>
    %squeeze3A_285 = vector.extract %slice3A_284[0] : i32 from vector<1xi32>
    %jit3A_286 = arith.constant 128 : i32
    %div3A_287 = arith.divsi %squeeze3A_285, %jit3A_286 : i32
    %sign3A_288 = arith.constant 0 : i32
    %sign3A_289 = arith.cmpi sgt, %squeeze3A_285, %sign3A_288 : i32
    %sign3A_290 = arith.extui %sign3A_289 : i1 to i32
    %sign3A_291 = arith.constant 0 : i32
    %sign3A_292 = arith.cmpi slt, %squeeze3A_285, %sign3A_291 : i32
    %sign3A_293 = arith.extui %sign3A_292 : i1 to i32
    %sign3A_294 = arith.subi %sign3A_290, %sign3A_293 : i32
    %sign3A_295 = arith.constant 0 : i32
    %sign3A_296 = arith.cmpi sgt, %jit3A_286, %sign3A_295 : i32
    %sign3A_297 = arith.extui %sign3A_296 : i1 to i32
    %sign3A_298 = arith.constant 0 : i32
    %sign3A_299 = arith.cmpi slt, %jit3A_286, %sign3A_298 : i32
    %sign3A_300 = arith.extui %sign3A_299 : i1 to i32
    %sign3A_301 = arith.subi %sign3A_297, %sign3A_300 : i32
    %ne3A_302 = arith.cmpi ne, %sign3A_294, %sign3A_301 : i32
    %rem3A_303 = arith.remsi %squeeze3A_285, %jit3A_286 : i32
    %ne3A_304 = arith.constant 0 : i32
    %ne3A_305 = arith.cmpi ne, %rem3A_303, %ne3A_304 : i32
    %and3A_306 = arith.andi %ne3A_302, %ne3A_305 : i1
    %sub3A_307 = arith.constant 1 : i32
    %sub3A_308 = arith.subi %div3A_287, %sub3A_307 : i32
    %select_n3A_309 = arith.select %and3A_306, %sub3A_308, %div3A_287 : i32
    %mul3A_310 = arith.constant 128 : i32
    %mul3A_311 = arith.muli %select_n3A_309, %mul3A_310 : i32
    %multiple_of3A_312 = tpu.assume_multiple %mul3A_311, 128 : i32
    %dma_start3A_313 = arith.constant 3 : i32
    %dma_start3A_314 = arith.constant 0 : i32
    %dma_start3A_315 = arith.constant 0 : i32
    %dma_start3A_316 = arith.constant 0 : i32
    %dma_start3A_317 = tpu.memref_slice %arg9[%dma_start3A_313, %dma_start3A_314, %dma_start3A_315, %dma_start3A_316] : memref<8x1x32x128xf32, #tpu.memory_space<vmem>> -> memref<1x1x32x128xf32, #tpu.memory_space<vmem>>
    %dma_start3A_318 = tpu.memref_squeeze %dma_start3A_317 : memref<1x1x32x128xf32, #tpu.memory_space<vmem>> -> memref<32x128xf32, #tpu.memory_space<vmem>>
    %dma_start3A_319 = arith.constant 0 : i32
    %dma_start3A_320 = tpu.memref_slice %arg4[%dma_start3A_319, %multiple_of3A_283] : memref<32x1000001xf32, #tpu.memory_space<hbm>> -> memref<32x128xf32, #tpu.memory_space<hbm>>
    %dma_start3A_321 = arith.constant 0 : i32
    %dma_start3A_322 = arith.constant 0 : i32
    %dma_start3A_323 = tpu.memref_slice %arg9[%dma_start3A_313, %dma_start3A_314, %dma_start3A_321, %dma_start3A_322] : memref<8x1x32x128xf32, #tpu.memory_space<vmem>> -> memref<1x1x32x128xf32, #tpu.memory_space<vmem>>
    %dma_start3A_324 = tpu.memref_squeeze %dma_start3A_323 : memref<1x1x32x128xf32, #tpu.memory_space<vmem>> -> memref<32x128xf32, #tpu.memory_space<vmem>>
    %dma_start3A_325 = arith.constant 0 : i32
    %dma_start3A_326 = tpu.memref_slice %arg4[%dma_start3A_325, %multiple_of3A_283] : memref<32x1000001xf32, #tpu.memory_space<hbm>> -> memref<32x128xf32, #tpu.memory_space<hbm>>
    tpu.enqueue_dma source(%dma_start3A_326 : memref<32x128xf32, #tpu.memory_space<hbm>>) target(%dma_start3A_324 : memref<32x128xf32, #tpu.memory_space<vmem>>) target_semaphore(%arg15 : memref<!tpu.dma_semaphore, #tpu.memory_space<semaphore_mem>>)
    %dma_start3A_327 = arith.constant 3 : i32
    %dma_start3A_328 = arith.constant 0 : i32
    %dma_start3A_329 = arith.constant 0 : i32
    %dma_start3A_330 = arith.constant 0 : i32
    %dma_start3A_331 = tpu.memref_slice %arg10[%dma_start3A_327, %dma_start3A_328, %dma_start3A_329, %dma_start3A_330] : memref<8x1x32x128xf32, #tpu.memory_space<vmem>> -> memref<1x1x32x128xf32, #tpu.memory_space<vmem>>
    %dma_start3A_332 = tpu.memref_squeeze %dma_start3A_331 : memref<1x1x32x128xf32, #tpu.memory_space<vmem>> -> memref<32x128xf32, #tpu.memory_space<vmem>>
    %dma_start3A_333 = arith.constant 0 : i32
    %dma_start3A_334 = tpu.memref_slice %arg5[%dma_start3A_333, %multiple_of3A_312] : memref<32x1000001xf32, #tpu.memory_space<hbm>> -> memref<32x128xf32, #tpu.memory_space<hbm>>
    %dma_start3A_335 = arith.constant 0 : i32
    %dma_start3A_336 = arith.constant 0 : i32
    %dma_start3A_337 = tpu.memref_slice %arg10[%dma_start3A_327, %dma_start3A_328, %dma_start3A_335, %dma_start3A_336] : memref<8x1x32x128xf32, #tpu.memory_space<vmem>> -> memref<1x1x32x128xf32, #tpu.memory_space<vmem>>
    %dma_start3A_338 = tpu.memref_squeeze %dma_start3A_337 : memref<1x1x32x128xf32, #tpu.memory_space<vmem>> -> memref<32x128xf32, #tpu.memory_space<vmem>>
    %dma_start3A_339 = arith.constant 0 : i32
    %dma_start3A_340 = tpu.memref_slice %arg5[%dma_start3A_339, %multiple_of3A_312] : memref<32x1000001xf32, #tpu.memory_space<hbm>> -> memref<32x128xf32, #tpu.memory_space<hbm>>
    tpu.enqueue_dma source(%dma_start3A_340 : memref<32x128xf32, #tpu.memory_space<hbm>>) target(%dma_start3A_338 : memref<32x128xf32, #tpu.memory_space<vmem>>) target_semaphore(%arg15 : memref<!tpu.dma_semaphore, #tpu.memory_space<semaphore_mem>>)
    %slice3A_341 = vector.extract_strided_slice %get3A_6 {offsets = [4], sizes = [1], strides = [1]} : vector<16xi32> to vector<1xi32>
    %squeeze3A_342 = vector.extract %slice3A_341[0] : i32 from vector<1xi32>
    %jit3A_343 = arith.constant 128 : i32
    %div3A_344 = arith.divsi %squeeze3A_342, %jit3A_343 : i32
    %sign3A_345 = arith.constant 0 : i32
    %sign3A_346 = arith.cmpi sgt, %squeeze3A_342, %sign3A_345 : i32
    %sign3A_347 = arith.extui %sign3A_346 : i1 to i32
    %sign3A_348 = arith.constant 0 : i32
    %sign3A_349 = arith.cmpi slt, %squeeze3A_342, %sign3A_348 : i32
    %sign3A_350 = arith.extui %sign3A_349 : i1 to i32
    %sign3A_351 = arith.subi %sign3A_347, %sign3A_350 : i32
    %sign3A_352 = arith.constant 0 : i32
    %sign3A_353 = arith.cmpi sgt, %jit3A_343, %sign3A_352 : i32
    %sign3A_354 = arith.extui %sign3A_353 : i1 to i32
    %sign3A_355 = arith.constant 0 : i32
    %sign3A_356 = arith.cmpi slt, %jit3A_343, %sign3A_355 : i32
    %sign3A_357 = arith.extui %sign3A_356 : i1 to i32
    %sign3A_358 = arith.subi %sign3A_354, %sign3A_357 : i32
    %ne3A_359 = arith.cmpi ne, %sign3A_351, %sign3A_358 : i32
    %rem3A_360 = arith.remsi %squeeze3A_342, %jit3A_343 : i32
    %ne3A_361 = arith.constant 0 : i32
    %ne3A_362 = arith.cmpi ne, %rem3A_360, %ne3A_361 : i32
    %and3A_363 = arith.andi %ne3A_359, %ne3A_362 : i1
    %sub3A_364 = arith.constant 1 : i32
    %sub3A_365 = arith.subi %div3A_344, %sub3A_364 : i32
    %select_n3A_366 = arith.select %and3A_363, %sub3A_365, %div3A_344 : i32
    %mul3A_367 = arith.constant 128 : i32
    %mul3A_368 = arith.muli %select_n3A_366, %mul3A_367 : i32
    %multiple_of3A_369 = tpu.assume_multiple %mul3A_368, 128 : i32
    %slice3A_370 = vector.extract_strided_slice %get3A_8 {offsets = [4], sizes = [1], strides = [1]} : vector<16xi32> to vector<1xi32>
    %squeeze3A_371 = vector.extract %slice3A_370[0] : i32 from vector<1xi32>
    %jit3A_372 = arith.constant 128 : i32
    %div3A_373 = arith.divsi %squeeze3A_371, %jit3A_372 : i32
    %sign3A_374 = arith.constant 0 : i32
    %sign3A_375 = arith.cmpi sgt, %squeeze3A_371, %sign3A_374 : i32
    %sign3A_376 = arith.extui %sign3A_375 : i1 to i32
    %sign3A_377 = arith.constant 0 : i32
    %sign3A_378 = arith.cmpi slt, %squeeze3A_371, %sign3A_377 : i32
    %sign3A_379 = arith.extui %sign3A_378 : i1 to i32
    %sign3A_380 = arith.subi %sign3A_376, %sign3A_379 : i32
    %sign3A_381 = arith.constant 0 : i32
    %sign3A_382 = arith.cmpi sgt, %jit3A_372, %sign3A_381 : i32
    %sign3A_383 = arith.extui %sign3A_382 : i1 to i32
    %sign3A_384 = arith.constant 0 : i32
    %sign3A_385 = arith.cmpi slt, %jit3A_372, %sign3A_384 : i32
    %sign3A_386 = arith.extui %sign3A_385 : i1 to i32
    %sign3A_387 = arith.subi %sign3A_383, %sign3A_386 : i32
    %ne3A_388 = arith.cmpi ne, %sign3A_380, %sign3A_387 : i32
    %rem3A_389 = arith.remsi %squeeze3A_371, %jit3A_372 : i32
    %ne3A_390 = arith.constant 0 : i32
    %ne3A_391 = arith.cmpi ne, %rem3A_389, %ne3A_390 : i32
    %and3A_392 = arith.andi %ne3A_388, %ne3A_391 : i1
    %sub3A_393 = arith.constant 1 : i32
    %sub3A_394 = arith.subi %div3A_373, %sub3A_393 : i32
    %select_n3A_395 = arith.select %and3A_392, %sub3A_394, %div3A_373 : i32
    %mul3A_396 = arith.constant 128 : i32
    %mul3A_397 = arith.muli %select_n3A_395, %mul3A_396 : i32
    %multiple_of3A_398 = tpu.assume_multiple %mul3A_397, 128 : i32
    %dma_start3A_399 = arith.constant 4 : i32
    %dma_start3A_400 = arith.constant 0 : i32
    %dma_start3A_401 = arith.constant 0 : i32
    %dma_start3A_402 = arith.constant 0 : i32
    %dma_start3A_403 = tpu.memref_slice %arg9[%dma_start3A_399, %dma_start3A_400, %dma_start3A_401, %dma_start3A_402] : memref<8x1x32x128xf32, #tpu.memory_space<vmem>> -> memref<1x1x32x128xf32, #tpu.memory_space<vmem>>
    %dma_start3A_404 = tpu.memref_squeeze %dma_start3A_403 : memref<1x1x32x128xf32, #tpu.memory_space<vmem>> -> memref<32x128xf32, #tpu.memory_space<vmem>>
    %dma_start3A_405 = arith.constant 0 : i32
    %dma_start3A_406 = tpu.memref_slice %arg4[%dma_start3A_405, %multiple_of3A_369] : memref<32x1000001xf32, #tpu.memory_space<hbm>> -> memref<32x128xf32, #tpu.memory_space<hbm>>
    %dma_start3A_407 = arith.constant 0 : i32
    %dma_start3A_408 = arith.constant 0 : i32
    %dma_start3A_409 = tpu.memref_slice %arg9[%dma_start3A_399, %dma_start3A_400, %dma_start3A_407, %dma_start3A_408] : memref<8x1x32x128xf32, #tpu.memory_space<vmem>> -> memref<1x1x32x128xf32, #tpu.memory_space<vmem>>
    %dma_start3A_410 = tpu.memref_squeeze %dma_start3A_409 : memref<1x1x32x128xf32, #tpu.memory_space<vmem>> -> memref<32x128xf32, #tpu.memory_space<vmem>>
    %dma_start3A_411 = arith.constant 0 : i32
    %dma_start3A_412 = tpu.memref_slice %arg4[%dma_start3A_411, %multiple_of3A_369] : memref<32x1000001xf32, #tpu.memory_space<hbm>> -> memref<32x128xf32, #tpu.memory_space<hbm>>
    tpu.enqueue_dma source(%dma_start3A_412 : memref<32x128xf32, #tpu.memory_space<hbm>>) target(%dma_start3A_410 : memref<32x128xf32, #tpu.memory_space<vmem>>) target_semaphore(%arg16 : memref<!tpu.dma_semaphore, #tpu.memory_space<semaphore_mem>>)
    %dma_start3A_413 = arith.constant 4 : i32
    %dma_start3A_414 = arith.constant 0 : i32
    %dma_start3A_415 = arith.constant 0 : i32
    %dma_start3A_416 = arith.constant 0 : i32
    %dma_start3A_417 = tpu.memref_slice %arg10[%dma_start3A_413, %dma_start3A_414, %dma_start3A_415, %dma_start3A_416] : memref<8x1x32x128xf32, #tpu.memory_space<vmem>> -> memref<1x1x32x128xf32, #tpu.memory_space<vmem>>
    %dma_start3A_418 = tpu.memref_squeeze %dma_start3A_417 : memref<1x1x32x128xf32, #tpu.memory_space<vmem>> -> memref<32x128xf32, #tpu.memory_space<vmem>>
    %dma_start3A_419 = arith.constant 0 : i32
    %dma_start3A_420 = tpu.memref_slice %arg5[%dma_start3A_419, %multiple_of3A_398] : memref<32x1000001xf32, #tpu.memory_space<hbm>> -> memref<32x128xf32, #tpu.memory_space<hbm>>
    %dma_start3A_421 = arith.constant 0 : i32
    %dma_start3A_422 = arith.constant 0 : i32
    %dma_start3A_423 = tpu.memref_slice %arg10[%dma_start3A_413, %dma_start3A_414, %dma_start3A_421, %dma_start3A_422] : memref<8x1x32x128xf32, #tpu.memory_space<vmem>> -> memref<1x1x32x128xf32, #tpu.memory_space<vmem>>
    %dma_start3A_424 = tpu.memref_squeeze %dma_start3A_423 : memref<1x1x32x128xf32, #tpu.memory_space<vmem>> -> memref<32x128xf32, #tpu.memory_space<vmem>>
    %dma_start3A_425 = arith.constant 0 : i32
    %dma_start3A_426 = tpu.memref_slice %arg5[%dma_start3A_425, %multiple_of3A_398] : memref<32x1000001xf32, #tpu.memory_space<hbm>> -> memref<32x128xf32, #tpu.memory_space<hbm>>
    tpu.enqueue_dma source(%dma_start3A_426 : memref<32x128xf32, #tpu.memory_space<hbm>>) target(%dma_start3A_424 : memref<32x128xf32, #tpu.memory_space<vmem>>) target_semaphore(%arg16 : memref<!tpu.dma_semaphore, #tpu.memory_space<semaphore_mem>>)
    %slice3A_427 = vector.extract_strided_slice %get3A_6 {offsets = [5], sizes = [1], strides = [1]} : vector<16xi32> to vector<1xi32>
    %squeeze3A_428 = vector.extract %slice3A_427[0] : i32 from vector<1xi32>
    %jit3A_429 = arith.constant 128 : i32
    %div3A_430 = arith.divsi %squeeze3A_428, %jit3A_429 : i32
    %sign3A_431 = arith.constant 0 : i32
    %sign3A_432 = arith.cmpi sgt, %squeeze3A_428, %sign3A_431 : i32
    %sign3A_433 = arith.extui %sign3A_432 : i1 to i32
    %sign3A_434 = arith.constant 0 : i32
    %sign3A_435 = arith.cmpi slt, %squeeze3A_428, %sign3A_434 : i32
    %sign3A_436 = arith.extui %sign3A_435 : i1 to i32
    %sign3A_437 = arith.subi %sign3A_433, %sign3A_436 : i32
    %sign3A_438 = arith.constant 0 : i32
    %sign3A_439 = arith.cmpi sgt, %jit3A_429, %sign3A_438 : i32
    %sign3A_440 = arith.extui %sign3A_439 : i1 to i32
    %sign3A_441 = arith.constant 0 : i32
    %sign3A_442 = arith.cmpi slt, %jit3A_429, %sign3A_441 : i32
    %sign3A_443 = arith.extui %sign3A_442 : i1 to i32
    %sign3A_444 = arith.subi %sign3A_440, %sign3A_443 : i32
    %ne3A_445 = arith.cmpi ne, %sign3A_437, %sign3A_444 : i32
    %rem3A_446 = arith.remsi %squeeze3A_428, %jit3A_429 : i32
    %ne3A_447 = arith.constant 0 : i32
    %ne3A_448 = arith.cmpi ne, %rem3A_446, %ne3A_447 : i32
    %and3A_449 = arith.andi %ne3A_445, %ne3A_448 : i1
    %sub3A_450 = arith.constant 1 : i32
    %sub3A_451 = arith.subi %div3A_430, %sub3A_450 : i32
    %select_n3A_452 = arith.select %and3A_449, %sub3A_451, %div3A_430 : i32
    %mul3A_453 = arith.constant 128 : i32
    %mul3A_454 = arith.muli %select_n3A_452, %mul3A_453 : i32
    %multiple_of3A_455 = tpu.assume_multiple %mul3A_454, 128 : i32
    %slice3A_456 = vector.extract_strided_slice %get3A_8 {offsets = [5], sizes = [1], strides = [1]} : vector<16xi32> to vector<1xi32>
    %squeeze3A_457 = vector.extract %slice3A_456[0] : i32 from vector<1xi32>
    %jit3A_458 = arith.constant 128 : i32
    %div3A_459 = arith.divsi %squeeze3A_457, %jit3A_458 : i32
    %sign3A_460 = arith.constant 0 : i32
    %sign3A_461 = arith.cmpi sgt, %squeeze3A_457, %sign3A_460 : i32
    %sign3A_462 = arith.extui %sign3A_461 : i1 to i32
    %sign3A_463 = arith.constant 0 : i32
    %sign3A_464 = arith.cmpi slt, %squeeze3A_457, %sign3A_463 : i32
    %sign3A_465 = arith.extui %sign3A_464 : i1 to i32
    %sign3A_466 = arith.subi %sign3A_462, %sign3A_465 : i32
    %sign3A_467 = arith.constant 0 : i32
    %sign3A_468 = arith.cmpi sgt, %jit3A_458, %sign3A_467 : i32
    %sign3A_469 = arith.extui %sign3A_468 : i1 to i32
    %sign3A_470 = arith.constant 0 : i32
    %sign3A_471 = arith.cmpi slt, %jit3A_458, %sign3A_470 : i32
    %sign3A_472 = arith.extui %sign3A_471 : i1 to i32
    %sign3A_473 = arith.subi %sign3A_469, %sign3A_472 : i32
    %ne3A_474 = arith.cmpi ne, %sign3A_466, %sign3A_473 : i32
    %rem3A_475 = arith.remsi %squeeze3A_457, %jit3A_458 : i32
    %ne3A_476 = arith.constant 0 : i32
    %ne3A_477 = arith.cmpi ne, %rem3A_475, %ne3A_476 : i32
    %and3A_478 = arith.andi %ne3A_474, %ne3A_477 : i1
    %sub3A_479 = arith.constant 1 : i32
    %sub3A_480 = arith.subi %div3A_459, %sub3A_479 : i32
    %select_n3A_481 = arith.select %and3A_478, %sub3A_480, %div3A_459 : i32
    %mul3A_482 = arith.constant 128 : i32
    %mul3A_483 = arith.muli %select_n3A_481, %mul3A_482 : i32
    %multiple_of3A_484 = tpu.assume_multiple %mul3A_483, 128 : i32
    %dma_start3A_485 = arith.constant 5 : i32
    %dma_start3A_486 = arith.constant 0 : i32
    %dma_start3A_487 = arith.constant 0 : i32
    %dma_start3A_488 = arith.constant 0 : i32
    %dma_start3A_489 = tpu.memref_slice %arg9[%dma_start3A_485, %dma_start3A_486, %dma_start3A_487, %dma_start3A_488] : memref<8x1x32x128xf32, #tpu.memory_space<vmem>> -> memref<1x1x32x128xf32, #tpu.memory_space<vmem>>
    %dma_start3A_490 = tpu.memref_squeeze %dma_start3A_489 : memref<1x1x32x128xf32, #tpu.memory_space<vmem>> -> memref<32x128xf32, #tpu.memory_space<vmem>>
    %dma_start3A_491 = arith.constant 0 : i32
    %dma_start3A_492 = tpu.memref_slice %arg4[%dma_start3A_491, %multiple_of3A_455] : memref<32x1000001xf32, #tpu.memory_space<hbm>> -> memref<32x128xf32, #tpu.memory_space<hbm>>
    %dma_start3A_493 = arith.constant 0 : i32
    %dma_start3A_494 = arith.constant 0 : i32
    %dma_start3A_495 = tpu.memref_slice %arg9[%dma_start3A_485, %dma_start3A_486, %dma_start3A_493, %dma_start3A_494] : memref<8x1x32x128xf32, #tpu.memory_space<vmem>> -> memref<1x1x32x128xf32, #tpu.memory_space<vmem>>
    %dma_start3A_496 = tpu.memref_squeeze %dma_start3A_495 : memref<1x1x32x128xf32, #tpu.memory_space<vmem>> -> memref<32x128xf32, #tpu.memory_space<vmem>>
    %dma_start3A_497 = arith.constant 0 : i32
    %dma_start3A_498 = tpu.memref_slice %arg4[%dma_start3A_497, %multiple_of3A_455] : memref<32x1000001xf32, #tpu.memory_space<hbm>> -> memref<32x128xf32, #tpu.memory_space<hbm>>
    tpu.enqueue_dma source(%dma_start3A_498 : memref<32x128xf32, #tpu.memory_space<hbm>>) target(%dma_start3A_496 : memref<32x128xf32, #tpu.memory_space<vmem>>) target_semaphore(%arg17 : memref<!tpu.dma_semaphore, #tpu.memory_space<semaphore_mem>>)
    %dma_start3A_499 = arith.constant 5 : i32
    %dma_start3A_500 = arith.constant 0 : i32
    %dma_start3A_501 = arith.constant 0 : i32
    %dma_start3A_502 = arith.constant 0 : i32
    %dma_start3A_503 = tpu.memref_slice %arg10[%dma_start3A_499, %dma_start3A_500, %dma_start3A_501, %dma_start3A_502] : memref<8x1x32x128xf32, #tpu.memory_space<vmem>> -> memref<1x1x32x128xf32, #tpu.memory_space<vmem>>
    %dma_start3A_504 = tpu.memref_squeeze %dma_start3A_503 : memref<1x1x32x128xf32, #tpu.memory_space<vmem>> -> memref<32x128xf32, #tpu.memory_space<vmem>>
    %dma_start3A_505 = arith.constant 0 : i32
    %dma_start3A_506 = tpu.memref_slice %arg5[%dma_start3A_505, %multiple_of3A_484] : memref<32x1000001xf32, #tpu.memory_space<hbm>> -> memref<32x128xf32, #tpu.memory_space<hbm>>
    %dma_start3A_507 = arith.constant 0 : i32
    %dma_start3A_508 = arith.constant 0 : i32
    %dma_start3A_509 = tpu.memref_slice %arg10[%dma_start3A_499, %dma_start3A_500, %dma_start3A_507, %dma_start3A_508] : memref<8x1x32x128xf32, #tpu.memory_space<vmem>> -> memref<1x1x32x128xf32, #tpu.memory_space<vmem>>
    %dma_start3A_510 = tpu.memref_squeeze %dma_start3A_509 : memref<1x1x32x128xf32, #tpu.memory_space<vmem>> -> memref<32x128xf32, #tpu.memory_space<vmem>>
    %dma_start3A_511 = arith.constant 0 : i32
    %dma_start3A_512 = tpu.memref_slice %arg5[%dma_start3A_511, %multiple_of3A_484] : memref<32x1000001xf32, #tpu.memory_space<hbm>> -> memref<32x128xf32, #tpu.memory_space<hbm>>
    tpu.enqueue_dma source(%dma_start3A_512 : memref<32x128xf32, #tpu.memory_space<hbm>>) target(%dma_start3A_510 : memref<32x128xf32, #tpu.memory_space<vmem>>) target_semaphore(%arg17 : memref<!tpu.dma_semaphore, #tpu.memory_space<semaphore_mem>>)
    %slice3A_513 = vector.extract_strided_slice %get3A_6 {offsets = [6], sizes = [1], strides = [1]} : vector<16xi32> to vector<1xi32>
    %squeeze3A_514 = vector.extract %slice3A_513[0] : i32 from vector<1xi32>
    %jit3A_515 = arith.constant 128 : i32
    %div3A_516 = arith.divsi %squeeze3A_514, %jit3A_515 : i32
    %sign3A_517 = arith.constant 0 : i32
    %sign3A_518 = arith.cmpi sgt, %squeeze3A_514, %sign3A_517 : i32
    %sign3A_519 = arith.extui %sign3A_518 : i1 to i32
    %sign3A_520 = arith.constant 0 : i32
    %sign3A_521 = arith.cmpi slt, %squeeze3A_514, %sign3A_520 : i32
    %sign3A_522 = arith.extui %sign3A_521 : i1 to i32
    %sign3A_523 = arith.subi %sign3A_519, %sign3A_522 : i32
    %sign3A_524 = arith.constant 0 : i32
    %sign3A_525 = arith.cmpi sgt, %jit3A_515, %sign3A_524 : i32
    %sign3A_526 = arith.extui %sign3A_525 : i1 to i32
    %sign3A_527 = arith.constant 0 : i32
    %sign3A_528 = arith.cmpi slt, %jit3A_515, %sign3A_527 : i32
    %sign3A_529 = arith.extui %sign3A_528 : i1 to i32
    %sign3A_530 = arith.subi %sign3A_526, %sign3A_529 : i32
    %ne3A_531 = arith.cmpi ne, %sign3A_523, %sign3A_530 : i32
    %rem3A_532 = arith.remsi %squeeze3A_514, %jit3A_515 : i32
    %ne3A_533 = arith.constant 0 : i32
    %ne3A_534 = arith.cmpi ne, %rem3A_532, %ne3A_533 : i32
    %and3A_535 = arith.andi %ne3A_531, %ne3A_534 : i1
    %sub3A_536 = arith.constant 1 : i32
    %sub3A_537 = arith.subi %div3A_516, %sub3A_536 : i32
    %select_n3A_538 = arith.select %and3A_535, %sub3A_537, %div3A_516 : i32
    %mul3A_539 = arith.constant 128 : i32
    %mul3A_540 = arith.muli %select_n3A_538, %mul3A_539 : i32
    %multiple_of3A_541 = tpu.assume_multiple %mul3A_540, 128 : i32
    %slice3A_542 = vector.extract_strided_slice %get3A_8 {offsets = [6], sizes = [1], strides = [1]} : vector<16xi32> to vector<1xi32>
    %squeeze3A_543 = vector.extract %slice3A_542[0] : i32 from vector<1xi32>
    %jit3A_544 = arith.constant 128 : i32
    %div3A_545 = arith.divsi %squeeze3A_543, %jit3A_544 : i32
    %sign3A_546 = arith.constant 0 : i32
    %sign3A_547 = arith.cmpi sgt, %squeeze3A_543, %sign3A_546 : i32
    %sign3A_548 = arith.extui %sign3A_547 : i1 to i32
    %sign3A_549 = arith.constant 0 : i32
    %sign3A_550 = arith.cmpi slt, %squeeze3A_543, %sign3A_549 : i32
    %sign3A_551 = arith.extui %sign3A_550 : i1 to i32
    %sign3A_552 = arith.subi %sign3A_548, %sign3A_551 : i32
    %sign3A_553 = arith.constant 0 : i32
    %sign3A_554 = arith.cmpi sgt, %jit3A_544, %sign3A_553 : i32
    %sign3A_555 = arith.extui %sign3A_554 : i1 to i32
    %sign3A_556 = arith.constant 0 : i32
    %sign3A_557 = arith.cmpi slt, %jit3A_544, %sign3A_556 : i32
    %sign3A_558 = arith.extui %sign3A_557 : i1 to i32
    %sign3A_559 = arith.subi %sign3A_555, %sign3A_558 : i32
    %ne3A_560 = arith.cmpi ne, %sign3A_552, %sign3A_559 : i32
    %rem3A_561 = arith.remsi %squeeze3A_543, %jit3A_544 : i32
    %ne3A_562 = arith.constant 0 : i32
    %ne3A_563 = arith.cmpi ne, %rem3A_561, %ne3A_562 : i32
    %and3A_564 = arith.andi %ne3A_560, %ne3A_563 : i1
    %sub3A_565 = arith.constant 1 : i32
    %sub3A_566 = arith.subi %div3A_545, %sub3A_565 : i32
    %select_n3A_567 = arith.select %and3A_564, %sub3A_566, %div3A_545 : i32
    %mul3A_568 = arith.constant 128 : i32
    %mul3A_569 = arith.muli %select_n3A_567, %mul3A_568 : i32
    %multiple_of3A_570 = tpu.assume_multiple %mul3A_569, 128 : i32
    %dma_start3A_571 = arith.constant 6 : i32
    %dma_start3A_572 = arith.constant 0 : i32
    %dma_start3A_573 = arith.constant 0 : i32
    %dma_start3A_574 = arith.constant 0 : i32
    %dma_start3A_575 = tpu.memref_slice %arg9[%dma_start3A_571, %dma_start3A_572, %dma_start3A_573, %dma_start3A_574] : memref<8x1x32x128xf32, #tpu.memory_space<vmem>> -> memref<1x1x32x128xf32, #tpu.memory_space<vmem>>
    %dma_start3A_576 = tpu.memref_squeeze %dma_start3A_575 : memref<1x1x32x128xf32, #tpu.memory_space<vmem>> -> memref<32x128xf32, #tpu.memory_space<vmem>>
    %dma_start3A_577 = arith.constant 0 : i32
    %dma_start3A_578 = tpu.memref_slice %arg4[%dma_start3A_577, %multiple_of3A_541] : memref<32x1000001xf32, #tpu.memory_space<hbm>> -> memref<32x128xf32, #tpu.memory_space<hbm>>
    %dma_start3A_579 = arith.constant 0 : i32
    %dma_start3A_580 = arith.constant 0 : i32
    %dma_start3A_581 = tpu.memref_slice %arg9[%dma_start3A_571, %dma_start3A_572, %dma_start3A_579, %dma_start3A_580] : memref<8x1x32x128xf32, #tpu.memory_space<vmem>> -> memref<1x1x32x128xf32, #tpu.memory_space<vmem>>
    %dma_start3A_582 = tpu.memref_squeeze %dma_start3A_581 : memref<1x1x32x128xf32, #tpu.memory_space<vmem>> -> memref<32x128xf32, #tpu.memory_space<vmem>>
    %dma_start3A_583 = arith.constant 0 : i32
    %dma_start3A_584 = tpu.memref_slice %arg4[%dma_start3A_583, %multiple_of3A_541] : memref<32x1000001xf32, #tpu.memory_space<hbm>> -> memref<32x128xf32, #tpu.memory_space<hbm>>
    tpu.enqueue_dma source(%dma_start3A_584 : memref<32x128xf32, #tpu.memory_space<hbm>>) target(%dma_start3A_582 : memref<32x128xf32, #tpu.memory_space<vmem>>) target_semaphore(%arg18 : memref<!tpu.dma_semaphore, #tpu.memory_space<semaphore_mem>>)
    %dma_start3A_585 = arith.constant 6 : i32
    %dma_start3A_586 = arith.constant 0 : i32
    %dma_start3A_587 = arith.constant 0 : i32
    %dma_start3A_588 = arith.constant 0 : i32
    %dma_start3A_589 = tpu.memref_slice %arg10[%dma_start3A_585, %dma_start3A_586, %dma_start3A_587, %dma_start3A_588] : memref<8x1x32x128xf32, #tpu.memory_space<vmem>> -> memref<1x1x32x128xf32, #tpu.memory_space<vmem>>
    %dma_start3A_590 = tpu.memref_squeeze %dma_start3A_589 : memref<1x1x32x128xf32, #tpu.memory_space<vmem>> -> memref<32x128xf32, #tpu.memory_space<vmem>>
    %dma_start3A_591 = arith.constant 0 : i32
    %dma_start3A_592 = tpu.memref_slice %arg5[%dma_start3A_591, %multiple_of3A_570] : memref<32x1000001xf32, #tpu.memory_space<hbm>> -> memref<32x128xf32, #tpu.memory_space<hbm>>
    %dma_start3A_593 = arith.constant 0 : i32
    %dma_start3A_594 = arith.constant 0 : i32
    %dma_start3A_595 = tpu.memref_slice %arg10[%dma_start3A_585, %dma_start3A_586, %dma_start3A_593, %dma_start3A_594] : memref<8x1x32x128xf32, #tpu.memory_space<vmem>> -> memref<1x1x32x128xf32, #tpu.memory_space<vmem>>
    %dma_start3A_596 = tpu.memref_squeeze %dma_start3A_595 : memref<1x1x32x128xf32, #tpu.memory_space<vmem>> -> memref<32x128xf32, #tpu.memory_space<vmem>>
    %dma_start3A_597 = arith.constant 0 : i32
    %dma_start3A_598 = tpu.memref_slice %arg5[%dma_start3A_597, %multiple_of3A_570] : memref<32x1000001xf32, #tpu.memory_space<hbm>> -> memref<32x128xf32, #tpu.memory_space<hbm>>
    tpu.enqueue_dma source(%dma_start3A_598 : memref<32x128xf32, #tpu.memory_space<hbm>>) target(%dma_start3A_596 : memref<32x128xf32, #tpu.memory_space<vmem>>) target_semaphore(%arg18 : memref<!tpu.dma_semaphore, #tpu.memory_space<semaphore_mem>>)
    %slice3A_599 = vector.extract_strided_slice %get3A_6 {offsets = [7], sizes = [1], strides = [1]} : vector<16xi32> to vector<1xi32>
    %squeeze3A_600 = vector.extract %slice3A_599[0] : i32 from vector<1xi32>
    %jit3A_601 = arith.constant 128 : i32
    %div3A_602 = arith.divsi %squeeze3A_600, %jit3A_601 : i32
    %sign3A_603 = arith.constant 0 : i32
    %sign3A_604 = arith.cmpi sgt, %squeeze3A_600, %sign3A_603 : i32
    %sign3A_605 = arith.extui %sign3A_604 : i1 to i32
    %sign3A_606 = arith.constant 0 : i32
    %sign3A_607 = arith.cmpi slt, %squeeze3A_600, %sign3A_606 : i32
    %sign3A_608 = arith.extui %sign3A_607 : i1 to i32
    %sign3A_609 = arith.subi %sign3A_605, %sign3A_608 : i32
    %sign3A_610 = arith.constant 0 : i32
    %sign3A_611 = arith.cmpi sgt, %jit3A_601, %sign3A_610 : i32
    %sign3A_612 = arith.extui %sign3A_611 : i1 to i32
    %sign3A_613 = arith.constant 0 : i32
    %sign3A_614 = arith.cmpi slt, %jit3A_601, %sign3A_613 : i32
    %sign3A_615 = arith.extui %sign3A_614 : i1 to i32
    %sign3A_616 = arith.subi %sign3A_612, %sign3A_615 : i32
    %ne3A_617 = arith.cmpi ne, %sign3A_609, %sign3A_616 : i32
    %rem3A_618 = arith.remsi %squeeze3A_600, %jit3A_601 : i32
    %ne3A_619 = arith.constant 0 : i32
    %ne3A_620 = arith.cmpi ne, %rem3A_618, %ne3A_619 : i32
    %and3A_621 = arith.andi %ne3A_617, %ne3A_620 : i1
    %sub3A_622 = arith.constant 1 : i32
    %sub3A_623 = arith.subi %div3A_602, %sub3A_622 : i32
    %select_n3A_624 = arith.select %and3A_621, %sub3A_623, %div3A_602 : i32
    %mul3A_625 = arith.constant 128 : i32
    %mul3A_626 = arith.muli %select_n3A_624, %mul3A_625 : i32
    %multiple_of3A_627 = tpu.assume_multiple %mul3A_626, 128 : i32
    %slice3A_628 = vector.extract_strided_slice %get3A_8 {offsets = [7], sizes = [1], strides = [1]} : vector<16xi32> to vector<1xi32>
    %squeeze3A_629 = vector.extract %slice3A_628[0] : i32 from vector<1xi32>
    %jit3A_630 = arith.constant 128 : i32
    %div3A_631 = arith.divsi %squeeze3A_629, %jit3A_630 : i32
    %sign3A_632 = arith.constant 0 : i32
    %sign3A_633 = arith.cmpi sgt, %squeeze3A_629, %sign3A_632 : i32
    %sign3A_634 = arith.extui %sign3A_633 : i1 to i32
    %sign3A_635 = arith.constant 0 : i32
    %sign3A_636 = arith.cmpi slt, %squeeze3A_629, %sign3A_635 : i32
    %sign3A_637 = arith.extui %sign3A_636 : i1 to i32
    %sign3A_638 = arith.subi %sign3A_634, %sign3A_637 : i32
    %sign3A_639 = arith.constant 0 : i32
    %sign3A_640 = arith.cmpi sgt, %jit3A_630, %sign3A_639 : i32
    %sign3A_641 = arith.extui %sign3A_640 : i1 to i32
    %sign3A_642 = arith.constant 0 : i32
    %sign3A_643 = arith.cmpi slt, %jit3A_630, %sign3A_642 : i32
    %sign3A_644 = arith.extui %sign3A_643 : i1 to i32
    %sign3A_645 = arith.subi %sign3A_641, %sign3A_644 : i32
    %ne3A_646 = arith.cmpi ne, %sign3A_638, %sign3A_645 : i32
    %rem3A_647 = arith.remsi %squeeze3A_629, %jit3A_630 : i32
    %ne3A_648 = arith.constant 0 : i32
    %ne3A_649 = arith.cmpi ne, %rem3A_647, %ne3A_648 : i32
    %and3A_650 = arith.andi %ne3A_646, %ne3A_649 : i1
    %sub3A_651 = arith.constant 1 : i32
    %sub3A_652 = arith.subi %div3A_631, %sub3A_651 : i32
    %select_n3A_653 = arith.select %and3A_650, %sub3A_652, %div3A_631 : i32
    %mul3A_654 = arith.constant 128 : i32
    %mul3A_655 = arith.muli %select_n3A_653, %mul3A_654 : i32
    %multiple_of3A_656 = tpu.assume_multiple %mul3A_655, 128 : i32
    %dma_start3A_657 = arith.constant 7 : i32
    %dma_start3A_658 = arith.constant 0 : i32
    %dma_start3A_659 = arith.constant 0 : i32
    %dma_start3A_660 = arith.constant 0 : i32
    %dma_start3A_661 = tpu.memref_slice %arg9[%dma_start3A_657, %dma_start3A_658, %dma_start3A_659, %dma_start3A_660] : memref<8x1x32x128xf32, #tpu.memory_space<vmem>> -> memref<1x1x32x128xf32, #tpu.memory_space<vmem>>
    %dma_start3A_662 = tpu.memref_squeeze %dma_start3A_661 : memref<1x1x32x128xf32, #tpu.memory_space<vmem>> -> memref<32x128xf32, #tpu.memory_space<vmem>>
    %dma_start3A_663 = arith.constant 0 : i32
    %dma_start3A_664 = tpu.memref_slice %arg4[%dma_start3A_663, %multiple_of3A_627] : memref<32x1000001xf32, #tpu.memory_space<hbm>> -> memref<32x128xf32, #tpu.memory_space<hbm>>
    %dma_start3A_665 = arith.constant 0 : i32
    %dma_start3A_666 = arith.constant 0 : i32
    %dma_start3A_667 = tpu.memref_slice %arg9[%dma_start3A_657, %dma_start3A_658, %dma_start3A_665, %dma_start3A_666] : memref<8x1x32x128xf32, #tpu.memory_space<vmem>> -> memref<1x1x32x128xf32, #tpu.memory_space<vmem>>
    %dma_start3A_668 = tpu.memref_squeeze %dma_start3A_667 : memref<1x1x32x128xf32, #tpu.memory_space<vmem>> -> memref<32x128xf32, #tpu.memory_space<vmem>>
    %dma_start3A_669 = arith.constant 0 : i32
    %dma_start3A_670 = tpu.memref_slice %arg4[%dma_start3A_669, %multiple_of3A_627] : memref<32x1000001xf32, #tpu.memory_space<hbm>> -> memref<32x128xf32, #tpu.memory_space<hbm>>
    tpu.enqueue_dma source(%dma_start3A_670 : memref<32x128xf32, #tpu.memory_space<hbm>>) target(%dma_start3A_668 : memref<32x128xf32, #tpu.memory_space<vmem>>) target_semaphore(%arg19 : memref<!tpu.dma_semaphore, #tpu.memory_space<semaphore_mem>>)
    %dma_start3A_671 = arith.constant 7 : i32
    %dma_start3A_672 = arith.constant 0 : i32
    %dma_start3A_673 = arith.constant 0 : i32
    %dma_start3A_674 = arith.constant 0 : i32
    %dma_start3A_675 = tpu.memref_slice %arg10[%dma_start3A_671, %dma_start3A_672, %dma_start3A_673, %dma_start3A_674] : memref<8x1x32x128xf32, #tpu.memory_space<vmem>> -> memref<1x1x32x128xf32, #tpu.memory_space<vmem>>
    %dma_start3A_676 = tpu.memref_squeeze %dma_start3A_675 : memref<1x1x32x128xf32, #tpu.memory_space<vmem>> -> memref<32x128xf32, #tpu.memory_space<vmem>>
    %dma_start3A_677 = arith.constant 0 : i32
    %dma_start3A_678 = tpu.memref_slice %arg5[%dma_start3A_677, %multiple_of3A_656] : memref<32x1000001xf32, #tpu.memory_space<hbm>> -> memref<32x128xf32, #tpu.memory_space<hbm>>
    %dma_start3A_679 = arith.constant 0 : i32
    %dma_start3A_680 = arith.constant 0 : i32
    %dma_start3A_681 = tpu.memref_slice %arg10[%dma_start3A_671, %dma_start3A_672, %dma_start3A_679, %dma_start3A_680] : memref<8x1x32x128xf32, #tpu.memory_space<vmem>> -> memref<1x1x32x128xf32, #tpu.memory_space<vmem>>
    %dma_start3A_682 = tpu.memref_squeeze %dma_start3A_681 : memref<1x1x32x128xf32, #tpu.memory_space<vmem>> -> memref<32x128xf32, #tpu.memory_space<vmem>>
    %dma_start3A_683 = arith.constant 0 : i32
    %dma_start3A_684 = tpu.memref_slice %arg5[%dma_start3A_683, %multiple_of3A_656] : memref<32x1000001xf32, #tpu.memory_space<hbm>> -> memref<32x128xf32, #tpu.memory_space<hbm>>
    tpu.enqueue_dma source(%dma_start3A_684 : memref<32x128xf32, #tpu.memory_space<hbm>>) target(%dma_start3A_682 : memref<32x128xf32, #tpu.memory_space<vmem>>) target_semaphore(%arg19 : memref<!tpu.dma_semaphore, #tpu.memory_space<semaphore_mem>>)
    %scan3A = arith.constant 0 : i32
    %scan3A_685 = arith.constant 0 : i32
    %scan3A_686 = arith.constant 32 : i32
    %scan3A_687 = arith.addi %scan3A_685, %scan3A_686 : i32
    %scan3A_688 = arith.constant 1 : i32
    scf.for %scan3A_690 = %scan3A_685 to %scan3A_687 step %scan3A_688  : i32 {
      %mul3A_691 = arith.constant 16 : i32
      %mul3A_692 = arith.muli %scan3A_690, %mul3A_691 : i32
      %get3A_693 = arith.index_cast %mul3A_692 : i32 to index
      %get3A_694 = tpu.vector_load %arg7[%get3A_693] {strides = array<i32>} : memref<528xi32, #tpu.memory_space<vmem>>, vector<16xi32>,
      %get3A_695 = arith.index_cast %mul3A_692 : i32 to index
      %get3A_696 = tpu.vector_load %arg8[%get3A_695] {strides = array<i32>} : memref<528xi32, #tpu.memory_space<vmem>>, vector<16xi32>,
      %add3A_697 = arith.constant 16 : i32
      %add3A_698 = arith.addi %mul3A_692, %add3A_697 : i32
      %get3A_699 = arith.index_cast %add3A_698 : i32 to index
      %get3A_700 = tpu.vector_load %arg7[%get3A_699] {strides = array<i32>} : memref<528xi32, #tpu.memory_space<vmem>>, vector<16xi32>,
      %add3A_701 = arith.constant 16 : i32
      %add3A_702 = arith.addi %mul3A_692, %add3A_701 : i32
      %get3A_703 = arith.index_cast %add3A_702 : i32 to index
      %get3A_704 = tpu.vector_load %arg8[%get3A_703] {strides = array<i32>} : memref<528xi32, #tpu.memory_space<vmem>>, vector<16xi32>,
      %broadcast_in_dim3A = arith.constant 0.000000e+00 : f32
      %broadcast_in_dim3A_705 = vector.broadcast %broadcast_in_dim3A : f32 to vector<16xf32>
      %dma_wait3A = arith.constant 0 : i32
      %dma_wait3A_706 = arith.constant 0 : i32
      %dma_wait3A_707 = arith.constant 0 : i32
      %dma_wait3A_708 = arith.constant 0 : i32
      %dma_wait3A_709 = tpu.memref_slice %arg9[%dma_wait3A, %dma_wait3A_706, %dma_wait3A_707, %dma_wait3A_708] : memref<8x1x32x128xf32, #tpu.memory_space<vmem>> -> memref<1x1x32x128xf32, #tpu.memory_space<vmem>>
      %dma_wait3A_710 = tpu.memref_squeeze %dma_wait3A_709 : memref<1x1x32x128xf32, #tpu.memory_space<vmem>> -> memref<32x128xf32, #tpu.memory_space<vmem>>
      %dma_wait3A_711 = arith.constant 0 : i32
      %dma_wait3A_712 = arith.constant 0 : i32
      %dma_wait3A_713 = tpu.memref_slice %arg4[%dma_wait3A_711, %dma_wait3A_712] : memref<32x1000001xf32, #tpu.memory_space<hbm>> -> memref<32x128xf32, #tpu.memory_space<hbm>>
      %dma_wait3A_714 = arith.constant 0 : i32
      %dma_wait3A_715 = arith.constant 0 : i32
      %dma_wait3A_716 = tpu.memref_slice %arg9[%dma_wait3A, %dma_wait3A_706, %dma_wait3A_714, %dma_wait3A_715] : memref<8x1x32x128xf32, #tpu.memory_space<vmem>> -> memref<1x1x32x128xf32, #tpu.memory_space<vmem>>
      %dma_wait3A_717 = tpu.memref_squeeze %dma_wait3A_716 : memref<1x1x32x128xf32, #tpu.memory_space<vmem>> -> memref<32x128xf32, #tpu.memory_space<vmem>>
      %dma_wait3A_718 = arith.constant 0 : i32
      %dma_wait3A_719 = arith.constant 0 : i32
      %dma_wait3A_720 = tpu.memref_slice %arg4[%dma_wait3A_718, %dma_wait3A_719] : memref<32x1000001xf32, #tpu.memory_space<hbm>> -> memref<32x128xf32, #tpu.memory_space<hbm>>
      tpu.wait_dma2 semaphore(%arg12 : memref<!tpu.dma_semaphore, #tpu.memory_space<semaphore_mem>>) src(%dma_wait3A_720 : memref<32x128xf32, #tpu.memory_space<hbm>>) dst(%dma_wait3A_717 : memref<32x128xf32, #tpu.memory_space<vmem>>)
      %dma_wait3A_721 = arith.constant 0 : i32
      %dma_wait3A_722 = arith.constant 0 : i32
      %dma_wait3A_723 = arith.constant 0 : i32
      %dma_wait3A_724 = arith.constant 0 : i32
      %dma_wait3A_725 = tpu.memref_slice %arg10[%dma_wait3A_721, %dma_wait3A_722, %dma_wait3A_723, %dma_wait3A_724] : memref<8x1x32x128xf32, #tpu.memory_space<vmem>> -> memref<1x1x32x128xf32, #tpu.memory_space<vmem>>
      %dma_wait3A_726 = tpu.memref_squeeze %dma_wait3A_725 : memref<1x1x32x128xf32, #tpu.memory_space<vmem>> -> memref<32x128xf32, #tpu.memory_space<vmem>>
      %dma_wait3A_727 = arith.constant 0 : i32
      %dma_wait3A_728 = arith.constant 0 : i32
      %dma_wait3A_729 = tpu.memref_slice %arg4[%dma_wait3A_727, %dma_wait3A_728] : memref<32x1000001xf32, #tpu.memory_space<hbm>> -> memref<32x128xf32, #tpu.memory_space<hbm>>
      %dma_wait3A_730 = arith.constant 0 : i32
      %dma_wait3A_731 = arith.constant 0 : i32
      %dma_wait3A_732 = tpu.memref_slice %arg10[%dma_wait3A_721, %dma_wait3A_722, %dma_wait3A_730, %dma_wait3A_731] : memref<8x1x32x128xf32, #tpu.memory_space<vmem>> -> memref<1x1x32x128xf32, #tpu.memory_space<vmem>>
      %dma_wait3A_733 = tpu.memref_squeeze %dma_wait3A_732 : memref<1x1x32x128xf32, #tpu.memory_space<vmem>> -> memref<32x128xf32, #tpu.memory_space<vmem>>
      %dma_wait3A_734 = arith.constant 0 : i32
      %dma_wait3A_735 = arith.constant 0 : i32
      %dma_wait3A_736 = tpu.memref_slice %arg4[%dma_wait3A_734, %dma_wait3A_735] : memref<32x1000001xf32, #tpu.memory_space<hbm>> -> memref<32x128xf32, #tpu.memory_space<hbm>>
      tpu.wait_dma2 semaphore(%arg12 : memref<!tpu.dma_semaphore, #tpu.memory_space<semaphore_mem>>) src(%dma_wait3A_736 : memref<32x128xf32, #tpu.memory_space<hbm>>) dst(%dma_wait3A_733 : memref<32x128xf32, #tpu.memory_space<vmem>>)
      %slice3A_737 = vector.extract_strided_slice %get3A_694 {offsets = [0], sizes = [1], strides = [1]} : vector<16xi32> to vector<1xi32>
      %squeeze3A_738 = vector.extract %slice3A_737[0] : i32 from vector<1xi32>
      %jit3A_739 = arith.constant 128 : i32
      %eq3A = arith.constant 0 : i32
      %eq3A_740 = arith.cmpi eq, %jit3A_739, %eq3A : i32
      %jit3A_741 = arith.constant 1 : i32
      %select_n3A_742 = arith.select %eq3A_740, %jit3A_741, %jit3A_739 : i32
      %rem3A_743 = arith.remsi %squeeze3A_738, %select_n3A_742 : i32
      %ne3A_744 = arith.constant 0 : i32
      %ne3A_745 = arith.cmpi ne, %rem3A_743, %ne3A_744 : i32
      %lt3A = arith.constant 0 : i32
      %lt3A_746 = arith.cmpi slt, %rem3A_743, %lt3A : i32
      %lt3A_747 = arith.constant 0 : i32
      %lt3A_748 = arith.cmpi slt, %select_n3A_742, %lt3A_747 : i32
      %ne3A_749 = arith.xori %lt3A_746, %lt3A_748 : i1
      %and3A_750 = arith.andi %ne3A_749, %ne3A_745 : i1
      %add3A_751 = arith.addi %rem3A_743, %select_n3A_742 : i32
      %select_n3A_752 = arith.select %and3A_750, %add3A_751, %rem3A_743 : i32
      %broadcast_in_dim3A_753 = vector.broadcast %select_n3A_752 : i32 to vector<16xi32>
      %slice3A_754 = vector.extract_strided_slice %get3A_696 {offsets = [0], sizes = [1], strides = [1]} : vector<16xi32> to vector<1xi32>
      %squeeze3A_755 = vector.extract %slice3A_754[0] : i32 from vector<1xi32>
      %jit3A_756 = arith.constant 128 : i32
      %eq3A_757 = arith.constant 0 : i32
      %eq3A_758 = arith.cmpi eq, %jit3A_756, %eq3A_757 : i32
      %jit3A_759 = arith.constant 1 : i32
      %select_n3A_760 = arith.select %eq3A_758, %jit3A_759, %jit3A_756 : i32
      %rem3A_761 = arith.remsi %squeeze3A_755, %select_n3A_760 : i32
      %ne3A_762 = arith.constant 0 : i32
      %ne3A_763 = arith.cmpi ne, %rem3A_761, %ne3A_762 : i32
      %lt3A_764 = arith.constant 0 : i32
      %lt3A_765 = arith.cmpi slt, %rem3A_761, %lt3A_764 : i32
      %lt3A_766 = arith.constant 0 : i32
      %lt3A_767 = arith.cmpi slt, %select_n3A_760, %lt3A_766 : i32
      %ne3A_768 = arith.xori %lt3A_765, %lt3A_767 : i1
      %and3A_769 = arith.andi %ne3A_768, %ne3A_763 : i1
      %add3A_770 = arith.addi %rem3A_761, %select_n3A_760 : i32
      %select_n3A_771 = arith.select %and3A_769, %add3A_770, %rem3A_761 : i32
      %broadcast_in_dim3A_772 = vector.broadcast %select_n3A_771 : i32 to vector<16xi32>
      %broadcast_in_dim3A_773 = arith.constant 0 : i32
      %broadcast_in_dim3A_774 = vector.broadcast %broadcast_in_dim3A_773 : i32 to vector<16xi32>
      %broadcast_in_dim3A_775 = arith.constant 0 : i32
      %broadcast_in_dim3A_776 = vector.broadcast %broadcast_in_dim3A_775 : i32 to vector<16xi32>
      %gather3A = tpu.vector_load_idx %arg9[%broadcast_in_dim3A_774, %broadcast_in_dim3A_776, %iota3A, %broadcast_in_dim3A_753] : memref<8x1x32x128xf32, #tpu.memory_space<vmem>>[vector<16xi32>, vector<16xi32>, vector<16xi32>, vector<16xi32>], vector<16xf32>,
      %gather3A_777 = tpu.vector_load_idx %arg9[%broadcast_in_dim3A_774, %broadcast_in_dim3A_776, %add3A_5, %broadcast_in_dim3A_753] : memref<8x1x32x128xf32, #tpu.memory_space<vmem>>[vector<16xi32>, vector<16xi32>, vector<16xi32>, vector<16xi32>], vector<16xf32>,
      %gather3A_778 = tpu.vector_load_idx %arg10[%broadcast_in_dim3A_774, %broadcast_in_dim3A_776, %iota3A, %broadcast_in_dim3A_772] : memref<8x1x32x128xf32, #tpu.memory_space<vmem>>[vector<16xi32>, vector<16xi32>, vector<16xi32>, vector<16xi32>], vector<16xf32>,
      %gather3A_779 = tpu.vector_load_idx %arg10[%broadcast_in_dim3A_774, %broadcast_in_dim3A_776, %add3A_5, %broadcast_in_dim3A_772] : memref<8x1x32x128xf32, #tpu.memory_space<vmem>>[vector<16xi32>, vector<16xi32>, vector<16xi32>, vector<16xi32>], vector<16xf32>,
      %mul3A_780 = arith.mulf %gather3A, %gather3A_778 : vector<16xf32>
      %mul3A_781 = arith.mulf %gather3A_777, %gather3A_779 : vector<16xf32>
      %add3A_782 = arith.addf %mul3A_780, %mul3A_781 : vector<16xf32>
      %reduce_sum3A = arith.constant true
      %reduce_sum3A_783 = vector.broadcast %reduce_sum3A : i1 to vector<16xi1>
      %reduce_sum3A_784 = tpu.scan <sum>, %add3A_782 masked %reduce_sum3A_783 : vector<16xf32>, vector<16xi1> -> vector<16xf32>
      %reduce_sum3A_785 = vector.extract %reduce_sum3A_784[15] : f32 from vector<16xf32>
      %eq3A_786 = arith.constant 0 : i32
      %eq3A_787 = vector.broadcast %eq3A_786 : i32 to vector<16xi32>
      %eq3A_788 = arith.cmpi eq, %iota3A, %eq3A_787 : vector<16xi32>
      %broadcast_in_dim3A_789 = vector.broadcast %reduce_sum3A_785 : f32 to vector<16xf32>
      %select_n3A_790 = arith.select %eq3A_788, %broadcast_in_dim3A_789, %broadcast_in_dim3A_705 : vector<16xi1>, vector<16xf32>
      %slice3A_791 = vector.extract_strided_slice %get3A_694 {offsets = [8], sizes = [1], strides = [1]} : vector<16xi32> to vector<1xi32>
      %squeeze3A_792 = vector.extract %slice3A_791[0] : i32 from vector<1xi32>
      %jit3A_793 = arith.constant 128 : i32
      %div3A_794 = arith.divsi %squeeze3A_792, %jit3A_793 : i32
      %sign3A_795 = arith.constant 0 : i32
      %sign3A_796 = arith.cmpi sgt, %squeeze3A_792, %sign3A_795 : i32
      %sign3A_797 = arith.extui %sign3A_796 : i1 to i32
      %sign3A_798 = arith.constant 0 : i32
      %sign3A_799 = arith.cmpi slt, %squeeze3A_792, %sign3A_798 : i32
      %sign3A_800 = arith.extui %sign3A_799 : i1 to i32
      %sign3A_801 = arith.subi %sign3A_797, %sign3A_800 : i32
      %sign3A_802 = arith.constant 0 : i32
      %sign3A_803 = arith.cmpi sgt, %jit3A_793, %sign3A_802 : i32
      %sign3A_804 = arith.extui %sign3A_803 : i1 to i32
      %sign3A_805 = arith.constant 0 : i32
      %sign3A_806 = arith.cmpi slt, %jit3A_793, %sign3A_805 : i32
      %sign3A_807 = arith.extui %sign3A_806 : i1 to i32
      %sign3A_808 = arith.subi %sign3A_804, %sign3A_807 : i32
      %ne3A_809 = arith.cmpi ne, %sign3A_801, %sign3A_808 : i32
      %rem3A_810 = arith.remsi %squeeze3A_792, %jit3A_793 : i32
      %ne3A_811 = arith.constant 0 : i32
      %ne3A_812 = arith.cmpi ne, %rem3A_810, %ne3A_811 : i32
      %and3A_813 = arith.andi %ne3A_809, %ne3A_812 : i1
      %sub3A_814 = arith.constant 1 : i32
      %sub3A_815 = arith.subi %div3A_794, %sub3A_814 : i32
      %select_n3A_816 = arith.select %and3A_813, %sub3A_815, %div3A_794 : i32
      %mul3A_817 = arith.constant 128 : i32
      %mul3A_818 = arith.muli %select_n3A_816, %mul3A_817 : i32
      %multiple_of3A_819 = tpu.assume_multiple %mul3A_818, 128 : i32
      %slice3A_820 = vector.extract_strided_slice %get3A_696 {offsets = [8], sizes = [1], strides = [1]} : vector<16xi32> to vector<1xi32>
      %squeeze3A_821 = vector.extract %slice3A_820[0] : i32 from vector<1xi32>
      %jit3A_822 = arith.constant 128 : i32
      %div3A_823 = arith.divsi %squeeze3A_821, %jit3A_822 : i32
      %sign3A_824 = arith.constant 0 : i32
      %sign3A_825 = arith.cmpi sgt, %squeeze3A_821, %sign3A_824 : i32
      %sign3A_826 = arith.extui %sign3A_825 : i1 to i32
      %sign3A_827 = arith.constant 0 : i32
      %sign3A_828 = arith.cmpi slt, %squeeze3A_821, %sign3A_827 : i32
      %sign3A_829 = arith.extui %sign3A_828 : i1 to i32
      %sign3A_830 = arith.subi %sign3A_826, %sign3A_829 : i32
      %sign3A_831 = arith.constant 0 : i32
      %sign3A_832 = arith.cmpi sgt, %jit3A_822, %sign3A_831 : i32
      %sign3A_833 = arith.extui %sign3A_832 : i1 to i32
      %sign3A_834 = arith.constant 0 : i32
      %sign3A_835 = arith.cmpi slt, %jit3A_822, %sign3A_834 : i32
      %sign3A_836 = arith.extui %sign3A_835 : i1 to i32
      %sign3A_837 = arith.subi %sign3A_833, %sign3A_836 : i32
      %ne3A_838 = arith.cmpi ne, %sign3A_830, %sign3A_837 : i32
      %rem3A_839 = arith.remsi %squeeze3A_821, %jit3A_822 : i32
      %ne3A_840 = arith.constant 0 : i32
      %ne3A_841 = arith.cmpi ne, %rem3A_839, %ne3A_840 : i32
      %and3A_842 = arith.andi %ne3A_838, %ne3A_841 : i1
      %sub3A_843 = arith.constant 1 : i32
      %sub3A_844 = arith.subi %div3A_823, %sub3A_843 : i32
      %select_n3A_845 = arith.select %and3A_842, %sub3A_844, %div3A_823 : i32
      %mul3A_846 = arith.constant 128 : i32
      %mul3A_847 = arith.muli %select_n3A_845, %mul3A_846 : i32
      %multiple_of3A_848 = tpu.assume_multiple %mul3A_847, 128 : i32
      %dma_start3A_849 = arith.constant 0 : i32
      %dma_start3A_850 = arith.constant 0 : i32
      %dma_start3A_851 = arith.constant 0 : i32
      %dma_start3A_852 = arith.constant 0 : i32
      %dma_start3A_853 = tpu.memref_slice %arg9[%dma_start3A_849, %dma_start3A_850, %dma_start3A_851, %dma_start3A_852] : memref<8x1x32x128xf32, #tpu.memory_space<vmem>> -> memref<1x1x32x128xf32, #tpu.memory_space<vmem>>
      %dma_start3A_854 = tpu.memref_squeeze %dma_start3A_853 : memref<1x1x32x128xf32, #tpu.memory_space<vmem>> -> memref<32x128xf32, #tpu.memory_space<vmem>>
      %dma_start3A_855 = arith.constant 0 : i32
      %dma_start3A_856 = tpu.memref_slice %arg4[%dma_start3A_855, %multiple_of3A_819] : memref<32x1000001xf32, #tpu.memory_space<hbm>> -> memref<32x128xf32, #tpu.memory_space<hbm>>
      %dma_start3A_857 = arith.constant 0 : i32
      %dma_start3A_858 = arith.constant 0 : i32
      %dma_start3A_859 = tpu.memref_slice %arg9[%dma_start3A_849, %dma_start3A_850, %dma_start3A_857, %dma_start3A_858] : memref<8x1x32x128xf32, #tpu.memory_space<vmem>> -> memref<1x1x32x128xf32, #tpu.memory_space<vmem>>
      %dma_start3A_860 = tpu.memref_squeeze %dma_start3A_859 : memref<1x1x32x128xf32, #tpu.memory_space<vmem>> -> memref<32x128xf32, #tpu.memory_space<vmem>>
      %dma_start3A_861 = arith.constant 0 : i32
      %dma_start3A_862 = tpu.memref_slice %arg4[%dma_start3A_861, %multiple_of3A_819] : memref<32x1000001xf32, #tpu.memory_space<hbm>> -> memref<32x128xf32, #tpu.memory_space<hbm>>
      tpu.enqueue_dma source(%dma_start3A_862 : memref<32x128xf32, #tpu.memory_space<hbm>>) target(%dma_start3A_860 : memref<32x128xf32, #tpu.memory_space<vmem>>) target_semaphore(%arg12 : memref<!tpu.dma_semaphore, #tpu.memory_space<semaphore_mem>>)
      %dma_start3A_863 = arith.constant 0 : i32
      %dma_start3A_864 = arith.constant 0 : i32
      %dma_start3A_865 = arith.constant 0 : i32
      %dma_start3A_866 = arith.constant 0 : i32
      %dma_start3A_867 = tpu.memref_slice %arg10[%dma_start3A_863, %dma_start3A_864, %dma_start3A_865, %dma_start3A_866] : memref<8x1x32x128xf32, #tpu.memory_space<vmem>> -> memref<1x1x32x128xf32, #tpu.memory_space<vmem>>
      %dma_start3A_868 = tpu.memref_squeeze %dma_start3A_867 : memref<1x1x32x128xf32, #tpu.memory_space<vmem>> -> memref<32x128xf32, #tpu.memory_space<vmem>>
      %dma_start3A_869 = arith.constant 0 : i32
      %dma_start3A_870 = tpu.memref_slice %arg5[%dma_start3A_869, %multiple_of3A_848] : memref<32x1000001xf32, #tpu.memory_space<hbm>> -> memref<32x128xf32, #tpu.memory_space<hbm>>
      %dma_start3A_871 = arith.constant 0 : i32
      %dma_start3A_872 = arith.constant 0 : i32
      %dma_start3A_873 = tpu.memref_slice %arg10[%dma_start3A_863, %dma_start3A_864, %dma_start3A_871, %dma_start3A_872] : memref<8x1x32x128xf32, #tpu.memory_space<vmem>> -> memref<1x1x32x128xf32, #tpu.memory_space<vmem>>
      %dma_start3A_874 = tpu.memref_squeeze %dma_start3A_873 : memref<1x1x32x128xf32, #tpu.memory_space<vmem>> -> memref<32x128xf32, #tpu.memory_space<vmem>>
      %dma_start3A_875 = arith.constant 0 : i32
      %dma_start3A_876 = tpu.memref_slice %arg5[%dma_start3A_875, %multiple_of3A_848] : memref<32x1000001xf32, #tpu.memory_space<hbm>> -> memref<32x128xf32, #tpu.memory_space<hbm>>
      tpu.enqueue_dma source(%dma_start3A_876 : memref<32x128xf32, #tpu.memory_space<hbm>>) target(%dma_start3A_874 : memref<32x128xf32, #tpu.memory_space<vmem>>) target_semaphore(%arg12 : memref<!tpu.dma_semaphore, #tpu.memory_space<semaphore_mem>>)
      %dma_wait3A_877 = arith.constant 1 : i32
      %dma_wait3A_878 = arith.constant 0 : i32
      %dma_wait3A_879 = arith.constant 0 : i32
      %dma_wait3A_880 = arith.constant 0 : i32
      %dma_wait3A_881 = tpu.memref_slice %arg9[%dma_wait3A_877, %dma_wait3A_878, %dma_wait3A_879, %dma_wait3A_880] : memref<8x1x32x128xf32, #tpu.memory_space<vmem>> -> memref<1x1x32x128xf32, #tpu.memory_space<vmem>>
      %dma_wait3A_882 = tpu.memref_squeeze %dma_wait3A_881 : memref<1x1x32x128xf32, #tpu.memory_space<vmem>> -> memref<32x128xf32, #tpu.memory_space<vmem>>
      %dma_wait3A_883 = arith.constant 0 : i32
      %dma_wait3A_884 = arith.constant 0 : i32
      %dma_wait3A_885 = tpu.memref_slice %arg4[%dma_wait3A_883, %dma_wait3A_884] : memref<32x1000001xf32, #tpu.memory_space<hbm>> -> memref<32x128xf32, #tpu.memory_space<hbm>>
      %dma_wait3A_886 = arith.constant 0 : i32
      %dma_wait3A_887 = arith.constant 0 : i32
      %dma_wait3A_888 = tpu.memref_slice %arg9[%dma_wait3A_877, %dma_wait3A_878, %dma_wait3A_886, %dma_wait3A_887] : memref<8x1x32x128xf32, #tpu.memory_space<vmem>> -> memref<1x1x32x128xf32, #tpu.memory_space<vmem>>
      %dma_wait3A_889 = tpu.memref_squeeze %dma_wait3A_888 : memref<1x1x32x128xf32, #tpu.memory_space<vmem>> -> memref<32x128xf32, #tpu.memory_space<vmem>>
      %dma_wait3A_890 = arith.constant 0 : i32
      %dma_wait3A_891 = arith.constant 0 : i32
      %dma_wait3A_892 = tpu.memref_slice %arg4[%dma_wait3A_890, %dma_wait3A_891] : memref<32x1000001xf32, #tpu.memory_space<hbm>> -> memref<32x128xf32, #tpu.memory_space<hbm>>
      tpu.wait_dma2 semaphore(%arg13 : memref<!tpu.dma_semaphore, #tpu.memory_space<semaphore_mem>>) src(%dma_wait3A_892 : memref<32x128xf32, #tpu.memory_space<hbm>>) dst(%dma_wait3A_889 : memref<32x128xf32, #tpu.memory_space<vmem>>)
      %dma_wait3A_893 = arith.constant 1 : i32
      %dma_wait3A_894 = arith.constant 0 : i32
      %dma_wait3A_895 = arith.constant 0 : i32
      %dma_wait3A_896 = arith.constant 0 : i32
      %dma_wait3A_897 = tpu.memref_slice %arg10[%dma_wait3A_893, %dma_wait3A_894, %dma_wait3A_895, %dma_wait3A_896] : memref<8x1x32x128xf32, #tpu.memory_space<vmem>> -> memref<1x1x32x128xf32, #tpu.memory_space<vmem>>
      %dma_wait3A_898 = tpu.memref_squeeze %dma_wait3A_897 : memref<1x1x32x128xf32, #tpu.memory_space<vmem>> -> memref<32x128xf32, #tpu.memory_space<vmem>>
      %dma_wait3A_899 = arith.constant 0 : i32
      %dma_wait3A_900 = arith.constant 0 : i32
      %dma_wait3A_901 = tpu.memref_slice %arg4[%dma_wait3A_899, %dma_wait3A_900] : memref<32x1000001xf32, #tpu.memory_space<hbm>> -> memref<32x128xf32, #tpu.memory_space<hbm>>
      %dma_wait3A_902 = arith.constant 0 : i32
      %dma_wait3A_903 = arith.constant 0 : i32
      %dma_wait3A_904 = tpu.memref_slice %arg10[%dma_wait3A_893, %dma_wait3A_894, %dma_wait3A_902, %dma_wait3A_903] : memref<8x1x32x128xf32, #tpu.memory_space<vmem>> -> memref<1x1x32x128xf32, #tpu.memory_space<vmem>>
      %dma_wait3A_905 = tpu.memref_squeeze %dma_wait3A_904 : memref<1x1x32x128xf32, #tpu.memory_space<vmem>> -> memref<32x128xf32, #tpu.memory_space<vmem>>
      %dma_wait3A_906 = arith.constant 0 : i32
      %dma_wait3A_907 = arith.constant 0 : i32
      %dma_wait3A_908 = tpu.memref_slice %arg4[%dma_wait3A_906, %dma_wait3A_907] : memref<32x1000001xf32, #tpu.memory_space<hbm>> -> memref<32x128xf32, #tpu.memory_space<hbm>>
      tpu.wait_dma2 semaphore(%arg13 : memref<!tpu.dma_semaphore, #tpu.memory_space<semaphore_mem>>) src(%dma_wait3A_908 : memref<32x128xf32, #tpu.memory_space<hbm>>) dst(%dma_wait3A_905 : memref<32x128xf32, #tpu.memory_space<vmem>>)
      %slice3A_909 = vector.extract_strided_slice %get3A_694 {offsets = [1], sizes = [1], strides = [1]} : vector<16xi32> to vector<1xi32>
      %squeeze3A_910 = vector.extract %slice3A_909[0] : i32 from vector<1xi32>
      %jit3A_911 = arith.constant 128 : i32
      %eq3A_912 = arith.constant 0 : i32
      %eq3A_913 = arith.cmpi eq, %jit3A_911, %eq3A_912 : i32
      %jit3A_914 = arith.constant 1 : i32
      %select_n3A_915 = arith.select %eq3A_913, %jit3A_914, %jit3A_911 : i32
      %rem3A_916 = arith.remsi %squeeze3A_910, %select_n3A_915 : i32
      %ne3A_917 = arith.constant 0 : i32
      %ne3A_918 = arith.cmpi ne, %rem3A_916, %ne3A_917 : i32
      %lt3A_919 = arith.constant 0 : i32
      %lt3A_920 = arith.cmpi slt, %rem3A_916, %lt3A_919 : i32
      %lt3A_921 = arith.constant 0 : i32
      %lt3A_922 = arith.cmpi slt, %select_n3A_915, %lt3A_921 : i32
      %ne3A_923 = arith.xori %lt3A_920, %lt3A_922 : i1
      %and3A_924 = arith.andi %ne3A_923, %ne3A_918 : i1
      %add3A_925 = arith.addi %rem3A_916, %select_n3A_915 : i32
      %select_n3A_926 = arith.select %and3A_924, %add3A_925, %rem3A_916 : i32
      %broadcast_in_dim3A_927 = vector.broadcast %select_n3A_926 : i32 to vector<16xi32>
      %slice3A_928 = vector.extract_strided_slice %get3A_696 {offsets = [1], sizes = [1], strides = [1]} : vector<16xi32> to vector<1xi32>
      %squeeze3A_929 = vector.extract %slice3A_928[0] : i32 from vector<1xi32>
      %jit3A_930 = arith.constant 128 : i32
      %eq3A_931 = arith.constant 0 : i32
      %eq3A_932 = arith.cmpi eq, %jit3A_930, %eq3A_931 : i32
      %jit3A_933 = arith.constant 1 : i32
      %select_n3A_934 = arith.select %eq3A_932, %jit3A_933, %jit3A_930 : i32
      %rem3A_935 = arith.remsi %squeeze3A_929, %select_n3A_934 : i32
      %ne3A_936 = arith.constant 0 : i32
      %ne3A_937 = arith.cmpi ne, %rem3A_935, %ne3A_936 : i32
      %lt3A_938 = arith.constant 0 : i32
      %lt3A_939 = arith.cmpi slt, %rem3A_935, %lt3A_938 : i32
      %lt3A_940 = arith.constant 0 : i32
      %lt3A_941 = arith.cmpi slt, %select_n3A_934, %lt3A_940 : i32
      %ne3A_942 = arith.xori %lt3A_939, %lt3A_941 : i1
      %and3A_943 = arith.andi %ne3A_942, %ne3A_937 : i1
      %add3A_944 = arith.addi %rem3A_935, %select_n3A_934 : i32
      %select_n3A_945 = arith.select %and3A_943, %add3A_944, %rem3A_935 : i32
      %broadcast_in_dim3A_946 = vector.broadcast %select_n3A_945 : i32 to vector<16xi32>
      %broadcast_in_dim3A_947 = arith.constant 1 : i32
      %broadcast_in_dim3A_948 = vector.broadcast %broadcast_in_dim3A_947 : i32 to vector<16xi32>
      %broadcast_in_dim3A_949 = arith.constant 0 : i32
      %broadcast_in_dim3A_950 = vector.broadcast %broadcast_in_dim3A_949 : i32 to vector<16xi32>
      %gather3A_951 = tpu.vector_load_idx %arg9[%broadcast_in_dim3A_948, %broadcast_in_dim3A_950, %iota3A, %broadcast_in_dim3A_927] : memref<8x1x32x128xf32, #tpu.memory_space<vmem>>[vector<16xi32>, vector<16xi32>, vector<16xi32>, vector<16xi32>], vector<16xf32>,
      %gather3A_952 = tpu.vector_load_idx %arg9[%broadcast_in_dim3A_948, %broadcast_in_dim3A_950, %add3A_5, %broadcast_in_dim3A_927] : memref<8x1x32x128xf32, #tpu.memory_space<vmem>>[vector<16xi32>, vector<16xi32>, vector<16xi32>, vector<16xi32>], vector<16xf32>,
      %gather3A_953 = tpu.vector_load_idx %arg10[%broadcast_in_dim3A_948, %broadcast_in_dim3A_950, %iota3A, %broadcast_in_dim3A_946] : memref<8x1x32x128xf32, #tpu.memory_space<vmem>>[vector<16xi32>, vector<16xi32>, vector<16xi32>, vector<16xi32>], vector<16xf32>,
      %gather3A_954 = tpu.vector_load_idx %arg10[%broadcast_in_dim3A_948, %broadcast_in_dim3A_950, %add3A_5, %broadcast_in_dim3A_946] : memref<8x1x32x128xf32, #tpu.memory_space<vmem>>[vector<16xi32>, vector<16xi32>, vector<16xi32>, vector<16xi32>], vector<16xf32>,
      %mul3A_955 = arith.mulf %gather3A_951, %gather3A_953 : vector<16xf32>
      %mul3A_956 = arith.mulf %gather3A_952, %gather3A_954 : vector<16xf32>
      %add3A_957 = arith.addf %mul3A_955, %mul3A_956 : vector<16xf32>
      %reduce_sum3A_958 = arith.constant true
      %reduce_sum3A_959 = vector.broadcast %reduce_sum3A_958 : i1 to vector<16xi1>
      %reduce_sum3A_960 = tpu.scan <sum>, %add3A_957 masked %reduce_sum3A_959 : vector<16xf32>, vector<16xi1> -> vector<16xf32>
      %reduce_sum3A_961 = vector.extract %reduce_sum3A_960[15] : f32 from vector<16xf32>
      %eq3A_962 = arith.constant 1 : i32
      %eq3A_963 = vector.broadcast %eq3A_962 : i32 to vector<16xi32>
      %eq3A_964 = arith.cmpi eq, %iota3A, %eq3A_963 : vector<16xi32>
      %broadcast_in_dim3A_965 = vector.broadcast %reduce_sum3A_961 : f32 to vector<16xf32>
      %select_n3A_966 = arith.select %eq3A_964, %broadcast_in_dim3A_965, %select_n3A_790 : vector<16xi1>, vector<16xf32>
      %slice3A_967 = vector.extract_strided_slice %get3A_694 {offsets = [9], sizes = [1], strides = [1]} : vector<16xi32> to vector<1xi32>
      %squeeze3A_968 = vector.extract %slice3A_967[0] : i32 from vector<1xi32>
      %jit3A_969 = arith.constant 128 : i32
      %div3A_970 = arith.divsi %squeeze3A_968, %jit3A_969 : i32
      %sign3A_971 = arith.constant 0 : i32
      %sign3A_972 = arith.cmpi sgt, %squeeze3A_968, %sign3A_971 : i32
      %sign3A_973 = arith.extui %sign3A_972 : i1 to i32
      %sign3A_974 = arith.constant 0 : i32
      %sign3A_975 = arith.cmpi slt, %squeeze3A_968, %sign3A_974 : i32
      %sign3A_976 = arith.extui %sign3A_975 : i1 to i32
      %sign3A_977 = arith.subi %sign3A_973, %sign3A_976 : i32
      %sign3A_978 = arith.constant 0 : i32
      %sign3A_979 = arith.cmpi sgt, %jit3A_969, %sign3A_978 : i32
      %sign3A_980 = arith.extui %sign3A_979 : i1 to i32
      %sign3A_981 = arith.constant 0 : i32
      %sign3A_982 = arith.cmpi slt, %jit3A_969, %sign3A_981 : i32
      %sign3A_983 = arith.extui %sign3A_982 : i1 to i32
      %sign3A_984 = arith.subi %sign3A_980, %sign3A_983 : i32
      %ne3A_985 = arith.cmpi ne, %sign3A_977, %sign3A_984 : i32
      %rem3A_986 = arith.remsi %squeeze3A_968, %jit3A_969 : i32
      %ne3A_987 = arith.constant 0 : i32
      %ne3A_988 = arith.cmpi ne, %rem3A_986, %ne3A_987 : i32
      %and3A_989 = arith.andi %ne3A_985, %ne3A_988 : i1
      %sub3A_990 = arith.constant 1 : i32
      %sub3A_991 = arith.subi %div3A_970, %sub3A_990 : i32
      %select_n3A_992 = arith.select %and3A_989, %sub3A_991, %div3A_970 : i32
      %mul3A_993 = arith.constant 128 : i32
      %mul3A_994 = arith.muli %select_n3A_992, %mul3A_993 : i32
      %multiple_of3A_995 = tpu.assume_multiple %mul3A_994, 128 : i32
      %slice3A_996 = vector.extract_strided_slice %get3A_696 {offsets = [9], sizes = [1], strides = [1]} : vector<16xi32> to vector<1xi32>
      %squeeze3A_997 = vector.extract %slice3A_996[0] : i32 from vector<1xi32>
      %jit3A_998 = arith.constant 128 : i32
      %div3A_999 = arith.divsi %squeeze3A_997, %jit3A_998 : i32
      %sign3A_1000 = arith.constant 0 : i32
      %sign3A_1001 = arith.cmpi sgt, %squeeze3A_997, %sign3A_1000 : i32
      %sign3A_1002 = arith.extui %sign3A_1001 : i1 to i32
      %sign3A_1003 = arith.constant 0 : i32
      %sign3A_1004 = arith.cmpi slt, %squeeze3A_997, %sign3A_1003 : i32
      %sign3A_1005 = arith.extui %sign3A_1004 : i1 to i32
      %sign3A_1006 = arith.subi %sign3A_1002, %sign3A_1005 : i32
      %sign3A_1007 = arith.constant 0 : i32
      %sign3A_1008 = arith.cmpi sgt, %jit3A_998, %sign3A_1007 : i32
      %sign3A_1009 = arith.extui %sign3A_1008 : i1 to i32
      %sign3A_1010 = arith.constant 0 : i32
      %sign3A_1011 = arith.cmpi slt, %jit3A_998, %sign3A_1010 : i32
      %sign3A_1012 = arith.extui %sign3A_1011 : i1 to i32
      %sign3A_1013 = arith.subi %sign3A_1009, %sign3A_1012 : i32
      %ne3A_1014 = arith.cmpi ne, %sign3A_1006, %sign3A_1013 : i32
      %rem3A_1015 = arith.remsi %squeeze3A_997, %jit3A_998 : i32
      %ne3A_1016 = arith.constant 0 : i32
      %ne3A_1017 = arith.cmpi ne, %rem3A_1015, %ne3A_1016 : i32
      %and3A_1018 = arith.andi %ne3A_1014, %ne3A_1017 : i1
      %sub3A_1019 = arith.constant 1 : i32
      %sub3A_1020 = arith.subi %div3A_999, %sub3A_1019 : i32
      %select_n3A_1021 = arith.select %and3A_1018, %sub3A_1020, %div3A_999 : i32
      %mul3A_1022 = arith.constant 128 : i32
      %mul3A_1023 = arith.muli %select_n3A_1021, %mul3A_1022 : i32
      %multiple_of3A_1024 = tpu.assume_multiple %mul3A_1023, 128 : i32
      %dma_start3A_1025 = arith.constant 1 : i32
      %dma_start3A_1026 = arith.constant 0 : i32
      %dma_start3A_1027 = arith.constant 0 : i32
      %dma_start3A_1028 = arith.constant 0 : i32
      %dma_start3A_1029 = tpu.memref_slice %arg9[%dma_start3A_1025, %dma_start3A_1026, %dma_start3A_1027, %dma_start3A_1028] : memref<8x1x32x128xf32, #tpu.memory_space<vmem>> -> memref<1x1x32x128xf32, #tpu.memory_space<vmem>>
      %dma_start3A_1030 = tpu.memref_squeeze %dma_start3A_1029 : memref<1x1x32x128xf32, #tpu.memory_space<vmem>> -> memref<32x128xf32, #tpu.memory_space<vmem>>
      %dma_start3A_1031 = arith.constant 0 : i32
      %dma_start3A_1032 = tpu.memref_slice %arg4[%dma_start3A_1031, %multiple_of3A_995] : memref<32x1000001xf32, #tpu.memory_space<hbm>> -> memref<32x128xf32, #tpu.memory_space<hbm>>
      %dma_start3A_1033 = arith.constant 0 : i32
      %dma_start3A_1034 = arith.constant 0 : i32
      %dma_start3A_1035 = tpu.memref_slice %arg9[%dma_start3A_1025, %dma_start3A_1026, %dma_start3A_1033, %dma_start3A_1034] : memref<8x1x32x128xf32, #tpu.memory_space<vmem>> -> memref<1x1x32x128xf32, #tpu.memory_space<vmem>>
      %dma_start3A_1036 = tpu.memref_squeeze %dma_start3A_1035 : memref<1x1x32x128xf32, #tpu.memory_space<vmem>> -> memref<32x128xf32, #tpu.memory_space<vmem>>
      %dma_start3A_1037 = arith.constant 0 : i32
      %dma_start3A_1038 = tpu.memref_slice %arg4[%dma_start3A_1037, %multiple_of3A_995] : memref<32x1000001xf32, #tpu.memory_space<hbm>> -> memref<32x128xf32, #tpu.memory_space<hbm>>
      tpu.enqueue_dma source(%dma_start3A_1038 : memref<32x128xf32, #tpu.memory_space<hbm>>) target(%dma_start3A_1036 : memref<32x128xf32, #tpu.memory_space<vmem>>) target_semaphore(%arg13 : memref<!tpu.dma_semaphore, #tpu.memory_space<semaphore_mem>>)
      %dma_start3A_1039 = arith.constant 1 : i32
      %dma_start3A_1040 = arith.constant 0 : i32
      %dma_start3A_1041 = arith.constant 0 : i32
      %dma_start3A_1042 = arith.constant 0 : i32
      %dma_start3A_1043 = tpu.memref_slice %arg10[%dma_start3A_1039, %dma_start3A_1040, %dma_start3A_1041, %dma_start3A_1042] : memref<8x1x32x128xf32, #tpu.memory_space<vmem>> -> memref<1x1x32x128xf32, #tpu.memory_space<vmem>>
      %dma_start3A_1044 = tpu.memref_squeeze %dma_start3A_1043 : memref<1x1x32x128xf32, #tpu.memory_space<vmem>> -> memref<32x128xf32, #tpu.memory_space<vmem>>
      %dma_start3A_1045 = arith.constant 0 : i32
      %dma_start3A_1046 = tpu.memref_slice %arg5[%dma_start3A_1045, %multiple_of3A_1024] : memref<32x1000001xf32, #tpu.memory_space<hbm>> -> memref<32x128xf32, #tpu.memory_space<hbm>>
      %dma_start3A_1047 = arith.constant 0 : i32
      %dma_start3A_1048 = arith.constant 0 : i32
      %dma_start3A_1049 = tpu.memref_slice %arg10[%dma_start3A_1039, %dma_start3A_1040, %dma_start3A_1047, %dma_start3A_1048] : memref<8x1x32x128xf32, #tpu.memory_space<vmem>> -> memref<1x1x32x128xf32, #tpu.memory_space<vmem>>
      %dma_start3A_1050 = tpu.memref_squeeze %dma_start3A_1049 : memref<1x1x32x128xf32, #tpu.memory_space<vmem>> -> memref<32x128xf32, #tpu.memory_space<vmem>>
      %dma_start3A_1051 = arith.constant 0 : i32
      %dma_start3A_1052 = tpu.memref_slice %arg5[%dma_start3A_1051, %multiple_of3A_1024] : memref<32x1000001xf32, #tpu.memory_space<hbm>> -> memref<32x128xf32, #tpu.memory_space<hbm>>
      tpu.enqueue_dma source(%dma_start3A_1052 : memref<32x128xf32, #tpu.memory_space<hbm>>) target(%dma_start3A_1050 : memref<32x128xf32, #tpu.memory_space<vmem>>) target_semaphore(%arg13 : memref<!tpu.dma_semaphore, #tpu.memory_space<semaphore_mem>>)
      %dma_wait3A_1053 = arith.constant 2 : i32
      %dma_wait3A_1054 = arith.constant 0 : i32
      %dma_wait3A_1055 = arith.constant 0 : i32
      %dma_wait3A_1056 = arith.constant 0 : i32
      %dma_wait3A_1057 = tpu.memref_slice %arg9[%dma_wait3A_1053, %dma_wait3A_1054, %dma_wait3A_1055, %dma_wait3A_1056] : memref<8x1x32x128xf32, #tpu.memory_space<vmem>> -> memref<1x1x32x128xf32, #tpu.memory_space<vmem>>
      %dma_wait3A_1058 = tpu.memref_squeeze %dma_wait3A_1057 : memref<1x1x32x128xf32, #tpu.memory_space<vmem>> -> memref<32x128xf32, #tpu.memory_space<vmem>>
      %dma_wait3A_1059 = arith.constant 0 : i32
      %dma_wait3A_1060 = arith.constant 0 : i32
      %dma_wait3A_1061 = tpu.memref_slice %arg4[%dma_wait3A_1059, %dma_wait3A_1060] : memref<32x1000001xf32, #tpu.memory_space<hbm>> -> memref<32x128xf32, #tpu.memory_space<hbm>>
      %dma_wait3A_1062 = arith.constant 0 : i32
      %dma_wait3A_1063 = arith.constant 0 : i32
      %dma_wait3A_1064 = tpu.memref_slice %arg9[%dma_wait3A_1053, %dma_wait3A_1054, %dma_wait3A_1062, %dma_wait3A_1063] : memref<8x1x32x128xf32, #tpu.memory_space<vmem>> -> memref<1x1x32x128xf32, #tpu.memory_space<vmem>>
      %dma_wait3A_1065 = tpu.memref_squeeze %dma_wait3A_1064 : memref<1x1x32x128xf32, #tpu.memory_space<vmem>> -> memref<32x128xf32, #tpu.memory_space<vmem>>
      %dma_wait3A_1066 = arith.constant 0 : i32
      %dma_wait3A_1067 = arith.constant 0 : i32
      %dma_wait3A_1068 = tpu.memref_slice %arg4[%dma_wait3A_1066, %dma_wait3A_1067] : memref<32x1000001xf32, #tpu.memory_space<hbm>> -> memref<32x128xf32, #tpu.memory_space<hbm>>
      tpu.wait_dma2 semaphore(%arg14 : memref<!tpu.dma_semaphore, #tpu.memory_space<semaphore_mem>>) src(%dma_wait3A_1068 : memref<32x128xf32, #tpu.memory_space<hbm>>) dst(%dma_wait3A_1065 : memref<32x128xf32, #tpu.memory_space<vmem>>)
      %dma_wait3A_1069 = arith.constant 2 : i32
      %dma_wait3A_1070 = arith.constant 0 : i32
      %dma_wait3A_1071 = arith.constant 0 : i32
      %dma_wait3A_1072 = arith.constant 0 : i32
      %dma_wait3A_1073 = tpu.memref_slice %arg10[%dma_wait3A_1069, %dma_wait3A_1070, %dma_wait3A_1071, %dma_wait3A_1072] : memref<8x1x32x128xf32, #tpu.memory_space<vmem>> -> memref<1x1x32x128xf32, #tpu.memory_space<vmem>>
      %dma_wait3A_1074 = tpu.memref_squeeze %dma_wait3A_1073 : memref<1x1x32x128xf32, #tpu.memory_space<vmem>> -> memref<32x128xf32, #tpu.memory_space<vmem>>
      %dma_wait3A_1075 = arith.constant 0 : i32
      %dma_wait3A_1076 = arith.constant 0 : i32
      %dma_wait3A_1077 = tpu.memref_slice %arg4[%dma_wait3A_1075, %dma_wait3A_1076] : memref<32x1000001xf32, #tpu.memory_space<hbm>> -> memref<32x128xf32, #tpu.memory_space<hbm>>
      %dma_wait3A_1078 = arith.constant 0 : i32
      %dma_wait3A_1079 = arith.constant 0 : i32
      %dma_wait3A_1080 = tpu.memref_slice %arg10[%dma_wait3A_1069, %dma_wait3A_1070, %dma_wait3A_1078, %dma_wait3A_1079] : memref<8x1x32x128xf32, #tpu.memory_space<vmem>> -> memref<1x1x32x128xf32, #tpu.memory_space<vmem>>
      %dma_wait3A_1081 = tpu.memref_squeeze %dma_wait3A_1080 : memref<1x1x32x128xf32, #tpu.memory_space<vmem>> -> memref<32x128xf32, #tpu.memory_space<vmem>>
      %dma_wait3A_1082 = arith.constant 0 : i32
      %dma_wait3A_1083 = arith.constant 0 : i32
      %dma_wait3A_1084 = tpu.memref_slice %arg4[%dma_wait3A_1082, %dma_wait3A_1083] : memref<32x1000001xf32, #tpu.memory_space<hbm>> -> memref<32x128xf32, #tpu.memory_space<hbm>>
      tpu.wait_dma2 semaphore(%arg14 : memref<!tpu.dma_semaphore, #tpu.memory_space<semaphore_mem>>) src(%dma_wait3A_1084 : memref<32x128xf32, #tpu.memory_space<hbm>>) dst(%dma_wait3A_1081 : memref<32x128xf32, #tpu.memory_space<vmem>>)
      %slice3A_1085 = vector.extract_strided_slice %get3A_694 {offsets = [2], sizes = [1], strides = [1]} : vector<16xi32> to vector<1xi32>
      %squeeze3A_1086 = vector.extract %slice3A_1085[0] : i32 from vector<1xi32>
      %jit3A_1087 = arith.constant 128 : i32
      %eq3A_1088 = arith.constant 0 : i32
      %eq3A_1089 = arith.cmpi eq, %jit3A_1087, %eq3A_1088 : i32
      %jit3A_1090 = arith.constant 1 : i32
      %select_n3A_1091 = arith.select %eq3A_1089, %jit3A_1090, %jit3A_1087 : i32
      %rem3A_1092 = arith.remsi %squeeze3A_1086, %select_n3A_1091 : i32
      %ne3A_1093 = arith.constant 0 : i32
      %ne3A_1094 = arith.cmpi ne, %rem3A_1092, %ne3A_1093 : i32
      %lt3A_1095 = arith.constant 0 : i32
      %lt3A_1096 = arith.cmpi slt, %rem3A_1092, %lt3A_1095 : i32
      %lt3A_1097 = arith.constant 0 : i32
      %lt3A_1098 = arith.cmpi slt, %select_n3A_1091, %lt3A_1097 : i32
      %ne3A_1099 = arith.xori %lt3A_1096, %lt3A_1098 : i1
      %and3A_1100 = arith.andi %ne3A_1099, %ne3A_1094 : i1
      %add3A_1101 = arith.addi %rem3A_1092, %select_n3A_1091 : i32
      %select_n3A_1102 = arith.select %and3A_1100, %add3A_1101, %rem3A_1092 : i32
      %broadcast_in_dim3A_1103 = vector.broadcast %select_n3A_1102 : i32 to vector<16xi32>
      %slice3A_1104 = vector.extract_strided_slice %get3A_696 {offsets = [2], sizes = [1], strides = [1]} : vector<16xi32> to vector<1xi32>
      %squeeze3A_1105 = vector.extract %slice3A_1104[0] : i32 from vector<1xi32>
      %jit3A_1106 = arith.constant 128 : i32
      %eq3A_1107 = arith.constant 0 : i32
      %eq3A_1108 = arith.cmpi eq, %jit3A_1106, %eq3A_1107 : i32
      %jit3A_1109 = arith.constant 1 : i32
      %select_n3A_1110 = arith.select %eq3A_1108, %jit3A_1109, %jit3A_1106 : i32
      %rem3A_1111 = arith.remsi %squeeze3A_1105, %select_n3A_1110 : i32
      %ne3A_1112 = arith.constant 0 : i32
      %ne3A_1113 = arith.cmpi ne, %rem3A_1111, %ne3A_1112 : i32
      %lt3A_1114 = arith.constant 0 : i32
      %lt3A_1115 = arith.cmpi slt, %rem3A_1111, %lt3A_1114 : i32
      %lt3A_1116 = arith.constant 0 : i32
      %lt3A_1117 = arith.cmpi slt, %select_n3A_1110, %lt3A_1116 : i32
      %ne3A_1118 = arith.xori %lt3A_1115, %lt3A_1117 : i1
      %and3A_1119 = arith.andi %ne3A_1118, %ne3A_1113 : i1
      %add3A_1120 = arith.addi %rem3A_1111, %select_n3A_1110 : i32
      %select_n3A_1121 = arith.select %and3A_1119, %add3A_1120, %rem3A_1111 : i32
      %broadcast_in_dim3A_1122 = vector.broadcast %select_n3A_1121 : i32 to vector<16xi32>
      %broadcast_in_dim3A_1123 = arith.constant 2 : i32
      %broadcast_in_dim3A_1124 = vector.broadcast %broadcast_in_dim3A_1123 : i32 to vector<16xi32>
      %broadcast_in_dim3A_1125 = arith.constant 0 : i32
      %broadcast_in_dim3A_1126 = vector.broadcast %broadcast_in_dim3A_1125 : i32 to vector<16xi32>
      %gather3A_1127 = tpu.vector_load_idx %arg9[%broadcast_in_dim3A_1124, %broadcast_in_dim3A_1126, %iota3A, %broadcast_in_dim3A_1103] : memref<8x1x32x128xf32, #tpu.memory_space<vmem>>[vector<16xi32>, vector<16xi32>, vector<16xi32>, vector<16xi32>], vector<16xf32>,
      %gather3A_1128 = tpu.vector_load_idx %arg9[%broadcast_in_dim3A_1124, %broadcast_in_dim3A_1126, %add3A_5, %broadcast_in_dim3A_1103] : memref<8x1x32x128xf32, #tpu.memory_space<vmem>>[vector<16xi32>, vector<16xi32>, vector<16xi32>, vector<16xi32>], vector<16xf32>,
      %gather3A_1129 = tpu.vector_load_idx %arg10[%broadcast_in_dim3A_1124, %broadcast_in_dim3A_1126, %iota3A, %broadcast_in_dim3A_1122] : memref<8x1x32x128xf32, #tpu.memory_space<vmem>>[vector<16xi32>, vector<16xi32>, vector<16xi32>, vector<16xi32>], vector<16xf32>,
      %gather3A_1130 = tpu.vector_load_idx %arg10[%broadcast_in_dim3A_1124, %broadcast_in_dim3A_1126, %add3A_5, %broadcast_in_dim3A_1122] : memref<8x1x32x128xf32, #tpu.memory_space<vmem>>[vector<16xi32>, vector<16xi32>, vector<16xi32>, vector<16xi32>], vector<16xf32>,
      %mul3A_1131 = arith.mulf %gather3A_1127, %gather3A_1129 : vector<16xf32>
      %mul3A_1132 = arith.mulf %gather3A_1128, %gather3A_1130 : vector<16xf32>
      %add3A_1133 = arith.addf %mul3A_1131, %mul3A_1132 : vector<16xf32>
      %reduce_sum3A_1134 = arith.constant true
      %reduce_sum3A_1135 = vector.broadcast %reduce_sum3A_1134 : i1 to vector<16xi1>
      %reduce_sum3A_1136 = tpu.scan <sum>, %add3A_1133 masked %reduce_sum3A_1135 : vector<16xf32>, vector<16xi1> -> vector<16xf32>
      %reduce_sum3A_1137 = vector.extract %reduce_sum3A_1136[15] : f32 from vector<16xf32>
      %eq3A_1138 = arith.constant 2 : i32
      %eq3A_1139 = vector.broadcast %eq3A_1138 : i32 to vector<16xi32>
      %eq3A_1140 = arith.cmpi eq, %iota3A, %eq3A_1139 : vector<16xi32>
      %broadcast_in_dim3A_1141 = vector.broadcast %reduce_sum3A_1137 : f32 to vector<16xf32>
      %select_n3A_1142 = arith.select %eq3A_1140, %broadcast_in_dim3A_1141, %select_n3A_966 : vector<16xi1>, vector<16xf32>
      %slice3A_1143 = vector.extract_strided_slice %get3A_694 {offsets = [10], sizes = [1], strides = [1]} : vector<16xi32> to vector<1xi32>
      %squeeze3A_1144 = vector.extract %slice3A_1143[0] : i32 from vector<1xi32>
      %jit3A_1145 = arith.constant 128 : i32
      %div3A_1146 = arith.divsi %squeeze3A_1144, %jit3A_1145 : i32
      %sign3A_1147 = arith.constant 0 : i32
      %sign3A_1148 = arith.cmpi sgt, %squeeze3A_1144, %sign3A_1147 : i32
      %sign3A_1149 = arith.extui %sign3A_1148 : i1 to i32
      %sign3A_1150 = arith.constant 0 : i32
      %sign3A_1151 = arith.cmpi slt, %squeeze3A_1144, %sign3A_1150 : i32
      %sign3A_1152 = arith.extui %sign3A_1151 : i1 to i32
      %sign3A_1153 = arith.subi %sign3A_1149, %sign3A_1152 : i32
      %sign3A_1154 = arith.constant 0 : i32
      %sign3A_1155 = arith.cmpi sgt, %jit3A_1145, %sign3A_1154 : i32
      %sign3A_1156 = arith.extui %sign3A_1155 : i1 to i32
      %sign3A_1157 = arith.constant 0 : i32
      %sign3A_1158 = arith.cmpi slt, %jit3A_1145, %sign3A_1157 : i32
      %sign3A_1159 = arith.extui %sign3A_1158 : i1 to i32
      %sign3A_1160 = arith.subi %sign3A_1156, %sign3A_1159 : i32
      %ne3A_1161 = arith.cmpi ne, %sign3A_1153, %sign3A_1160 : i32
      %rem3A_1162 = arith.remsi %squeeze3A_1144, %jit3A_1145 : i32
      %ne3A_1163 = arith.constant 0 : i32
      %ne3A_1164 = arith.cmpi ne, %rem3A_1162, %ne3A_1163 : i32
      %and3A_1165 = arith.andi %ne3A_1161, %ne3A_1164 : i1
      %sub3A_1166 = arith.constant 1 : i32
      %sub3A_1167 = arith.subi %div3A_1146, %sub3A_1166 : i32
      %select_n3A_1168 = arith.select %and3A_1165, %sub3A_1167, %div3A_1146 : i32
      %mul3A_1169 = arith.constant 128 : i32
      %mul3A_1170 = arith.muli %select_n3A_1168, %mul3A_1169 : i32
      %multiple_of3A_1171 = tpu.assume_multiple %mul3A_1170, 128 : i32
      %slice3A_1172 = vector.extract_strided_slice %get3A_696 {offsets = [10], sizes = [1], strides = [1]} : vector<16xi32> to vector<1xi32>
      %squeeze3A_1173 = vector.extract %slice3A_1172[0] : i32 from vector<1xi32>
      %jit3A_1174 = arith.constant 128 : i32
      %div3A_1175 = arith.divsi %squeeze3A_1173, %jit3A_1174 : i32
      %sign3A_1176 = arith.constant 0 : i32
      %sign3A_1177 = arith.cmpi sgt, %squeeze3A_1173, %sign3A_1176 : i32
      %sign3A_1178 = arith.extui %sign3A_1177 : i1 to i32
      %sign3A_1179 = arith.constant 0 : i32
      %sign3A_1180 = arith.cmpi slt, %squeeze3A_1173, %sign3A_1179 : i32
      %sign3A_1181 = arith.extui %sign3A_1180 : i1 to i32
      %sign3A_1182 = arith.subi %sign3A_1178, %sign3A_1181 : i32
      %sign3A_1183 = arith.constant 0 : i32
      %sign3A_1184 = arith.cmpi sgt, %jit3A_1174, %sign3A_1183 : i32
      %sign3A_1185 = arith.extui %sign3A_1184 : i1 to i32
      %sign3A_1186 = arith.constant 0 : i32
      %sign3A_1187 = arith.cmpi slt, %jit3A_1174, %sign3A_1186 : i32
      %sign3A_1188 = arith.extui %sign3A_1187 : i1 to i32
      %sign3A_1189 = arith.subi %sign3A_1185, %sign3A_1188 : i32
      %ne3A_1190 = arith.cmpi ne, %sign3A_1182, %sign3A_1189 : i32
      %rem3A_1191 = arith.remsi %squeeze3A_1173, %jit3A_1174 : i32
      %ne3A_1192 = arith.constant 0 : i32
      %ne3A_1193 = arith.cmpi ne, %rem3A_1191, %ne3A_1192 : i32
      %and3A_1194 = arith.andi %ne3A_1190, %ne3A_1193 : i1
      %sub3A_1195 = arith.constant 1 : i32
      %sub3A_1196 = arith.subi %div3A_1175, %sub3A_1195 : i32
      %select_n3A_1197 = arith.select %and3A_1194, %sub3A_1196, %div3A_1175 : i32
      %mul3A_1198 = arith.constant 128 : i32
      %mul3A_1199 = arith.muli %select_n3A_1197, %mul3A_1198 : i32
      %multiple_of3A_1200 = tpu.assume_multiple %mul3A_1199, 128 : i32
      %dma_start3A_1201 = arith.constant 2 : i32
      %dma_start3A_1202 = arith.constant 0 : i32
      %dma_start3A_1203 = arith.constant 0 : i32
      %dma_start3A_1204 = arith.constant 0 : i32
      %dma_start3A_1205 = tpu.memref_slice %arg9[%dma_start3A_1201, %dma_start3A_1202, %dma_start3A_1203, %dma_start3A_1204] : memref<8x1x32x128xf32, #tpu.memory_space<vmem>> -> memref<1x1x32x128xf32, #tpu.memory_space<vmem>>
      %dma_start3A_1206 = tpu.memref_squeeze %dma_start3A_1205 : memref<1x1x32x128xf32, #tpu.memory_space<vmem>> -> memref<32x128xf32, #tpu.memory_space<vmem>>
      %dma_start3A_1207 = arith.constant 0 : i32
      %dma_start3A_1208 = tpu.memref_slice %arg4[%dma_start3A_1207, %multiple_of3A_1171] : memref<32x1000001xf32, #tpu.memory_space<hbm>> -> memref<32x128xf32, #tpu.memory_space<hbm>>
      %dma_start3A_1209 = arith.constant 0 : i32
      %dma_start3A_1210 = arith.constant 0 : i32
      %dma_start3A_1211 = tpu.memref_slice %arg9[%dma_start3A_1201, %dma_start3A_1202, %dma_start3A_1209, %dma_start3A_1210] : memref<8x1x32x128xf32, #tpu.memory_space<vmem>> -> memref<1x1x32x128xf32, #tpu.memory_space<vmem>>
      %dma_start3A_1212 = tpu.memref_squeeze %dma_start3A_1211 : memref<1x1x32x128xf32, #tpu.memory_space<vmem>> -> memref<32x128xf32, #tpu.memory_space<vmem>>
      %dma_start3A_1213 = arith.constant 0 : i32
      %dma_start3A_1214 = tpu.memref_slice %arg4[%dma_start3A_1213, %multiple_of3A_1171] : memref<32x1000001xf32, #tpu.memory_space<hbm>> -> memref<32x128xf32, #tpu.memory_space<hbm>>
      tpu.enqueue_dma source(%dma_start3A_1214 : memref<32x128xf32, #tpu.memory_space<hbm>>) target(%dma_start3A_1212 : memref<32x128xf32, #tpu.memory_space<vmem>>) target_semaphore(%arg14 : memref<!tpu.dma_semaphore, #tpu.memory_space<semaphore_mem>>)
      %dma_start3A_1215 = arith.constant 2 : i32
      %dma_start3A_1216 = arith.constant 0 : i32
      %dma_start3A_1217 = arith.constant 0 : i32
      %dma_start3A_1218 = arith.constant 0 : i32
      %dma_start3A_1219 = tpu.memref_slice %arg10[%dma_start3A_1215, %dma_start3A_1216, %dma_start3A_1217, %dma_start3A_1218] : memref<8x1x32x128xf32, #tpu.memory_space<vmem>> -> memref<1x1x32x128xf32, #tpu.memory_space<vmem>>
      %dma_start3A_1220 = tpu.memref_squeeze %dma_start3A_1219 : memref<1x1x32x128xf32, #tpu.memory_space<vmem>> -> memref<32x128xf32, #tpu.memory_space<vmem>>
      %dma_start3A_1221 = arith.constant 0 : i32
      %dma_start3A_1222 = tpu.memref_slice %arg5[%dma_start3A_1221, %multiple_of3A_1200] : memref<32x1000001xf32, #tpu.memory_space<hbm>> -> memref<32x128xf32, #tpu.memory_space<hbm>>
      %dma_start3A_1223 = arith.constant 0 : i32
      %dma_start3A_1224 = arith.constant 0 : i32
      %dma_start3A_1225 = tpu.memref_slice %arg10[%dma_start3A_1215, %dma_start3A_1216, %dma_start3A_1223, %dma_start3A_1224] : memref<8x1x32x128xf32, #tpu.memory_space<vmem>> -> memref<1x1x32x128xf32, #tpu.memory_space<vmem>>
      %dma_start3A_1226 = tpu.memref_squeeze %dma_start3A_1225 : memref<1x1x32x128xf32, #tpu.memory_space<vmem>> -> memref<32x128xf32, #tpu.memory_space<vmem>>
      %dma_start3A_1227 = arith.constant 0 : i32
      %dma_start3A_1228 = tpu.memref_slice %arg5[%dma_start3A_1227, %multiple_of3A_1200] : memref<32x1000001xf32, #tpu.memory_space<hbm>> -> memref<32x128xf32, #tpu.memory_space<hbm>>
      tpu.enqueue_dma source(%dma_start3A_1228 : memref<32x128xf32, #tpu.memory_space<hbm>>) target(%dma_start3A_1226 : memref<32x128xf32, #tpu.memory_space<vmem>>) target_semaphore(%arg14 : memref<!tpu.dma_semaphore, #tpu.memory_space<semaphore_mem>>)
      %dma_wait3A_1229 = arith.constant 3 : i32
      %dma_wait3A_1230 = arith.constant 0 : i32
      %dma_wait3A_1231 = arith.constant 0 : i32
      %dma_wait3A_1232 = arith.constant 0 : i32
      %dma_wait3A_1233 = tpu.memref_slice %arg9[%dma_wait3A_1229, %dma_wait3A_1230, %dma_wait3A_1231, %dma_wait3A_1232] : memref<8x1x32x128xf32, #tpu.memory_space<vmem>> -> memref<1x1x32x128xf32, #tpu.memory_space<vmem>>
      %dma_wait3A_1234 = tpu.memref_squeeze %dma_wait3A_1233 : memref<1x1x32x128xf32, #tpu.memory_space<vmem>> -> memref<32x128xf32, #tpu.memory_space<vmem>>
      %dma_wait3A_1235 = arith.constant 0 : i32
      %dma_wait3A_1236 = arith.constant 0 : i32
      %dma_wait3A_1237 = tpu.memref_slice %arg4[%dma_wait3A_1235, %dma_wait3A_1236] : memref<32x1000001xf32, #tpu.memory_space<hbm>> -> memref<32x128xf32, #tpu.memory_space<hbm>>
      %dma_wait3A_1238 = arith.constant 0 : i32
      %dma_wait3A_1239 = arith.constant 0 : i32
      %dma_wait3A_1240 = tpu.memref_slice %arg9[%dma_wait3A_1229, %dma_wait3A_1230, %dma_wait3A_1238, %dma_wait3A_1239] : memref<8x1x32x128xf32, #tpu.memory_space<vmem>> -> memref<1x1x32x128xf32, #tpu.memory_space<vmem>>
      %dma_wait3A_1241 = tpu.memref_squeeze %dma_wait3A_1240 : memref<1x1x32x128xf32, #tpu.memory_space<vmem>> -> memref<32x128xf32, #tpu.memory_space<vmem>>
      %dma_wait3A_1242 = arith.constant 0 : i32
      %dma_wait3A_1243 = arith.constant 0 : i32
      %dma_wait3A_1244 = tpu.memref_slice %arg4[%dma_wait3A_1242, %dma_wait3A_1243] : memref<32x1000001xf32, #tpu.memory_space<hbm>> -> memref<32x128xf32, #tpu.memory_space<hbm>>
      tpu.wait_dma2 semaphore(%arg15 : memref<!tpu.dma_semaphore, #tpu.memory_space<semaphore_mem>>) src(%dma_wait3A_1244 : memref<32x128xf32, #tpu.memory_space<hbm>>) dst(%dma_wait3A_1241 : memref<32x128xf32, #tpu.memory_space<vmem>>)
      %dma_wait3A_1245 = arith.constant 3 : i32
      %dma_wait3A_1246 = arith.constant 0 : i32
      %dma_wait3A_1247 = arith.constant 0 : i32
      %dma_wait3A_1248 = arith.constant 0 : i32
      %dma_wait3A_1249 = tpu.memref_slice %arg10[%dma_wait3A_1245, %dma_wait3A_1246, %dma_wait3A_1247, %dma_wait3A_1248] : memref<8x1x32x128xf32, #tpu.memory_space<vmem>> -> memref<1x1x32x128xf32, #tpu.memory_space<vmem>>
      %dma_wait3A_1250 = tpu.memref_squeeze %dma_wait3A_1249 : memref<1x1x32x128xf32, #tpu.memory_space<vmem>> -> memref<32x128xf32, #tpu.memory_space<vmem>>
      %dma_wait3A_1251 = arith.constant 0 : i32
      %dma_wait3A_1252 = arith.constant 0 : i32
      %dma_wait3A_1253 = tpu.memref_slice %arg4[%dma_wait3A_1251, %dma_wait3A_1252] : memref<32x1000001xf32, #tpu.memory_space<hbm>> -> memref<32x128xf32, #tpu.memory_space<hbm>>
      %dma_wait3A_1254 = arith.constant 0 : i32
      %dma_wait3A_1255 = arith.constant 0 : i32
      %dma_wait3A_1256 = tpu.memref_slice %arg10[%dma_wait3A_1245, %dma_wait3A_1246, %dma_wait3A_1254, %dma_wait3A_1255] : memref<8x1x32x128xf32, #tpu.memory_space<vmem>> -> memref<1x1x32x128xf32, #tpu.memory_space<vmem>>
      %dma_wait3A_1257 = tpu.memref_squeeze %dma_wait3A_1256 : memref<1x1x32x128xf32, #tpu.memory_space<vmem>> -> memref<32x128xf32, #tpu.memory_space<vmem>>
      %dma_wait3A_1258 = arith.constant 0 : i32
      %dma_wait3A_1259 = arith.constant 0 : i32
      %dma_wait3A_1260 = tpu.memref_slice %arg4[%dma_wait3A_1258, %dma_wait3A_1259] : memref<32x1000001xf32, #tpu.memory_space<hbm>> -> memref<32x128xf32, #tpu.memory_space<hbm>>
      tpu.wait_dma2 semaphore(%arg15 : memref<!tpu.dma_semaphore, #tpu.memory_space<semaphore_mem>>) src(%dma_wait3A_1260 : memref<32x128xf32, #tpu.memory_space<hbm>>) dst(%dma_wait3A_1257 : memref<32x128xf32, #tpu.memory_space<vmem>>)
      %slice3A_1261 = vector.extract_strided_slice %get3A_694 {offsets = [3], sizes = [1], strides = [1]} : vector<16xi32> to vector<1xi32>
      %squeeze3A_1262 = vector.extract %slice3A_1261[0] : i32 from vector<1xi32>
      %jit3A_1263 = arith.constant 128 : i32
      %eq3A_1264 = arith.constant 0 : i32
      %eq3A_1265 = arith.cmpi eq, %jit3A_1263, %eq3A_1264 : i32
      %jit3A_1266 = arith.constant 1 : i32
      %select_n3A_1267 = arith.select %eq3A_1265, %jit3A_1266, %jit3A_1263 : i32
      %rem3A_1268 = arith.remsi %squeeze3A_1262, %select_n3A_1267 : i32
      %ne3A_1269 = arith.constant 0 : i32
      %ne3A_1270 = arith.cmpi ne, %rem3A_1268, %ne3A_1269 : i32
      %lt3A_1271 = arith.constant 0 : i32
      %lt3A_1272 = arith.cmpi slt, %rem3A_1268, %lt3A_1271 : i32
      %lt3A_1273 = arith.constant 0 : i32
      %lt3A_1274 = arith.cmpi slt, %select_n3A_1267, %lt3A_1273 : i32
      %ne3A_1275 = arith.xori %lt3A_1272, %lt3A_1274 : i1
      %and3A_1276 = arith.andi %ne3A_1275, %ne3A_1270 : i1
      %add3A_1277 = arith.addi %rem3A_1268, %select_n3A_1267 : i32
      %select_n3A_1278 = arith.select %and3A_1276, %add3A_1277, %rem3A_1268 : i32
      %broadcast_in_dim3A_1279 = vector.broadcast %select_n3A_1278 : i32 to vector<16xi32>
      %slice3A_1280 = vector.extract_strided_slice %get3A_696 {offsets = [3], sizes = [1], strides = [1]} : vector<16xi32> to vector<1xi32>
      %squeeze3A_1281 = vector.extract %slice3A_1280[0] : i32 from vector<1xi32>
      %jit3A_1282 = arith.constant 128 : i32
      %eq3A_1283 = arith.constant 0 : i32
      %eq3A_1284 = arith.cmpi eq, %jit3A_1282, %eq3A_1283 : i32
      %jit3A_1285 = arith.constant 1 : i32
      %select_n3A_1286 = arith.select %eq3A_1284, %jit3A_1285, %jit3A_1282 : i32
      %rem3A_1287 = arith.remsi %squeeze3A_1281, %select_n3A_1286 : i32
      %ne3A_1288 = arith.constant 0 : i32
      %ne3A_1289 = arith.cmpi ne, %rem3A_1287, %ne3A_1288 : i32
      %lt3A_1290 = arith.constant 0 : i32
      %lt3A_1291 = arith.cmpi slt, %rem3A_1287, %lt3A_1290 : i32
      %lt3A_1292 = arith.constant 0 : i32
      %lt3A_1293 = arith.cmpi slt, %select_n3A_1286, %lt3A_1292 : i32
      %ne3A_1294 = arith.xori %lt3A_1291, %lt3A_1293 : i1
      %and3A_1295 = arith.andi %ne3A_1294, %ne3A_1289 : i1
      %add3A_1296 = arith.addi %rem3A_1287, %select_n3A_1286 : i32
      %select_n3A_1297 = arith.select %and3A_1295, %add3A_1296, %rem3A_1287 : i32
      %broadcast_in_dim3A_1298 = vector.broadcast %select_n3A_1297 : i32 to vector<16xi32>
      %broadcast_in_dim3A_1299 = arith.constant 3 : i32
      %broadcast_in_dim3A_1300 = vector.broadcast %broadcast_in_dim3A_1299 : i32 to vector<16xi32>
      %broadcast_in_dim3A_1301 = arith.constant 0 : i32
      %broadcast_in_dim3A_1302 = vector.broadcast %broadcast_in_dim3A_1301 : i32 to vector<16xi32>
      %gather3A_1303 = tpu.vector_load_idx %arg9[%broadcast_in_dim3A_1300, %broadcast_in_dim3A_1302, %iota3A, %broadcast_in_dim3A_1279] : memref<8x1x32x128xf32, #tpu.memory_space<vmem>>[vector<16xi32>, vector<16xi32>, vector<16xi32>, vector<16xi32>], vector<16xf32>,
      %gather3A_1304 = tpu.vector_load_idx %arg9[%broadcast_in_dim3A_1300, %broadcast_in_dim3A_1302, %add3A_5, %broadcast_in_dim3A_1279] : memref<8x1x32x128xf32, #tpu.memory_space<vmem>>[vector<16xi32>, vector<16xi32>, vector<16xi32>, vector<16xi32>], vector<16xf32>,
      %gather3A_1305 = tpu.vector_load_idx %arg10[%broadcast_in_dim3A_1300, %broadcast_in_dim3A_1302, %iota3A, %broadcast_in_dim3A_1298] : memref<8x1x32x128xf32, #tpu.memory_space<vmem>>[vector<16xi32>, vector<16xi32>, vector<16xi32>, vector<16xi32>], vector<16xf32>,
      %gather3A_1306 = tpu.vector_load_idx %arg10[%broadcast_in_dim3A_1300, %broadcast_in_dim3A_1302, %add3A_5, %broadcast_in_dim3A_1298] : memref<8x1x32x128xf32, #tpu.memory_space<vmem>>[vector<16xi32>, vector<16xi32>, vector<16xi32>, vector<16xi32>], vector<16xf32>,
      %mul3A_1307 = arith.mulf %gather3A_1303, %gather3A_1305 : vector<16xf32>
      %mul3A_1308 = arith.mulf %gather3A_1304, %gather3A_1306 : vector<16xf32>
      %add3A_1309 = arith.addf %mul3A_1307, %mul3A_1308 : vector<16xf32>
      %reduce_sum3A_1310 = arith.constant true
      %reduce_sum3A_1311 = vector.broadcast %reduce_sum3A_1310 : i1 to vector<16xi1>
      %reduce_sum3A_1312 = tpu.scan <sum>, %add3A_1309 masked %reduce_sum3A_1311 : vector<16xf32>, vector<16xi1> -> vector<16xf32>
      %reduce_sum3A_1313 = vector.extract %reduce_sum3A_1312[15] : f32 from vector<16xf32>
      %eq3A_1314 = arith.constant 3 : i32
      %eq3A_1315 = vector.broadcast %eq3A_1314 : i32 to vector<16xi32>
      %eq3A_1316 = arith.cmpi eq, %iota3A, %eq3A_1315 : vector<16xi32>
      %broadcast_in_dim3A_1317 = vector.broadcast %reduce_sum3A_1313 : f32 to vector<16xf32>
      %select_n3A_1318 = arith.select %eq3A_1316, %broadcast_in_dim3A_1317, %select_n3A_1142 : vector<16xi1>, vector<16xf32>
      %slice3A_1319 = vector.extract_strided_slice %get3A_694 {offsets = [11], sizes = [1], strides = [1]} : vector<16xi32> to vector<1xi32>
      %squeeze3A_1320 = vector.extract %slice3A_1319[0] : i32 from vector<1xi32>
      %jit3A_1321 = arith.constant 128 : i32
      %div3A_1322 = arith.divsi %squeeze3A_1320, %jit3A_1321 : i32
      %sign3A_1323 = arith.constant 0 : i32
      %sign3A_1324 = arith.cmpi sgt, %squeeze3A_1320, %sign3A_1323 : i32
      %sign3A_1325 = arith.extui %sign3A_1324 : i1 to i32
      %sign3A_1326 = arith.constant 0 : i32
      %sign3A_1327 = arith.cmpi slt, %squeeze3A_1320, %sign3A_1326 : i32
      %sign3A_1328 = arith.extui %sign3A_1327 : i1 to i32
      %sign3A_1329 = arith.subi %sign3A_1325, %sign3A_1328 : i32
      %sign3A_1330 = arith.constant 0 : i32
      %sign3A_1331 = arith.cmpi sgt, %jit3A_1321, %sign3A_1330 : i32
      %sign3A_1332 = arith.extui %sign3A_1331 : i1 to i32
      %sign3A_1333 = arith.constant 0 : i32
      %sign3A_1334 = arith.cmpi slt, %jit3A_1321, %sign3A_1333 : i32
      %sign3A_1335 = arith.extui %sign3A_1334 : i1 to i32
      %sign3A_1336 = arith.subi %sign3A_1332, %sign3A_1335 : i32
      %ne3A_1337 = arith.cmpi ne, %sign3A_1329, %sign3A_1336 : i32
      %rem3A_1338 = arith.remsi %squeeze3A_1320, %jit3A_1321 : i32
      %ne3A_1339 = arith.constant 0 : i32
      %ne3A_1340 = arith.cmpi ne, %rem3A_1338, %ne3A_1339 : i32
      %and3A_1341 = arith.andi %ne3A_1337, %ne3A_1340 : i1
      %sub3A_1342 = arith.constant 1 : i32
      %sub3A_1343 = arith.subi %div3A_1322, %sub3A_1342 : i32
      %select_n3A_1344 = arith.select %and3A_1341, %sub3A_1343, %div3A_1322 : i32
      %mul3A_1345 = arith.constant 128 : i32
      %mul3A_1346 = arith.muli %select_n3A_1344, %mul3A_1345 : i32
      %multiple_of3A_1347 = tpu.assume_multiple %mul3A_1346, 128 : i32
      %slice3A_1348 = vector.extract_strided_slice %get3A_696 {offsets = [11], sizes = [1], strides = [1]} : vector<16xi32> to vector<1xi32>
      %squeeze3A_1349 = vector.extract %slice3A_1348[0] : i32 from vector<1xi32>
      %jit3A_1350 = arith.constant 128 : i32
      %div3A_1351 = arith.divsi %squeeze3A_1349, %jit3A_1350 : i32
      %sign3A_1352 = arith.constant 0 : i32
      %sign3A_1353 = arith.cmpi sgt, %squeeze3A_1349, %sign3A_1352 : i32
      %sign3A_1354 = arith.extui %sign3A_1353 : i1 to i32
      %sign3A_1355 = arith.constant 0 : i32
      %sign3A_1356 = arith.cmpi slt, %squeeze3A_1349, %sign3A_1355 : i32
      %sign3A_1357 = arith.extui %sign3A_1356 : i1 to i32
      %sign3A_1358 = arith.subi %sign3A_1354, %sign3A_1357 : i32
      %sign3A_1359 = arith.constant 0 : i32
      %sign3A_1360 = arith.cmpi sgt, %jit3A_1350, %sign3A_1359 : i32
      %sign3A_1361 = arith.extui %sign3A_1360 : i1 to i32
      %sign3A_1362 = arith.constant 0 : i32
      %sign3A_1363 = arith.cmpi slt, %jit3A_1350, %sign3A_1362 : i32
      %sign3A_1364 = arith.extui %sign3A_1363 : i1 to i32
      %sign3A_1365 = arith.subi %sign3A_1361, %sign3A_1364 : i32
      %ne3A_1366 = arith.cmpi ne, %sign3A_1358, %sign3A_1365 : i32
      %rem3A_1367 = arith.remsi %squeeze3A_1349, %jit3A_1350 : i32
      %ne3A_1368 = arith.constant 0 : i32
      %ne3A_1369 = arith.cmpi ne, %rem3A_1367, %ne3A_1368 : i32
      %and3A_1370 = arith.andi %ne3A_1366, %ne3A_1369 : i1
      %sub3A_1371 = arith.constant 1 : i32
      %sub3A_1372 = arith.subi %div3A_1351, %sub3A_1371 : i32
      %select_n3A_1373 = arith.select %and3A_1370, %sub3A_1372, %div3A_1351 : i32
      %mul3A_1374 = arith.constant 128 : i32
      %mul3A_1375 = arith.muli %select_n3A_1373, %mul3A_1374 : i32
      %multiple_of3A_1376 = tpu.assume_multiple %mul3A_1375, 128 : i32
      %dma_start3A_1377 = arith.constant 3 : i32
      %dma_start3A_1378 = arith.constant 0 : i32
      %dma_start3A_1379 = arith.constant 0 : i32
      %dma_start3A_1380 = arith.constant 0 : i32
      %dma_start3A_1381 = tpu.memref_slice %arg9[%dma_start3A_1377, %dma_start3A_1378, %dma_start3A_1379, %dma_start3A_1380] : memref<8x1x32x128xf32, #tpu.memory_space<vmem>> -> memref<1x1x32x128xf32, #tpu.memory_space<vmem>>
      %dma_start3A_1382 = tpu.memref_squeeze %dma_start3A_1381 : memref<1x1x32x128xf32, #tpu.memory_space<vmem>> -> memref<32x128xf32, #tpu.memory_space<vmem>>
      %dma_start3A_1383 = arith.constant 0 : i32
      %dma_start3A_1384 = tpu.memref_slice %arg4[%dma_start3A_1383, %multiple_of3A_1347] : memref<32x1000001xf32, #tpu.memory_space<hbm>> -> memref<32x128xf32, #tpu.memory_space<hbm>>
      %dma_start3A_1385 = arith.constant 0 : i32
      %dma_start3A_1386 = arith.constant 0 : i32
      %dma_start3A_1387 = tpu.memref_slice %arg9[%dma_start3A_1377, %dma_start3A_1378, %dma_start3A_1385, %dma_start3A_1386] : memref<8x1x32x128xf32, #tpu.memory_space<vmem>> -> memref<1x1x32x128xf32, #tpu.memory_space<vmem>>
      %dma_start3A_1388 = tpu.memref_squeeze %dma_start3A_1387 : memref<1x1x32x128xf32, #tpu.memory_space<vmem>> -> memref<32x128xf32, #tpu.memory_space<vmem>>
      %dma_start3A_1389 = arith.constant 0 : i32
      %dma_start3A_1390 = tpu.memref_slice %arg4[%dma_start3A_1389, %multiple_of3A_1347] : memref<32x1000001xf32, #tpu.memory_space<hbm>> -> memref<32x128xf32, #tpu.memory_space<hbm>>
      tpu.enqueue_dma source(%dma_start3A_1390 : memref<32x128xf32, #tpu.memory_space<hbm>>) target(%dma_start3A_1388 : memref<32x128xf32, #tpu.memory_space<vmem>>) target_semaphore(%arg15 : memref<!tpu.dma_semaphore, #tpu.memory_space<semaphore_mem>>)
      %dma_start3A_1391 = arith.constant 3 : i32
      %dma_start3A_1392 = arith.constant 0 : i32
      %dma_start3A_1393 = arith.constant 0 : i32
      %dma_start3A_1394 = arith.constant 0 : i32
      %dma_start3A_1395 = tpu.memref_slice %arg10[%dma_start3A_1391, %dma_start3A_1392, %dma_start3A_1393, %dma_start3A_1394] : memref<8x1x32x128xf32, #tpu.memory_space<vmem>> -> memref<1x1x32x128xf32, #tpu.memory_space<vmem>>
      %dma_start3A_1396 = tpu.memref_squeeze %dma_start3A_1395 : memref<1x1x32x128xf32, #tpu.memory_space<vmem>> -> memref<32x128xf32, #tpu.memory_space<vmem>>
      %dma_start3A_1397 = arith.constant 0 : i32
      %dma_start3A_1398 = tpu.memref_slice %arg5[%dma_start3A_1397, %multiple_of3A_1376] : memref<32x1000001xf32, #tpu.memory_space<hbm>> -> memref<32x128xf32, #tpu.memory_space<hbm>>
      %dma_start3A_1399 = arith.constant 0 : i32
      %dma_start3A_1400 = arith.constant 0 : i32
      %dma_start3A_1401 = tpu.memref_slice %arg10[%dma_start3A_1391, %dma_start3A_1392, %dma_start3A_1399, %dma_start3A_1400] : memref<8x1x32x128xf32, #tpu.memory_space<vmem>> -> memref<1x1x32x128xf32, #tpu.memory_space<vmem>>
      %dma_start3A_1402 = tpu.memref_squeeze %dma_start3A_1401 : memref<1x1x32x128xf32, #tpu.memory_space<vmem>> -> memref<32x128xf32, #tpu.memory_space<vmem>>
      %dma_start3A_1403 = arith.constant 0 : i32
      %dma_start3A_1404 = tpu.memref_slice %arg5[%dma_start3A_1403, %multiple_of3A_1376] : memref<32x1000001xf32, #tpu.memory_space<hbm>> -> memref<32x128xf32, #tpu.memory_space<hbm>>
      tpu.enqueue_dma source(%dma_start3A_1404 : memref<32x128xf32, #tpu.memory_space<hbm>>) target(%dma_start3A_1402 : memref<32x128xf32, #tpu.memory_space<vmem>>) target_semaphore(%arg15 : memref<!tpu.dma_semaphore, #tpu.memory_space<semaphore_mem>>)
      %dma_wait3A_1405 = arith.constant 4 : i32
      %dma_wait3A_1406 = arith.constant 0 : i32
      %dma_wait3A_1407 = arith.constant 0 : i32
      %dma_wait3A_1408 = arith.constant 0 : i32
      %dma_wait3A_1409 = tpu.memref_slice %arg9[%dma_wait3A_1405, %dma_wait3A_1406, %dma_wait3A_1407, %dma_wait3A_1408] : memref<8x1x32x128xf32, #tpu.memory_space<vmem>> -> memref<1x1x32x128xf32, #tpu.memory_space<vmem>>
      %dma_wait3A_1410 = tpu.memref_squeeze %dma_wait3A_1409 : memref<1x1x32x128xf32, #tpu.memory_space<vmem>> -> memref<32x128xf32, #tpu.memory_space<vmem>>
      %dma_wait3A_1411 = arith.constant 0 : i32
      %dma_wait3A_1412 = arith.constant 0 : i32
      %dma_wait3A_1413 = tpu.memref_slice %arg4[%dma_wait3A_1411, %dma_wait3A_1412] : memref<32x1000001xf32, #tpu.memory_space<hbm>> -> memref<32x128xf32, #tpu.memory_space<hbm>>
      %dma_wait3A_1414 = arith.constant 0 : i32
      %dma_wait3A_1415 = arith.constant 0 : i32
      %dma_wait3A_1416 = tpu.memref_slice %arg9[%dma_wait3A_1405, %dma_wait3A_1406, %dma_wait3A_1414, %dma_wait3A_1415] : memref<8x1x32x128xf32, #tpu.memory_space<vmem>> -> memref<1x1x32x128xf32, #tpu.memory_space<vmem>>
      %dma_wait3A_1417 = tpu.memref_squeeze %dma_wait3A_1416 : memref<1x1x32x128xf32, #tpu.memory_space<vmem>> -> memref<32x128xf32, #tpu.memory_space<vmem>>
      %dma_wait3A_1418 = arith.constant 0 : i32
      %dma_wait3A_1419 = arith.constant 0 : i32
      %dma_wait3A_1420 = tpu.memref_slice %arg4[%dma_wait3A_1418, %dma_wait3A_1419] : memref<32x1000001xf32, #tpu.memory_space<hbm>> -> memref<32x128xf32, #tpu.memory_space<hbm>>
      tpu.wait_dma2 semaphore(%arg16 : memref<!tpu.dma_semaphore, #tpu.memory_space<semaphore_mem>>) src(%dma_wait3A_1420 : memref<32x128xf32, #tpu.memory_space<hbm>>) dst(%dma_wait3A_1417 : memref<32x128xf32, #tpu.memory_space<vmem>>)
      %dma_wait3A_1421 = arith.constant 4 : i32
      %dma_wait3A_1422 = arith.constant 0 : i32
      %dma_wait3A_1423 = arith.constant 0 : i32
      %dma_wait3A_1424 = arith.constant 0 : i32
      %dma_wait3A_1425 = tpu.memref_slice %arg10[%dma_wait3A_1421, %dma_wait3A_1422, %dma_wait3A_1423, %dma_wait3A_1424] : memref<8x1x32x128xf32, #tpu.memory_space<vmem>> -> memref<1x1x32x128xf32, #tpu.memory_space<vmem>>
      %dma_wait3A_1426 = tpu.memref_squeeze %dma_wait3A_1425 : memref<1x1x32x128xf32, #tpu.memory_space<vmem>> -> memref<32x128xf32, #tpu.memory_space<vmem>>
      %dma_wait3A_1427 = arith.constant 0 : i32
      %dma_wait3A_1428 = arith.constant 0 : i32
      %dma_wait3A_1429 = tpu.memref_slice %arg4[%dma_wait3A_1427, %dma_wait3A_1428] : memref<32x1000001xf32, #tpu.memory_space<hbm>> -> memref<32x128xf32, #tpu.memory_space<hbm>>
      %dma_wait3A_1430 = arith.constant 0 : i32
      %dma_wait3A_1431 = arith.constant 0 : i32
      %dma_wait3A_1432 = tpu.memref_slice %arg10[%dma_wait3A_1421, %dma_wait3A_1422, %dma_wait3A_1430, %dma_wait3A_1431] : memref<8x1x32x128xf32, #tpu.memory_space<vmem>> -> memref<1x1x32x128xf32, #tpu.memory_space<vmem>>
      %dma_wait3A_1433 = tpu.memref_squeeze %dma_wait3A_1432 : memref<1x1x32x128xf32, #tpu.memory_space<vmem>> -> memref<32x128xf32, #tpu.memory_space<vmem>>
      %dma_wait3A_1434 = arith.constant 0 : i32
      %dma_wait3A_1435 = arith.constant 0 : i32
      %dma_wait3A_1436 = tpu.memref_slice %arg4[%dma_wait3A_1434, %dma_wait3A_1435] : memref<32x1000001xf32, #tpu.memory_space<hbm>> -> memref<32x128xf32, #tpu.memory_space<hbm>>
      tpu.wait_dma2 semaphore(%arg16 : memref<!tpu.dma_semaphore, #tpu.memory_space<semaphore_mem>>) src(%dma_wait3A_1436 : memref<32x128xf32, #tpu.memory_space<hbm>>) dst(%dma_wait3A_1433 : memref<32x128xf32, #tpu.memory_space<vmem>>)
      %slice3A_1437 = vector.extract_strided_slice %get3A_694 {offsets = [4], sizes = [1], strides = [1]} : vector<16xi32> to vector<1xi32>
      %squeeze3A_1438 = vector.extract %slice3A_1437[0] : i32 from vector<1xi32>
      %jit3A_1439 = arith.constant 128 : i32
      %eq3A_1440 = arith.constant 0 : i32
      %eq3A_1441 = arith.cmpi eq, %jit3A_1439, %eq3A_1440 : i32
      %jit3A_1442 = arith.constant 1 : i32
      %select_n3A_1443 = arith.select %eq3A_1441, %jit3A_1442, %jit3A_1439 : i32
      %rem3A_1444 = arith.remsi %squeeze3A_1438, %select_n3A_1443 : i32
      %ne3A_1445 = arith.constant 0 : i32
      %ne3A_1446 = arith.cmpi ne, %rem3A_1444, %ne3A_1445 : i32
      %lt3A_1447 = arith.constant 0 : i32
      %lt3A_1448 = arith.cmpi slt, %rem3A_1444, %lt3A_1447 : i32
      %lt3A_1449 = arith.constant 0 : i32
      %lt3A_1450 = arith.cmpi slt, %select_n3A_1443, %lt3A_1449 : i32
      %ne3A_1451 = arith.xori %lt3A_1448, %lt3A_1450 : i1
      %and3A_1452 = arith.andi %ne3A_1451, %ne3A_1446 : i1
      %add3A_1453 = arith.addi %rem3A_1444, %select_n3A_1443 : i32
      %select_n3A_1454 = arith.select %and3A_1452, %add3A_1453, %rem3A_1444 : i32
      %broadcast_in_dim3A_1455 = vector.broadcast %select_n3A_1454 : i32 to vector<16xi32>
      %slice3A_1456 = vector.extract_strided_slice %get3A_696 {offsets = [4], sizes = [1], strides = [1]} : vector<16xi32> to vector<1xi32>
      %squeeze3A_1457 = vector.extract %slice3A_1456[0] : i32 from vector<1xi32>
      %jit3A_1458 = arith.constant 128 : i32
      %eq3A_1459 = arith.constant 0 : i32
      %eq3A_1460 = arith.cmpi eq, %jit3A_1458, %eq3A_1459 : i32
      %jit3A_1461 = arith.constant 1 : i32
      %select_n3A_1462 = arith.select %eq3A_1460, %jit3A_1461, %jit3A_1458 : i32
      %rem3A_1463 = arith.remsi %squeeze3A_1457, %select_n3A_1462 : i32
      %ne3A_1464 = arith.constant 0 : i32
      %ne3A_1465 = arith.cmpi ne, %rem3A_1463, %ne3A_1464 : i32
      %lt3A_1466 = arith.constant 0 : i32
      %lt3A_1467 = arith.cmpi slt, %rem3A_1463, %lt3A_1466 : i32
      %lt3A_1468 = arith.constant 0 : i32
      %lt3A_1469 = arith.cmpi slt, %select_n3A_1462, %lt3A_1468 : i32
      %ne3A_1470 = arith.xori %lt3A_1467, %lt3A_1469 : i1
      %and3A_1471 = arith.andi %ne3A_1470, %ne3A_1465 : i1
      %add3A_1472 = arith.addi %rem3A_1463, %select_n3A_1462 : i32
      %select_n3A_1473 = arith.select %and3A_1471, %add3A_1472, %rem3A_1463 : i32
      %broadcast_in_dim3A_1474 = vector.broadcast %select_n3A_1473 : i32 to vector<16xi32>
      %broadcast_in_dim3A_1475 = arith.constant 4 : i32
      %broadcast_in_dim3A_1476 = vector.broadcast %broadcast_in_dim3A_1475 : i32 to vector<16xi32>
      %broadcast_in_dim3A_1477 = arith.constant 0 : i32
      %broadcast_in_dim3A_1478 = vector.broadcast %broadcast_in_dim3A_1477 : i32 to vector<16xi32>
      %gather3A_1479 = tpu.vector_load_idx %arg9[%broadcast_in_dim3A_1476, %broadcast_in_dim3A_1478, %iota3A, %broadcast_in_dim3A_1455] : memref<8x1x32x128xf32, #tpu.memory_space<vmem>>[vector<16xi32>, vector<16xi32>, vector<16xi32>, vector<16xi32>], vector<16xf32>,
      %gather3A_1480 = tpu.vector_load_idx %arg9[%broadcast_in_dim3A_1476, %broadcast_in_dim3A_1478, %add3A_5, %broadcast_in_dim3A_1455] : memref<8x1x32x128xf32, #tpu.memory_space<vmem>>[vector<16xi32>, vector<16xi32>, vector<16xi32>, vector<16xi32>], vector<16xf32>,
      %gather3A_1481 = tpu.vector_load_idx %arg10[%broadcast_in_dim3A_1476, %broadcast_in_dim3A_1478, %iota3A, %broadcast_in_dim3A_1474] : memref<8x1x32x128xf32, #tpu.memory_space<vmem>>[vector<16xi32>, vector<16xi32>, vector<16xi32>, vector<16xi32>], vector<16xf32>,
      %gather3A_1482 = tpu.vector_load_idx %arg10[%broadcast_in_dim3A_1476, %broadcast_in_dim3A_1478, %add3A_5, %broadcast_in_dim3A_1474] : memref<8x1x32x128xf32, #tpu.memory_space<vmem>>[vector<16xi32>, vector<16xi32>, vector<16xi32>, vector<16xi32>], vector<16xf32>,
      %mul3A_1483 = arith.mulf %gather3A_1479, %gather3A_1481 : vector<16xf32>
      %mul3A_1484 = arith.mulf %gather3A_1480, %gather3A_1482 : vector<16xf32>
      %add3A_1485 = arith.addf %mul3A_1483, %mul3A_1484 : vector<16xf32>
      %reduce_sum3A_1486 = arith.constant true
      %reduce_sum3A_1487 = vector.broadcast %reduce_sum3A_1486 : i1 to vector<16xi1>
      %reduce_sum3A_1488 = tpu.scan <sum>, %add3A_1485 masked %reduce_sum3A_1487 : vector<16xf32>, vector<16xi1> -> vector<16xf32>
      %reduce_sum3A_1489 = vector.extract %reduce_sum3A_1488[15] : f32 from vector<16xf32>
      %eq3A_1490 = arith.constant 4 : i32
      %eq3A_1491 = vector.broadcast %eq3A_1490 : i32 to vector<16xi32>
      %eq3A_1492 = arith.cmpi eq, %iota3A, %eq3A_1491 : vector<16xi32>
      %broadcast_in_dim3A_1493 = vector.broadcast %reduce_sum3A_1489 : f32 to vector<16xf32>
      %select_n3A_1494 = arith.select %eq3A_1492, %broadcast_in_dim3A_1493, %select_n3A_1318 : vector<16xi1>, vector<16xf32>
      %slice3A_1495 = vector.extract_strided_slice %get3A_694 {offsets = [12], sizes = [1], strides = [1]} : vector<16xi32> to vector<1xi32>
      %squeeze3A_1496 = vector.extract %slice3A_1495[0] : i32 from vector<1xi32>
      %jit3A_1497 = arith.constant 128 : i32
      %div3A_1498 = arith.divsi %squeeze3A_1496, %jit3A_1497 : i32
      %sign3A_1499 = arith.constant 0 : i32
      %sign3A_1500 = arith.cmpi sgt, %squeeze3A_1496, %sign3A_1499 : i32
      %sign3A_1501 = arith.extui %sign3A_1500 : i1 to i32
      %sign3A_1502 = arith.constant 0 : i32
      %sign3A_1503 = arith.cmpi slt, %squeeze3A_1496, %sign3A_1502 : i32
      %sign3A_1504 = arith.extui %sign3A_1503 : i1 to i32
      %sign3A_1505 = arith.subi %sign3A_1501, %sign3A_1504 : i32
      %sign3A_1506 = arith.constant 0 : i32
      %sign3A_1507 = arith.cmpi sgt, %jit3A_1497, %sign3A_1506 : i32
      %sign3A_1508 = arith.extui %sign3A_1507 : i1 to i32
      %sign3A_1509 = arith.constant 0 : i32
      %sign3A_1510 = arith.cmpi slt, %jit3A_1497, %sign3A_1509 : i32
      %sign3A_1511 = arith.extui %sign3A_1510 : i1 to i32
      %sign3A_1512 = arith.subi %sign3A_1508, %sign3A_1511 : i32
      %ne3A_1513 = arith.cmpi ne, %sign3A_1505, %sign3A_1512 : i32
      %rem3A_1514 = arith.remsi %squeeze3A_1496, %jit3A_1497 : i32
      %ne3A_1515 = arith.constant 0 : i32
      %ne3A_1516 = arith.cmpi ne, %rem3A_1514, %ne3A_1515 : i32
      %and3A_1517 = arith.andi %ne3A_1513, %ne3A_1516 : i1
      %sub3A_1518 = arith.constant 1 : i32
      %sub3A_1519 = arith.subi %div3A_1498, %sub3A_1518 : i32
      %select_n3A_1520 = arith.select %and3A_1517, %sub3A_1519, %div3A_1498 : i32
      %mul3A_1521 = arith.constant 128 : i32
      %mul3A_1522 = arith.muli %select_n3A_1520, %mul3A_1521 : i32
      %multiple_of3A_1523 = tpu.assume_multiple %mul3A_1522, 128 : i32
      %slice3A_1524 = vector.extract_strided_slice %get3A_696 {offsets = [12], sizes = [1], strides = [1]} : vector<16xi32> to vector<1xi32>
      %squeeze3A_1525 = vector.extract %slice3A_1524[0] : i32 from vector<1xi32>
      %jit3A_1526 = arith.constant 128 : i32
      %div3A_1527 = arith.divsi %squeeze3A_1525, %jit3A_1526 : i32
      %sign3A_1528 = arith.constant 0 : i32
      %sign3A_1529 = arith.cmpi sgt, %squeeze3A_1525, %sign3A_1528 : i32
      %sign3A_1530 = arith.extui %sign3A_1529 : i1 to i32
      %sign3A_1531 = arith.constant 0 : i32
      %sign3A_1532 = arith.cmpi slt, %squeeze3A_1525, %sign3A_1531 : i32
      %sign3A_1533 = arith.extui %sign3A_1532 : i1 to i32
      %sign3A_1534 = arith.subi %sign3A_1530, %sign3A_1533 : i32
      %sign3A_1535 = arith.constant 0 : i32
      %sign3A_1536 = arith.cmpi sgt, %jit3A_1526, %sign3A_1535 : i32
      %sign3A_1537 = arith.extui %sign3A_1536 : i1 to i32
      %sign3A_1538 = arith.constant 0 : i32
      %sign3A_1539 = arith.cmpi slt, %jit3A_1526, %sign3A_1538 : i32
      %sign3A_1540 = arith.extui %sign3A_1539 : i1 to i32
      %sign3A_1541 = arith.subi %sign3A_1537, %sign3A_1540 : i32
      %ne3A_1542 = arith.cmpi ne, %sign3A_1534, %sign3A_1541 : i32
      %rem3A_1543 = arith.remsi %squeeze3A_1525, %jit3A_1526 : i32
      %ne3A_1544 = arith.constant 0 : i32
      %ne3A_1545 = arith.cmpi ne, %rem3A_1543, %ne3A_1544 : i32
      %and3A_1546 = arith.andi %ne3A_1542, %ne3A_1545 : i1
      %sub3A_1547 = arith.constant 1 : i32
      %sub3A_1548 = arith.subi %div3A_1527, %sub3A_1547 : i32
      %select_n3A_1549 = arith.select %and3A_1546, %sub3A_1548, %div3A_1527 : i32
      %mul3A_1550 = arith.constant 128 : i32
      %mul3A_1551 = arith.muli %select_n3A_1549, %mul3A_1550 : i32
      %multiple_of3A_1552 = tpu.assume_multiple %mul3A_1551, 128 : i32
      %dma_start3A_1553 = arith.constant 4 : i32
      %dma_start3A_1554 = arith.constant 0 : i32
      %dma_start3A_1555 = arith.constant 0 : i32
      %dma_start3A_1556 = arith.constant 0 : i32
      %dma_start3A_1557 = tpu.memref_slice %arg9[%dma_start3A_1553, %dma_start3A_1554, %dma_start3A_1555, %dma_start3A_1556] : memref<8x1x32x128xf32, #tpu.memory_space<vmem>> -> memref<1x1x32x128xf32, #tpu.memory_space<vmem>>
      %dma_start3A_1558 = tpu.memref_squeeze %dma_start3A_1557 : memref<1x1x32x128xf32, #tpu.memory_space<vmem>> -> memref<32x128xf32, #tpu.memory_space<vmem>>
      %dma_start3A_1559 = arith.constant 0 : i32
      %dma_start3A_1560 = tpu.memref_slice %arg4[%dma_start3A_1559, %multiple_of3A_1523] : memref<32x1000001xf32, #tpu.memory_space<hbm>> -> memref<32x128xf32, #tpu.memory_space<hbm>>
      %dma_start3A_1561 = arith.constant 0 : i32
      %dma_start3A_1562 = arith.constant 0 : i32
      %dma_start3A_1563 = tpu.memref_slice %arg9[%dma_start3A_1553, %dma_start3A_1554, %dma_start3A_1561, %dma_start3A_1562] : memref<8x1x32x128xf32, #tpu.memory_space<vmem>> -> memref<1x1x32x128xf32, #tpu.memory_space<vmem>>
      %dma_start3A_1564 = tpu.memref_squeeze %dma_start3A_1563 : memref<1x1x32x128xf32, #tpu.memory_space<vmem>> -> memref<32x128xf32, #tpu.memory_space<vmem>>
      %dma_start3A_1565 = arith.constant 0 : i32
      %dma_start3A_1566 = tpu.memref_slice %arg4[%dma_start3A_1565, %multiple_of3A_1523] : memref<32x1000001xf32, #tpu.memory_space<hbm>> -> memref<32x128xf32, #tpu.memory_space<hbm>>
      tpu.enqueue_dma source(%dma_start3A_1566 : memref<32x128xf32, #tpu.memory_space<hbm>>) target(%dma_start3A_1564 : memref<32x128xf32, #tpu.memory_space<vmem>>) target_semaphore(%arg16 : memref<!tpu.dma_semaphore, #tpu.memory_space<semaphore_mem>>)
      %dma_start3A_1567 = arith.constant 4 : i32
      %dma_start3A_1568 = arith.constant 0 : i32
      %dma_start3A_1569 = arith.constant 0 : i32
      %dma_start3A_1570 = arith.constant 0 : i32
      %dma_start3A_1571 = tpu.memref_slice %arg10[%dma_start3A_1567, %dma_start3A_1568, %dma_start3A_1569, %dma_start3A_1570] : memref<8x1x32x128xf32, #tpu.memory_space<vmem>> -> memref<1x1x32x128xf32, #tpu.memory_space<vmem>>
      %dma_start3A_1572 = tpu.memref_squeeze %dma_start3A_1571 : memref<1x1x32x128xf32, #tpu.memory_space<vmem>> -> memref<32x128xf32, #tpu.memory_space<vmem>>
      %dma_start3A_1573 = arith.constant 0 : i32
      %dma_start3A_1574 = tpu.memref_slice %arg5[%dma_start3A_1573, %multiple_of3A_1552] : memref<32x1000001xf32, #tpu.memory_space<hbm>> -> memref<32x128xf32, #tpu.memory_space<hbm>>
      %dma_start3A_1575 = arith.constant 0 : i32
      %dma_start3A_1576 = arith.constant 0 : i32
      %dma_start3A_1577 = tpu.memref_slice %arg10[%dma_start3A_1567, %dma_start3A_1568, %dma_start3A_1575, %dma_start3A_1576] : memref<8x1x32x128xf32, #tpu.memory_space<vmem>> -> memref<1x1x32x128xf32, #tpu.memory_space<vmem>>
      %dma_start3A_1578 = tpu.memref_squeeze %dma_start3A_1577 : memref<1x1x32x128xf32, #tpu.memory_space<vmem>> -> memref<32x128xf32, #tpu.memory_space<vmem>>
      %dma_start3A_1579 = arith.constant 0 : i32
      %dma_start3A_1580 = tpu.memref_slice %arg5[%dma_start3A_1579, %multiple_of3A_1552] : memref<32x1000001xf32, #tpu.memory_space<hbm>> -> memref<32x128xf32, #tpu.memory_space<hbm>>
      tpu.enqueue_dma source(%dma_start3A_1580 : memref<32x128xf32, #tpu.memory_space<hbm>>) target(%dma_start3A_1578 : memref<32x128xf32, #tpu.memory_space<vmem>>) target_semaphore(%arg16 : memref<!tpu.dma_semaphore, #tpu.memory_space<semaphore_mem>>)
      %dma_wait3A_1581 = arith.constant 5 : i32
      %dma_wait3A_1582 = arith.constant 0 : i32
      %dma_wait3A_1583 = arith.constant 0 : i32
      %dma_wait3A_1584 = arith.constant 0 : i32
      %dma_wait3A_1585 = tpu.memref_slice %arg9[%dma_wait3A_1581, %dma_wait3A_1582, %dma_wait3A_1583, %dma_wait3A_1584] : memref<8x1x32x128xf32, #tpu.memory_space<vmem>> -> memref<1x1x32x128xf32, #tpu.memory_space<vmem>>
      %dma_wait3A_1586 = tpu.memref_squeeze %dma_wait3A_1585 : memref<1x1x32x128xf32, #tpu.memory_space<vmem>> -> memref<32x128xf32, #tpu.memory_space<vmem>>
      %dma_wait3A_1587 = arith.constant 0 : i32
      %dma_wait3A_1588 = arith.constant 0 : i32
      %dma_wait3A_1589 = tpu.memref_slice %arg4[%dma_wait3A_1587, %dma_wait3A_1588] : memref<32x1000001xf32, #tpu.memory_space<hbm>> -> memref<32x128xf32, #tpu.memory_space<hbm>>
      %dma_wait3A_1590 = arith.constant 0 : i32
      %dma_wait3A_1591 = arith.constant 0 : i32
      %dma_wait3A_1592 = tpu.memref_slice %arg9[%dma_wait3A_1581, %dma_wait3A_1582, %dma_wait3A_1590, %dma_wait3A_1591] : memref<8x1x32x128xf32, #tpu.memory_space<vmem>> -> memref<1x1x32x128xf32, #tpu.memory_space<vmem>>
      %dma_wait3A_1593 = tpu.memref_squeeze %dma_wait3A_1592 : memref<1x1x32x128xf32, #tpu.memory_space<vmem>> -> memref<32x128xf32, #tpu.memory_space<vmem>>
      %dma_wait3A_1594 = arith.constant 0 : i32
      %dma_wait3A_1595 = arith.constant 0 : i32
      %dma_wait3A_1596 = tpu.memref_slice %arg4[%dma_wait3A_1594, %dma_wait3A_1595] : memref<32x1000001xf32, #tpu.memory_space<hbm>> -> memref<32x128xf32, #tpu.memory_space<hbm>>
      tpu.wait_dma2 semaphore(%arg17 : memref<!tpu.dma_semaphore, #tpu.memory_space<semaphore_mem>>) src(%dma_wait3A_1596 : memref<32x128xf32, #tpu.memory_space<hbm>>) dst(%dma_wait3A_1593 : memref<32x128xf32, #tpu.memory_space<vmem>>)
      %dma_wait3A_1597 = arith.constant 5 : i32
      %dma_wait3A_1598 = arith.constant 0 : i32
      %dma_wait3A_1599 = arith.constant 0 : i32
      %dma_wait3A_1600 = arith.constant 0 : i32
      %dma_wait3A_1601 = tpu.memref_slice %arg10[%dma_wait3A_1597, %dma_wait3A_1598, %dma_wait3A_1599, %dma_wait3A_1600] : memref<8x1x32x128xf32, #tpu.memory_space<vmem>> -> memref<1x1x32x128xf32, #tpu.memory_space<vmem>>
      %dma_wait3A_1602 = tpu.memref_squeeze %dma_wait3A_1601 : memref<1x1x32x128xf32, #tpu.memory_space<vmem>> -> memref<32x128xf32, #tpu.memory_space<vmem>>
      %dma_wait3A_1603 = arith.constant 0 : i32
      %dma_wait3A_1604 = arith.constant 0 : i32
      %dma_wait3A_1605 = tpu.memref_slice %arg4[%dma_wait3A_1603, %dma_wait3A_1604] : memref<32x1000001xf32, #tpu.memory_space<hbm>> -> memref<32x128xf32, #tpu.memory_space<hbm>>
      %dma_wait3A_1606 = arith.constant 0 : i32
      %dma_wait3A_1607 = arith.constant 0 : i32
      %dma_wait3A_1608 = tpu.memref_slice %arg10[%dma_wait3A_1597, %dma_wait3A_1598, %dma_wait3A_1606, %dma_wait3A_1607] : memref<8x1x32x128xf32, #tpu.memory_space<vmem>> -> memref<1x1x32x128xf32, #tpu.memory_space<vmem>>
      %dma_wait3A_1609 = tpu.memref_squeeze %dma_wait3A_1608 : memref<1x1x32x128xf32, #tpu.memory_space<vmem>> -> memref<32x128xf32, #tpu.memory_space<vmem>>
      %dma_wait3A_1610 = arith.constant 0 : i32
      %dma_wait3A_1611 = arith.constant 0 : i32
      %dma_wait3A_1612 = tpu.memref_slice %arg4[%dma_wait3A_1610, %dma_wait3A_1611] : memref<32x1000001xf32, #tpu.memory_space<hbm>> -> memref<32x128xf32, #tpu.memory_space<hbm>>
      tpu.wait_dma2 semaphore(%arg17 : memref<!tpu.dma_semaphore, #tpu.memory_space<semaphore_mem>>) src(%dma_wait3A_1612 : memref<32x128xf32, #tpu.memory_space<hbm>>) dst(%dma_wait3A_1609 : memref<32x128xf32, #tpu.memory_space<vmem>>)
      %slice3A_1613 = vector.extract_strided_slice %get3A_694 {offsets = [5], sizes = [1], strides = [1]} : vector<16xi32> to vector<1xi32>
      %squeeze3A_1614 = vector.extract %slice3A_1613[0] : i32 from vector<1xi32>
      %jit3A_1615 = arith.constant 128 : i32
      %eq3A_1616 = arith.constant 0 : i32
      %eq3A_1617 = arith.cmpi eq, %jit3A_1615, %eq3A_1616 : i32
      %jit3A_1618 = arith.constant 1 : i32
      %select_n3A_1619 = arith.select %eq3A_1617, %jit3A_1618, %jit3A_1615 : i32
      %rem3A_1620 = arith.remsi %squeeze3A_1614, %select_n3A_1619 : i32
      %ne3A_1621 = arith.constant 0 : i32
      %ne3A_1622 = arith.cmpi ne, %rem3A_1620, %ne3A_1621 : i32
      %lt3A_1623 = arith.constant 0 : i32
      %lt3A_1624 = arith.cmpi slt, %rem3A_1620, %lt3A_1623 : i32
      %lt3A_1625 = arith.constant 0 : i32
      %lt3A_1626 = arith.cmpi slt, %select_n3A_1619, %lt3A_1625 : i32
      %ne3A_1627 = arith.xori %lt3A_1624, %lt3A_1626 : i1
      %and3A_1628 = arith.andi %ne3A_1627, %ne3A_1622 : i1
      %add3A_1629 = arith.addi %rem3A_1620, %select_n3A_1619 : i32
      %select_n3A_1630 = arith.select %and3A_1628, %add3A_1629, %rem3A_1620 : i32
      %broadcast_in_dim3A_1631 = vector.broadcast %select_n3A_1630 : i32 to vector<16xi32>
      %slice3A_1632 = vector.extract_strided_slice %get3A_696 {offsets = [5], sizes = [1], strides = [1]} : vector<16xi32> to vector<1xi32>
      %squeeze3A_1633 = vector.extract %slice3A_1632[0] : i32 from vector<1xi32>
      %jit3A_1634 = arith.constant 128 : i32
      %eq3A_1635 = arith.constant 0 : i32
      %eq3A_1636 = arith.cmpi eq, %jit3A_1634, %eq3A_1635 : i32
      %jit3A_1637 = arith.constant 1 : i32
      %select_n3A_1638 = arith.select %eq3A_1636, %jit3A_1637, %jit3A_1634 : i32
      %rem3A_1639 = arith.remsi %squeeze3A_1633, %select_n3A_1638 : i32
      %ne3A_1640 = arith.constant 0 : i32
      %ne3A_1641 = arith.cmpi ne, %rem3A_1639, %ne3A_1640 : i32
      %lt3A_1642 = arith.constant 0 : i32
      %lt3A_1643 = arith.cmpi slt, %rem3A_1639, %lt3A_1642 : i32
      %lt3A_1644 = arith.constant 0 : i32
      %lt3A_1645 = arith.cmpi slt, %select_n3A_1638, %lt3A_1644 : i32
      %ne3A_1646 = arith.xori %lt3A_1643, %lt3A_1645 : i1
      %and3A_1647 = arith.andi %ne3A_1646, %ne3A_1641 : i1
      %add3A_1648 = arith.addi %rem3A_1639, %select_n3A_1638 : i32
      %select_n3A_1649 = arith.select %and3A_1647, %add3A_1648, %rem3A_1639 : i32
      %broadcast_in_dim3A_1650 = vector.broadcast %select_n3A_1649 : i32 to vector<16xi32>
      %broadcast_in_dim3A_1651 = arith.constant 5 : i32
      %broadcast_in_dim3A_1652 = vector.broadcast %broadcast_in_dim3A_1651 : i32 to vector<16xi32>
      %broadcast_in_dim3A_1653 = arith.constant 0 : i32
      %broadcast_in_dim3A_1654 = vector.broadcast %broadcast_in_dim3A_1653 : i32 to vector<16xi32>
      %gather3A_1655 = tpu.vector_load_idx %arg9[%broadcast_in_dim3A_1652, %broadcast_in_dim3A_1654, %iota3A, %broadcast_in_dim3A_1631] : memref<8x1x32x128xf32, #tpu.memory_space<vmem>>[vector<16xi32>, vector<16xi32>, vector<16xi32>, vector<16xi32>], vector<16xf32>,
      %gather3A_1656 = tpu.vector_load_idx %arg9[%broadcast_in_dim3A_1652, %broadcast_in_dim3A_1654, %add3A_5, %broadcast_in_dim3A_1631] : memref<8x1x32x128xf32, #tpu.memory_space<vmem>>[vector<16xi32>, vector<16xi32>, vector<16xi32>, vector<16xi32>], vector<16xf32>,
      %gather3A_1657 = tpu.vector_load_idx %arg10[%broadcast_in_dim3A_1652, %broadcast_in_dim3A_1654, %iota3A, %broadcast_in_dim3A_1650] : memref<8x1x32x128xf32, #tpu.memory_space<vmem>>[vector<16xi32>, vector<16xi32>, vector<16xi32>, vector<16xi32>], vector<16xf32>,
      %gather3A_1658 = tpu.vector_load_idx %arg10[%broadcast_in_dim3A_1652, %broadcast_in_dim3A_1654, %add3A_5, %broadcast_in_dim3A_1650] : memref<8x1x32x128xf32, #tpu.memory_space<vmem>>[vector<16xi32>, vector<16xi32>, vector<16xi32>, vector<16xi32>], vector<16xf32>,
      %mul3A_1659 = arith.mulf %gather3A_1655, %gather3A_1657 : vector<16xf32>
      %mul3A_1660 = arith.mulf %gather3A_1656, %gather3A_1658 : vector<16xf32>
      %add3A_1661 = arith.addf %mul3A_1659, %mul3A_1660 : vector<16xf32>
      %reduce_sum3A_1662 = arith.constant true
      %reduce_sum3A_1663 = vector.broadcast %reduce_sum3A_1662 : i1 to vector<16xi1>
      %reduce_sum3A_1664 = tpu.scan <sum>, %add3A_1661 masked %reduce_sum3A_1663 : vector<16xf32>, vector<16xi1> -> vector<16xf32>
      %reduce_sum3A_1665 = vector.extract %reduce_sum3A_1664[15] : f32 from vector<16xf32>
      %eq3A_1666 = arith.constant 5 : i32
      %eq3A_1667 = vector.broadcast %eq3A_1666 : i32 to vector<16xi32>
      %eq3A_1668 = arith.cmpi eq, %iota3A, %eq3A_1667 : vector<16xi32>
      %broadcast_in_dim3A_1669 = vector.broadcast %reduce_sum3A_1665 : f32 to vector<16xf32>
      %select_n3A_1670 = arith.select %eq3A_1668, %broadcast_in_dim3A_1669, %select_n3A_1494 : vector<16xi1>, vector<16xf32>
      %slice3A_1671 = vector.extract_strided_slice %get3A_694 {offsets = [13], sizes = [1], strides = [1]} : vector<16xi32> to vector<1xi32>
      %squeeze3A_1672 = vector.extract %slice3A_1671[0] : i32 from vector<1xi32>
      %jit3A_1673 = arith.constant 128 : i32
      %div3A_1674 = arith.divsi %squeeze3A_1672, %jit3A_1673 : i32
      %sign3A_1675 = arith.constant 0 : i32
      %sign3A_1676 = arith.cmpi sgt, %squeeze3A_1672, %sign3A_1675 : i32
      %sign3A_1677 = arith.extui %sign3A_1676 : i1 to i32
      %sign3A_1678 = arith.constant 0 : i32
      %sign3A_1679 = arith.cmpi slt, %squeeze3A_1672, %sign3A_1678 : i32
      %sign3A_1680 = arith.extui %sign3A_1679 : i1 to i32
      %sign3A_1681 = arith.subi %sign3A_1677, %sign3A_1680 : i32
      %sign3A_1682 = arith.constant 0 : i32
      %sign3A_1683 = arith.cmpi sgt, %jit3A_1673, %sign3A_1682 : i32
      %sign3A_1684 = arith.extui %sign3A_1683 : i1 to i32
      %sign3A_1685 = arith.constant 0 : i32
      %sign3A_1686 = arith.cmpi slt, %jit3A_1673, %sign3A_1685 : i32
      %sign3A_1687 = arith.extui %sign3A_1686 : i1 to i32
      %sign3A_1688 = arith.subi %sign3A_1684, %sign3A_1687 : i32
      %ne3A_1689 = arith.cmpi ne, %sign3A_1681, %sign3A_1688 : i32
      %rem3A_1690 = arith.remsi %squeeze3A_1672, %jit3A_1673 : i32
      %ne3A_1691 = arith.constant 0 : i32
      %ne3A_1692 = arith.cmpi ne, %rem3A_1690, %ne3A_1691 : i32
      %and3A_1693 = arith.andi %ne3A_1689, %ne3A_1692 : i1
      %sub3A_1694 = arith.constant 1 : i32
      %sub3A_1695 = arith.subi %div3A_1674, %sub3A_1694 : i32
      %select_n3A_1696 = arith.select %and3A_1693, %sub3A_1695, %div3A_1674 : i32
      %mul3A_1697 = arith.constant 128 : i32
      %mul3A_1698 = arith.muli %select_n3A_1696, %mul3A_1697 : i32
      %multiple_of3A_1699 = tpu.assume_multiple %mul3A_1698, 128 : i32
      %slice3A_1700 = vector.extract_strided_slice %get3A_696 {offsets = [13], sizes = [1], strides = [1]} : vector<16xi32> to vector<1xi32>
      %squeeze3A_1701 = vector.extract %slice3A_1700[0] : i32 from vector<1xi32>
      %jit3A_1702 = arith.constant 128 : i32
      %div3A_1703 = arith.divsi %squeeze3A_1701, %jit3A_1702 : i32
      %sign3A_1704 = arith.constant 0 : i32
      %sign3A_1705 = arith.cmpi sgt, %squeeze3A_1701, %sign3A_1704 : i32
      %sign3A_1706 = arith.extui %sign3A_1705 : i1 to i32
      %sign3A_1707 = arith.constant 0 : i32
      %sign3A_1708 = arith.cmpi slt, %squeeze3A_1701, %sign3A_1707 : i32
      %sign3A_1709 = arith.extui %sign3A_1708 : i1 to i32
      %sign3A_1710 = arith.subi %sign3A_1706, %sign3A_1709 : i32
      %sign3A_1711 = arith.constant 0 : i32
      %sign3A_1712 = arith.cmpi sgt, %jit3A_1702, %sign3A_1711 : i32
      %sign3A_1713 = arith.extui %sign3A_1712 : i1 to i32
      %sign3A_1714 = arith.constant 0 : i32
      %sign3A_1715 = arith.cmpi slt, %jit3A_1702, %sign3A_1714 : i32
      %sign3A_1716 = arith.extui %sign3A_1715 : i1 to i32
      %sign3A_1717 = arith.subi %sign3A_1713, %sign3A_1716 : i32
      %ne3A_1718 = arith.cmpi ne, %sign3A_1710, %sign3A_1717 : i32
      %rem3A_1719 = arith.remsi %squeeze3A_1701, %jit3A_1702 : i32
      %ne3A_1720 = arith.constant 0 : i32
      %ne3A_1721 = arith.cmpi ne, %rem3A_1719, %ne3A_1720 : i32
      %and3A_1722 = arith.andi %ne3A_1718, %ne3A_1721 : i1
      %sub3A_1723 = arith.constant 1 : i32
      %sub3A_1724 = arith.subi %div3A_1703, %sub3A_1723 : i32
      %select_n3A_1725 = arith.select %and3A_1722, %sub3A_1724, %div3A_1703 : i32
      %mul3A_1726 = arith.constant 128 : i32
      %mul3A_1727 = arith.muli %select_n3A_1725, %mul3A_1726 : i32
      %multiple_of3A_1728 = tpu.assume_multiple %mul3A_1727, 128 : i32
      %dma_start3A_1729 = arith.constant 5 : i32
      %dma_start3A_1730 = arith.constant 0 : i32
      %dma_start3A_1731 = arith.constant 0 : i32
      %dma_start3A_1732 = arith.constant 0 : i32
      %dma_start3A_1733 = tpu.memref_slice %arg9[%dma_start3A_1729, %dma_start3A_1730, %dma_start3A_1731, %dma_start3A_1732] : memref<8x1x32x128xf32, #tpu.memory_space<vmem>> -> memref<1x1x32x128xf32, #tpu.memory_space<vmem>>
      %dma_start3A_1734 = tpu.memref_squeeze %dma_start3A_1733 : memref<1x1x32x128xf32, #tpu.memory_space<vmem>> -> memref<32x128xf32, #tpu.memory_space<vmem>>
      %dma_start3A_1735 = arith.constant 0 : i32
      %dma_start3A_1736 = tpu.memref_slice %arg4[%dma_start3A_1735, %multiple_of3A_1699] : memref<32x1000001xf32, #tpu.memory_space<hbm>> -> memref<32x128xf32, #tpu.memory_space<hbm>>
      %dma_start3A_1737 = arith.constant 0 : i32
      %dma_start3A_1738 = arith.constant 0 : i32
      %dma_start3A_1739 = tpu.memref_slice %arg9[%dma_start3A_1729, %dma_start3A_1730, %dma_start3A_1737, %dma_start3A_1738] : memref<8x1x32x128xf32, #tpu.memory_space<vmem>> -> memref<1x1x32x128xf32, #tpu.memory_space<vmem>>
      %dma_start3A_1740 = tpu.memref_squeeze %dma_start3A_1739 : memref<1x1x32x128xf32, #tpu.memory_space<vmem>> -> memref<32x128xf32, #tpu.memory_space<vmem>>
      %dma_start3A_1741 = arith.constant 0 : i32
      %dma_start3A_1742 = tpu.memref_slice %arg4[%dma_start3A_1741, %multiple_of3A_1699] : memref<32x1000001xf32, #tpu.memory_space<hbm>> -> memref<32x128xf32, #tpu.memory_space<hbm>>
      tpu.enqueue_dma source(%dma_start3A_1742 : memref<32x128xf32, #tpu.memory_space<hbm>>) target(%dma_start3A_1740 : memref<32x128xf32, #tpu.memory_space<vmem>>) target_semaphore(%arg17 : memref<!tpu.dma_semaphore, #tpu.memory_space<semaphore_mem>>)
      %dma_start3A_1743 = arith.constant 5 : i32
      %dma_start3A_1744 = arith.constant 0 : i32
      %dma_start3A_1745 = arith.constant 0 : i32
      %dma_start3A_1746 = arith.constant 0 : i32
      %dma_start3A_1747 = tpu.memref_slice %arg10[%dma_start3A_1743, %dma_start3A_1744, %dma_start3A_1745, %dma_start3A_1746] : memref<8x1x32x128xf32, #tpu.memory_space<vmem>> -> memref<1x1x32x128xf32, #tpu.memory_space<vmem>>
      %dma_start3A_1748 = tpu.memref_squeeze %dma_start3A_1747 : memref<1x1x32x128xf32, #tpu.memory_space<vmem>> -> memref<32x128xf32, #tpu.memory_space<vmem>>
      %dma_start3A_1749 = arith.constant 0 : i32
      %dma_start3A_1750 = tpu.memref_slice %arg5[%dma_start3A_1749, %multiple_of3A_1728] : memref<32x1000001xf32, #tpu.memory_space<hbm>> -> memref<32x128xf32, #tpu.memory_space<hbm>>
      %dma_start3A_1751 = arith.constant 0 : i32
      %dma_start3A_1752 = arith.constant 0 : i32
      %dma_start3A_1753 = tpu.memref_slice %arg10[%dma_start3A_1743, %dma_start3A_1744, %dma_start3A_1751, %dma_start3A_1752] : memref<8x1x32x128xf32, #tpu.memory_space<vmem>> -> memref<1x1x32x128xf32, #tpu.memory_space<vmem>>
      %dma_start3A_1754 = tpu.memref_squeeze %dma_start3A_1753 : memref<1x1x32x128xf32, #tpu.memory_space<vmem>> -> memref<32x128xf32, #tpu.memory_space<vmem>>
      %dma_start3A_1755 = arith.constant 0 : i32
      %dma_start3A_1756 = tpu.memref_slice %arg5[%dma_start3A_1755, %multiple_of3A_1728] : memref<32x1000001xf32, #tpu.memory_space<hbm>> -> memref<32x128xf32, #tpu.memory_space<hbm>>
      tpu.enqueue_dma source(%dma_start3A_1756 : memref<32x128xf32, #tpu.memory_space<hbm>>) target(%dma_start3A_1754 : memref<32x128xf32, #tpu.memory_space<vmem>>) target_semaphore(%arg17 : memref<!tpu.dma_semaphore, #tpu.memory_space<semaphore_mem>>)
      %dma_wait3A_1757 = arith.constant 6 : i32
      %dma_wait3A_1758 = arith.constant 0 : i32
      %dma_wait3A_1759 = arith.constant 0 : i32
      %dma_wait3A_1760 = arith.constant 0 : i32
      %dma_wait3A_1761 = tpu.memref_slice %arg9[%dma_wait3A_1757, %dma_wait3A_1758, %dma_wait3A_1759, %dma_wait3A_1760] : memref<8x1x32x128xf32, #tpu.memory_space<vmem>> -> memref<1x1x32x128xf32, #tpu.memory_space<vmem>>
      %dma_wait3A_1762 = tpu.memref_squeeze %dma_wait3A_1761 : memref<1x1x32x128xf32, #tpu.memory_space<vmem>> -> memref<32x128xf32, #tpu.memory_space<vmem>>
      %dma_wait3A_1763 = arith.constant 0 : i32
      %dma_wait3A_1764 = arith.constant 0 : i32
      %dma_wait3A_1765 = tpu.memref_slice %arg4[%dma_wait3A_1763, %dma_wait3A_1764] : memref<32x1000001xf32, #tpu.memory_space<hbm>> -> memref<32x128xf32, #tpu.memory_space<hbm>>
      %dma_wait3A_1766 = arith.constant 0 : i32
      %dma_wait3A_1767 = arith.constant 0 : i32
      %dma_wait3A_1768 = tpu.memref_slice %arg9[%dma_wait3A_1757, %dma_wait3A_1758, %dma_wait3A_1766, %dma_wait3A_1767] : memref<8x1x32x128xf32, #tpu.memory_space<vmem>> -> memref<1x1x32x128xf32, #tpu.memory_space<vmem>>
      %dma_wait3A_1769 = tpu.memref_squeeze %dma_wait3A_1768 : memref<1x1x32x128xf32, #tpu.memory_space<vmem>> -> memref<32x128xf32, #tpu.memory_space<vmem>>
      %dma_wait3A_1770 = arith.constant 0 : i32
      %dma_wait3A_1771 = arith.constant 0 : i32
      %dma_wait3A_1772 = tpu.memref_slice %arg4[%dma_wait3A_1770, %dma_wait3A_1771] : memref<32x1000001xf32, #tpu.memory_space<hbm>> -> memref<32x128xf32, #tpu.memory_space<hbm>>
      tpu.wait_dma2 semaphore(%arg18 : memref<!tpu.dma_semaphore, #tpu.memory_space<semaphore_mem>>) src(%dma_wait3A_1772 : memref<32x128xf32, #tpu.memory_space<hbm>>) dst(%dma_wait3A_1769 : memref<32x128xf32, #tpu.memory_space<vmem>>)
      %dma_wait3A_1773 = arith.constant 6 : i32
      %dma_wait3A_1774 = arith.constant 0 : i32
      %dma_wait3A_1775 = arith.constant 0 : i32
      %dma_wait3A_1776 = arith.constant 0 : i32
      %dma_wait3A_1777 = tpu.memref_slice %arg10[%dma_wait3A_1773, %dma_wait3A_1774, %dma_wait3A_1775, %dma_wait3A_1776] : memref<8x1x32x128xf32, #tpu.memory_space<vmem>> -> memref<1x1x32x128xf32, #tpu.memory_space<vmem>>
      %dma_wait3A_1778 = tpu.memref_squeeze %dma_wait3A_1777 : memref<1x1x32x128xf32, #tpu.memory_space<vmem>> -> memref<32x128xf32, #tpu.memory_space<vmem>>
      %dma_wait3A_1779 = arith.constant 0 : i32
      %dma_wait3A_1780 = arith.constant 0 : i32
      %dma_wait3A_1781 = tpu.memref_slice %arg4[%dma_wait3A_1779, %dma_wait3A_1780] : memref<32x1000001xf32, #tpu.memory_space<hbm>> -> memref<32x128xf32, #tpu.memory_space<hbm>>
      %dma_wait3A_1782 = arith.constant 0 : i32
      %dma_wait3A_1783 = arith.constant 0 : i32
      %dma_wait3A_1784 = tpu.memref_slice %arg10[%dma_wait3A_1773, %dma_wait3A_1774, %dma_wait3A_1782, %dma_wait3A_1783] : memref<8x1x32x128xf32, #tpu.memory_space<vmem>> -> memref<1x1x32x128xf32, #tpu.memory_space<vmem>>
      %dma_wait3A_1785 = tpu.memref_squeeze %dma_wait3A_1784 : memref<1x1x32x128xf32, #tpu.memory_space<vmem>> -> memref<32x128xf32, #tpu.memory_space<vmem>>
      %dma_wait3A_1786 = arith.constant 0 : i32
      %dma_wait3A_1787 = arith.constant 0 : i32
      %dma_wait3A_1788 = tpu.memref_slice %arg4[%dma_wait3A_1786, %dma_wait3A_1787] : memref<32x1000001xf32, #tpu.memory_space<hbm>> -> memref<32x128xf32, #tpu.memory_space<hbm>>
      tpu.wait_dma2 semaphore(%arg18 : memref<!tpu.dma_semaphore, #tpu.memory_space<semaphore_mem>>) src(%dma_wait3A_1788 : memref<32x128xf32, #tpu.memory_space<hbm>>) dst(%dma_wait3A_1785 : memref<32x128xf32, #tpu.memory_space<vmem>>)
      %slice3A_1789 = vector.extract_strided_slice %get3A_694 {offsets = [6], sizes = [1], strides = [1]} : vector<16xi32> to vector<1xi32>
      %squeeze3A_1790 = vector.extract %slice3A_1789[0] : i32 from vector<1xi32>
      %jit3A_1791 = arith.constant 128 : i32
      %eq3A_1792 = arith.constant 0 : i32
      %eq3A_1793 = arith.cmpi eq, %jit3A_1791, %eq3A_1792 : i32
      %jit3A_1794 = arith.constant 1 : i32
      %select_n3A_1795 = arith.select %eq3A_1793, %jit3A_1794, %jit3A_1791 : i32
      %rem3A_1796 = arith.remsi %squeeze3A_1790, %select_n3A_1795 : i32
      %ne3A_1797 = arith.constant 0 : i32
      %ne3A_1798 = arith.cmpi ne, %rem3A_1796, %ne3A_1797 : i32
      %lt3A_1799 = arith.constant 0 : i32
      %lt3A_1800 = arith.cmpi slt, %rem3A_1796, %lt3A_1799 : i32
      %lt3A_1801 = arith.constant 0 : i32
      %lt3A_1802 = arith.cmpi slt, %select_n3A_1795, %lt3A_1801 : i32
      %ne3A_1803 = arith.xori %lt3A_1800, %lt3A_1802 : i1
      %and3A_1804 = arith.andi %ne3A_1803, %ne3A_1798 : i1
      %add3A_1805 = arith.addi %rem3A_1796, %select_n3A_1795 : i32
      %select_n3A_1806 = arith.select %and3A_1804, %add3A_1805, %rem3A_1796 : i32
      %broadcast_in_dim3A_1807 = vector.broadcast %select_n3A_1806 : i32 to vector<16xi32>
      %slice3A_1808 = vector.extract_strided_slice %get3A_696 {offsets = [6], sizes = [1], strides = [1]} : vector<16xi32> to vector<1xi32>
      %squeeze3A_1809 = vector.extract %slice3A_1808[0] : i32 from vector<1xi32>
      %jit3A_1810 = arith.constant 128 : i32
      %eq3A_1811 = arith.constant 0 : i32
      %eq3A_1812 = arith.cmpi eq, %jit3A_1810, %eq3A_1811 : i32
      %jit3A_1813 = arith.constant 1 : i32
      %select_n3A_1814 = arith.select %eq3A_1812, %jit3A_1813, %jit3A_1810 : i32
      %rem3A_1815 = arith.remsi %squeeze3A_1809, %select_n3A_1814 : i32
      %ne3A_1816 = arith.constant 0 : i32
      %ne3A_1817 = arith.cmpi ne, %rem3A_1815, %ne3A_1816 : i32
      %lt3A_1818 = arith.constant 0 : i32
      %lt3A_1819 = arith.cmpi slt, %rem3A_1815, %lt3A_1818 : i32
      %lt3A_1820 = arith.constant 0 : i32
      %lt3A_1821 = arith.cmpi slt, %select_n3A_1814, %lt3A_1820 : i32
      %ne3A_1822 = arith.xori %lt3A_1819, %lt3A_1821 : i1
      %and3A_1823 = arith.andi %ne3A_1822, %ne3A_1817 : i1
      %add3A_1824 = arith.addi %rem3A_1815, %select_n3A_1814 : i32
      %select_n3A_1825 = arith.select %and3A_1823, %add3A_1824, %rem3A_1815 : i32
      %broadcast_in_dim3A_1826 = vector.broadcast %select_n3A_1825 : i32 to vector<16xi32>
      %broadcast_in_dim3A_1827 = arith.constant 6 : i32
      %broadcast_in_dim3A_1828 = vector.broadcast %broadcast_in_dim3A_1827 : i32 to vector<16xi32>
      %broadcast_in_dim3A_1829 = arith.constant 0 : i32
      %broadcast_in_dim3A_1830 = vector.broadcast %broadcast_in_dim3A_1829 : i32 to vector<16xi32>
      %gather3A_1831 = tpu.vector_load_idx %arg9[%broadcast_in_dim3A_1828, %broadcast_in_dim3A_1830, %iota3A, %broadcast_in_dim3A_1807] : memref<8x1x32x128xf32, #tpu.memory_space<vmem>>[vector<16xi32>, vector<16xi32>, vector<16xi32>, vector<16xi32>], vector<16xf32>,
      %gather3A_1832 = tpu.vector_load_idx %arg9[%broadcast_in_dim3A_1828, %broadcast_in_dim3A_1830, %add3A_5, %broadcast_in_dim3A_1807] : memref<8x1x32x128xf32, #tpu.memory_space<vmem>>[vector<16xi32>, vector<16xi32>, vector<16xi32>, vector<16xi32>], vector<16xf32>,
      %gather3A_1833 = tpu.vector_load_idx %arg10[%broadcast_in_dim3A_1828, %broadcast_in_dim3A_1830, %iota3A, %broadcast_in_dim3A_1826] : memref<8x1x32x128xf32, #tpu.memory_space<vmem>>[vector<16xi32>, vector<16xi32>, vector<16xi32>, vector<16xi32>], vector<16xf32>,
      %gather3A_1834 = tpu.vector_load_idx %arg10[%broadcast_in_dim3A_1828, %broadcast_in_dim3A_1830, %add3A_5, %broadcast_in_dim3A_1826] : memref<8x1x32x128xf32, #tpu.memory_space<vmem>>[vector<16xi32>, vector<16xi32>, vector<16xi32>, vector<16xi32>], vector<16xf32>,
      %mul3A_1835 = arith.mulf %gather3A_1831, %gather3A_1833 : vector<16xf32>
      %mul3A_1836 = arith.mulf %gather3A_1832, %gather3A_1834 : vector<16xf32>
      %add3A_1837 = arith.addf %mul3A_1835, %mul3A_1836 : vector<16xf32>
      %reduce_sum3A_1838 = arith.constant true
      %reduce_sum3A_1839 = vector.broadcast %reduce_sum3A_1838 : i1 to vector<16xi1>
      %reduce_sum3A_1840 = tpu.scan <sum>, %add3A_1837 masked %reduce_sum3A_1839 : vector<16xf32>, vector<16xi1> -> vector<16xf32>
      %reduce_sum3A_1841 = vector.extract %reduce_sum3A_1840[15] : f32 from vector<16xf32>
      %eq3A_1842 = arith.constant 6 : i32
      %eq3A_1843 = vector.broadcast %eq3A_1842 : i32 to vector<16xi32>
      %eq3A_1844 = arith.cmpi eq, %iota3A, %eq3A_1843 : vector<16xi32>
      %broadcast_in_dim3A_1845 = vector.broadcast %reduce_sum3A_1841 : f32 to vector<16xf32>
      %select_n3A_1846 = arith.select %eq3A_1844, %broadcast_in_dim3A_1845, %select_n3A_1670 : vector<16xi1>, vector<16xf32>
      %slice3A_1847 = vector.extract_strided_slice %get3A_694 {offsets = [14], sizes = [1], strides = [1]} : vector<16xi32> to vector<1xi32>
      %squeeze3A_1848 = vector.extract %slice3A_1847[0] : i32 from vector<1xi32>
      %jit3A_1849 = arith.constant 128 : i32
      %div3A_1850 = arith.divsi %squeeze3A_1848, %jit3A_1849 : i32
      %sign3A_1851 = arith.constant 0 : i32
      %sign3A_1852 = arith.cmpi sgt, %squeeze3A_1848, %sign3A_1851 : i32
      %sign3A_1853 = arith.extui %sign3A_1852 : i1 to i32
      %sign3A_1854 = arith.constant 0 : i32
      %sign3A_1855 = arith.cmpi slt, %squeeze3A_1848, %sign3A_1854 : i32
      %sign3A_1856 = arith.extui %sign3A_1855 : i1 to i32
      %sign3A_1857 = arith.subi %sign3A_1853, %sign3A_1856 : i32
      %sign3A_1858 = arith.constant 0 : i32
      %sign3A_1859 = arith.cmpi sgt, %jit3A_1849, %sign3A_1858 : i32
      %sign3A_1860 = arith.extui %sign3A_1859 : i1 to i32
      %sign3A_1861 = arith.constant 0 : i32
      %sign3A_1862 = arith.cmpi slt, %jit3A_1849, %sign3A_1861 : i32
      %sign3A_1863 = arith.extui %sign3A_1862 : i1 to i32
      %sign3A_1864 = arith.subi %sign3A_1860, %sign3A_1863 : i32
      %ne3A_1865 = arith.cmpi ne, %sign3A_1857, %sign3A_1864 : i32
      %rem3A_1866 = arith.remsi %squeeze3A_1848, %jit3A_1849 : i32
      %ne3A_1867 = arith.constant 0 : i32
      %ne3A_1868 = arith.cmpi ne, %rem3A_1866, %ne3A_1867 : i32
      %and3A_1869 = arith.andi %ne3A_1865, %ne3A_1868 : i1
      %sub3A_1870 = arith.constant 1 : i32
      %sub3A_1871 = arith.subi %div3A_1850, %sub3A_1870 : i32
      %select_n3A_1872 = arith.select %and3A_1869, %sub3A_1871, %div3A_1850 : i32
      %mul3A_1873 = arith.constant 128 : i32
      %mul3A_1874 = arith.muli %select_n3A_1872, %mul3A_1873 : i32
      %multiple_of3A_1875 = tpu.assume_multiple %mul3A_1874, 128 : i32
      %slice3A_1876 = vector.extract_strided_slice %get3A_696 {offsets = [14], sizes = [1], strides = [1]} : vector<16xi32> to vector<1xi32>
      %squeeze3A_1877 = vector.extract %slice3A_1876[0] : i32 from vector<1xi32>
      %jit3A_1878 = arith.constant 128 : i32
      %div3A_1879 = arith.divsi %squeeze3A_1877, %jit3A_1878 : i32
      %sign3A_1880 = arith.constant 0 : i32
      %sign3A_1881 = arith.cmpi sgt, %squeeze3A_1877, %sign3A_1880 : i32
      %sign3A_1882 = arith.extui %sign3A_1881 : i1 to i32
      %sign3A_1883 = arith.constant 0 : i32
      %sign3A_1884 = arith.cmpi slt, %squeeze3A_1877, %sign3A_1883 : i32
      %sign3A_1885 = arith.extui %sign3A_1884 : i1 to i32
      %sign3A_1886 = arith.subi %sign3A_1882, %sign3A_1885 : i32
      %sign3A_1887 = arith.constant 0 : i32
      %sign3A_1888 = arith.cmpi sgt, %jit3A_1878, %sign3A_1887 : i32
      %sign3A_1889 = arith.extui %sign3A_1888 : i1 to i32
      %sign3A_1890 = arith.constant 0 : i32
      %sign3A_1891 = arith.cmpi slt, %jit3A_1878, %sign3A_1890 : i32
      %sign3A_1892 = arith.extui %sign3A_1891 : i1 to i32
      %sign3A_1893 = arith.subi %sign3A_1889, %sign3A_1892 : i32
      %ne3A_1894 = arith.cmpi ne, %sign3A_1886, %sign3A_1893 : i32
      %rem3A_1895 = arith.remsi %squeeze3A_1877, %jit3A_1878 : i32
      %ne3A_1896 = arith.constant 0 : i32
      %ne3A_1897 = arith.cmpi ne, %rem3A_1895, %ne3A_1896 : i32
      %and3A_1898 = arith.andi %ne3A_1894, %ne3A_1897 : i1
      %sub3A_1899 = arith.constant 1 : i32
      %sub3A_1900 = arith.subi %div3A_1879, %sub3A_1899 : i32
      %select_n3A_1901 = arith.select %and3A_1898, %sub3A_1900, %div3A_1879 : i32
      %mul3A_1902 = arith.constant 128 : i32
      %mul3A_1903 = arith.muli %select_n3A_1901, %mul3A_1902 : i32
      %multiple_of3A_1904 = tpu.assume_multiple %mul3A_1903, 128 : i32
      %dma_start3A_1905 = arith.constant 6 : i32
      %dma_start3A_1906 = arith.constant 0 : i32
      %dma_start3A_1907 = arith.constant 0 : i32
      %dma_start3A_1908 = arith.constant 0 : i32
      %dma_start3A_1909 = tpu.memref_slice %arg9[%dma_start3A_1905, %dma_start3A_1906, %dma_start3A_1907, %dma_start3A_1908] : memref<8x1x32x128xf32, #tpu.memory_space<vmem>> -> memref<1x1x32x128xf32, #tpu.memory_space<vmem>>
      %dma_start3A_1910 = tpu.memref_squeeze %dma_start3A_1909 : memref<1x1x32x128xf32, #tpu.memory_space<vmem>> -> memref<32x128xf32, #tpu.memory_space<vmem>>
      %dma_start3A_1911 = arith.constant 0 : i32
      %dma_start3A_1912 = tpu.memref_slice %arg4[%dma_start3A_1911, %multiple_of3A_1875] : memref<32x1000001xf32, #tpu.memory_space<hbm>> -> memref<32x128xf32, #tpu.memory_space<hbm>>
      %dma_start3A_1913 = arith.constant 0 : i32
      %dma_start3A_1914 = arith.constant 0 : i32
      %dma_start3A_1915 = tpu.memref_slice %arg9[%dma_start3A_1905, %dma_start3A_1906, %dma_start3A_1913, %dma_start3A_1914] : memref<8x1x32x128xf32, #tpu.memory_space<vmem>> -> memref<1x1x32x128xf32, #tpu.memory_space<vmem>>
      %dma_start3A_1916 = tpu.memref_squeeze %dma_start3A_1915 : memref<1x1x32x128xf32, #tpu.memory_space<vmem>> -> memref<32x128xf32, #tpu.memory_space<vmem>>
      %dma_start3A_1917 = arith.constant 0 : i32
      %dma_start3A_1918 = tpu.memref_slice %arg4[%dma_start3A_1917, %multiple_of3A_1875] : memref<32x1000001xf32, #tpu.memory_space<hbm>> -> memref<32x128xf32, #tpu.memory_space<hbm>>
      tpu.enqueue_dma source(%dma_start3A_1918 : memref<32x128xf32, #tpu.memory_space<hbm>>) target(%dma_start3A_1916 : memref<32x128xf32, #tpu.memory_space<vmem>>) target_semaphore(%arg18 : memref<!tpu.dma_semaphore, #tpu.memory_space<semaphore_mem>>)
      %dma_start3A_1919 = arith.constant 6 : i32
      %dma_start3A_1920 = arith.constant 0 : i32
      %dma_start3A_1921 = arith.constant 0 : i32
      %dma_start3A_1922 = arith.constant 0 : i32
      %dma_start3A_1923 = tpu.memref_slice %arg10[%dma_start3A_1919, %dma_start3A_1920, %dma_start3A_1921, %dma_start3A_1922] : memref<8x1x32x128xf32, #tpu.memory_space<vmem>> -> memref<1x1x32x128xf32, #tpu.memory_space<vmem>>
      %dma_start3A_1924 = tpu.memref_squeeze %dma_start3A_1923 : memref<1x1x32x128xf32, #tpu.memory_space<vmem>> -> memref<32x128xf32, #tpu.memory_space<vmem>>
      %dma_start3A_1925 = arith.constant 0 : i32
      %dma_start3A_1926 = tpu.memref_slice %arg5[%dma_start3A_1925, %multiple_of3A_1904] : memref<32x1000001xf32, #tpu.memory_space<hbm>> -> memref<32x128xf32, #tpu.memory_space<hbm>>
      %dma_start3A_1927 = arith.constant 0 : i32
      %dma_start3A_1928 = arith.constant 0 : i32
      %dma_start3A_1929 = tpu.memref_slice %arg10[%dma_start3A_1919, %dma_start3A_1920, %dma_start3A_1927, %dma_start3A_1928] : memref<8x1x32x128xf32, #tpu.memory_space<vmem>> -> memref<1x1x32x128xf32, #tpu.memory_space<vmem>>
      %dma_start3A_1930 = tpu.memref_squeeze %dma_start3A_1929 : memref<1x1x32x128xf32, #tpu.memory_space<vmem>> -> memref<32x128xf32, #tpu.memory_space<vmem>>
      %dma_start3A_1931 = arith.constant 0 : i32
      %dma_start3A_1932 = tpu.memref_slice %arg5[%dma_start3A_1931, %multiple_of3A_1904] : memref<32x1000001xf32, #tpu.memory_space<hbm>> -> memref<32x128xf32, #tpu.memory_space<hbm>>
      tpu.enqueue_dma source(%dma_start3A_1932 : memref<32x128xf32, #tpu.memory_space<hbm>>) target(%dma_start3A_1930 : memref<32x128xf32, #tpu.memory_space<vmem>>) target_semaphore(%arg18 : memref<!tpu.dma_semaphore, #tpu.memory_space<semaphore_mem>>)
      %dma_wait3A_1933 = arith.constant 7 : i32
      %dma_wait3A_1934 = arith.constant 0 : i32
      %dma_wait3A_1935 = arith.constant 0 : i32
      %dma_wait3A_1936 = arith.constant 0 : i32
      %dma_wait3A_1937 = tpu.memref_slice %arg9[%dma_wait3A_1933, %dma_wait3A_1934, %dma_wait3A_1935, %dma_wait3A_1936] : memref<8x1x32x128xf32, #tpu.memory_space<vmem>> -> memref<1x1x32x128xf32, #tpu.memory_space<vmem>>
      %dma_wait3A_1938 = tpu.memref_squeeze %dma_wait3A_1937 : memref<1x1x32x128xf32, #tpu.memory_space<vmem>> -> memref<32x128xf32, #tpu.memory_space<vmem>>
      %dma_wait3A_1939 = arith.constant 0 : i32
      %dma_wait3A_1940 = arith.constant 0 : i32
      %dma_wait3A_1941 = tpu.memref_slice %arg4[%dma_wait3A_1939, %dma_wait3A_1940] : memref<32x1000001xf32, #tpu.memory_space<hbm>> -> memref<32x128xf32, #tpu.memory_space<hbm>>
      %dma_wait3A_1942 = arith.constant 0 : i32
      %dma_wait3A_1943 = arith.constant 0 : i32
      %dma_wait3A_1944 = tpu.memref_slice %arg9[%dma_wait3A_1933, %dma_wait3A_1934, %dma_wait3A_1942, %dma_wait3A_1943] : memref<8x1x32x128xf32, #tpu.memory_space<vmem>> -> memref<1x1x32x128xf32, #tpu.memory_space<vmem>>
      %dma_wait3A_1945 = tpu.memref_squeeze %dma_wait3A_1944 : memref<1x1x32x128xf32, #tpu.memory_space<vmem>> -> memref<32x128xf32, #tpu.memory_space<vmem>>
      %dma_wait3A_1946 = arith.constant 0 : i32
      %dma_wait3A_1947 = arith.constant 0 : i32
      %dma_wait3A_1948 = tpu.memref_slice %arg4[%dma_wait3A_1946, %dma_wait3A_1947] : memref<32x1000001xf32, #tpu.memory_space<hbm>> -> memref<32x128xf32, #tpu.memory_space<hbm>>
      tpu.wait_dma2 semaphore(%arg19 : memref<!tpu.dma_semaphore, #tpu.memory_space<semaphore_mem>>) src(%dma_wait3A_1948 : memref<32x128xf32, #tpu.memory_space<hbm>>) dst(%dma_wait3A_1945 : memref<32x128xf32, #tpu.memory_space<vmem>>)
      %dma_wait3A_1949 = arith.constant 7 : i32
      %dma_wait3A_1950 = arith.constant 0 : i32
      %dma_wait3A_1951 = arith.constant 0 : i32
      %dma_wait3A_1952 = arith.constant 0 : i32
      %dma_wait3A_1953 = tpu.memref_slice %arg10[%dma_wait3A_1949, %dma_wait3A_1950, %dma_wait3A_1951, %dma_wait3A_1952] : memref<8x1x32x128xf32, #tpu.memory_space<vmem>> -> memref<1x1x32x128xf32, #tpu.memory_space<vmem>>
      %dma_wait3A_1954 = tpu.memref_squeeze %dma_wait3A_1953 : memref<1x1x32x128xf32, #tpu.memory_space<vmem>> -> memref<32x128xf32, #tpu.memory_space<vmem>>
      %dma_wait3A_1955 = arith.constant 0 : i32
      %dma_wait3A_1956 = arith.constant 0 : i32
      %dma_wait3A_1957 = tpu.memref_slice %arg4[%dma_wait3A_1955, %dma_wait3A_1956] : memref<32x1000001xf32, #tpu.memory_space<hbm>> -> memref<32x128xf32, #tpu.memory_space<hbm>>
      %dma_wait3A_1958 = arith.constant 0 : i32
      %dma_wait3A_1959 = arith.constant 0 : i32
      %dma_wait3A_1960 = tpu.memref_slice %arg10[%dma_wait3A_1949, %dma_wait3A_1950, %dma_wait3A_1958, %dma_wait3A_1959] : memref<8x1x32x128xf32, #tpu.memory_space<vmem>> -> memref<1x1x32x128xf32, #tpu.memory_space<vmem>>
      %dma_wait3A_1961 = tpu.memref_squeeze %dma_wait3A_1960 : memref<1x1x32x128xf32, #tpu.memory_space<vmem>> -> memref<32x128xf32, #tpu.memory_space<vmem>>
      %dma_wait3A_1962 = arith.constant 0 : i32
      %dma_wait3A_1963 = arith.constant 0 : i32
      %dma_wait3A_1964 = tpu.memref_slice %arg4[%dma_wait3A_1962, %dma_wait3A_1963] : memref<32x1000001xf32, #tpu.memory_space<hbm>> -> memref<32x128xf32, #tpu.memory_space<hbm>>
      tpu.wait_dma2 semaphore(%arg19 : memref<!tpu.dma_semaphore, #tpu.memory_space<semaphore_mem>>) src(%dma_wait3A_1964 : memref<32x128xf32, #tpu.memory_space<hbm>>) dst(%dma_wait3A_1961 : memref<32x128xf32, #tpu.memory_space<vmem>>)
      %slice3A_1965 = vector.extract_strided_slice %get3A_694 {offsets = [7], sizes = [1], strides = [1]} : vector<16xi32> to vector<1xi32>
      %squeeze3A_1966 = vector.extract %slice3A_1965[0] : i32 from vector<1xi32>
      %jit3A_1967 = arith.constant 128 : i32
      %eq3A_1968 = arith.constant 0 : i32
      %eq3A_1969 = arith.cmpi eq, %jit3A_1967, %eq3A_1968 : i32
      %jit3A_1970 = arith.constant 1 : i32
      %select_n3A_1971 = arith.select %eq3A_1969, %jit3A_1970, %jit3A_1967 : i32
      %rem3A_1972 = arith.remsi %squeeze3A_1966, %select_n3A_1971 : i32
      %ne3A_1973 = arith.constant 0 : i32
      %ne3A_1974 = arith.cmpi ne, %rem3A_1972, %ne3A_1973 : i32
      %lt3A_1975 = arith.constant 0 : i32
      %lt3A_1976 = arith.cmpi slt, %rem3A_1972, %lt3A_1975 : i32
      %lt3A_1977 = arith.constant 0 : i32
      %lt3A_1978 = arith.cmpi slt, %select_n3A_1971, %lt3A_1977 : i32
      %ne3A_1979 = arith.xori %lt3A_1976, %lt3A_1978 : i1
      %and3A_1980 = arith.andi %ne3A_1979, %ne3A_1974 : i1
      %add3A_1981 = arith.addi %rem3A_1972, %select_n3A_1971 : i32
      %select_n3A_1982 = arith.select %and3A_1980, %add3A_1981, %rem3A_1972 : i32
      %broadcast_in_dim3A_1983 = vector.broadcast %select_n3A_1982 : i32 to vector<16xi32>
      %slice3A_1984 = vector.extract_strided_slice %get3A_696 {offsets = [7], sizes = [1], strides = [1]} : vector<16xi32> to vector<1xi32>
      %squeeze3A_1985 = vector.extract %slice3A_1984[0] : i32 from vector<1xi32>
      %jit3A_1986 = arith.constant 128 : i32
      %eq3A_1987 = arith.constant 0 : i32
      %eq3A_1988 = arith.cmpi eq, %jit3A_1986, %eq3A_1987 : i32
      %jit3A_1989 = arith.constant 1 : i32
      %select_n3A_1990 = arith.select %eq3A_1988, %jit3A_1989, %jit3A_1986 : i32
      %rem3A_1991 = arith.remsi %squeeze3A_1985, %select_n3A_1990 : i32
      %ne3A_1992 = arith.constant 0 : i32
      %ne3A_1993 = arith.cmpi ne, %rem3A_1991, %ne3A_1992 : i32
      %lt3A_1994 = arith.constant 0 : i32
      %lt3A_1995 = arith.cmpi slt, %rem3A_1991, %lt3A_1994 : i32
      %lt3A_1996 = arith.constant 0 : i32
      %lt3A_1997 = arith.cmpi slt, %select_n3A_1990, %lt3A_1996 : i32
      %ne3A_1998 = arith.xori %lt3A_1995, %lt3A_1997 : i1
      %and3A_1999 = arith.andi %ne3A_1998, %ne3A_1993 : i1
      %add3A_2000 = arith.addi %rem3A_1991, %select_n3A_1990 : i32
      %select_n3A_2001 = arith.select %and3A_1999, %add3A_2000, %rem3A_1991 : i32
      %broadcast_in_dim3A_2002 = vector.broadcast %select_n3A_2001 : i32 to vector<16xi32>
      %broadcast_in_dim3A_2003 = arith.constant 7 : i32
      %broadcast_in_dim3A_2004 = vector.broadcast %broadcast_in_dim3A_2003 : i32 to vector<16xi32>
      %broadcast_in_dim3A_2005 = arith.constant 0 : i32
      %broadcast_in_dim3A_2006 = vector.broadcast %broadcast_in_dim3A_2005 : i32 to vector<16xi32>
      %gather3A_2007 = tpu.vector_load_idx %arg9[%broadcast_in_dim3A_2004, %broadcast_in_dim3A_2006, %iota3A, %broadcast_in_dim3A_1983] : memref<8x1x32x128xf32, #tpu.memory_space<vmem>>[vector<16xi32>, vector<16xi32>, vector<16xi32>, vector<16xi32>], vector<16xf32>,
      %gather3A_2008 = tpu.vector_load_idx %arg9[%broadcast_in_dim3A_2004, %broadcast_in_dim3A_2006, %add3A_5, %broadcast_in_dim3A_1983] : memref<8x1x32x128xf32, #tpu.memory_space<vmem>>[vector<16xi32>, vector<16xi32>, vector<16xi32>, vector<16xi32>], vector<16xf32>,
      %gather3A_2009 = tpu.vector_load_idx %arg10[%broadcast_in_dim3A_2004, %broadcast_in_dim3A_2006, %iota3A, %broadcast_in_dim3A_2002] : memref<8x1x32x128xf32, #tpu.memory_space<vmem>>[vector<16xi32>, vector<16xi32>, vector<16xi32>, vector<16xi32>], vector<16xf32>,
      %gather3A_2010 = tpu.vector_load_idx %arg10[%broadcast_in_dim3A_2004, %broadcast_in_dim3A_2006, %add3A_5, %broadcast_in_dim3A_2002] : memref<8x1x32x128xf32, #tpu.memory_space<vmem>>[vector<16xi32>, vector<16xi32>, vector<16xi32>, vector<16xi32>], vector<16xf32>,
      %mul3A_2011 = arith.mulf %gather3A_2007, %gather3A_2009 : vector<16xf32>
      %mul3A_2012 = arith.mulf %gather3A_2008, %gather3A_2010 : vector<16xf32>
      %add3A_2013 = arith.addf %mul3A_2011, %mul3A_2012 : vector<16xf32>
      %reduce_sum3A_2014 = arith.constant true
      %reduce_sum3A_2015 = vector.broadcast %reduce_sum3A_2014 : i1 to vector<16xi1>
      %reduce_sum3A_2016 = tpu.scan <sum>, %add3A_2013 masked %reduce_sum3A_2015 : vector<16xf32>, vector<16xi1> -> vector<16xf32>
      %reduce_sum3A_2017 = vector.extract %reduce_sum3A_2016[15] : f32 from vector<16xf32>
      %eq3A_2018 = arith.constant 7 : i32
      %eq3A_2019 = vector.broadcast %eq3A_2018 : i32 to vector<16xi32>
      %eq3A_2020 = arith.cmpi eq, %iota3A, %eq3A_2019 : vector<16xi32>
      %broadcast_in_dim3A_2021 = vector.broadcast %reduce_sum3A_2017 : f32 to vector<16xf32>
      %select_n3A_2022 = arith.select %eq3A_2020, %broadcast_in_dim3A_2021, %select_n3A_1846 : vector<16xi1>, vector<16xf32>
      %slice3A_2023 = vector.extract_strided_slice %get3A_694 {offsets = [15], sizes = [1], strides = [1]} : vector<16xi32> to vector<1xi32>
      %squeeze3A_2024 = vector.extract %slice3A_2023[0] : i32 from vector<1xi32>
      %jit3A_2025 = arith.constant 128 : i32
      %div3A_2026 = arith.divsi %squeeze3A_2024, %jit3A_2025 : i32
      %sign3A_2027 = arith.constant 0 : i32
      %sign3A_2028 = arith.cmpi sgt, %squeeze3A_2024, %sign3A_2027 : i32
      %sign3A_2029 = arith.extui %sign3A_2028 : i1 to i32
      %sign3A_2030 = arith.constant 0 : i32
      %sign3A_2031 = arith.cmpi slt, %squeeze3A_2024, %sign3A_2030 : i32
      %sign3A_2032 = arith.extui %sign3A_2031 : i1 to i32
      %sign3A_2033 = arith.subi %sign3A_2029, %sign3A_2032 : i32
      %sign3A_2034 = arith.constant 0 : i32
      %sign3A_2035 = arith.cmpi sgt, %jit3A_2025, %sign3A_2034 : i32
      %sign3A_2036 = arith.extui %sign3A_2035 : i1 to i32
      %sign3A_2037 = arith.constant 0 : i32
      %sign3A_2038 = arith.cmpi slt, %jit3A_2025, %sign3A_2037 : i32
      %sign3A_2039 = arith.extui %sign3A_2038 : i1 to i32
      %sign3A_2040 = arith.subi %sign3A_2036, %sign3A_2039 : i32
      %ne3A_2041 = arith.cmpi ne, %sign3A_2033, %sign3A_2040 : i32
      %rem3A_2042 = arith.remsi %squeeze3A_2024, %jit3A_2025 : i32
      %ne3A_2043 = arith.constant 0 : i32
      %ne3A_2044 = arith.cmpi ne, %rem3A_2042, %ne3A_2043 : i32
      %and3A_2045 = arith.andi %ne3A_2041, %ne3A_2044 : i1
      %sub3A_2046 = arith.constant 1 : i32
      %sub3A_2047 = arith.subi %div3A_2026, %sub3A_2046 : i32
      %select_n3A_2048 = arith.select %and3A_2045, %sub3A_2047, %div3A_2026 : i32
      %mul3A_2049 = arith.constant 128 : i32
      %mul3A_2050 = arith.muli %select_n3A_2048, %mul3A_2049 : i32
      %multiple_of3A_2051 = tpu.assume_multiple %mul3A_2050, 128 : i32
      %slice3A_2052 = vector.extract_strided_slice %get3A_696 {offsets = [15], sizes = [1], strides = [1]} : vector<16xi32> to vector<1xi32>
      %squeeze3A_2053 = vector.extract %slice3A_2052[0] : i32 from vector<1xi32>
      %jit3A_2054 = arith.constant 128 : i32
      %div3A_2055 = arith.divsi %squeeze3A_2053, %jit3A_2054 : i32
      %sign3A_2056 = arith.constant 0 : i32
      %sign3A_2057 = arith.cmpi sgt, %squeeze3A_2053, %sign3A_2056 : i32
      %sign3A_2058 = arith.extui %sign3A_2057 : i1 to i32
      %sign3A_2059 = arith.constant 0 : i32
      %sign3A_2060 = arith.cmpi slt, %squeeze3A_2053, %sign3A_2059 : i32
      %sign3A_2061 = arith.extui %sign3A_2060 : i1 to i32
      %sign3A_2062 = arith.subi %sign3A_2058, %sign3A_2061 : i32
      %sign3A_2063 = arith.constant 0 : i32
      %sign3A_2064 = arith.cmpi sgt, %jit3A_2054, %sign3A_2063 : i32
      %sign3A_2065 = arith.extui %sign3A_2064 : i1 to i32
      %sign3A_2066 = arith.constant 0 : i32
      %sign3A_2067 = arith.cmpi slt, %jit3A_2054, %sign3A_2066 : i32
      %sign3A_2068 = arith.extui %sign3A_2067 : i1 to i32
      %sign3A_2069 = arith.subi %sign3A_2065, %sign3A_2068 : i32
      %ne3A_2070 = arith.cmpi ne, %sign3A_2062, %sign3A_2069 : i32
      %rem3A_2071 = arith.remsi %squeeze3A_2053, %jit3A_2054 : i32
      %ne3A_2072 = arith.constant 0 : i32
      %ne3A_2073 = arith.cmpi ne, %rem3A_2071, %ne3A_2072 : i32
      %and3A_2074 = arith.andi %ne3A_2070, %ne3A_2073 : i1
      %sub3A_2075 = arith.constant 1 : i32
      %sub3A_2076 = arith.subi %div3A_2055, %sub3A_2075 : i32
      %select_n3A_2077 = arith.select %and3A_2074, %sub3A_2076, %div3A_2055 : i32
      %mul3A_2078 = arith.constant 128 : i32
      %mul3A_2079 = arith.muli %select_n3A_2077, %mul3A_2078 : i32
      %multiple_of3A_2080 = tpu.assume_multiple %mul3A_2079, 128 : i32
      %dma_start3A_2081 = arith.constant 7 : i32
      %dma_start3A_2082 = arith.constant 0 : i32
      %dma_start3A_2083 = arith.constant 0 : i32
      %dma_start3A_2084 = arith.constant 0 : i32
      %dma_start3A_2085 = tpu.memref_slice %arg9[%dma_start3A_2081, %dma_start3A_2082, %dma_start3A_2083, %dma_start3A_2084] : memref<8x1x32x128xf32, #tpu.memory_space<vmem>> -> memref<1x1x32x128xf32, #tpu.memory_space<vmem>>
      %dma_start3A_2086 = tpu.memref_squeeze %dma_start3A_2085 : memref<1x1x32x128xf32, #tpu.memory_space<vmem>> -> memref<32x128xf32, #tpu.memory_space<vmem>>
      %dma_start3A_2087 = arith.constant 0 : i32
      %dma_start3A_2088 = tpu.memref_slice %arg4[%dma_start3A_2087, %multiple_of3A_2051] : memref<32x1000001xf32, #tpu.memory_space<hbm>> -> memref<32x128xf32, #tpu.memory_space<hbm>>
      %dma_start3A_2089 = arith.constant 0 : i32
      %dma_start3A_2090 = arith.constant 0 : i32
      %dma_start3A_2091 = tpu.memref_slice %arg9[%dma_start3A_2081, %dma_start3A_2082, %dma_start3A_2089, %dma_start3A_2090] : memref<8x1x32x128xf32, #tpu.memory_space<vmem>> -> memref<1x1x32x128xf32, #tpu.memory_space<vmem>>
      %dma_start3A_2092 = tpu.memref_squeeze %dma_start3A_2091 : memref<1x1x32x128xf32, #tpu.memory_space<vmem>> -> memref<32x128xf32, #tpu.memory_space<vmem>>
      %dma_start3A_2093 = arith.constant 0 : i32
      %dma_start3A_2094 = tpu.memref_slice %arg4[%dma_start3A_2093, %multiple_of3A_2051] : memref<32x1000001xf32, #tpu.memory_space<hbm>> -> memref<32x128xf32, #tpu.memory_space<hbm>>
      tpu.enqueue_dma source(%dma_start3A_2094 : memref<32x128xf32, #tpu.memory_space<hbm>>) target(%dma_start3A_2092 : memref<32x128xf32, #tpu.memory_space<vmem>>) target_semaphore(%arg19 : memref<!tpu.dma_semaphore, #tpu.memory_space<semaphore_mem>>)
      %dma_start3A_2095 = arith.constant 7 : i32
      %dma_start3A_2096 = arith.constant 0 : i32
      %dma_start3A_2097 = arith.constant 0 : i32
      %dma_start3A_2098 = arith.constant 0 : i32
      %dma_start3A_2099 = tpu.memref_slice %arg10[%dma_start3A_2095, %dma_start3A_2096, %dma_start3A_2097, %dma_start3A_2098] : memref<8x1x32x128xf32, #tpu.memory_space<vmem>> -> memref<1x1x32x128xf32, #tpu.memory_space<vmem>>
      %dma_start3A_2100 = tpu.memref_squeeze %dma_start3A_2099 : memref<1x1x32x128xf32, #tpu.memory_space<vmem>> -> memref<32x128xf32, #tpu.memory_space<vmem>>
      %dma_start3A_2101 = arith.constant 0 : i32
      %dma_start3A_2102 = tpu.memref_slice %arg5[%dma_start3A_2101, %multiple_of3A_2080] : memref<32x1000001xf32, #tpu.memory_space<hbm>> -> memref<32x128xf32, #tpu.memory_space<hbm>>
      %dma_start3A_2103 = arith.constant 0 : i32
      %dma_start3A_2104 = arith.constant 0 : i32
      %dma_start3A_2105 = tpu.memref_slice %arg10[%dma_start3A_2095, %dma_start3A_2096, %dma_start3A_2103, %dma_start3A_2104] : memref<8x1x32x128xf32, #tpu.memory_space<vmem>> -> memref<1x1x32x128xf32, #tpu.memory_space<vmem>>
      %dma_start3A_2106 = tpu.memref_squeeze %dma_start3A_2105 : memref<1x1x32x128xf32, #tpu.memory_space<vmem>> -> memref<32x128xf32, #tpu.memory_space<vmem>>
      %dma_start3A_2107 = arith.constant 0 : i32
      %dma_start3A_2108 = tpu.memref_slice %arg5[%dma_start3A_2107, %multiple_of3A_2080] : memref<32x1000001xf32, #tpu.memory_space<hbm>> -> memref<32x128xf32, #tpu.memory_space<hbm>>
      tpu.enqueue_dma source(%dma_start3A_2108 : memref<32x128xf32, #tpu.memory_space<hbm>>) target(%dma_start3A_2106 : memref<32x128xf32, #tpu.memory_space<vmem>>) target_semaphore(%arg19 : memref<!tpu.dma_semaphore, #tpu.memory_space<semaphore_mem>>)
      %dma_wait3A_2109 = arith.constant 0 : i32
      %dma_wait3A_2110 = arith.constant 0 : i32
      %dma_wait3A_2111 = arith.constant 0 : i32
      %dma_wait3A_2112 = arith.constant 0 : i32
      %dma_wait3A_2113 = tpu.memref_slice %arg9[%dma_wait3A_2109, %dma_wait3A_2110, %dma_wait3A_2111, %dma_wait3A_2112] : memref<8x1x32x128xf32, #tpu.memory_space<vmem>> -> memref<1x1x32x128xf32, #tpu.memory_space<vmem>>
      %dma_wait3A_2114 = tpu.memref_squeeze %dma_wait3A_2113 : memref<1x1x32x128xf32, #tpu.memory_space<vmem>> -> memref<32x128xf32, #tpu.memory_space<vmem>>
      %dma_wait3A_2115 = arith.constant 0 : i32
      %dma_wait3A_2116 = arith.constant 0 : i32
      %dma_wait3A_2117 = tpu.memref_slice %arg4[%dma_wait3A_2115, %dma_wait3A_2116] : memref<32x1000001xf32, #tpu.memory_space<hbm>> -> memref<32x128xf32, #tpu.memory_space<hbm>>
      %dma_wait3A_2118 = arith.constant 0 : i32
      %dma_wait3A_2119 = arith.constant 0 : i32
      %dma_wait3A_2120 = tpu.memref_slice %arg9[%dma_wait3A_2109, %dma_wait3A_2110, %dma_wait3A_2118, %dma_wait3A_2119] : memref<8x1x32x128xf32, #tpu.memory_space<vmem>> -> memref<1x1x32x128xf32, #tpu.memory_space<vmem>>
      %dma_wait3A_2121 = tpu.memref_squeeze %dma_wait3A_2120 : memref<1x1x32x128xf32, #tpu.memory_space<vmem>> -> memref<32x128xf32, #tpu.memory_space<vmem>>
      %dma_wait3A_2122 = arith.constant 0 : i32
      %dma_wait3A_2123 = arith.constant 0 : i32
      %dma_wait3A_2124 = tpu.memref_slice %arg4[%dma_wait3A_2122, %dma_wait3A_2123] : memref<32x1000001xf32, #tpu.memory_space<hbm>> -> memref<32x128xf32, #tpu.memory_space<hbm>>
      tpu.wait_dma2 semaphore(%arg12 : memref<!tpu.dma_semaphore, #tpu.memory_space<semaphore_mem>>) src(%dma_wait3A_2124 : memref<32x128xf32, #tpu.memory_space<hbm>>) dst(%dma_wait3A_2121 : memref<32x128xf32, #tpu.memory_space<vmem>>)
      %dma_wait3A_2125 = arith.constant 0 : i32
      %dma_wait3A_2126 = arith.constant 0 : i32
      %dma_wait3A_2127 = arith.constant 0 : i32
      %dma_wait3A_2128 = arith.constant 0 : i32
      %dma_wait3A_2129 = tpu.memref_slice %arg10[%dma_wait3A_2125, %dma_wait3A_2126, %dma_wait3A_2127, %dma_wait3A_2128] : memref<8x1x32x128xf32, #tpu.memory_space<vmem>> -> memref<1x1x32x128xf32, #tpu.memory_space<vmem>>
      %dma_wait3A_2130 = tpu.memref_squeeze %dma_wait3A_2129 : memref<1x1x32x128xf32, #tpu.memory_space<vmem>> -> memref<32x128xf32, #tpu.memory_space<vmem>>
      %dma_wait3A_2131 = arith.constant 0 : i32
      %dma_wait3A_2132 = arith.constant 0 : i32
      %dma_wait3A_2133 = tpu.memref_slice %arg4[%dma_wait3A_2131, %dma_wait3A_2132] : memref<32x1000001xf32, #tpu.memory_space<hbm>> -> memref<32x128xf32, #tpu.memory_space<hbm>>
      %dma_wait3A_2134 = arith.constant 0 : i32
      %dma_wait3A_2135 = arith.constant 0 : i32
      %dma_wait3A_2136 = tpu.memref_slice %arg10[%dma_wait3A_2125, %dma_wait3A_2126, %dma_wait3A_2134, %dma_wait3A_2135] : memref<8x1x32x128xf32, #tpu.memory_space<vmem>> -> memref<1x1x32x128xf32, #tpu.memory_space<vmem>>
      %dma_wait3A_2137 = tpu.memref_squeeze %dma_wait3A_2136 : memref<1x1x32x128xf32, #tpu.memory_space<vmem>> -> memref<32x128xf32, #tpu.memory_space<vmem>>
      %dma_wait3A_2138 = arith.constant 0 : i32
      %dma_wait3A_2139 = arith.constant 0 : i32
      %dma_wait3A_2140 = tpu.memref_slice %arg4[%dma_wait3A_2138, %dma_wait3A_2139] : memref<32x1000001xf32, #tpu.memory_space<hbm>> -> memref<32x128xf32, #tpu.memory_space<hbm>>
      tpu.wait_dma2 semaphore(%arg12 : memref<!tpu.dma_semaphore, #tpu.memory_space<semaphore_mem>>) src(%dma_wait3A_2140 : memref<32x128xf32, #tpu.memory_space<hbm>>) dst(%dma_wait3A_2137 : memref<32x128xf32, #tpu.memory_space<vmem>>)
      %slice3A_2141 = vector.extract_strided_slice %get3A_694 {offsets = [8], sizes = [1], strides = [1]} : vector<16xi32> to vector<1xi32>
      %squeeze3A_2142 = vector.extract %slice3A_2141[0] : i32 from vector<1xi32>
      %jit3A_2143 = arith.constant 128 : i32
      %eq3A_2144 = arith.constant 0 : i32
      %eq3A_2145 = arith.cmpi eq, %jit3A_2143, %eq3A_2144 : i32
      %jit3A_2146 = arith.constant 1 : i32
      %select_n3A_2147 = arith.select %eq3A_2145, %jit3A_2146, %jit3A_2143 : i32
      %rem3A_2148 = arith.remsi %squeeze3A_2142, %select_n3A_2147 : i32
      %ne3A_2149 = arith.constant 0 : i32
      %ne3A_2150 = arith.cmpi ne, %rem3A_2148, %ne3A_2149 : i32
      %lt3A_2151 = arith.constant 0 : i32
      %lt3A_2152 = arith.cmpi slt, %rem3A_2148, %lt3A_2151 : i32
      %lt3A_2153 = arith.constant 0 : i32
      %lt3A_2154 = arith.cmpi slt, %select_n3A_2147, %lt3A_2153 : i32
      %ne3A_2155 = arith.xori %lt3A_2152, %lt3A_2154 : i1
      %and3A_2156 = arith.andi %ne3A_2155, %ne3A_2150 : i1
      %add3A_2157 = arith.addi %rem3A_2148, %select_n3A_2147 : i32
      %select_n3A_2158 = arith.select %and3A_2156, %add3A_2157, %rem3A_2148 : i32
      %broadcast_in_dim3A_2159 = vector.broadcast %select_n3A_2158 : i32 to vector<16xi32>
      %slice3A_2160 = vector.extract_strided_slice %get3A_696 {offsets = [8], sizes = [1], strides = [1]} : vector<16xi32> to vector<1xi32>
      %squeeze3A_2161 = vector.extract %slice3A_2160[0] : i32 from vector<1xi32>
      %jit3A_2162 = arith.constant 128 : i32
      %eq3A_2163 = arith.constant 0 : i32
      %eq3A_2164 = arith.cmpi eq, %jit3A_2162, %eq3A_2163 : i32
      %jit3A_2165 = arith.constant 1 : i32
      %select_n3A_2166 = arith.select %eq3A_2164, %jit3A_2165, %jit3A_2162 : i32
      %rem3A_2167 = arith.remsi %squeeze3A_2161, %select_n3A_2166 : i32
      %ne3A_2168 = arith.constant 0 : i32
      %ne3A_2169 = arith.cmpi ne, %rem3A_2167, %ne3A_2168 : i32
      %lt3A_2170 = arith.constant 0 : i32
      %lt3A_2171 = arith.cmpi slt, %rem3A_2167, %lt3A_2170 : i32
      %lt3A_2172 = arith.constant 0 : i32
      %lt3A_2173 = arith.cmpi slt, %select_n3A_2166, %lt3A_2172 : i32
      %ne3A_2174 = arith.xori %lt3A_2171, %lt3A_2173 : i1
      %and3A_2175 = arith.andi %ne3A_2174, %ne3A_2169 : i1
      %add3A_2176 = arith.addi %rem3A_2167, %select_n3A_2166 : i32
      %select_n3A_2177 = arith.select %and3A_2175, %add3A_2176, %rem3A_2167 : i32
      %broadcast_in_dim3A_2178 = vector.broadcast %select_n3A_2177 : i32 to vector<16xi32>
      %broadcast_in_dim3A_2179 = arith.constant 0 : i32
      %broadcast_in_dim3A_2180 = vector.broadcast %broadcast_in_dim3A_2179 : i32 to vector<16xi32>
      %broadcast_in_dim3A_2181 = arith.constant 0 : i32
      %broadcast_in_dim3A_2182 = vector.broadcast %broadcast_in_dim3A_2181 : i32 to vector<16xi32>
      %gather3A_2183 = tpu.vector_load_idx %arg9[%broadcast_in_dim3A_2180, %broadcast_in_dim3A_2182, %iota3A, %broadcast_in_dim3A_2159] : memref<8x1x32x128xf32, #tpu.memory_space<vmem>>[vector<16xi32>, vector<16xi32>, vector<16xi32>, vector<16xi32>], vector<16xf32>,
      %gather3A_2184 = tpu.vector_load_idx %arg9[%broadcast_in_dim3A_2180, %broadcast_in_dim3A_2182, %add3A_5, %broadcast_in_dim3A_2159] : memref<8x1x32x128xf32, #tpu.memory_space<vmem>>[vector<16xi32>, vector<16xi32>, vector<16xi32>, vector<16xi32>], vector<16xf32>,
      %gather3A_2185 = tpu.vector_load_idx %arg10[%broadcast_in_dim3A_2180, %broadcast_in_dim3A_2182, %iota3A, %broadcast_in_dim3A_2178] : memref<8x1x32x128xf32, #tpu.memory_space<vmem>>[vector<16xi32>, vector<16xi32>, vector<16xi32>, vector<16xi32>], vector<16xf32>,
      %gather3A_2186 = tpu.vector_load_idx %arg10[%broadcast_in_dim3A_2180, %broadcast_in_dim3A_2182, %add3A_5, %broadcast_in_dim3A_2178] : memref<8x1x32x128xf32, #tpu.memory_space<vmem>>[vector<16xi32>, vector<16xi32>, vector<16xi32>, vector<16xi32>], vector<16xf32>,
      %mul3A_2187 = arith.mulf %gather3A_2183, %gather3A_2185 : vector<16xf32>
      %mul3A_2188 = arith.mulf %gather3A_2184, %gather3A_2186 : vector<16xf32>
      %add3A_2189 = arith.addf %mul3A_2187, %mul3A_2188 : vector<16xf32>
      %reduce_sum3A_2190 = arith.constant true
      %reduce_sum3A_2191 = vector.broadcast %reduce_sum3A_2190 : i1 to vector<16xi1>
      %reduce_sum3A_2192 = tpu.scan <sum>, %add3A_2189 masked %reduce_sum3A_2191 : vector<16xf32>, vector<16xi1> -> vector<16xf32>
      %reduce_sum3A_2193 = vector.extract %reduce_sum3A_2192[15] : f32 from vector<16xf32>
      %eq3A_2194 = arith.constant 8 : i32
      %eq3A_2195 = vector.broadcast %eq3A_2194 : i32 to vector<16xi32>
      %eq3A_2196 = arith.cmpi eq, %iota3A, %eq3A_2195 : vector<16xi32>
      %broadcast_in_dim3A_2197 = vector.broadcast %reduce_sum3A_2193 : f32 to vector<16xf32>
      %select_n3A_2198 = arith.select %eq3A_2196, %broadcast_in_dim3A_2197, %select_n3A_2022 : vector<16xi1>, vector<16xf32>
      %lt3A_2199 = arith.constant 31 : i32
      %lt3A_2200 = arith.cmpi slt, %scan3A_690, %lt3A_2199 : i32
      %convert_element_type3A = arith.extui %lt3A_2200 : i1 to i32
      %cond3A = arith.constant 0 : i32
      %cond3A_2201 = arith.cmpi ne, %convert_element_type3A, %cond3A : i32
      scf.if %cond3A_2201 {
        %slice3A_2868 = vector.extract_strided_slice %get3A_700 {offsets = [0], sizes = [1], strides = [1]} : vector<16xi32> to vector<1xi32>
        %squeeze3A_2869 = vector.extract %slice3A_2868[0] : i32 from vector<1xi32>
        %jit3A_2870 = arith.constant 128 : i32
        %div3A_2871 = arith.divsi %squeeze3A_2869, %jit3A_2870 : i32
        %sign3A_2872 = arith.constant 0 : i32
        %sign3A_2873 = arith.cmpi sgt, %squeeze3A_2869, %sign3A_2872 : i32
        %sign3A_2874 = arith.extui %sign3A_2873 : i1 to i32
        %sign3A_2875 = arith.constant 0 : i32
        %sign3A_2876 = arith.cmpi slt, %squeeze3A_2869, %sign3A_2875 : i32
        %sign3A_2877 = arith.extui %sign3A_2876 : i1 to i32
        %sign3A_2878 = arith.subi %sign3A_2874, %sign3A_2877 : i32
        %sign3A_2879 = arith.constant 0 : i32
        %sign3A_2880 = arith.cmpi sgt, %jit3A_2870, %sign3A_2879 : i32
        %sign3A_2881 = arith.extui %sign3A_2880 : i1 to i32
        %sign3A_2882 = arith.constant 0 : i32
        %sign3A_2883 = arith.cmpi slt, %jit3A_2870, %sign3A_2882 : i32
        %sign3A_2884 = arith.extui %sign3A_2883 : i1 to i32
        %sign3A_2885 = arith.subi %sign3A_2881, %sign3A_2884 : i32
        %ne3A_2886 = arith.cmpi ne, %sign3A_2878, %sign3A_2885 : i32
        %rem3A_2887 = arith.remsi %squeeze3A_2869, %jit3A_2870 : i32
        %ne3A_2888 = arith.constant 0 : i32
        %ne3A_2889 = arith.cmpi ne, %rem3A_2887, %ne3A_2888 : i32
        %and3A_2890 = arith.andi %ne3A_2886, %ne3A_2889 : i1
        %sub3A_2891 = arith.constant 1 : i32
        %sub3A_2892 = arith.subi %div3A_2871, %sub3A_2891 : i32
        %select_n3A_2893 = arith.select %and3A_2890, %sub3A_2892, %div3A_2871 : i32
        %mul3A_2894 = arith.constant 128 : i32
        %mul3A_2895 = arith.muli %select_n3A_2893, %mul3A_2894 : i32
        %multiple_of3A_2896 = tpu.assume_multiple %mul3A_2895, 128 : i32
        %slice3A_2897 = vector.extract_strided_slice %get3A_704 {offsets = [0], sizes = [1], strides = [1]} : vector<16xi32> to vector<1xi32>
        %squeeze3A_2898 = vector.extract %slice3A_2897[0] : i32 from vector<1xi32>
        %jit3A_2899 = arith.constant 128 : i32
        %div3A_2900 = arith.divsi %squeeze3A_2898, %jit3A_2899 : i32
        %sign3A_2901 = arith.constant 0 : i32
        %sign3A_2902 = arith.cmpi sgt, %squeeze3A_2898, %sign3A_2901 : i32
        %sign3A_2903 = arith.extui %sign3A_2902 : i1 to i32
        %sign3A_2904 = arith.constant 0 : i32
        %sign3A_2905 = arith.cmpi slt, %squeeze3A_2898, %sign3A_2904 : i32
        %sign3A_2906 = arith.extui %sign3A_2905 : i1 to i32
        %sign3A_2907 = arith.subi %sign3A_2903, %sign3A_2906 : i32
        %sign3A_2908 = arith.constant 0 : i32
        %sign3A_2909 = arith.cmpi sgt, %jit3A_2899, %sign3A_2908 : i32
        %sign3A_2910 = arith.extui %sign3A_2909 : i1 to i32
        %sign3A_2911 = arith.constant 0 : i32
        %sign3A_2912 = arith.cmpi slt, %jit3A_2899, %sign3A_2911 : i32
        %sign3A_2913 = arith.extui %sign3A_2912 : i1 to i32
        %sign3A_2914 = arith.subi %sign3A_2910, %sign3A_2913 : i32
        %ne3A_2915 = arith.cmpi ne, %sign3A_2907, %sign3A_2914 : i32
        %rem3A_2916 = arith.remsi %squeeze3A_2898, %jit3A_2899 : i32
        %ne3A_2917 = arith.constant 0 : i32
        %ne3A_2918 = arith.cmpi ne, %rem3A_2916, %ne3A_2917 : i32
        %and3A_2919 = arith.andi %ne3A_2915, %ne3A_2918 : i1
        %sub3A_2920 = arith.constant 1 : i32
        %sub3A_2921 = arith.subi %div3A_2900, %sub3A_2920 : i32
        %select_n3A_2922 = arith.select %and3A_2919, %sub3A_2921, %div3A_2900 : i32
        %mul3A_2923 = arith.constant 128 : i32
        %mul3A_2924 = arith.muli %select_n3A_2922, %mul3A_2923 : i32
        %multiple_of3A_2925 = tpu.assume_multiple %mul3A_2924, 128 : i32
        %dma_start3A_2926 = arith.constant 0 : i32
        %dma_start3A_2927 = arith.constant 0 : i32
        %dma_start3A_2928 = arith.constant 0 : i32
        %dma_start3A_2929 = arith.constant 0 : i32
        %dma_start3A_2930 = tpu.memref_slice %arg9[%dma_start3A_2926, %dma_start3A_2927, %dma_start3A_2928, %dma_start3A_2929] : memref<8x1x32x128xf32, #tpu.memory_space<vmem>> -> memref<1x1x32x128xf32, #tpu.memory_space<vmem>>
        %dma_start3A_2931 = tpu.memref_squeeze %dma_start3A_2930 : memref<1x1x32x128xf32, #tpu.memory_space<vmem>> -> memref<32x128xf32, #tpu.memory_space<vmem>>
        %dma_start3A_2932 = arith.constant 0 : i32
        %dma_start3A_2933 = tpu.memref_slice %arg4[%dma_start3A_2932, %multiple_of3A_2896] : memref<32x1000001xf32, #tpu.memory_space<hbm>> -> memref<32x128xf32, #tpu.memory_space<hbm>>
        %dma_start3A_2934 = arith.constant 0 : i32
        %dma_start3A_2935 = arith.constant 0 : i32
        %dma_start3A_2936 = tpu.memref_slice %arg9[%dma_start3A_2926, %dma_start3A_2927, %dma_start3A_2934, %dma_start3A_2935] : memref<8x1x32x128xf32, #tpu.memory_space<vmem>> -> memref<1x1x32x128xf32, #tpu.memory_space<vmem>>
        %dma_start3A_2937 = tpu.memref_squeeze %dma_start3A_2936 : memref<1x1x32x128xf32, #tpu.memory_space<vmem>> -> memref<32x128xf32, #tpu.memory_space<vmem>>
        %dma_start3A_2938 = arith.constant 0 : i32
        %dma_start3A_2939 = tpu.memref_slice %arg4[%dma_start3A_2938, %multiple_of3A_2896] : memref<32x1000001xf32, #tpu.memory_space<hbm>> -> memref<32x128xf32, #tpu.memory_space<hbm>>
        tpu.enqueue_dma source(%dma_start3A_2939 : memref<32x128xf32, #tpu.memory_space<hbm>>) target(%dma_start3A_2937 : memref<32x128xf32, #tpu.memory_space<vmem>>) target_semaphore(%arg12 : memref<!tpu.dma_semaphore, #tpu.memory_space<semaphore_mem>>)
        %dma_start3A_2940 = arith.constant 0 : i32
        %dma_start3A_2941 = arith.constant 0 : i32
        %dma_start3A_2942 = arith.constant 0 : i32
        %dma_start3A_2943 = arith.constant 0 : i32
        %dma_start3A_2944 = tpu.memref_slice %arg10[%dma_start3A_2940, %dma_start3A_2941, %dma_start3A_2942, %dma_start3A_2943] : memref<8x1x32x128xf32, #tpu.memory_space<vmem>> -> memref<1x1x32x128xf32, #tpu.memory_space<vmem>>
        %dma_start3A_2945 = tpu.memref_squeeze %dma_start3A_2944 : memref<1x1x32x128xf32, #tpu.memory_space<vmem>> -> memref<32x128xf32, #tpu.memory_space<vmem>>
        %dma_start3A_2946 = arith.constant 0 : i32
        %dma_start3A_2947 = tpu.memref_slice %arg5[%dma_start3A_2946, %multiple_of3A_2925] : memref<32x1000001xf32, #tpu.memory_space<hbm>> -> memref<32x128xf32, #tpu.memory_space<hbm>>
        %dma_start3A_2948 = arith.constant 0 : i32
        %dma_start3A_2949 = arith.constant 0 : i32
        %dma_start3A_2950 = tpu.memref_slice %arg10[%dma_start3A_2940, %dma_start3A_2941, %dma_start3A_2948, %dma_start3A_2949] : memref<8x1x32x128xf32, #tpu.memory_space<vmem>> -> memref<1x1x32x128xf32, #tpu.memory_space<vmem>>
        %dma_start3A_2951 = tpu.memref_squeeze %dma_start3A_2950 : memref<1x1x32x128xf32, #tpu.memory_space<vmem>> -> memref<32x128xf32, #tpu.memory_space<vmem>>
        %dma_start3A_2952 = arith.constant 0 : i32
        %dma_start3A_2953 = tpu.memref_slice %arg5[%dma_start3A_2952, %multiple_of3A_2925] : memref<32x1000001xf32, #tpu.memory_space<hbm>> -> memref<32x128xf32, #tpu.memory_space<hbm>>
        tpu.enqueue_dma source(%dma_start3A_2953 : memref<32x128xf32, #tpu.memory_space<hbm>>) target(%dma_start3A_2951 : memref<32x128xf32, #tpu.memory_space<vmem>>) target_semaphore(%arg12 : memref<!tpu.dma_semaphore, #tpu.memory_space<semaphore_mem>>)
      } else {
      }
      %dma_wait3A_2202 = arith.constant 1 : i32
      %dma_wait3A_2203 = arith.constant 0 : i32
      %dma_wait3A_2204 = arith.constant 0 : i32
      %dma_wait3A_2205 = arith.constant 0 : i32
      %dma_wait3A_2206 = tpu.memref_slice %arg9[%dma_wait3A_2202, %dma_wait3A_2203, %dma_wait3A_2204, %dma_wait3A_2205] : memref<8x1x32x128xf32, #tpu.memory_space<vmem>> -> memref<1x1x32x128xf32, #tpu.memory_space<vmem>>
      %dma_wait3A_2207 = tpu.memref_squeeze %dma_wait3A_2206 : memref<1x1x32x128xf32, #tpu.memory_space<vmem>> -> memref<32x128xf32, #tpu.memory_space<vmem>>
      %dma_wait3A_2208 = arith.constant 0 : i32
      %dma_wait3A_2209 = arith.constant 0 : i32
      %dma_wait3A_2210 = tpu.memref_slice %arg4[%dma_wait3A_2208, %dma_wait3A_2209] : memref<32x1000001xf32, #tpu.memory_space<hbm>> -> memref<32x128xf32, #tpu.memory_space<hbm>>
      %dma_wait3A_2211 = arith.constant 0 : i32
      %dma_wait3A_2212 = arith.constant 0 : i32
      %dma_wait3A_2213 = tpu.memref_slice %arg9[%dma_wait3A_2202, %dma_wait3A_2203, %dma_wait3A_2211, %dma_wait3A_2212] : memref<8x1x32x128xf32, #tpu.memory_space<vmem>> -> memref<1x1x32x128xf32, #tpu.memory_space<vmem>>
      %dma_wait3A_2214 = tpu.memref_squeeze %dma_wait3A_2213 : memref<1x1x32x128xf32, #tpu.memory_space<vmem>> -> memref<32x128xf32, #tpu.memory_space<vmem>>
      %dma_wait3A_2215 = arith.constant 0 : i32
      %dma_wait3A_2216 = arith.constant 0 : i32
      %dma_wait3A_2217 = tpu.memref_slice %arg4[%dma_wait3A_2215, %dma_wait3A_2216] : memref<32x1000001xf32, #tpu.memory_space<hbm>> -> memref<32x128xf32, #tpu.memory_space<hbm>>
      tpu.wait_dma2 semaphore(%arg13 : memref<!tpu.dma_semaphore, #tpu.memory_space<semaphore_mem>>) src(%dma_wait3A_2217 : memref<32x128xf32, #tpu.memory_space<hbm>>) dst(%dma_wait3A_2214 : memref<32x128xf32, #tpu.memory_space<vmem>>)
      %dma_wait3A_2218 = arith.constant 1 : i32
      %dma_wait3A_2219 = arith.constant 0 : i32
      %dma_wait3A_2220 = arith.constant 0 : i32
      %dma_wait3A_2221 = arith.constant 0 : i32
      %dma_wait3A_2222 = tpu.memref_slice %arg10[%dma_wait3A_2218, %dma_wait3A_2219, %dma_wait3A_2220, %dma_wait3A_2221] : memref<8x1x32x128xf32, #tpu.memory_space<vmem>> -> memref<1x1x32x128xf32, #tpu.memory_space<vmem>>
      %dma_wait3A_2223 = tpu.memref_squeeze %dma_wait3A_2222 : memref<1x1x32x128xf32, #tpu.memory_space<vmem>> -> memref<32x128xf32, #tpu.memory_space<vmem>>
      %dma_wait3A_2224 = arith.constant 0 : i32
      %dma_wait3A_2225 = arith.constant 0 : i32
      %dma_wait3A_2226 = tpu.memref_slice %arg4[%dma_wait3A_2224, %dma_wait3A_2225] : memref<32x1000001xf32, #tpu.memory_space<hbm>> -> memref<32x128xf32, #tpu.memory_space<hbm>>
      %dma_wait3A_2227 = arith.constant 0 : i32
      %dma_wait3A_2228 = arith.constant 0 : i32
      %dma_wait3A_2229 = tpu.memref_slice %arg10[%dma_wait3A_2218, %dma_wait3A_2219, %dma_wait3A_2227, %dma_wait3A_2228] : memref<8x1x32x128xf32, #tpu.memory_space<vmem>> -> memref<1x1x32x128xf32, #tpu.memory_space<vmem>>
      %dma_wait3A_2230 = tpu.memref_squeeze %dma_wait3A_2229 : memref<1x1x32x128xf32, #tpu.memory_space<vmem>> -> memref<32x128xf32, #tpu.memory_space<vmem>>
      %dma_wait3A_2231 = arith.constant 0 : i32
      %dma_wait3A_2232 = arith.constant 0 : i32
      %dma_wait3A_2233 = tpu.memref_slice %arg4[%dma_wait3A_2231, %dma_wait3A_2232] : memref<32x1000001xf32, #tpu.memory_space<hbm>> -> memref<32x128xf32, #tpu.memory_space<hbm>>
      tpu.wait_dma2 semaphore(%arg13 : memref<!tpu.dma_semaphore, #tpu.memory_space<semaphore_mem>>) src(%dma_wait3A_2233 : memref<32x128xf32, #tpu.memory_space<hbm>>) dst(%dma_wait3A_2230 : memref<32x128xf32, #tpu.memory_space<vmem>>)
      %slice3A_2234 = vector.extract_strided_slice %get3A_694 {offsets = [9], sizes = [1], strides = [1]} : vector<16xi32> to vector<1xi32>
      %squeeze3A_2235 = vector.extract %slice3A_2234[0] : i32 from vector<1xi32>
      %jit3A_2236 = arith.constant 128 : i32
      %eq3A_2237 = arith.constant 0 : i32
      %eq3A_2238 = arith.cmpi eq, %jit3A_2236, %eq3A_2237 : i32
      %jit3A_2239 = arith.constant 1 : i32
      %select_n3A_2240 = arith.select %eq3A_2238, %jit3A_2239, %jit3A_2236 : i32
      %rem3A_2241 = arith.remsi %squeeze3A_2235, %select_n3A_2240 : i32
      %ne3A_2242 = arith.constant 0 : i32
      %ne3A_2243 = arith.cmpi ne, %rem3A_2241, %ne3A_2242 : i32
      %lt3A_2244 = arith.constant 0 : i32
      %lt3A_2245 = arith.cmpi slt, %rem3A_2241, %lt3A_2244 : i32
      %lt3A_2246 = arith.constant 0 : i32
      %lt3A_2247 = arith.cmpi slt, %select_n3A_2240, %lt3A_2246 : i32
      %ne3A_2248 = arith.xori %lt3A_2245, %lt3A_2247 : i1
      %and3A_2249 = arith.andi %ne3A_2248, %ne3A_2243 : i1
      %add3A_2250 = arith.addi %rem3A_2241, %select_n3A_2240 : i32
      %select_n3A_2251 = arith.select %and3A_2249, %add3A_2250, %rem3A_2241 : i32
      %broadcast_in_dim3A_2252 = vector.broadcast %select_n3A_2251 : i32 to vector<16xi32>
      %slice3A_2253 = vector.extract_strided_slice %get3A_696 {offsets = [9], sizes = [1], strides = [1]} : vector<16xi32> to vector<1xi32>
      %squeeze3A_2254 = vector.extract %slice3A_2253[0] : i32 from vector<1xi32>
      %jit3A_2255 = arith.constant 128 : i32
      %eq3A_2256 = arith.constant 0 : i32
      %eq3A_2257 = arith.cmpi eq, %jit3A_2255, %eq3A_2256 : i32
      %jit3A_2258 = arith.constant 1 : i32
      %select_n3A_2259 = arith.select %eq3A_2257, %jit3A_2258, %jit3A_2255 : i32
      %rem3A_2260 = arith.remsi %squeeze3A_2254, %select_n3A_2259 : i32
      %ne3A_2261 = arith.constant 0 : i32
      %ne3A_2262 = arith.cmpi ne, %rem3A_2260, %ne3A_2261 : i32
      %lt3A_2263 = arith.constant 0 : i32
      %lt3A_2264 = arith.cmpi slt, %rem3A_2260, %lt3A_2263 : i32
      %lt3A_2265 = arith.constant 0 : i32
      %lt3A_2266 = arith.cmpi slt, %select_n3A_2259, %lt3A_2265 : i32
      %ne3A_2267 = arith.xori %lt3A_2264, %lt3A_2266 : i1
      %and3A_2268 = arith.andi %ne3A_2267, %ne3A_2262 : i1
      %add3A_2269 = arith.addi %rem3A_2260, %select_n3A_2259 : i32
      %select_n3A_2270 = arith.select %and3A_2268, %add3A_2269, %rem3A_2260 : i32
      %broadcast_in_dim3A_2271 = vector.broadcast %select_n3A_2270 : i32 to vector<16xi32>
      %broadcast_in_dim3A_2272 = arith.constant 1 : i32
      %broadcast_in_dim3A_2273 = vector.broadcast %broadcast_in_dim3A_2272 : i32 to vector<16xi32>
      %broadcast_in_dim3A_2274 = arith.constant 0 : i32
      %broadcast_in_dim3A_2275 = vector.broadcast %broadcast_in_dim3A_2274 : i32 to vector<16xi32>
      %gather3A_2276 = tpu.vector_load_idx %arg9[%broadcast_in_dim3A_2273, %broadcast_in_dim3A_2275, %iota3A, %broadcast_in_dim3A_2252] : memref<8x1x32x128xf32, #tpu.memory_space<vmem>>[vector<16xi32>, vector<16xi32>, vector<16xi32>, vector<16xi32>], vector<16xf32>,
      %gather3A_2277 = tpu.vector_load_idx %arg9[%broadcast_in_dim3A_2273, %broadcast_in_dim3A_2275, %add3A_5, %broadcast_in_dim3A_2252] : memref<8x1x32x128xf32, #tpu.memory_space<vmem>>[vector<16xi32>, vector<16xi32>, vector<16xi32>, vector<16xi32>], vector<16xf32>,
      %gather3A_2278 = tpu.vector_load_idx %arg10[%broadcast_in_dim3A_2273, %broadcast_in_dim3A_2275, %iota3A, %broadcast_in_dim3A_2271] : memref<8x1x32x128xf32, #tpu.memory_space<vmem>>[vector<16xi32>, vector<16xi32>, vector<16xi32>, vector<16xi32>], vector<16xf32>,
      %gather3A_2279 = tpu.vector_load_idx %arg10[%broadcast_in_dim3A_2273, %broadcast_in_dim3A_2275, %add3A_5, %broadcast_in_dim3A_2271] : memref<8x1x32x128xf32, #tpu.memory_space<vmem>>[vector<16xi32>, vector<16xi32>, vector<16xi32>, vector<16xi32>], vector<16xf32>,
      %mul3A_2280 = arith.mulf %gather3A_2276, %gather3A_2278 : vector<16xf32>
      %mul3A_2281 = arith.mulf %gather3A_2277, %gather3A_2279 : vector<16xf32>
      %add3A_2282 = arith.addf %mul3A_2280, %mul3A_2281 : vector<16xf32>
      %reduce_sum3A_2283 = arith.constant true
      %reduce_sum3A_2284 = vector.broadcast %reduce_sum3A_2283 : i1 to vector<16xi1>
      %reduce_sum3A_2285 = tpu.scan <sum>, %add3A_2282 masked %reduce_sum3A_2284 : vector<16xf32>, vector<16xi1> -> vector<16xf32>
      %reduce_sum3A_2286 = vector.extract %reduce_sum3A_2285[15] : f32 from vector<16xf32>
      %eq3A_2287 = arith.constant 9 : i32
      %eq3A_2288 = vector.broadcast %eq3A_2287 : i32 to vector<16xi32>
      %eq3A_2289 = arith.cmpi eq, %iota3A, %eq3A_2288 : vector<16xi32>
      %broadcast_in_dim3A_2290 = vector.broadcast %reduce_sum3A_2286 : f32 to vector<16xf32>
      %select_n3A_2291 = arith.select %eq3A_2289, %broadcast_in_dim3A_2290, %select_n3A_2198 : vector<16xi1>, vector<16xf32>
      %lt3A_2292 = arith.constant 31 : i32
      %lt3A_2293 = arith.cmpi slt, %scan3A_690, %lt3A_2292 : i32
      %convert_element_type3A_2294 = arith.extui %lt3A_2293 : i1 to i32
      %cond3A_2295 = arith.constant 0 : i32
      %cond3A_2296 = arith.cmpi ne, %convert_element_type3A_2294, %cond3A_2295 : i32
      scf.if %cond3A_2296 {
        %slice3A_2868 = vector.extract_strided_slice %get3A_700 {offsets = [1], sizes = [1], strides = [1]} : vector<16xi32> to vector<1xi32>
        %squeeze3A_2869 = vector.extract %slice3A_2868[0] : i32 from vector<1xi32>
        %jit3A_2870 = arith.constant 128 : i32
        %div3A_2871 = arith.divsi %squeeze3A_2869, %jit3A_2870 : i32
        %sign3A_2872 = arith.constant 0 : i32
        %sign3A_2873 = arith.cmpi sgt, %squeeze3A_2869, %sign3A_2872 : i32
        %sign3A_2874 = arith.extui %sign3A_2873 : i1 to i32
        %sign3A_2875 = arith.constant 0 : i32
        %sign3A_2876 = arith.cmpi slt, %squeeze3A_2869, %sign3A_2875 : i32
        %sign3A_2877 = arith.extui %sign3A_2876 : i1 to i32
        %sign3A_2878 = arith.subi %sign3A_2874, %sign3A_2877 : i32
        %sign3A_2879 = arith.constant 0 : i32
        %sign3A_2880 = arith.cmpi sgt, %jit3A_2870, %sign3A_2879 : i32
        %sign3A_2881 = arith.extui %sign3A_2880 : i1 to i32
        %sign3A_2882 = arith.constant 0 : i32
        %sign3A_2883 = arith.cmpi slt, %jit3A_2870, %sign3A_2882 : i32
        %sign3A_2884 = arith.extui %sign3A_2883 : i1 to i32
        %sign3A_2885 = arith.subi %sign3A_2881, %sign3A_2884 : i32
        %ne3A_2886 = arith.cmpi ne, %sign3A_2878, %sign3A_2885 : i32
        %rem3A_2887 = arith.remsi %squeeze3A_2869, %jit3A_2870 : i32
        %ne3A_2888 = arith.constant 0 : i32
        %ne3A_2889 = arith.cmpi ne, %rem3A_2887, %ne3A_2888 : i32
        %and3A_2890 = arith.andi %ne3A_2886, %ne3A_2889 : i1
        %sub3A_2891 = arith.constant 1 : i32
        %sub3A_2892 = arith.subi %div3A_2871, %sub3A_2891 : i32
        %select_n3A_2893 = arith.select %and3A_2890, %sub3A_2892, %div3A_2871 : i32
        %mul3A_2894 = arith.constant 128 : i32
        %mul3A_2895 = arith.muli %select_n3A_2893, %mul3A_2894 : i32
        %multiple_of3A_2896 = tpu.assume_multiple %mul3A_2895, 128 : i32
        %slice3A_2897 = vector.extract_strided_slice %get3A_704 {offsets = [1], sizes = [1], strides = [1]} : vector<16xi32> to vector<1xi32>
        %squeeze3A_2898 = vector.extract %slice3A_2897[0] : i32 from vector<1xi32>
        %jit3A_2899 = arith.constant 128 : i32
        %div3A_2900 = arith.divsi %squeeze3A_2898, %jit3A_2899 : i32
        %sign3A_2901 = arith.constant 0 : i32
        %sign3A_2902 = arith.cmpi sgt, %squeeze3A_2898, %sign3A_2901 : i32
        %sign3A_2903 = arith.extui %sign3A_2902 : i1 to i32
        %sign3A_2904 = arith.constant 0 : i32
        %sign3A_2905 = arith.cmpi slt, %squeeze3A_2898, %sign3A_2904 : i32
        %sign3A_2906 = arith.extui %sign3A_2905 : i1 to i32
        %sign3A_2907 = arith.subi %sign3A_2903, %sign3A_2906 : i32
        %sign3A_2908 = arith.constant 0 : i32
        %sign3A_2909 = arith.cmpi sgt, %jit3A_2899, %sign3A_2908 : i32
        %sign3A_2910 = arith.extui %sign3A_2909 : i1 to i32
        %sign3A_2911 = arith.constant 0 : i32
        %sign3A_2912 = arith.cmpi slt, %jit3A_2899, %sign3A_2911 : i32
        %sign3A_2913 = arith.extui %sign3A_2912 : i1 to i32
        %sign3A_2914 = arith.subi %sign3A_2910, %sign3A_2913 : i32
        %ne3A_2915 = arith.cmpi ne, %sign3A_2907, %sign3A_2914 : i32
        %rem3A_2916 = arith.remsi %squeeze3A_2898, %jit3A_2899 : i32
        %ne3A_2917 = arith.constant 0 : i32
        %ne3A_2918 = arith.cmpi ne, %rem3A_2916, %ne3A_2917 : i32
        %and3A_2919 = arith.andi %ne3A_2915, %ne3A_2918 : i1
        %sub3A_2920 = arith.constant 1 : i32
        %sub3A_2921 = arith.subi %div3A_2900, %sub3A_2920 : i32
        %select_n3A_2922 = arith.select %and3A_2919, %sub3A_2921, %div3A_2900 : i32
        %mul3A_2923 = arith.constant 128 : i32
        %mul3A_2924 = arith.muli %select_n3A_2922, %mul3A_2923 : i32
        %multiple_of3A_2925 = tpu.assume_multiple %mul3A_2924, 128 : i32
        %dma_start3A_2926 = arith.constant 1 : i32
        %dma_start3A_2927 = arith.constant 0 : i32
        %dma_start3A_2928 = arith.constant 0 : i32
        %dma_start3A_2929 = arith.constant 0 : i32
        %dma_start3A_2930 = tpu.memref_slice %arg9[%dma_start3A_2926, %dma_start3A_2927, %dma_start3A_2928, %dma_start3A_2929] : memref<8x1x32x128xf32, #tpu.memory_space<vmem>> -> memref<1x1x32x128xf32, #tpu.memory_space<vmem>>
        %dma_start3A_2931 = tpu.memref_squeeze %dma_start3A_2930 : memref<1x1x32x128xf32, #tpu.memory_space<vmem>> -> memref<32x128xf32, #tpu.memory_space<vmem>>
        %dma_start3A_2932 = arith.constant 0 : i32
        %dma_start3A_2933 = tpu.memref_slice %arg4[%dma_start3A_2932, %multiple_of3A_2896] : memref<32x1000001xf32, #tpu.memory_space<hbm>> -> memref<32x128xf32, #tpu.memory_space<hbm>>
        %dma_start3A_2934 = arith.constant 0 : i32
        %dma_start3A_2935 = arith.constant 0 : i32
        %dma_start3A_2936 = tpu.memref_slice %arg9[%dma_start3A_2926, %dma_start3A_2927, %dma_start3A_2934, %dma_start3A_2935] : memref<8x1x32x128xf32, #tpu.memory_space<vmem>> -> memref<1x1x32x128xf32, #tpu.memory_space<vmem>>
        %dma_start3A_2937 = tpu.memref_squeeze %dma_start3A_2936 : memref<1x1x32x128xf32, #tpu.memory_space<vmem>> -> memref<32x128xf32, #tpu.memory_space<vmem>>
        %dma_start3A_2938 = arith.constant 0 : i32
        %dma_start3A_2939 = tpu.memref_slice %arg4[%dma_start3A_2938, %multiple_of3A_2896] : memref<32x1000001xf32, #tpu.memory_space<hbm>> -> memref<32x128xf32, #tpu.memory_space<hbm>>
        tpu.enqueue_dma source(%dma_start3A_2939 : memref<32x128xf32, #tpu.memory_space<hbm>>) target(%dma_start3A_2937 : memref<32x128xf32, #tpu.memory_space<vmem>>) target_semaphore(%arg13 : memref<!tpu.dma_semaphore, #tpu.memory_space<semaphore_mem>>)
        %dma_start3A_2940 = arith.constant 1 : i32
        %dma_start3A_2941 = arith.constant 0 : i32
        %dma_start3A_2942 = arith.constant 0 : i32
        %dma_start3A_2943 = arith.constant 0 : i32
        %dma_start3A_2944 = tpu.memref_slice %arg10[%dma_start3A_2940, %dma_start3A_2941, %dma_start3A_2942, %dma_start3A_2943] : memref<8x1x32x128xf32, #tpu.memory_space<vmem>> -> memref<1x1x32x128xf32, #tpu.memory_space<vmem>>
        %dma_start3A_2945 = tpu.memref_squeeze %dma_start3A_2944 : memref<1x1x32x128xf32, #tpu.memory_space<vmem>> -> memref<32x128xf32, #tpu.memory_space<vmem>>
        %dma_start3A_2946 = arith.constant 0 : i32
        %dma_start3A_2947 = tpu.memref_slice %arg5[%dma_start3A_2946, %multiple_of3A_2925] : memref<32x1000001xf32, #tpu.memory_space<hbm>> -> memref<32x128xf32, #tpu.memory_space<hbm>>
        %dma_start3A_2948 = arith.constant 0 : i32
        %dma_start3A_2949 = arith.constant 0 : i32
        %dma_start3A_2950 = tpu.memref_slice %arg10[%dma_start3A_2940, %dma_start3A_2941, %dma_start3A_2948, %dma_start3A_2949] : memref<8x1x32x128xf32, #tpu.memory_space<vmem>> -> memref<1x1x32x128xf32, #tpu.memory_space<vmem>>
        %dma_start3A_2951 = tpu.memref_squeeze %dma_start3A_2950 : memref<1x1x32x128xf32, #tpu.memory_space<vmem>> -> memref<32x128xf32, #tpu.memory_space<vmem>>
        %dma_start3A_2952 = arith.constant 0 : i32
        %dma_start3A_2953 = tpu.memref_slice %arg5[%dma_start3A_2952, %multiple_of3A_2925] : memref<32x1000001xf32, #tpu.memory_space<hbm>> -> memref<32x128xf32, #tpu.memory_space<hbm>>
        tpu.enqueue_dma source(%dma_start3A_2953 : memref<32x128xf32, #tpu.memory_space<hbm>>) target(%dma_start3A_2951 : memref<32x128xf32, #tpu.memory_space<vmem>>) target_semaphore(%arg13 : memref<!tpu.dma_semaphore, #tpu.memory_space<semaphore_mem>>)
      } else {
      }
      %dma_wait3A_2297 = arith.constant 2 : i32
      %dma_wait3A_2298 = arith.constant 0 : i32
      %dma_wait3A_2299 = arith.constant 0 : i32
      %dma_wait3A_2300 = arith.constant 0 : i32
      %dma_wait3A_2301 = tpu.memref_slice %arg9[%dma_wait3A_2297, %dma_wait3A_2298, %dma_wait3A_2299, %dma_wait3A_2300] : memref<8x1x32x128xf32, #tpu.memory_space<vmem>> -> memref<1x1x32x128xf32, #tpu.memory_space<vmem>>
      %dma_wait3A_2302 = tpu.memref_squeeze %dma_wait3A_2301 : memref<1x1x32x128xf32, #tpu.memory_space<vmem>> -> memref<32x128xf32, #tpu.memory_space<vmem>>
      %dma_wait3A_2303 = arith.constant 0 : i32
      %dma_wait3A_2304 = arith.constant 0 : i32
      %dma_wait3A_2305 = tpu.memref_slice %arg4[%dma_wait3A_2303, %dma_wait3A_2304] : memref<32x1000001xf32, #tpu.memory_space<hbm>> -> memref<32x128xf32, #tpu.memory_space<hbm>>
      %dma_wait3A_2306 = arith.constant 0 : i32
      %dma_wait3A_2307 = arith.constant 0 : i32
      %dma_wait3A_2308 = tpu.memref_slice %arg9[%dma_wait3A_2297, %dma_wait3A_2298, %dma_wait3A_2306, %dma_wait3A_2307] : memref<8x1x32x128xf32, #tpu.memory_space<vmem>> -> memref<1x1x32x128xf32, #tpu.memory_space<vmem>>
      %dma_wait3A_2309 = tpu.memref_squeeze %dma_wait3A_2308 : memref<1x1x32x128xf32, #tpu.memory_space<vmem>> -> memref<32x128xf32, #tpu.memory_space<vmem>>
      %dma_wait3A_2310 = arith.constant 0 : i32
      %dma_wait3A_2311 = arith.constant 0 : i32
      %dma_wait3A_2312 = tpu.memref_slice %arg4[%dma_wait3A_2310, %dma_wait3A_2311] : memref<32x1000001xf32, #tpu.memory_space<hbm>> -> memref<32x128xf32, #tpu.memory_space<hbm>>
      tpu.wait_dma2 semaphore(%arg14 : memref<!tpu.dma_semaphore, #tpu.memory_space<semaphore_mem>>) src(%dma_wait3A_2312 : memref<32x128xf32, #tpu.memory_space<hbm>>) dst(%dma_wait3A_2309 : memref<32x128xf32, #tpu.memory_space<vmem>>)
      %dma_wait3A_2313 = arith.constant 2 : i32
      %dma_wait3A_2314 = arith.constant 0 : i32
      %dma_wait3A_2315 = arith.constant 0 : i32
      %dma_wait3A_2316 = arith.constant 0 : i32
      %dma_wait3A_2317 = tpu.memref_slice %arg10[%dma_wait3A_2313, %dma_wait3A_2314, %dma_wait3A_2315, %dma_wait3A_2316] : memref<8x1x32x128xf32, #tpu.memory_space<vmem>> -> memref<1x1x32x128xf32, #tpu.memory_space<vmem>>
      %dma_wait3A_2318 = tpu.memref_squeeze %dma_wait3A_2317 : memref<1x1x32x128xf32, #tpu.memory_space<vmem>> -> memref<32x128xf32, #tpu.memory_space<vmem>>
      %dma_wait3A_2319 = arith.constant 0 : i32
      %dma_wait3A_2320 = arith.constant 0 : i32
      %dma_wait3A_2321 = tpu.memref_slice %arg4[%dma_wait3A_2319, %dma_wait3A_2320] : memref<32x1000001xf32, #tpu.memory_space<hbm>> -> memref<32x128xf32, #tpu.memory_space<hbm>>
      %dma_wait3A_2322 = arith.constant 0 : i32
      %dma_wait3A_2323 = arith.constant 0 : i32
      %dma_wait3A_2324 = tpu.memref_slice %arg10[%dma_wait3A_2313, %dma_wait3A_2314, %dma_wait3A_2322, %dma_wait3A_2323] : memref<8x1x32x128xf32, #tpu.memory_space<vmem>> -> memref<1x1x32x128xf32, #tpu.memory_space<vmem>>
      %dma_wait3A_2325 = tpu.memref_squeeze %dma_wait3A_2324 : memref<1x1x32x128xf32, #tpu.memory_space<vmem>> -> memref<32x128xf32, #tpu.memory_space<vmem>>
      %dma_wait3A_2326 = arith.constant 0 : i32
      %dma_wait3A_2327 = arith.constant 0 : i32
      %dma_wait3A_2328 = tpu.memref_slice %arg4[%dma_wait3A_2326, %dma_wait3A_2327] : memref<32x1000001xf32, #tpu.memory_space<hbm>> -> memref<32x128xf32, #tpu.memory_space<hbm>>
      tpu.wait_dma2 semaphore(%arg14 : memref<!tpu.dma_semaphore, #tpu.memory_space<semaphore_mem>>) src(%dma_wait3A_2328 : memref<32x128xf32, #tpu.memory_space<hbm>>) dst(%dma_wait3A_2325 : memref<32x128xf32, #tpu.memory_space<vmem>>)
      %slice3A_2329 = vector.extract_strided_slice %get3A_694 {offsets = [10], sizes = [1], strides = [1]} : vector<16xi32> to vector<1xi32>
      %squeeze3A_2330 = vector.extract %slice3A_2329[0] : i32 from vector<1xi32>
      %jit3A_2331 = arith.constant 128 : i32
      %eq3A_2332 = arith.constant 0 : i32
      %eq3A_2333 = arith.cmpi eq, %jit3A_2331, %eq3A_2332 : i32
      %jit3A_2334 = arith.constant 1 : i32
      %select_n3A_2335 = arith.select %eq3A_2333, %jit3A_2334, %jit3A_2331 : i32
      %rem3A_2336 = arith.remsi %squeeze3A_2330, %select_n3A_2335 : i32
      %ne3A_2337 = arith.constant 0 : i32
      %ne3A_2338 = arith.cmpi ne, %rem3A_2336, %ne3A_2337 : i32
      %lt3A_2339 = arith.constant 0 : i32
      %lt3A_2340 = arith.cmpi slt, %rem3A_2336, %lt3A_2339 : i32
      %lt3A_2341 = arith.constant 0 : i32
      %lt3A_2342 = arith.cmpi slt, %select_n3A_2335, %lt3A_2341 : i32
      %ne3A_2343 = arith.xori %lt3A_2340, %lt3A_2342 : i1
      %and3A_2344 = arith.andi %ne3A_2343, %ne3A_2338 : i1
      %add3A_2345 = arith.addi %rem3A_2336, %select_n3A_2335 : i32
      %select_n3A_2346 = arith.select %and3A_2344, %add3A_2345, %rem3A_2336 : i32
      %broadcast_in_dim3A_2347 = vector.broadcast %select_n3A_2346 : i32 to vector<16xi32>
      %slice3A_2348 = vector.extract_strided_slice %get3A_696 {offsets = [10], sizes = [1], strides = [1]} : vector<16xi32> to vector<1xi32>
      %squeeze3A_2349 = vector.extract %slice3A_2348[0] : i32 from vector<1xi32>
      %jit3A_2350 = arith.constant 128 : i32
      %eq3A_2351 = arith.constant 0 : i32
      %eq3A_2352 = arith.cmpi eq, %jit3A_2350, %eq3A_2351 : i32
      %jit3A_2353 = arith.constant 1 : i32
      %select_n3A_2354 = arith.select %eq3A_2352, %jit3A_2353, %jit3A_2350 : i32
      %rem3A_2355 = arith.remsi %squeeze3A_2349, %select_n3A_2354 : i32
      %ne3A_2356 = arith.constant 0 : i32
      %ne3A_2357 = arith.cmpi ne, %rem3A_2355, %ne3A_2356 : i32
      %lt3A_2358 = arith.constant 0 : i32
      %lt3A_2359 = arith.cmpi slt, %rem3A_2355, %lt3A_2358 : i32
      %lt3A_2360 = arith.constant 0 : i32
      %lt3A_2361 = arith.cmpi slt, %select_n3A_2354, %lt3A_2360 : i32
      %ne3A_2362 = arith.xori %lt3A_2359, %lt3A_2361 : i1
      %and3A_2363 = arith.andi %ne3A_2362, %ne3A_2357 : i1
      %add3A_2364 = arith.addi %rem3A_2355, %select_n3A_2354 : i32
      %select_n3A_2365 = arith.select %and3A_2363, %add3A_2364, %rem3A_2355 : i32
      %broadcast_in_dim3A_2366 = vector.broadcast %select_n3A_2365 : i32 to vector<16xi32>
      %broadcast_in_dim3A_2367 = arith.constant 2 : i32
      %broadcast_in_dim3A_2368 = vector.broadcast %broadcast_in_dim3A_2367 : i32 to vector<16xi32>
      %broadcast_in_dim3A_2369 = arith.constant 0 : i32
      %broadcast_in_dim3A_2370 = vector.broadcast %broadcast_in_dim3A_2369 : i32 to vector<16xi32>
      %gather3A_2371 = tpu.vector_load_idx %arg9[%broadcast_in_dim3A_2368, %broadcast_in_dim3A_2370, %iota3A, %broadcast_in_dim3A_2347] : memref<8x1x32x128xf32, #tpu.memory_space<vmem>>[vector<16xi32>, vector<16xi32>, vector<16xi32>, vector<16xi32>], vector<16xf32>,
      %gather3A_2372 = tpu.vector_load_idx %arg9[%broadcast_in_dim3A_2368, %broadcast_in_dim3A_2370, %add3A_5, %broadcast_in_dim3A_2347] : memref<8x1x32x128xf32, #tpu.memory_space<vmem>>[vector<16xi32>, vector<16xi32>, vector<16xi32>, vector<16xi32>], vector<16xf32>,
      %gather3A_2373 = tpu.vector_load_idx %arg10[%broadcast_in_dim3A_2368, %broadcast_in_dim3A_2370, %iota3A, %broadcast_in_dim3A_2366] : memref<8x1x32x128xf32, #tpu.memory_space<vmem>>[vector<16xi32>, vector<16xi32>, vector<16xi32>, vector<16xi32>], vector<16xf32>,
      %gather3A_2374 = tpu.vector_load_idx %arg10[%broadcast_in_dim3A_2368, %broadcast_in_dim3A_2370, %add3A_5, %broadcast_in_dim3A_2366] : memref<8x1x32x128xf32, #tpu.memory_space<vmem>>[vector<16xi32>, vector<16xi32>, vector<16xi32>, vector<16xi32>], vector<16xf32>,
      %mul3A_2375 = arith.mulf %gather3A_2371, %gather3A_2373 : vector<16xf32>
      %mul3A_2376 = arith.mulf %gather3A_2372, %gather3A_2374 : vector<16xf32>
      %add3A_2377 = arith.addf %mul3A_2375, %mul3A_2376 : vector<16xf32>
      %reduce_sum3A_2378 = arith.constant true
      %reduce_sum3A_2379 = vector.broadcast %reduce_sum3A_2378 : i1 to vector<16xi1>
      %reduce_sum3A_2380 = tpu.scan <sum>, %add3A_2377 masked %reduce_sum3A_2379 : vector<16xf32>, vector<16xi1> -> vector<16xf32>
      %reduce_sum3A_2381 = vector.extract %reduce_sum3A_2380[15] : f32 from vector<16xf32>
      %eq3A_2382 = arith.constant 10 : i32
      %eq3A_2383 = vector.broadcast %eq3A_2382 : i32 to vector<16xi32>
      %eq3A_2384 = arith.cmpi eq, %iota3A, %eq3A_2383 : vector<16xi32>
      %broadcast_in_dim3A_2385 = vector.broadcast %reduce_sum3A_2381 : f32 to vector<16xf32>
      %select_n3A_2386 = arith.select %eq3A_2384, %broadcast_in_dim3A_2385, %select_n3A_2291 : vector<16xi1>, vector<16xf32>
      %lt3A_2387 = arith.constant 31 : i32
      %lt3A_2388 = arith.cmpi slt, %scan3A_690, %lt3A_2387 : i32
      %convert_element_type3A_2389 = arith.extui %lt3A_2388 : i1 to i32
      %cond3A_2390 = arith.constant 0 : i32
      %cond3A_2391 = arith.cmpi ne, %convert_element_type3A_2389, %cond3A_2390 : i32
      scf.if %cond3A_2391 {
        %slice3A_2868 = vector.extract_strided_slice %get3A_700 {offsets = [2], sizes = [1], strides = [1]} : vector<16xi32> to vector<1xi32>
        %squeeze3A_2869 = vector.extract %slice3A_2868[0] : i32 from vector<1xi32>
        %jit3A_2870 = arith.constant 128 : i32
        %div3A_2871 = arith.divsi %squeeze3A_2869, %jit3A_2870 : i32
        %sign3A_2872 = arith.constant 0 : i32
        %sign3A_2873 = arith.cmpi sgt, %squeeze3A_2869, %sign3A_2872 : i32
        %sign3A_2874 = arith.extui %sign3A_2873 : i1 to i32
        %sign3A_2875 = arith.constant 0 : i32
        %sign3A_2876 = arith.cmpi slt, %squeeze3A_2869, %sign3A_2875 : i32
        %sign3A_2877 = arith.extui %sign3A_2876 : i1 to i32
        %sign3A_2878 = arith.subi %sign3A_2874, %sign3A_2877 : i32
        %sign3A_2879 = arith.constant 0 : i32
        %sign3A_2880 = arith.cmpi sgt, %jit3A_2870, %sign3A_2879 : i32
        %sign3A_2881 = arith.extui %sign3A_2880 : i1 to i32
        %sign3A_2882 = arith.constant 0 : i32
        %sign3A_2883 = arith.cmpi slt, %jit3A_2870, %sign3A_2882 : i32
        %sign3A_2884 = arith.extui %sign3A_2883 : i1 to i32
        %sign3A_2885 = arith.subi %sign3A_2881, %sign3A_2884 : i32
        %ne3A_2886 = arith.cmpi ne, %sign3A_2878, %sign3A_2885 : i32
        %rem3A_2887 = arith.remsi %squeeze3A_2869, %jit3A_2870 : i32
        %ne3A_2888 = arith.constant 0 : i32
        %ne3A_2889 = arith.cmpi ne, %rem3A_2887, %ne3A_2888 : i32
        %and3A_2890 = arith.andi %ne3A_2886, %ne3A_2889 : i1
        %sub3A_2891 = arith.constant 1 : i32
        %sub3A_2892 = arith.subi %div3A_2871, %sub3A_2891 : i32
        %select_n3A_2893 = arith.select %and3A_2890, %sub3A_2892, %div3A_2871 : i32
        %mul3A_2894 = arith.constant 128 : i32
        %mul3A_2895 = arith.muli %select_n3A_2893, %mul3A_2894 : i32
        %multiple_of3A_2896 = tpu.assume_multiple %mul3A_2895, 128 : i32
        %slice3A_2897 = vector.extract_strided_slice %get3A_704 {offsets = [2], sizes = [1], strides = [1]} : vector<16xi32> to vector<1xi32>
        %squeeze3A_2898 = vector.extract %slice3A_2897[0] : i32 from vector<1xi32>
        %jit3A_2899 = arith.constant 128 : i32
        %div3A_2900 = arith.divsi %squeeze3A_2898, %jit3A_2899 : i32
        %sign3A_2901 = arith.constant 0 : i32
        %sign3A_2902 = arith.cmpi sgt, %squeeze3A_2898, %sign3A_2901 : i32
        %sign3A_2903 = arith.extui %sign3A_2902 : i1 to i32
        %sign3A_2904 = arith.constant 0 : i32
        %sign3A_2905 = arith.cmpi slt, %squeeze3A_2898, %sign3A_2904 : i32
        %sign3A_2906 = arith.extui %sign3A_2905 : i1 to i32
        %sign3A_2907 = arith.subi %sign3A_2903, %sign3A_2906 : i32
        %sign3A_2908 = arith.constant 0 : i32
        %sign3A_2909 = arith.cmpi sgt, %jit3A_2899, %sign3A_2908 : i32
        %sign3A_2910 = arith.extui %sign3A_2909 : i1 to i32
        %sign3A_2911 = arith.constant 0 : i32
        %sign3A_2912 = arith.cmpi slt, %jit3A_2899, %sign3A_2911 : i32
        %sign3A_2913 = arith.extui %sign3A_2912 : i1 to i32
        %sign3A_2914 = arith.subi %sign3A_2910, %sign3A_2913 : i32
        %ne3A_2915 = arith.cmpi ne, %sign3A_2907, %sign3A_2914 : i32
        %rem3A_2916 = arith.remsi %squeeze3A_2898, %jit3A_2899 : i32
        %ne3A_2917 = arith.constant 0 : i32
        %ne3A_2918 = arith.cmpi ne, %rem3A_2916, %ne3A_2917 : i32
        %and3A_2919 = arith.andi %ne3A_2915, %ne3A_2918 : i1
        %sub3A_2920 = arith.constant 1 : i32
        %sub3A_2921 = arith.subi %div3A_2900, %sub3A_2920 : i32
        %select_n3A_2922 = arith.select %and3A_2919, %sub3A_2921, %div3A_2900 : i32
        %mul3A_2923 = arith.constant 128 : i32
        %mul3A_2924 = arith.muli %select_n3A_2922, %mul3A_2923 : i32
        %multiple_of3A_2925 = tpu.assume_multiple %mul3A_2924, 128 : i32
        %dma_start3A_2926 = arith.constant 2 : i32
        %dma_start3A_2927 = arith.constant 0 : i32
        %dma_start3A_2928 = arith.constant 0 : i32
        %dma_start3A_2929 = arith.constant 0 : i32
        %dma_start3A_2930 = tpu.memref_slice %arg9[%dma_start3A_2926, %dma_start3A_2927, %dma_start3A_2928, %dma_start3A_2929] : memref<8x1x32x128xf32, #tpu.memory_space<vmem>> -> memref<1x1x32x128xf32, #tpu.memory_space<vmem>>
        %dma_start3A_2931 = tpu.memref_squeeze %dma_start3A_2930 : memref<1x1x32x128xf32, #tpu.memory_space<vmem>> -> memref<32x128xf32, #tpu.memory_space<vmem>>
        %dma_start3A_2932 = arith.constant 0 : i32
        %dma_start3A_2933 = tpu.memref_slice %arg4[%dma_start3A_2932, %multiple_of3A_2896] : memref<32x1000001xf32, #tpu.memory_space<hbm>> -> memref<32x128xf32, #tpu.memory_space<hbm>>
        %dma_start3A_2934 = arith.constant 0 : i32
        %dma_start3A_2935 = arith.constant 0 : i32
        %dma_start3A_2936 = tpu.memref_slice %arg9[%dma_start3A_2926, %dma_start3A_2927, %dma_start3A_2934, %dma_start3A_2935] : memref<8x1x32x128xf32, #tpu.memory_space<vmem>> -> memref<1x1x32x128xf32, #tpu.memory_space<vmem>>
        %dma_start3A_2937 = tpu.memref_squeeze %dma_start3A_2936 : memref<1x1x32x128xf32, #tpu.memory_space<vmem>> -> memref<32x128xf32, #tpu.memory_space<vmem>>
        %dma_start3A_2938 = arith.constant 0 : i32
        %dma_start3A_2939 = tpu.memref_slice %arg4[%dma_start3A_2938, %multiple_of3A_2896] : memref<32x1000001xf32, #tpu.memory_space<hbm>> -> memref<32x128xf32, #tpu.memory_space<hbm>>
        tpu.enqueue_dma source(%dma_start3A_2939 : memref<32x128xf32, #tpu.memory_space<hbm>>) target(%dma_start3A_2937 : memref<32x128xf32, #tpu.memory_space<vmem>>) target_semaphore(%arg14 : memref<!tpu.dma_semaphore, #tpu.memory_space<semaphore_mem>>)
        %dma_start3A_2940 = arith.constant 2 : i32
        %dma_start3A_2941 = arith.constant 0 : i32
        %dma_start3A_2942 = arith.constant 0 : i32
        %dma_start3A_2943 = arith.constant 0 : i32
        %dma_start3A_2944 = tpu.memref_slice %arg10[%dma_start3A_2940, %dma_start3A_2941, %dma_start3A_2942, %dma_start3A_2943] : memref<8x1x32x128xf32, #tpu.memory_space<vmem>> -> memref<1x1x32x128xf32, #tpu.memory_space<vmem>>
        %dma_start3A_2945 = tpu.memref_squeeze %dma_start3A_2944 : memref<1x1x32x128xf32, #tpu.memory_space<vmem>> -> memref<32x128xf32, #tpu.memory_space<vmem>>
        %dma_start3A_2946 = arith.constant 0 : i32
        %dma_start3A_2947 = tpu.memref_slice %arg5[%dma_start3A_2946, %multiple_of3A_2925] : memref<32x1000001xf32, #tpu.memory_space<hbm>> -> memref<32x128xf32, #tpu.memory_space<hbm>>
        %dma_start3A_2948 = arith.constant 0 : i32
        %dma_start3A_2949 = arith.constant 0 : i32
        %dma_start3A_2950 = tpu.memref_slice %arg10[%dma_start3A_2940, %dma_start3A_2941, %dma_start3A_2948, %dma_start3A_2949] : memref<8x1x32x128xf32, #tpu.memory_space<vmem>> -> memref<1x1x32x128xf32, #tpu.memory_space<vmem>>
        %dma_start3A_2951 = tpu.memref_squeeze %dma_start3A_2950 : memref<1x1x32x128xf32, #tpu.memory_space<vmem>> -> memref<32x128xf32, #tpu.memory_space<vmem>>
        %dma_start3A_2952 = arith.constant 0 : i32
        %dma_start3A_2953 = tpu.memref_slice %arg5[%dma_start3A_2952, %multiple_of3A_2925] : memref<32x1000001xf32, #tpu.memory_space<hbm>> -> memref<32x128xf32, #tpu.memory_space<hbm>>
        tpu.enqueue_dma source(%dma_start3A_2953 : memref<32x128xf32, #tpu.memory_space<hbm>>) target(%dma_start3A_2951 : memref<32x128xf32, #tpu.memory_space<vmem>>) target_semaphore(%arg14 : memref<!tpu.dma_semaphore, #tpu.memory_space<semaphore_mem>>)
      } else {
      }
      %dma_wait3A_2392 = arith.constant 3 : i32
      %dma_wait3A_2393 = arith.constant 0 : i32
      %dma_wait3A_2394 = arith.constant 0 : i32
      %dma_wait3A_2395 = arith.constant 0 : i32
      %dma_wait3A_2396 = tpu.memref_slice %arg9[%dma_wait3A_2392, %dma_wait3A_2393, %dma_wait3A_2394, %dma_wait3A_2395] : memref<8x1x32x128xf32, #tpu.memory_space<vmem>> -> memref<1x1x32x128xf32, #tpu.memory_space<vmem>>
      %dma_wait3A_2397 = tpu.memref_squeeze %dma_wait3A_2396 : memref<1x1x32x128xf32, #tpu.memory_space<vmem>> -> memref<32x128xf32, #tpu.memory_space<vmem>>
      %dma_wait3A_2398 = arith.constant 0 : i32
      %dma_wait3A_2399 = arith.constant 0 : i32
      %dma_wait3A_2400 = tpu.memref_slice %arg4[%dma_wait3A_2398, %dma_wait3A_2399] : memref<32x1000001xf32, #tpu.memory_space<hbm>> -> memref<32x128xf32, #tpu.memory_space<hbm>>
      %dma_wait3A_2401 = arith.constant 0 : i32
      %dma_wait3A_2402 = arith.constant 0 : i32
      %dma_wait3A_2403 = tpu.memref_slice %arg9[%dma_wait3A_2392, %dma_wait3A_2393, %dma_wait3A_2401, %dma_wait3A_2402] : memref<8x1x32x128xf32, #tpu.memory_space<vmem>> -> memref<1x1x32x128xf32, #tpu.memory_space<vmem>>
      %dma_wait3A_2404 = tpu.memref_squeeze %dma_wait3A_2403 : memref<1x1x32x128xf32, #tpu.memory_space<vmem>> -> memref<32x128xf32, #tpu.memory_space<vmem>>
      %dma_wait3A_2405 = arith.constant 0 : i32
      %dma_wait3A_2406 = arith.constant 0 : i32
      %dma_wait3A_2407 = tpu.memref_slice %arg4[%dma_wait3A_2405, %dma_wait3A_2406] : memref<32x1000001xf32, #tpu.memory_space<hbm>> -> memref<32x128xf32, #tpu.memory_space<hbm>>
      tpu.wait_dma2 semaphore(%arg15 : memref<!tpu.dma_semaphore, #tpu.memory_space<semaphore_mem>>) src(%dma_wait3A_2407 : memref<32x128xf32, #tpu.memory_space<hbm>>) dst(%dma_wait3A_2404 : memref<32x128xf32, #tpu.memory_space<vmem>>)
      %dma_wait3A_2408 = arith.constant 3 : i32
      %dma_wait3A_2409 = arith.constant 0 : i32
      %dma_wait3A_2410 = arith.constant 0 : i32
      %dma_wait3A_2411 = arith.constant 0 : i32
      %dma_wait3A_2412 = tpu.memref_slice %arg10[%dma_wait3A_2408, %dma_wait3A_2409, %dma_wait3A_2410, %dma_wait3A_2411] : memref<8x1x32x128xf32, #tpu.memory_space<vmem>> -> memref<1x1x32x128xf32, #tpu.memory_space<vmem>>
      %dma_wait3A_2413 = tpu.memref_squeeze %dma_wait3A_2412 : memref<1x1x32x128xf32, #tpu.memory_space<vmem>> -> memref<32x128xf32, #tpu.memory_space<vmem>>
      %dma_wait3A_2414 = arith.constant 0 : i32
      %dma_wait3A_2415 = arith.constant 0 : i32
      %dma_wait3A_2416 = tpu.memref_slice %arg4[%dma_wait3A_2414, %dma_wait3A_2415] : memref<32x1000001xf32, #tpu.memory_space<hbm>> -> memref<32x128xf32, #tpu.memory_space<hbm>>
      %dma_wait3A_2417 = arith.constant 0 : i32
      %dma_wait3A_2418 = arith.constant 0 : i32
      %dma_wait3A_2419 = tpu.memref_slice %arg10[%dma_wait3A_2408, %dma_wait3A_2409, %dma_wait3A_2417, %dma_wait3A_2418] : memref<8x1x32x128xf32, #tpu.memory_space<vmem>> -> memref<1x1x32x128xf32, #tpu.memory_space<vmem>>
      %dma_wait3A_2420 = tpu.memref_squeeze %dma_wait3A_2419 : memref<1x1x32x128xf32, #tpu.memory_space<vmem>> -> memref<32x128xf32, #tpu.memory_space<vmem>>
      %dma_wait3A_2421 = arith.constant 0 : i32
      %dma_wait3A_2422 = arith.constant 0 : i32
      %dma_wait3A_2423 = tpu.memref_slice %arg4[%dma_wait3A_2421, %dma_wait3A_2422] : memref<32x1000001xf32, #tpu.memory_space<hbm>> -> memref<32x128xf32, #tpu.memory_space<hbm>>
      tpu.wait_dma2 semaphore(%arg15 : memref<!tpu.dma_semaphore, #tpu.memory_space<semaphore_mem>>) src(%dma_wait3A_2423 : memref<32x128xf32, #tpu.memory_space<hbm>>) dst(%dma_wait3A_2420 : memref<32x128xf32, #tpu.memory_space<vmem>>)
      %slice3A_2424 = vector.extract_strided_slice %get3A_694 {offsets = [11], sizes = [1], strides = [1]} : vector<16xi32> to vector<1xi32>
      %squeeze3A_2425 = vector.extract %slice3A_2424[0] : i32 from vector<1xi32>
      %jit3A_2426 = arith.constant 128 : i32
      %eq3A_2427 = arith.constant 0 : i32
      %eq3A_2428 = arith.cmpi eq, %jit3A_2426, %eq3A_2427 : i32
      %jit3A_2429 = arith.constant 1 : i32
      %select_n3A_2430 = arith.select %eq3A_2428, %jit3A_2429, %jit3A_2426 : i32
      %rem3A_2431 = arith.remsi %squeeze3A_2425, %select_n3A_2430 : i32
      %ne3A_2432 = arith.constant 0 : i32
      %ne3A_2433 = arith.cmpi ne, %rem3A_2431, %ne3A_2432 : i32
      %lt3A_2434 = arith.constant 0 : i32
      %lt3A_2435 = arith.cmpi slt, %rem3A_2431, %lt3A_2434 : i32
      %lt3A_2436 = arith.constant 0 : i32
      %lt3A_2437 = arith.cmpi slt, %select_n3A_2430, %lt3A_2436 : i32
      %ne3A_2438 = arith.xori %lt3A_2435, %lt3A_2437 : i1
      %and3A_2439 = arith.andi %ne3A_2438, %ne3A_2433 : i1
      %add3A_2440 = arith.addi %rem3A_2431, %select_n3A_2430 : i32
      %select_n3A_2441 = arith.select %and3A_2439, %add3A_2440, %rem3A_2431 : i32
      %broadcast_in_dim3A_2442 = vector.broadcast %select_n3A_2441 : i32 to vector<16xi32>
      %slice3A_2443 = vector.extract_strided_slice %get3A_696 {offsets = [11], sizes = [1], strides = [1]} : vector<16xi32> to vector<1xi32>
      %squeeze3A_2444 = vector.extract %slice3A_2443[0] : i32 from vector<1xi32>
      %jit3A_2445 = arith.constant 128 : i32
      %eq3A_2446 = arith.constant 0 : i32
      %eq3A_2447 = arith.cmpi eq, %jit3A_2445, %eq3A_2446 : i32
      %jit3A_2448 = arith.constant 1 : i32
      %select_n3A_2449 = arith.select %eq3A_2447, %jit3A_2448, %jit3A_2445 : i32
      %rem3A_2450 = arith.remsi %squeeze3A_2444, %select_n3A_2449 : i32
      %ne3A_2451 = arith.constant 0 : i32
      %ne3A_2452 = arith.cmpi ne, %rem3A_2450, %ne3A_2451 : i32
      %lt3A_2453 = arith.constant 0 : i32
      %lt3A_2454 = arith.cmpi slt, %rem3A_2450, %lt3A_2453 : i32
      %lt3A_2455 = arith.constant 0 : i32
      %lt3A_2456 = arith.cmpi slt, %select_n3A_2449, %lt3A_2455 : i32
      %ne3A_2457 = arith.xori %lt3A_2454, %lt3A_2456 : i1
      %and3A_2458 = arith.andi %ne3A_2457, %ne3A_2452 : i1
      %add3A_2459 = arith.addi %rem3A_2450, %select_n3A_2449 : i32
      %select_n3A_2460 = arith.select %and3A_2458, %add3A_2459, %rem3A_2450 : i32
      %broadcast_in_dim3A_2461 = vector.broadcast %select_n3A_2460 : i32 to vector<16xi32>
      %broadcast_in_dim3A_2462 = arith.constant 3 : i32
      %broadcast_in_dim3A_2463 = vector.broadcast %broadcast_in_dim3A_2462 : i32 to vector<16xi32>
      %broadcast_in_dim3A_2464 = arith.constant 0 : i32
      %broadcast_in_dim3A_2465 = vector.broadcast %broadcast_in_dim3A_2464 : i32 to vector<16xi32>
      %gather3A_2466 = tpu.vector_load_idx %arg9[%broadcast_in_dim3A_2463, %broadcast_in_dim3A_2465, %iota3A, %broadcast_in_dim3A_2442] : memref<8x1x32x128xf32, #tpu.memory_space<vmem>>[vector<16xi32>, vector<16xi32>, vector<16xi32>, vector<16xi32>], vector<16xf32>,
      %gather3A_2467 = tpu.vector_load_idx %arg9[%broadcast_in_dim3A_2463, %broadcast_in_dim3A_2465, %add3A_5, %broadcast_in_dim3A_2442] : memref<8x1x32x128xf32, #tpu.memory_space<vmem>>[vector<16xi32>, vector<16xi32>, vector<16xi32>, vector<16xi32>], vector<16xf32>,
      %gather3A_2468 = tpu.vector_load_idx %arg10[%broadcast_in_dim3A_2463, %broadcast_in_dim3A_2465, %iota3A, %broadcast_in_dim3A_2461] : memref<8x1x32x128xf32, #tpu.memory_space<vmem>>[vector<16xi32>, vector<16xi32>, vector<16xi32>, vector<16xi32>], vector<16xf32>,
      %gather3A_2469 = tpu.vector_load_idx %arg10[%broadcast_in_dim3A_2463, %broadcast_in_dim3A_2465, %add3A_5, %broadcast_in_dim3A_2461] : memref<8x1x32x128xf32, #tpu.memory_space<vmem>>[vector<16xi32>, vector<16xi32>, vector<16xi32>, vector<16xi32>], vector<16xf32>,
      %mul3A_2470 = arith.mulf %gather3A_2466, %gather3A_2468 : vector<16xf32>
      %mul3A_2471 = arith.mulf %gather3A_2467, %gather3A_2469 : vector<16xf32>
      %add3A_2472 = arith.addf %mul3A_2470, %mul3A_2471 : vector<16xf32>
      %reduce_sum3A_2473 = arith.constant true
      %reduce_sum3A_2474 = vector.broadcast %reduce_sum3A_2473 : i1 to vector<16xi1>
      %reduce_sum3A_2475 = tpu.scan <sum>, %add3A_2472 masked %reduce_sum3A_2474 : vector<16xf32>, vector<16xi1> -> vector<16xf32>
      %reduce_sum3A_2476 = vector.extract %reduce_sum3A_2475[15] : f32 from vector<16xf32>
      %eq3A_2477 = arith.constant 11 : i32
      %eq3A_2478 = vector.broadcast %eq3A_2477 : i32 to vector<16xi32>
      %eq3A_2479 = arith.cmpi eq, %iota3A, %eq3A_2478 : vector<16xi32>
      %broadcast_in_dim3A_2480 = vector.broadcast %reduce_sum3A_2476 : f32 to vector<16xf32>
      %select_n3A_2481 = arith.select %eq3A_2479, %broadcast_in_dim3A_2480, %select_n3A_2386 : vector<16xi1>, vector<16xf32>
      %lt3A_2482 = arith.constant 31 : i32
      %lt3A_2483 = arith.cmpi slt, %scan3A_690, %lt3A_2482 : i32
      %convert_element_type3A_2484 = arith.extui %lt3A_2483 : i1 to i32
      %cond3A_2485 = arith.constant 0 : i32
      %cond3A_2486 = arith.cmpi ne, %convert_element_type3A_2484, %cond3A_2485 : i32
      scf.if %cond3A_2486 {
        %slice3A_2868 = vector.extract_strided_slice %get3A_700 {offsets = [3], sizes = [1], strides = [1]} : vector<16xi32> to vector<1xi32>
        %squeeze3A_2869 = vector.extract %slice3A_2868[0] : i32 from vector<1xi32>
        %jit3A_2870 = arith.constant 128 : i32
        %div3A_2871 = arith.divsi %squeeze3A_2869, %jit3A_2870 : i32
        %sign3A_2872 = arith.constant 0 : i32
        %sign3A_2873 = arith.cmpi sgt, %squeeze3A_2869, %sign3A_2872 : i32
        %sign3A_2874 = arith.extui %sign3A_2873 : i1 to i32
        %sign3A_2875 = arith.constant 0 : i32
        %sign3A_2876 = arith.cmpi slt, %squeeze3A_2869, %sign3A_2875 : i32
        %sign3A_2877 = arith.extui %sign3A_2876 : i1 to i32
        %sign3A_2878 = arith.subi %sign3A_2874, %sign3A_2877 : i32
        %sign3A_2879 = arith.constant 0 : i32
        %sign3A_2880 = arith.cmpi sgt, %jit3A_2870, %sign3A_2879 : i32
        %sign3A_2881 = arith.extui %sign3A_2880 : i1 to i32
        %sign3A_2882 = arith.constant 0 : i32
        %sign3A_2883 = arith.cmpi slt, %jit3A_2870, %sign3A_2882 : i32
        %sign3A_2884 = arith.extui %sign3A_2883 : i1 to i32
        %sign3A_2885 = arith.subi %sign3A_2881, %sign3A_2884 : i32
        %ne3A_2886 = arith.cmpi ne, %sign3A_2878, %sign3A_2885 : i32
        %rem3A_2887 = arith.remsi %squeeze3A_2869, %jit3A_2870 : i32
        %ne3A_2888 = arith.constant 0 : i32
        %ne3A_2889 = arith.cmpi ne, %rem3A_2887, %ne3A_2888 : i32
        %and3A_2890 = arith.andi %ne3A_2886, %ne3A_2889 : i1
        %sub3A_2891 = arith.constant 1 : i32
        %sub3A_2892 = arith.subi %div3A_2871, %sub3A_2891 : i32
        %select_n3A_2893 = arith.select %and3A_2890, %sub3A_2892, %div3A_2871 : i32
        %mul3A_2894 = arith.constant 128 : i32
        %mul3A_2895 = arith.muli %select_n3A_2893, %mul3A_2894 : i32
        %multiple_of3A_2896 = tpu.assume_multiple %mul3A_2895, 128 : i32
        %slice3A_2897 = vector.extract_strided_slice %get3A_704 {offsets = [3], sizes = [1], strides = [1]} : vector<16xi32> to vector<1xi32>
        %squeeze3A_2898 = vector.extract %slice3A_2897[0] : i32 from vector<1xi32>
        %jit3A_2899 = arith.constant 128 : i32
        %div3A_2900 = arith.divsi %squeeze3A_2898, %jit3A_2899 : i32
        %sign3A_2901 = arith.constant 0 : i32
        %sign3A_2902 = arith.cmpi sgt, %squeeze3A_2898, %sign3A_2901 : i32
        %sign3A_2903 = arith.extui %sign3A_2902 : i1 to i32
        %sign3A_2904 = arith.constant 0 : i32
        %sign3A_2905 = arith.cmpi slt, %squeeze3A_2898, %sign3A_2904 : i32
        %sign3A_2906 = arith.extui %sign3A_2905 : i1 to i32
        %sign3A_2907 = arith.subi %sign3A_2903, %sign3A_2906 : i32
        %sign3A_2908 = arith.constant 0 : i32
        %sign3A_2909 = arith.cmpi sgt, %jit3A_2899, %sign3A_2908 : i32
        %sign3A_2910 = arith.extui %sign3A_2909 : i1 to i32
        %sign3A_2911 = arith.constant 0 : i32
        %sign3A_2912 = arith.cmpi slt, %jit3A_2899, %sign3A_2911 : i32
        %sign3A_2913 = arith.extui %sign3A_2912 : i1 to i32
        %sign3A_2914 = arith.subi %sign3A_2910, %sign3A_2913 : i32
        %ne3A_2915 = arith.cmpi ne, %sign3A_2907, %sign3A_2914 : i32
        %rem3A_2916 = arith.remsi %squeeze3A_2898, %jit3A_2899 : i32
        %ne3A_2917 = arith.constant 0 : i32
        %ne3A_2918 = arith.cmpi ne, %rem3A_2916, %ne3A_2917 : i32
        %and3A_2919 = arith.andi %ne3A_2915, %ne3A_2918 : i1
        %sub3A_2920 = arith.constant 1 : i32
        %sub3A_2921 = arith.subi %div3A_2900, %sub3A_2920 : i32
        %select_n3A_2922 = arith.select %and3A_2919, %sub3A_2921, %div3A_2900 : i32
        %mul3A_2923 = arith.constant 128 : i32
        %mul3A_2924 = arith.muli %select_n3A_2922, %mul3A_2923 : i32
        %multiple_of3A_2925 = tpu.assume_multiple %mul3A_2924, 128 : i32
        %dma_start3A_2926 = arith.constant 3 : i32
        %dma_start3A_2927 = arith.constant 0 : i32
        %dma_start3A_2928 = arith.constant 0 : i32
        %dma_start3A_2929 = arith.constant 0 : i32
        %dma_start3A_2930 = tpu.memref_slice %arg9[%dma_start3A_2926, %dma_start3A_2927, %dma_start3A_2928, %dma_start3A_2929] : memref<8x1x32x128xf32, #tpu.memory_space<vmem>> -> memref<1x1x32x128xf32, #tpu.memory_space<vmem>>
        %dma_start3A_2931 = tpu.memref_squeeze %dma_start3A_2930 : memref<1x1x32x128xf32, #tpu.memory_space<vmem>> -> memref<32x128xf32, #tpu.memory_space<vmem>>
        %dma_start3A_2932 = arith.constant 0 : i32
        %dma_start3A_2933 = tpu.memref_slice %arg4[%dma_start3A_2932, %multiple_of3A_2896] : memref<32x1000001xf32, #tpu.memory_space<hbm>> -> memref<32x128xf32, #tpu.memory_space<hbm>>
        %dma_start3A_2934 = arith.constant 0 : i32
        %dma_start3A_2935 = arith.constant 0 : i32
        %dma_start3A_2936 = tpu.memref_slice %arg9[%dma_start3A_2926, %dma_start3A_2927, %dma_start3A_2934, %dma_start3A_2935] : memref<8x1x32x128xf32, #tpu.memory_space<vmem>> -> memref<1x1x32x128xf32, #tpu.memory_space<vmem>>
        %dma_start3A_2937 = tpu.memref_squeeze %dma_start3A_2936 : memref<1x1x32x128xf32, #tpu.memory_space<vmem>> -> memref<32x128xf32, #tpu.memory_space<vmem>>
        %dma_start3A_2938 = arith.constant 0 : i32
        %dma_start3A_2939 = tpu.memref_slice %arg4[%dma_start3A_2938, %multiple_of3A_2896] : memref<32x1000001xf32, #tpu.memory_space<hbm>> -> memref<32x128xf32, #tpu.memory_space<hbm>>
        tpu.enqueue_dma source(%dma_start3A_2939 : memref<32x128xf32, #tpu.memory_space<hbm>>) target(%dma_start3A_2937 : memref<32x128xf32, #tpu.memory_space<vmem>>) target_semaphore(%arg15 : memref<!tpu.dma_semaphore, #tpu.memory_space<semaphore_mem>>)
        %dma_start3A_2940 = arith.constant 3 : i32
        %dma_start3A_2941 = arith.constant 0 : i32
        %dma_start3A_2942 = arith.constant 0 : i32
        %dma_start3A_2943 = arith.constant 0 : i32
        %dma_start3A_2944 = tpu.memref_slice %arg10[%dma_start3A_2940, %dma_start3A_2941, %dma_start3A_2942, %dma_start3A_2943] : memref<8x1x32x128xf32, #tpu.memory_space<vmem>> -> memref<1x1x32x128xf32, #tpu.memory_space<vmem>>
        %dma_start3A_2945 = tpu.memref_squeeze %dma_start3A_2944 : memref<1x1x32x128xf32, #tpu.memory_space<vmem>> -> memref<32x128xf32, #tpu.memory_space<vmem>>
        %dma_start3A_2946 = arith.constant 0 : i32
        %dma_start3A_2947 = tpu.memref_slice %arg5[%dma_start3A_2946, %multiple_of3A_2925] : memref<32x1000001xf32, #tpu.memory_space<hbm>> -> memref<32x128xf32, #tpu.memory_space<hbm>>
        %dma_start3A_2948 = arith.constant 0 : i32
        %dma_start3A_2949 = arith.constant 0 : i32
        %dma_start3A_2950 = tpu.memref_slice %arg10[%dma_start3A_2940, %dma_start3A_2941, %dma_start3A_2948, %dma_start3A_2949] : memref<8x1x32x128xf32, #tpu.memory_space<vmem>> -> memref<1x1x32x128xf32, #tpu.memory_space<vmem>>
        %dma_start3A_2951 = tpu.memref_squeeze %dma_start3A_2950 : memref<1x1x32x128xf32, #tpu.memory_space<vmem>> -> memref<32x128xf32, #tpu.memory_space<vmem>>
        %dma_start3A_2952 = arith.constant 0 : i32
        %dma_start3A_2953 = tpu.memref_slice %arg5[%dma_start3A_2952, %multiple_of3A_2925] : memref<32x1000001xf32, #tpu.memory_space<hbm>> -> memref<32x128xf32, #tpu.memory_space<hbm>>
        tpu.enqueue_dma source(%dma_start3A_2953 : memref<32x128xf32, #tpu.memory_space<hbm>>) target(%dma_start3A_2951 : memref<32x128xf32, #tpu.memory_space<vmem>>) target_semaphore(%arg15 : memref<!tpu.dma_semaphore, #tpu.memory_space<semaphore_mem>>)
      } else {
      }
      %dma_wait3A_2487 = arith.constant 4 : i32
      %dma_wait3A_2488 = arith.constant 0 : i32
      %dma_wait3A_2489 = arith.constant 0 : i32
      %dma_wait3A_2490 = arith.constant 0 : i32
      %dma_wait3A_2491 = tpu.memref_slice %arg9[%dma_wait3A_2487, %dma_wait3A_2488, %dma_wait3A_2489, %dma_wait3A_2490] : memref<8x1x32x128xf32, #tpu.memory_space<vmem>> -> memref<1x1x32x128xf32, #tpu.memory_space<vmem>>
      %dma_wait3A_2492 = tpu.memref_squeeze %dma_wait3A_2491 : memref<1x1x32x128xf32, #tpu.memory_space<vmem>> -> memref<32x128xf32, #tpu.memory_space<vmem>>
      %dma_wait3A_2493 = arith.constant 0 : i32
      %dma_wait3A_2494 = arith.constant 0 : i32
      %dma_wait3A_2495 = tpu.memref_slice %arg4[%dma_wait3A_2493, %dma_wait3A_2494] : memref<32x1000001xf32, #tpu.memory_space<hbm>> -> memref<32x128xf32, #tpu.memory_space<hbm>>
      %dma_wait3A_2496 = arith.constant 0 : i32
      %dma_wait3A_2497 = arith.constant 0 : i32
      %dma_wait3A_2498 = tpu.memref_slice %arg9[%dma_wait3A_2487, %dma_wait3A_2488, %dma_wait3A_2496, %dma_wait3A_2497] : memref<8x1x32x128xf32, #tpu.memory_space<vmem>> -> memref<1x1x32x128xf32, #tpu.memory_space<vmem>>
      %dma_wait3A_2499 = tpu.memref_squeeze %dma_wait3A_2498 : memref<1x1x32x128xf32, #tpu.memory_space<vmem>> -> memref<32x128xf32, #tpu.memory_space<vmem>>
      %dma_wait3A_2500 = arith.constant 0 : i32
      %dma_wait3A_2501 = arith.constant 0 : i32
      %dma_wait3A_2502 = tpu.memref_slice %arg4[%dma_wait3A_2500, %dma_wait3A_2501] : memref<32x1000001xf32, #tpu.memory_space<hbm>> -> memref<32x128xf32, #tpu.memory_space<hbm>>
      tpu.wait_dma2 semaphore(%arg16 : memref<!tpu.dma_semaphore, #tpu.memory_space<semaphore_mem>>) src(%dma_wait3A_2502 : memref<32x128xf32, #tpu.memory_space<hbm>>) dst(%dma_wait3A_2499 : memref<32x128xf32, #tpu.memory_space<vmem>>)
      %dma_wait3A_2503 = arith.constant 4 : i32
      %dma_wait3A_2504 = arith.constant 0 : i32
      %dma_wait3A_2505 = arith.constant 0 : i32
      %dma_wait3A_2506 = arith.constant 0 : i32
      %dma_wait3A_2507 = tpu.memref_slice %arg10[%dma_wait3A_2503, %dma_wait3A_2504, %dma_wait3A_2505, %dma_wait3A_2506] : memref<8x1x32x128xf32, #tpu.memory_space<vmem>> -> memref<1x1x32x128xf32, #tpu.memory_space<vmem>>
      %dma_wait3A_2508 = tpu.memref_squeeze %dma_wait3A_2507 : memref<1x1x32x128xf32, #tpu.memory_space<vmem>> -> memref<32x128xf32, #tpu.memory_space<vmem>>
      %dma_wait3A_2509 = arith.constant 0 : i32
      %dma_wait3A_2510 = arith.constant 0 : i32
      %dma_wait3A_2511 = tpu.memref_slice %arg4[%dma_wait3A_2509, %dma_wait3A_2510] : memref<32x1000001xf32, #tpu.memory_space<hbm>> -> memref<32x128xf32, #tpu.memory_space<hbm>>
      %dma_wait3A_2512 = arith.constant 0 : i32
      %dma_wait3A_2513 = arith.constant 0 : i32
      %dma_wait3A_2514 = tpu.memref_slice %arg10[%dma_wait3A_2503, %dma_wait3A_2504, %dma_wait3A_2512, %dma_wait3A_2513] : memref<8x1x32x128xf32, #tpu.memory_space<vmem>> -> memref<1x1x32x128xf32, #tpu.memory_space<vmem>>
      %dma_wait3A_2515 = tpu.memref_squeeze %dma_wait3A_2514 : memref<1x1x32x128xf32, #tpu.memory_space<vmem>> -> memref<32x128xf32, #tpu.memory_space<vmem>>
      %dma_wait3A_2516 = arith.constant 0 : i32
      %dma_wait3A_2517 = arith.constant 0 : i32
      %dma_wait3A_2518 = tpu.memref_slice %arg4[%dma_wait3A_2516, %dma_wait3A_2517] : memref<32x1000001xf32, #tpu.memory_space<hbm>> -> memref<32x128xf32, #tpu.memory_space<hbm>>
      tpu.wait_dma2 semaphore(%arg16 : memref<!tpu.dma_semaphore, #tpu.memory_space<semaphore_mem>>) src(%dma_wait3A_2518 : memref<32x128xf32, #tpu.memory_space<hbm>>) dst(%dma_wait3A_2515 : memref<32x128xf32, #tpu.memory_space<vmem>>)
      %slice3A_2519 = vector.extract_strided_slice %get3A_694 {offsets = [12], sizes = [1], strides = [1]} : vector<16xi32> to vector<1xi32>
      %squeeze3A_2520 = vector.extract %slice3A_2519[0] : i32 from vector<1xi32>
      %jit3A_2521 = arith.constant 128 : i32
      %eq3A_2522 = arith.constant 0 : i32
      %eq3A_2523 = arith.cmpi eq, %jit3A_2521, %eq3A_2522 : i32
      %jit3A_2524 = arith.constant 1 : i32
      %select_n3A_2525 = arith.select %eq3A_2523, %jit3A_2524, %jit3A_2521 : i32
      %rem3A_2526 = arith.remsi %squeeze3A_2520, %select_n3A_2525 : i32
      %ne3A_2527 = arith.constant 0 : i32
      %ne3A_2528 = arith.cmpi ne, %rem3A_2526, %ne3A_2527 : i32
      %lt3A_2529 = arith.constant 0 : i32
      %lt3A_2530 = arith.cmpi slt, %rem3A_2526, %lt3A_2529 : i32
      %lt3A_2531 = arith.constant 0 : i32
      %lt3A_2532 = arith.cmpi slt, %select_n3A_2525, %lt3A_2531 : i32
      %ne3A_2533 = arith.xori %lt3A_2530, %lt3A_2532 : i1
      %and3A_2534 = arith.andi %ne3A_2533, %ne3A_2528 : i1
      %add3A_2535 = arith.addi %rem3A_2526, %select_n3A_2525 : i32
      %select_n3A_2536 = arith.select %and3A_2534, %add3A_2535, %rem3A_2526 : i32
      %broadcast_in_dim3A_2537 = vector.broadcast %select_n3A_2536 : i32 to vector<16xi32>
      %slice3A_2538 = vector.extract_strided_slice %get3A_696 {offsets = [12], sizes = [1], strides = [1]} : vector<16xi32> to vector<1xi32>
      %squeeze3A_2539 = vector.extract %slice3A_2538[0] : i32 from vector<1xi32>
      %jit3A_2540 = arith.constant 128 : i32
      %eq3A_2541 = arith.constant 0 : i32
      %eq3A_2542 = arith.cmpi eq, %jit3A_2540, %eq3A_2541 : i32
      %jit3A_2543 = arith.constant 1 : i32
      %select_n3A_2544 = arith.select %eq3A_2542, %jit3A_2543, %jit3A_2540 : i32
      %rem3A_2545 = arith.remsi %squeeze3A_2539, %select_n3A_2544 : i32
      %ne3A_2546 = arith.constant 0 : i32
      %ne3A_2547 = arith.cmpi ne, %rem3A_2545, %ne3A_2546 : i32
      %lt3A_2548 = arith.constant 0 : i32
      %lt3A_2549 = arith.cmpi slt, %rem3A_2545, %lt3A_2548 : i32
      %lt3A_2550 = arith.constant 0 : i32
      %lt3A_2551 = arith.cmpi slt, %select_n3A_2544, %lt3A_2550 : i32
      %ne3A_2552 = arith.xori %lt3A_2549, %lt3A_2551 : i1
      %and3A_2553 = arith.andi %ne3A_2552, %ne3A_2547 : i1
      %add3A_2554 = arith.addi %rem3A_2545, %select_n3A_2544 : i32
      %select_n3A_2555 = arith.select %and3A_2553, %add3A_2554, %rem3A_2545 : i32
      %broadcast_in_dim3A_2556 = vector.broadcast %select_n3A_2555 : i32 to vector<16xi32>
      %broadcast_in_dim3A_2557 = arith.constant 4 : i32
      %broadcast_in_dim3A_2558 = vector.broadcast %broadcast_in_dim3A_2557 : i32 to vector<16xi32>
      %broadcast_in_dim3A_2559 = arith.constant 0 : i32
      %broadcast_in_dim3A_2560 = vector.broadcast %broadcast_in_dim3A_2559 : i32 to vector<16xi32>
      %gather3A_2561 = tpu.vector_load_idx %arg9[%broadcast_in_dim3A_2558, %broadcast_in_dim3A_2560, %iota3A, %broadcast_in_dim3A_2537] : memref<8x1x32x128xf32, #tpu.memory_space<vmem>>[vector<16xi32>, vector<16xi32>, vector<16xi32>, vector<16xi32>], vector<16xf32>,
      %gather3A_2562 = tpu.vector_load_idx %arg9[%broadcast_in_dim3A_2558, %broadcast_in_dim3A_2560, %add3A_5, %broadcast_in_dim3A_2537] : memref<8x1x32x128xf32, #tpu.memory_space<vmem>>[vector<16xi32>, vector<16xi32>, vector<16xi32>, vector<16xi32>], vector<16xf32>,
      %gather3A_2563 = tpu.vector_load_idx %arg10[%broadcast_in_dim3A_2558, %broadcast_in_dim3A_2560, %iota3A, %broadcast_in_dim3A_2556] : memref<8x1x32x128xf32, #tpu.memory_space<vmem>>[vector<16xi32>, vector<16xi32>, vector<16xi32>, vector<16xi32>], vector<16xf32>,
      %gather3A_2564 = tpu.vector_load_idx %arg10[%broadcast_in_dim3A_2558, %broadcast_in_dim3A_2560, %add3A_5, %broadcast_in_dim3A_2556] : memref<8x1x32x128xf32, #tpu.memory_space<vmem>>[vector<16xi32>, vector<16xi32>, vector<16xi32>, vector<16xi32>], vector<16xf32>,
      %mul3A_2565 = arith.mulf %gather3A_2561, %gather3A_2563 : vector<16xf32>
      %mul3A_2566 = arith.mulf %gather3A_2562, %gather3A_2564 : vector<16xf32>
      %add3A_2567 = arith.addf %mul3A_2565, %mul3A_2566 : vector<16xf32>
      %reduce_sum3A_2568 = arith.constant true
      %reduce_sum3A_2569 = vector.broadcast %reduce_sum3A_2568 : i1 to vector<16xi1>
      %reduce_sum3A_2570 = tpu.scan <sum>, %add3A_2567 masked %reduce_sum3A_2569 : vector<16xf32>, vector<16xi1> -> vector<16xf32>
      %reduce_sum3A_2571 = vector.extract %reduce_sum3A_2570[15] : f32 from vector<16xf32>
      %eq3A_2572 = arith.constant 12 : i32
      %eq3A_2573 = vector.broadcast %eq3A_2572 : i32 to vector<16xi32>
      %eq3A_2574 = arith.cmpi eq, %iota3A, %eq3A_2573 : vector<16xi32>
      %broadcast_in_dim3A_2575 = vector.broadcast %reduce_sum3A_2571 : f32 to vector<16xf32>
      %select_n3A_2576 = arith.select %eq3A_2574, %broadcast_in_dim3A_2575, %select_n3A_2481 : vector<16xi1>, vector<16xf32>
      %lt3A_2577 = arith.constant 31 : i32
      %lt3A_2578 = arith.cmpi slt, %scan3A_690, %lt3A_2577 : i32
      %convert_element_type3A_2579 = arith.extui %lt3A_2578 : i1 to i32
      %cond3A_2580 = arith.constant 0 : i32
      %cond3A_2581 = arith.cmpi ne, %convert_element_type3A_2579, %cond3A_2580 : i32
      scf.if %cond3A_2581 {
        %slice3A_2868 = vector.extract_strided_slice %get3A_700 {offsets = [4], sizes = [1], strides = [1]} : vector<16xi32> to vector<1xi32>
        %squeeze3A_2869 = vector.extract %slice3A_2868[0] : i32 from vector<1xi32>
        %jit3A_2870 = arith.constant 128 : i32
        %div3A_2871 = arith.divsi %squeeze3A_2869, %jit3A_2870 : i32
        %sign3A_2872 = arith.constant 0 : i32
        %sign3A_2873 = arith.cmpi sgt, %squeeze3A_2869, %sign3A_2872 : i32
        %sign3A_2874 = arith.extui %sign3A_2873 : i1 to i32
        %sign3A_2875 = arith.constant 0 : i32
        %sign3A_2876 = arith.cmpi slt, %squeeze3A_2869, %sign3A_2875 : i32
        %sign3A_2877 = arith.extui %sign3A_2876 : i1 to i32
        %sign3A_2878 = arith.subi %sign3A_2874, %sign3A_2877 : i32
        %sign3A_2879 = arith.constant 0 : i32
        %sign3A_2880 = arith.cmpi sgt, %jit3A_2870, %sign3A_2879 : i32
        %sign3A_2881 = arith.extui %sign3A_2880 : i1 to i32
        %sign3A_2882 = arith.constant 0 : i32
        %sign3A_2883 = arith.cmpi slt, %jit3A_2870, %sign3A_2882 : i32
        %sign3A_2884 = arith.extui %sign3A_2883 : i1 to i32
        %sign3A_2885 = arith.subi %sign3A_2881, %sign3A_2884 : i32
        %ne3A_2886 = arith.cmpi ne, %sign3A_2878, %sign3A_2885 : i32
        %rem3A_2887 = arith.remsi %squeeze3A_2869, %jit3A_2870 : i32
        %ne3A_2888 = arith.constant 0 : i32
        %ne3A_2889 = arith.cmpi ne, %rem3A_2887, %ne3A_2888 : i32
        %and3A_2890 = arith.andi %ne3A_2886, %ne3A_2889 : i1
        %sub3A_2891 = arith.constant 1 : i32
        %sub3A_2892 = arith.subi %div3A_2871, %sub3A_2891 : i32
        %select_n3A_2893 = arith.select %and3A_2890, %sub3A_2892, %div3A_2871 : i32
        %mul3A_2894 = arith.constant 128 : i32
        %mul3A_2895 = arith.muli %select_n3A_2893, %mul3A_2894 : i32
        %multiple_of3A_2896 = tpu.assume_multiple %mul3A_2895, 128 : i32
        %slice3A_2897 = vector.extract_strided_slice %get3A_704 {offsets = [4], sizes = [1], strides = [1]} : vector<16xi32> to vector<1xi32>
        %squeeze3A_2898 = vector.extract %slice3A_2897[0] : i32 from vector<1xi32>
        %jit3A_2899 = arith.constant 128 : i32
        %div3A_2900 = arith.divsi %squeeze3A_2898, %jit3A_2899 : i32
        %sign3A_2901 = arith.constant 0 : i32
        %sign3A_2902 = arith.cmpi sgt, %squeeze3A_2898, %sign3A_2901 : i32
        %sign3A_2903 = arith.extui %sign3A_2902 : i1 to i32
        %sign3A_2904 = arith.constant 0 : i32
        %sign3A_2905 = arith.cmpi slt, %squeeze3A_2898, %sign3A_2904 : i32
        %sign3A_2906 = arith.extui %sign3A_2905 : i1 to i32
        %sign3A_2907 = arith.subi %sign3A_2903, %sign3A_2906 : i32
        %sign3A_2908 = arith.constant 0 : i32
        %sign3A_2909 = arith.cmpi sgt, %jit3A_2899, %sign3A_2908 : i32
        %sign3A_2910 = arith.extui %sign3A_2909 : i1 to i32
        %sign3A_2911 = arith.constant 0 : i32
        %sign3A_2912 = arith.cmpi slt, %jit3A_2899, %sign3A_2911 : i32
        %sign3A_2913 = arith.extui %sign3A_2912 : i1 to i32
        %sign3A_2914 = arith.subi %sign3A_2910, %sign3A_2913 : i32
        %ne3A_2915 = arith.cmpi ne, %sign3A_2907, %sign3A_2914 : i32
        %rem3A_2916 = arith.remsi %squeeze3A_2898, %jit3A_2899 : i32
        %ne3A_2917 = arith.constant 0 : i32
        %ne3A_2918 = arith.cmpi ne, %rem3A_2916, %ne3A_2917 : i32
        %and3A_2919 = arith.andi %ne3A_2915, %ne3A_2918 : i1
        %sub3A_2920 = arith.constant 1 : i32
        %sub3A_2921 = arith.subi %div3A_2900, %sub3A_2920 : i32
        %select_n3A_2922 = arith.select %and3A_2919, %sub3A_2921, %div3A_2900 : i32
        %mul3A_2923 = arith.constant 128 : i32
        %mul3A_2924 = arith.muli %select_n3A_2922, %mul3A_2923 : i32
        %multiple_of3A_2925 = tpu.assume_multiple %mul3A_2924, 128 : i32
        %dma_start3A_2926 = arith.constant 4 : i32
        %dma_start3A_2927 = arith.constant 0 : i32
        %dma_start3A_2928 = arith.constant 0 : i32
        %dma_start3A_2929 = arith.constant 0 : i32
        %dma_start3A_2930 = tpu.memref_slice %arg9[%dma_start3A_2926, %dma_start3A_2927, %dma_start3A_2928, %dma_start3A_2929] : memref<8x1x32x128xf32, #tpu.memory_space<vmem>> -> memref<1x1x32x128xf32, #tpu.memory_space<vmem>>
        %dma_start3A_2931 = tpu.memref_squeeze %dma_start3A_2930 : memref<1x1x32x128xf32, #tpu.memory_space<vmem>> -> memref<32x128xf32, #tpu.memory_space<vmem>>
        %dma_start3A_2932 = arith.constant 0 : i32
        %dma_start3A_2933 = tpu.memref_slice %arg4[%dma_start3A_2932, %multiple_of3A_2896] : memref<32x1000001xf32, #tpu.memory_space<hbm>> -> memref<32x128xf32, #tpu.memory_space<hbm>>
        %dma_start3A_2934 = arith.constant 0 : i32
        %dma_start3A_2935 = arith.constant 0 : i32
        %dma_start3A_2936 = tpu.memref_slice %arg9[%dma_start3A_2926, %dma_start3A_2927, %dma_start3A_2934, %dma_start3A_2935] : memref<8x1x32x128xf32, #tpu.memory_space<vmem>> -> memref<1x1x32x128xf32, #tpu.memory_space<vmem>>
        %dma_start3A_2937 = tpu.memref_squeeze %dma_start3A_2936 : memref<1x1x32x128xf32, #tpu.memory_space<vmem>> -> memref<32x128xf32, #tpu.memory_space<vmem>>
        %dma_start3A_2938 = arith.constant 0 : i32
        %dma_start3A_2939 = tpu.memref_slice %arg4[%dma_start3A_2938, %multiple_of3A_2896] : memref<32x1000001xf32, #tpu.memory_space<hbm>> -> memref<32x128xf32, #tpu.memory_space<hbm>>
        tpu.enqueue_dma source(%dma_start3A_2939 : memref<32x128xf32, #tpu.memory_space<hbm>>) target(%dma_start3A_2937 : memref<32x128xf32, #tpu.memory_space<vmem>>) target_semaphore(%arg16 : memref<!tpu.dma_semaphore, #tpu.memory_space<semaphore_mem>>)
        %dma_start3A_2940 = arith.constant 4 : i32
        %dma_start3A_2941 = arith.constant 0 : i32
        %dma_start3A_2942 = arith.constant 0 : i32
        %dma_start3A_2943 = arith.constant 0 : i32
        %dma_start3A_2944 = tpu.memref_slice %arg10[%dma_start3A_2940, %dma_start3A_2941, %dma_start3A_2942, %dma_start3A_2943] : memref<8x1x32x128xf32, #tpu.memory_space<vmem>> -> memref<1x1x32x128xf32, #tpu.memory_space<vmem>>
        %dma_start3A_2945 = tpu.memref_squeeze %dma_start3A_2944 : memref<1x1x32x128xf32, #tpu.memory_space<vmem>> -> memref<32x128xf32, #tpu.memory_space<vmem>>
        %dma_start3A_2946 = arith.constant 0 : i32
        %dma_start3A_2947 = tpu.memref_slice %arg5[%dma_start3A_2946, %multiple_of3A_2925] : memref<32x1000001xf32, #tpu.memory_space<hbm>> -> memref<32x128xf32, #tpu.memory_space<hbm>>
        %dma_start3A_2948 = arith.constant 0 : i32
        %dma_start3A_2949 = arith.constant 0 : i32
        %dma_start3A_2950 = tpu.memref_slice %arg10[%dma_start3A_2940, %dma_start3A_2941, %dma_start3A_2948, %dma_start3A_2949] : memref<8x1x32x128xf32, #tpu.memory_space<vmem>> -> memref<1x1x32x128xf32, #tpu.memory_space<vmem>>
        %dma_start3A_2951 = tpu.memref_squeeze %dma_start3A_2950 : memref<1x1x32x128xf32, #tpu.memory_space<vmem>> -> memref<32x128xf32, #tpu.memory_space<vmem>>
        %dma_start3A_2952 = arith.constant 0 : i32
        %dma_start3A_2953 = tpu.memref_slice %arg5[%dma_start3A_2952, %multiple_of3A_2925] : memref<32x1000001xf32, #tpu.memory_space<hbm>> -> memref<32x128xf32, #tpu.memory_space<hbm>>
        tpu.enqueue_dma source(%dma_start3A_2953 : memref<32x128xf32, #tpu.memory_space<hbm>>) target(%dma_start3A_2951 : memref<32x128xf32, #tpu.memory_space<vmem>>) target_semaphore(%arg16 : memref<!tpu.dma_semaphore, #tpu.memory_space<semaphore_mem>>)
      } else {
      }
      %dma_wait3A_2582 = arith.constant 5 : i32
      %dma_wait3A_2583 = arith.constant 0 : i32
      %dma_wait3A_2584 = arith.constant 0 : i32
      %dma_wait3A_2585 = arith.constant 0 : i32
      %dma_wait3A_2586 = tpu.memref_slice %arg9[%dma_wait3A_2582, %dma_wait3A_2583, %dma_wait3A_2584, %dma_wait3A_2585] : memref<8x1x32x128xf32, #tpu.memory_space<vmem>> -> memref<1x1x32x128xf32, #tpu.memory_space<vmem>>
      %dma_wait3A_2587 = tpu.memref_squeeze %dma_wait3A_2586 : memref<1x1x32x128xf32, #tpu.memory_space<vmem>> -> memref<32x128xf32, #tpu.memory_space<vmem>>
      %dma_wait3A_2588 = arith.constant 0 : i32
      %dma_wait3A_2589 = arith.constant 0 : i32
      %dma_wait3A_2590 = tpu.memref_slice %arg4[%dma_wait3A_2588, %dma_wait3A_2589] : memref<32x1000001xf32, #tpu.memory_space<hbm>> -> memref<32x128xf32, #tpu.memory_space<hbm>>
      %dma_wait3A_2591 = arith.constant 0 : i32
      %dma_wait3A_2592 = arith.constant 0 : i32
      %dma_wait3A_2593 = tpu.memref_slice %arg9[%dma_wait3A_2582, %dma_wait3A_2583, %dma_wait3A_2591, %dma_wait3A_2592] : memref<8x1x32x128xf32, #tpu.memory_space<vmem>> -> memref<1x1x32x128xf32, #tpu.memory_space<vmem>>
      %dma_wait3A_2594 = tpu.memref_squeeze %dma_wait3A_2593 : memref<1x1x32x128xf32, #tpu.memory_space<vmem>> -> memref<32x128xf32, #tpu.memory_space<vmem>>
      %dma_wait3A_2595 = arith.constant 0 : i32
      %dma_wait3A_2596 = arith.constant 0 : i32
      %dma_wait3A_2597 = tpu.memref_slice %arg4[%dma_wait3A_2595, %dma_wait3A_2596] : memref<32x1000001xf32, #tpu.memory_space<hbm>> -> memref<32x128xf32, #tpu.memory_space<hbm>>
      tpu.wait_dma2 semaphore(%arg17 : memref<!tpu.dma_semaphore, #tpu.memory_space<semaphore_mem>>) src(%dma_wait3A_2597 : memref<32x128xf32, #tpu.memory_space<hbm>>) dst(%dma_wait3A_2594 : memref<32x128xf32, #tpu.memory_space<vmem>>)
      %dma_wait3A_2598 = arith.constant 5 : i32
      %dma_wait3A_2599 = arith.constant 0 : i32
      %dma_wait3A_2600 = arith.constant 0 : i32
      %dma_wait3A_2601 = arith.constant 0 : i32
      %dma_wait3A_2602 = tpu.memref_slice %arg10[%dma_wait3A_2598, %dma_wait3A_2599, %dma_wait3A_2600, %dma_wait3A_2601] : memref<8x1x32x128xf32, #tpu.memory_space<vmem>> -> memref<1x1x32x128xf32, #tpu.memory_space<vmem>>
      %dma_wait3A_2603 = tpu.memref_squeeze %dma_wait3A_2602 : memref<1x1x32x128xf32, #tpu.memory_space<vmem>> -> memref<32x128xf32, #tpu.memory_space<vmem>>
      %dma_wait3A_2604 = arith.constant 0 : i32
      %dma_wait3A_2605 = arith.constant 0 : i32
      %dma_wait3A_2606 = tpu.memref_slice %arg4[%dma_wait3A_2604, %dma_wait3A_2605] : memref<32x1000001xf32, #tpu.memory_space<hbm>> -> memref<32x128xf32, #tpu.memory_space<hbm>>
      %dma_wait3A_2607 = arith.constant 0 : i32
      %dma_wait3A_2608 = arith.constant 0 : i32
      %dma_wait3A_2609 = tpu.memref_slice %arg10[%dma_wait3A_2598, %dma_wait3A_2599, %dma_wait3A_2607, %dma_wait3A_2608] : memref<8x1x32x128xf32, #tpu.memory_space<vmem>> -> memref<1x1x32x128xf32, #tpu.memory_space<vmem>>
      %dma_wait3A_2610 = tpu.memref_squeeze %dma_wait3A_2609 : memref<1x1x32x128xf32, #tpu.memory_space<vmem>> -> memref<32x128xf32, #tpu.memory_space<vmem>>
      %dma_wait3A_2611 = arith.constant 0 : i32
      %dma_wait3A_2612 = arith.constant 0 : i32
      %dma_wait3A_2613 = tpu.memref_slice %arg4[%dma_wait3A_2611, %dma_wait3A_2612] : memref<32x1000001xf32, #tpu.memory_space<hbm>> -> memref<32x128xf32, #tpu.memory_space<hbm>>
      tpu.wait_dma2 semaphore(%arg17 : memref<!tpu.dma_semaphore, #tpu.memory_space<semaphore_mem>>) src(%dma_wait3A_2613 : memref<32x128xf32, #tpu.memory_space<hbm>>) dst(%dma_wait3A_2610 : memref<32x128xf32, #tpu.memory_space<vmem>>)
      %slice3A_2614 = vector.extract_strided_slice %get3A_694 {offsets = [13], sizes = [1], strides = [1]} : vector<16xi32> to vector<1xi32>
      %squeeze3A_2615 = vector.extract %slice3A_2614[0] : i32 from vector<1xi32>
      %jit3A_2616 = arith.constant 128 : i32
      %eq3A_2617 = arith.constant 0 : i32
      %eq3A_2618 = arith.cmpi eq, %jit3A_2616, %eq3A_2617 : i32
      %jit3A_2619 = arith.constant 1 : i32
      %select_n3A_2620 = arith.select %eq3A_2618, %jit3A_2619, %jit3A_2616 : i32
      %rem3A_2621 = arith.remsi %squeeze3A_2615, %select_n3A_2620 : i32
      %ne3A_2622 = arith.constant 0 : i32
      %ne3A_2623 = arith.cmpi ne, %rem3A_2621, %ne3A_2622 : i32
      %lt3A_2624 = arith.constant 0 : i32
      %lt3A_2625 = arith.cmpi slt, %rem3A_2621, %lt3A_2624 : i32
      %lt3A_2626 = arith.constant 0 : i32
      %lt3A_2627 = arith.cmpi slt, %select_n3A_2620, %lt3A_2626 : i32
      %ne3A_2628 = arith.xori %lt3A_2625, %lt3A_2627 : i1
      %and3A_2629 = arith.andi %ne3A_2628, %ne3A_2623 : i1
      %add3A_2630 = arith.addi %rem3A_2621, %select_n3A_2620 : i32
      %select_n3A_2631 = arith.select %and3A_2629, %add3A_2630, %rem3A_2621 : i32
      %broadcast_in_dim3A_2632 = vector.broadcast %select_n3A_2631 : i32 to vector<16xi32>
      %slice3A_2633 = vector.extract_strided_slice %get3A_696 {offsets = [13], sizes = [1], strides = [1]} : vector<16xi32> to vector<1xi32>
      %squeeze3A_2634 = vector.extract %slice3A_2633[0] : i32 from vector<1xi32>
      %jit3A_2635 = arith.constant 128 : i32
      %eq3A_2636 = arith.constant 0 : i32
      %eq3A_2637 = arith.cmpi eq, %jit3A_2635, %eq3A_2636 : i32
      %jit3A_2638 = arith.constant 1 : i32
      %select_n3A_2639 = arith.select %eq3A_2637, %jit3A_2638, %jit3A_2635 : i32
      %rem3A_2640 = arith.remsi %squeeze3A_2634, %select_n3A_2639 : i32
      %ne3A_2641 = arith.constant 0 : i32
      %ne3A_2642 = arith.cmpi ne, %rem3A_2640, %ne3A_2641 : i32
      %lt3A_2643 = arith.constant 0 : i32
      %lt3A_2644 = arith.cmpi slt, %rem3A_2640, %lt3A_2643 : i32
      %lt3A_2645 = arith.constant 0 : i32
      %lt3A_2646 = arith.cmpi slt, %select_n3A_2639, %lt3A_2645 : i32
      %ne3A_2647 = arith.xori %lt3A_2644, %lt3A_2646 : i1
      %and3A_2648 = arith.andi %ne3A_2647, %ne3A_2642 : i1
      %add3A_2649 = arith.addi %rem3A_2640, %select_n3A_2639 : i32
      %select_n3A_2650 = arith.select %and3A_2648, %add3A_2649, %rem3A_2640 : i32
      %broadcast_in_dim3A_2651 = vector.broadcast %select_n3A_2650 : i32 to vector<16xi32>
      %broadcast_in_dim3A_2652 = arith.constant 5 : i32
      %broadcast_in_dim3A_2653 = vector.broadcast %broadcast_in_dim3A_2652 : i32 to vector<16xi32>
      %broadcast_in_dim3A_2654 = arith.constant 0 : i32
      %broadcast_in_dim3A_2655 = vector.broadcast %broadcast_in_dim3A_2654 : i32 to vector<16xi32>
      %gather3A_2656 = tpu.vector_load_idx %arg9[%broadcast_in_dim3A_2653, %broadcast_in_dim3A_2655, %iota3A, %broadcast_in_dim3A_2632] : memref<8x1x32x128xf32, #tpu.memory_space<vmem>>[vector<16xi32>, vector<16xi32>, vector<16xi32>, vector<16xi32>], vector<16xf32>,
      %gather3A_2657 = tpu.vector_load_idx %arg9[%broadcast_in_dim3A_2653, %broadcast_in_dim3A_2655, %add3A_5, %broadcast_in_dim3A_2632] : memref<8x1x32x128xf32, #tpu.memory_space<vmem>>[vector<16xi32>, vector<16xi32>, vector<16xi32>, vector<16xi32>], vector<16xf32>,
      %gather3A_2658 = tpu.vector_load_idx %arg10[%broadcast_in_dim3A_2653, %broadcast_in_dim3A_2655, %iota3A, %broadcast_in_dim3A_2651] : memref<8x1x32x128xf32, #tpu.memory_space<vmem>>[vector<16xi32>, vector<16xi32>, vector<16xi32>, vector<16xi32>], vector<16xf32>,
      %gather3A_2659 = tpu.vector_load_idx %arg10[%broadcast_in_dim3A_2653, %broadcast_in_dim3A_2655, %add3A_5, %broadcast_in_dim3A_2651] : memref<8x1x32x128xf32, #tpu.memory_space<vmem>>[vector<16xi32>, vector<16xi32>, vector<16xi32>, vector<16xi32>], vector<16xf32>,
      %mul3A_2660 = arith.mulf %gather3A_2656, %gather3A_2658 : vector<16xf32>
      %mul3A_2661 = arith.mulf %gather3A_2657, %gather3A_2659 : vector<16xf32>
      %add3A_2662 = arith.addf %mul3A_2660, %mul3A_2661 : vector<16xf32>
      %reduce_sum3A_2663 = arith.constant true
      %reduce_sum3A_2664 = vector.broadcast %reduce_sum3A_2663 : i1 to vector<16xi1>
      %reduce_sum3A_2665 = tpu.scan <sum>, %add3A_2662 masked %reduce_sum3A_2664 : vector<16xf32>, vector<16xi1> -> vector<16xf32>
      %reduce_sum3A_2666 = vector.extract %reduce_sum3A_2665[15] : f32 from vector<16xf32>
      %eq3A_2667 = arith.constant 13 : i32
      %eq3A_2668 = vector.broadcast %eq3A_2667 : i32 to vector<16xi32>
      %eq3A_2669 = arith.cmpi eq, %iota3A, %eq3A_2668 : vector<16xi32>
      %broadcast_in_dim3A_2670 = vector.broadcast %reduce_sum3A_2666 : f32 to vector<16xf32>
      %select_n3A_2671 = arith.select %eq3A_2669, %broadcast_in_dim3A_2670, %select_n3A_2576 : vector<16xi1>, vector<16xf32>
      %lt3A_2672 = arith.constant 31 : i32
      %lt3A_2673 = arith.cmpi slt, %scan3A_690, %lt3A_2672 : i32
      %convert_element_type3A_2674 = arith.extui %lt3A_2673 : i1 to i32
      %cond3A_2675 = arith.constant 0 : i32
      %cond3A_2676 = arith.cmpi ne, %convert_element_type3A_2674, %cond3A_2675 : i32
      scf.if %cond3A_2676 {
        %slice3A_2868 = vector.extract_strided_slice %get3A_700 {offsets = [5], sizes = [1], strides = [1]} : vector<16xi32> to vector<1xi32>
        %squeeze3A_2869 = vector.extract %slice3A_2868[0] : i32 from vector<1xi32>
        %jit3A_2870 = arith.constant 128 : i32
        %div3A_2871 = arith.divsi %squeeze3A_2869, %jit3A_2870 : i32
        %sign3A_2872 = arith.constant 0 : i32
        %sign3A_2873 = arith.cmpi sgt, %squeeze3A_2869, %sign3A_2872 : i32
        %sign3A_2874 = arith.extui %sign3A_2873 : i1 to i32
        %sign3A_2875 = arith.constant 0 : i32
        %sign3A_2876 = arith.cmpi slt, %squeeze3A_2869, %sign3A_2875 : i32
        %sign3A_2877 = arith.extui %sign3A_2876 : i1 to i32
        %sign3A_2878 = arith.subi %sign3A_2874, %sign3A_2877 : i32
        %sign3A_2879 = arith.constant 0 : i32
        %sign3A_2880 = arith.cmpi sgt, %jit3A_2870, %sign3A_2879 : i32
        %sign3A_2881 = arith.extui %sign3A_2880 : i1 to i32
        %sign3A_2882 = arith.constant 0 : i32
        %sign3A_2883 = arith.cmpi slt, %jit3A_2870, %sign3A_2882 : i32
        %sign3A_2884 = arith.extui %sign3A_2883 : i1 to i32
        %sign3A_2885 = arith.subi %sign3A_2881, %sign3A_2884 : i32
        %ne3A_2886 = arith.cmpi ne, %sign3A_2878, %sign3A_2885 : i32
        %rem3A_2887 = arith.remsi %squeeze3A_2869, %jit3A_2870 : i32
        %ne3A_2888 = arith.constant 0 : i32
        %ne3A_2889 = arith.cmpi ne, %rem3A_2887, %ne3A_2888 : i32
        %and3A_2890 = arith.andi %ne3A_2886, %ne3A_2889 : i1
        %sub3A_2891 = arith.constant 1 : i32
        %sub3A_2892 = arith.subi %div3A_2871, %sub3A_2891 : i32
        %select_n3A_2893 = arith.select %and3A_2890, %sub3A_2892, %div3A_2871 : i32
        %mul3A_2894 = arith.constant 128 : i32
        %mul3A_2895 = arith.muli %select_n3A_2893, %mul3A_2894 : i32
        %multiple_of3A_2896 = tpu.assume_multiple %mul3A_2895, 128 : i32
        %slice3A_2897 = vector.extract_strided_slice %get3A_704 {offsets = [5], sizes = [1], strides = [1]} : vector<16xi32> to vector<1xi32>
        %squeeze3A_2898 = vector.extract %slice3A_2897[0] : i32 from vector<1xi32>
        %jit3A_2899 = arith.constant 128 : i32
        %div3A_2900 = arith.divsi %squeeze3A_2898, %jit3A_2899 : i32
        %sign3A_2901 = arith.constant 0 : i32
        %sign3A_2902 = arith.cmpi sgt, %squeeze3A_2898, %sign3A_2901 : i32
        %sign3A_2903 = arith.extui %sign3A_2902 : i1 to i32
        %sign3A_2904 = arith.constant 0 : i32
        %sign3A_2905 = arith.cmpi slt, %squeeze3A_2898, %sign3A_2904 : i32
        %sign3A_2906 = arith.extui %sign3A_2905 : i1 to i32
        %sign3A_2907 = arith.subi %sign3A_2903, %sign3A_2906 : i32
        %sign3A_2908 = arith.constant 0 : i32
        %sign3A_2909 = arith.cmpi sgt, %jit3A_2899, %sign3A_2908 : i32
        %sign3A_2910 = arith.extui %sign3A_2909 : i1 to i32
        %sign3A_2911 = arith.constant 0 : i32
        %sign3A_2912 = arith.cmpi slt, %jit3A_2899, %sign3A_2911 : i32
        %sign3A_2913 = arith.extui %sign3A_2912 : i1 to i32
        %sign3A_2914 = arith.subi %sign3A_2910, %sign3A_2913 : i32
        %ne3A_2915 = arith.cmpi ne, %sign3A_2907, %sign3A_2914 : i32
        %rem3A_2916 = arith.remsi %squeeze3A_2898, %jit3A_2899 : i32
        %ne3A_2917 = arith.constant 0 : i32
        %ne3A_2918 = arith.cmpi ne, %rem3A_2916, %ne3A_2917 : i32
        %and3A_2919 = arith.andi %ne3A_2915, %ne3A_2918 : i1
        %sub3A_2920 = arith.constant 1 : i32
        %sub3A_2921 = arith.subi %div3A_2900, %sub3A_2920 : i32
        %select_n3A_2922 = arith.select %and3A_2919, %sub3A_2921, %div3A_2900 : i32
        %mul3A_2923 = arith.constant 128 : i32
        %mul3A_2924 = arith.muli %select_n3A_2922, %mul3A_2923 : i32
        %multiple_of3A_2925 = tpu.assume_multiple %mul3A_2924, 128 : i32
        %dma_start3A_2926 = arith.constant 5 : i32
        %dma_start3A_2927 = arith.constant 0 : i32
        %dma_start3A_2928 = arith.constant 0 : i32
        %dma_start3A_2929 = arith.constant 0 : i32
        %dma_start3A_2930 = tpu.memref_slice %arg9[%dma_start3A_2926, %dma_start3A_2927, %dma_start3A_2928, %dma_start3A_2929] : memref<8x1x32x128xf32, #tpu.memory_space<vmem>> -> memref<1x1x32x128xf32, #tpu.memory_space<vmem>>
        %dma_start3A_2931 = tpu.memref_squeeze %dma_start3A_2930 : memref<1x1x32x128xf32, #tpu.memory_space<vmem>> -> memref<32x128xf32, #tpu.memory_space<vmem>>
        %dma_start3A_2932 = arith.constant 0 : i32
        %dma_start3A_2933 = tpu.memref_slice %arg4[%dma_start3A_2932, %multiple_of3A_2896] : memref<32x1000001xf32, #tpu.memory_space<hbm>> -> memref<32x128xf32, #tpu.memory_space<hbm>>
        %dma_start3A_2934 = arith.constant 0 : i32
        %dma_start3A_2935 = arith.constant 0 : i32
        %dma_start3A_2936 = tpu.memref_slice %arg9[%dma_start3A_2926, %dma_start3A_2927, %dma_start3A_2934, %dma_start3A_2935] : memref<8x1x32x128xf32, #tpu.memory_space<vmem>> -> memref<1x1x32x128xf32, #tpu.memory_space<vmem>>
        %dma_start3A_2937 = tpu.memref_squeeze %dma_start3A_2936 : memref<1x1x32x128xf32, #tpu.memory_space<vmem>> -> memref<32x128xf32, #tpu.memory_space<vmem>>
        %dma_start3A_2938 = arith.constant 0 : i32
        %dma_start3A_2939 = tpu.memref_slice %arg4[%dma_start3A_2938, %multiple_of3A_2896] : memref<32x1000001xf32, #tpu.memory_space<hbm>> -> memref<32x128xf32, #tpu.memory_space<hbm>>
        tpu.enqueue_dma source(%dma_start3A_2939 : memref<32x128xf32, #tpu.memory_space<hbm>>) target(%dma_start3A_2937 : memref<32x128xf32, #tpu.memory_space<vmem>>) target_semaphore(%arg17 : memref<!tpu.dma_semaphore, #tpu.memory_space<semaphore_mem>>)
        %dma_start3A_2940 = arith.constant 5 : i32
        %dma_start3A_2941 = arith.constant 0 : i32
        %dma_start3A_2942 = arith.constant 0 : i32
        %dma_start3A_2943 = arith.constant 0 : i32
        %dma_start3A_2944 = tpu.memref_slice %arg10[%dma_start3A_2940, %dma_start3A_2941, %dma_start3A_2942, %dma_start3A_2943] : memref<8x1x32x128xf32, #tpu.memory_space<vmem>> -> memref<1x1x32x128xf32, #tpu.memory_space<vmem>>
        %dma_start3A_2945 = tpu.memref_squeeze %dma_start3A_2944 : memref<1x1x32x128xf32, #tpu.memory_space<vmem>> -> memref<32x128xf32, #tpu.memory_space<vmem>>
        %dma_start3A_2946 = arith.constant 0 : i32
        %dma_start3A_2947 = tpu.memref_slice %arg5[%dma_start3A_2946, %multiple_of3A_2925] : memref<32x1000001xf32, #tpu.memory_space<hbm>> -> memref<32x128xf32, #tpu.memory_space<hbm>>
        %dma_start3A_2948 = arith.constant 0 : i32
        %dma_start3A_2949 = arith.constant 0 : i32
        %dma_start3A_2950 = tpu.memref_slice %arg10[%dma_start3A_2940, %dma_start3A_2941, %dma_start3A_2948, %dma_start3A_2949] : memref<8x1x32x128xf32, #tpu.memory_space<vmem>> -> memref<1x1x32x128xf32, #tpu.memory_space<vmem>>
        %dma_start3A_2951 = tpu.memref_squeeze %dma_start3A_2950 : memref<1x1x32x128xf32, #tpu.memory_space<vmem>> -> memref<32x128xf32, #tpu.memory_space<vmem>>
        %dma_start3A_2952 = arith.constant 0 : i32
        %dma_start3A_2953 = tpu.memref_slice %arg5[%dma_start3A_2952, %multiple_of3A_2925] : memref<32x1000001xf32, #tpu.memory_space<hbm>> -> memref<32x128xf32, #tpu.memory_space<hbm>>
        tpu.enqueue_dma source(%dma_start3A_2953 : memref<32x128xf32, #tpu.memory_space<hbm>>) target(%dma_start3A_2951 : memref<32x128xf32, #tpu.memory_space<vmem>>) target_semaphore(%arg17 : memref<!tpu.dma_semaphore, #tpu.memory_space<semaphore_mem>>)
      } else {
      }
      %dma_wait3A_2677 = arith.constant 6 : i32
      %dma_wait3A_2678 = arith.constant 0 : i32
      %dma_wait3A_2679 = arith.constant 0 : i32
      %dma_wait3A_2680 = arith.constant 0 : i32
      %dma_wait3A_2681 = tpu.memref_slice %arg9[%dma_wait3A_2677, %dma_wait3A_2678, %dma_wait3A_2679, %dma_wait3A_2680] : memref<8x1x32x128xf32, #tpu.memory_space<vmem>> -> memref<1x1x32x128xf32, #tpu.memory_space<vmem>>
      %dma_wait3A_2682 = tpu.memref_squeeze %dma_wait3A_2681 : memref<1x1x32x128xf32, #tpu.memory_space<vmem>> -> memref<32x128xf32, #tpu.memory_space<vmem>>
      %dma_wait3A_2683 = arith.constant 0 : i32
      %dma_wait3A_2684 = arith.constant 0 : i32
      %dma_wait3A_2685 = tpu.memref_slice %arg4[%dma_wait3A_2683, %dma_wait3A_2684] : memref<32x1000001xf32, #tpu.memory_space<hbm>> -> memref<32x128xf32, #tpu.memory_space<hbm>>
      %dma_wait3A_2686 = arith.constant 0 : i32
      %dma_wait3A_2687 = arith.constant 0 : i32
      %dma_wait3A_2688 = tpu.memref_slice %arg9[%dma_wait3A_2677, %dma_wait3A_2678, %dma_wait3A_2686, %dma_wait3A_2687] : memref<8x1x32x128xf32, #tpu.memory_space<vmem>> -> memref<1x1x32x128xf32, #tpu.memory_space<vmem>>
      %dma_wait3A_2689 = tpu.memref_squeeze %dma_wait3A_2688 : memref<1x1x32x128xf32, #tpu.memory_space<vmem>> -> memref<32x128xf32, #tpu.memory_space<vmem>>
      %dma_wait3A_2690 = arith.constant 0 : i32
      %dma_wait3A_2691 = arith.constant 0 : i32
      %dma_wait3A_2692 = tpu.memref_slice %arg4[%dma_wait3A_2690, %dma_wait3A_2691] : memref<32x1000001xf32, #tpu.memory_space<hbm>> -> memref<32x128xf32, #tpu.memory_space<hbm>>
      tpu.wait_dma2 semaphore(%arg18 : memref<!tpu.dma_semaphore, #tpu.memory_space<semaphore_mem>>) src(%dma_wait3A_2692 : memref<32x128xf32, #tpu.memory_space<hbm>>) dst(%dma_wait3A_2689 : memref<32x128xf32, #tpu.memory_space<vmem>>)
      %dma_wait3A_2693 = arith.constant 6 : i32
      %dma_wait3A_2694 = arith.constant 0 : i32
      %dma_wait3A_2695 = arith.constant 0 : i32
      %dma_wait3A_2696 = arith.constant 0 : i32
      %dma_wait3A_2697 = tpu.memref_slice %arg10[%dma_wait3A_2693, %dma_wait3A_2694, %dma_wait3A_2695, %dma_wait3A_2696] : memref<8x1x32x128xf32, #tpu.memory_space<vmem>> -> memref<1x1x32x128xf32, #tpu.memory_space<vmem>>
      %dma_wait3A_2698 = tpu.memref_squeeze %dma_wait3A_2697 : memref<1x1x32x128xf32, #tpu.memory_space<vmem>> -> memref<32x128xf32, #tpu.memory_space<vmem>>
      %dma_wait3A_2699 = arith.constant 0 : i32
      %dma_wait3A_2700 = arith.constant 0 : i32
      %dma_wait3A_2701 = tpu.memref_slice %arg4[%dma_wait3A_2699, %dma_wait3A_2700] : memref<32x1000001xf32, #tpu.memory_space<hbm>> -> memref<32x128xf32, #tpu.memory_space<hbm>>
      %dma_wait3A_2702 = arith.constant 0 : i32
      %dma_wait3A_2703 = arith.constant 0 : i32
      %dma_wait3A_2704 = tpu.memref_slice %arg10[%dma_wait3A_2693, %dma_wait3A_2694, %dma_wait3A_2702, %dma_wait3A_2703] : memref<8x1x32x128xf32, #tpu.memory_space<vmem>> -> memref<1x1x32x128xf32, #tpu.memory_space<vmem>>
      %dma_wait3A_2705 = tpu.memref_squeeze %dma_wait3A_2704 : memref<1x1x32x128xf32, #tpu.memory_space<vmem>> -> memref<32x128xf32, #tpu.memory_space<vmem>>
      %dma_wait3A_2706 = arith.constant 0 : i32
      %dma_wait3A_2707 = arith.constant 0 : i32
      %dma_wait3A_2708 = tpu.memref_slice %arg4[%dma_wait3A_2706, %dma_wait3A_2707] : memref<32x1000001xf32, #tpu.memory_space<hbm>> -> memref<32x128xf32, #tpu.memory_space<hbm>>
      tpu.wait_dma2 semaphore(%arg18 : memref<!tpu.dma_semaphore, #tpu.memory_space<semaphore_mem>>) src(%dma_wait3A_2708 : memref<32x128xf32, #tpu.memory_space<hbm>>) dst(%dma_wait3A_2705 : memref<32x128xf32, #tpu.memory_space<vmem>>)
      %slice3A_2709 = vector.extract_strided_slice %get3A_694 {offsets = [14], sizes = [1], strides = [1]} : vector<16xi32> to vector<1xi32>
      %squeeze3A_2710 = vector.extract %slice3A_2709[0] : i32 from vector<1xi32>
      %jit3A_2711 = arith.constant 128 : i32
      %eq3A_2712 = arith.constant 0 : i32
      %eq3A_2713 = arith.cmpi eq, %jit3A_2711, %eq3A_2712 : i32
      %jit3A_2714 = arith.constant 1 : i32
      %select_n3A_2715 = arith.select %eq3A_2713, %jit3A_2714, %jit3A_2711 : i32
      %rem3A_2716 = arith.remsi %squeeze3A_2710, %select_n3A_2715 : i32
      %ne3A_2717 = arith.constant 0 : i32
      %ne3A_2718 = arith.cmpi ne, %rem3A_2716, %ne3A_2717 : i32
      %lt3A_2719 = arith.constant 0 : i32
      %lt3A_2720 = arith.cmpi slt, %rem3A_2716, %lt3A_2719 : i32
      %lt3A_2721 = arith.constant 0 : i32
      %lt3A_2722 = arith.cmpi slt, %select_n3A_2715, %lt3A_2721 : i32
      %ne3A_2723 = arith.xori %lt3A_2720, %lt3A_2722 : i1
      %and3A_2724 = arith.andi %ne3A_2723, %ne3A_2718 : i1
      %add3A_2725 = arith.addi %rem3A_2716, %select_n3A_2715 : i32
      %select_n3A_2726 = arith.select %and3A_2724, %add3A_2725, %rem3A_2716 : i32
      %broadcast_in_dim3A_2727 = vector.broadcast %select_n3A_2726 : i32 to vector<16xi32>
      %slice3A_2728 = vector.extract_strided_slice %get3A_696 {offsets = [14], sizes = [1], strides = [1]} : vector<16xi32> to vector<1xi32>
      %squeeze3A_2729 = vector.extract %slice3A_2728[0] : i32 from vector<1xi32>
      %jit3A_2730 = arith.constant 128 : i32
      %eq3A_2731 = arith.constant 0 : i32
      %eq3A_2732 = arith.cmpi eq, %jit3A_2730, %eq3A_2731 : i32
      %jit3A_2733 = arith.constant 1 : i32
      %select_n3A_2734 = arith.select %eq3A_2732, %jit3A_2733, %jit3A_2730 : i32
      %rem3A_2735 = arith.remsi %squeeze3A_2729, %select_n3A_2734 : i32
      %ne3A_2736 = arith.constant 0 : i32
      %ne3A_2737 = arith.cmpi ne, %rem3A_2735, %ne3A_2736 : i32
      %lt3A_2738 = arith.constant 0 : i32
      %lt3A_2739 = arith.cmpi slt, %rem3A_2735, %lt3A_2738 : i32
      %lt3A_2740 = arith.constant 0 : i32
      %lt3A_2741 = arith.cmpi slt, %select_n3A_2734, %lt3A_2740 : i32
      %ne3A_2742 = arith.xori %lt3A_2739, %lt3A_2741 : i1
      %and3A_2743 = arith.andi %ne3A_2742, %ne3A_2737 : i1
      %add3A_2744 = arith.addi %rem3A_2735, %select_n3A_2734 : i32
      %select_n3A_2745 = arith.select %and3A_2743, %add3A_2744, %rem3A_2735 : i32
      %broadcast_in_dim3A_2746 = vector.broadcast %select_n3A_2745 : i32 to vector<16xi32>
      %broadcast_in_dim3A_2747 = arith.constant 6 : i32
      %broadcast_in_dim3A_2748 = vector.broadcast %broadcast_in_dim3A_2747 : i32 to vector<16xi32>
      %broadcast_in_dim3A_2749 = arith.constant 0 : i32
      %broadcast_in_dim3A_2750 = vector.broadcast %broadcast_in_dim3A_2749 : i32 to vector<16xi32>
      %gather3A_2751 = tpu.vector_load_idx %arg9[%broadcast_in_dim3A_2748, %broadcast_in_dim3A_2750, %iota3A, %broadcast_in_dim3A_2727] : memref<8x1x32x128xf32, #tpu.memory_space<vmem>>[vector<16xi32>, vector<16xi32>, vector<16xi32>, vector<16xi32>], vector<16xf32>,
      %gather3A_2752 = tpu.vector_load_idx %arg9[%broadcast_in_dim3A_2748, %broadcast_in_dim3A_2750, %add3A_5, %broadcast_in_dim3A_2727] : memref<8x1x32x128xf32, #tpu.memory_space<vmem>>[vector<16xi32>, vector<16xi32>, vector<16xi32>, vector<16xi32>], vector<16xf32>,
      %gather3A_2753 = tpu.vector_load_idx %arg10[%broadcast_in_dim3A_2748, %broadcast_in_dim3A_2750, %iota3A, %broadcast_in_dim3A_2746] : memref<8x1x32x128xf32, #tpu.memory_space<vmem>>[vector<16xi32>, vector<16xi32>, vector<16xi32>, vector<16xi32>], vector<16xf32>,
      %gather3A_2754 = tpu.vector_load_idx %arg10[%broadcast_in_dim3A_2748, %broadcast_in_dim3A_2750, %add3A_5, %broadcast_in_dim3A_2746] : memref<8x1x32x128xf32, #tpu.memory_space<vmem>>[vector<16xi32>, vector<16xi32>, vector<16xi32>, vector<16xi32>], vector<16xf32>,
      %mul3A_2755 = arith.mulf %gather3A_2751, %gather3A_2753 : vector<16xf32>
      %mul3A_2756 = arith.mulf %gather3A_2752, %gather3A_2754 : vector<16xf32>
      %add3A_2757 = arith.addf %mul3A_2755, %mul3A_2756 : vector<16xf32>
      %reduce_sum3A_2758 = arith.constant true
      %reduce_sum3A_2759 = vector.broadcast %reduce_sum3A_2758 : i1 to vector<16xi1>
      %reduce_sum3A_2760 = tpu.scan <sum>, %add3A_2757 masked %reduce_sum3A_2759 : vector<16xf32>, vector<16xi1> -> vector<16xf32>
      %reduce_sum3A_2761 = vector.extract %reduce_sum3A_2760[15] : f32 from vector<16xf32>
      %eq3A_2762 = arith.constant 14 : i32
      %eq3A_2763 = vector.broadcast %eq3A_2762 : i32 to vector<16xi32>
      %eq3A_2764 = arith.cmpi eq, %iota3A, %eq3A_2763 : vector<16xi32>
      %broadcast_in_dim3A_2765 = vector.broadcast %reduce_sum3A_2761 : f32 to vector<16xf32>
      %select_n3A_2766 = arith.select %eq3A_2764, %broadcast_in_dim3A_2765, %select_n3A_2671 : vector<16xi1>, vector<16xf32>
      %lt3A_2767 = arith.constant 31 : i32
      %lt3A_2768 = arith.cmpi slt, %scan3A_690, %lt3A_2767 : i32
      %convert_element_type3A_2769 = arith.extui %lt3A_2768 : i1 to i32
      %cond3A_2770 = arith.constant 0 : i32
      %cond3A_2771 = arith.cmpi ne, %convert_element_type3A_2769, %cond3A_2770 : i32
      scf.if %cond3A_2771 {
        %slice3A_2868 = vector.extract_strided_slice %get3A_700 {offsets = [6], sizes = [1], strides = [1]} : vector<16xi32> to vector<1xi32>
        %squeeze3A_2869 = vector.extract %slice3A_2868[0] : i32 from vector<1xi32>
        %jit3A_2870 = arith.constant 128 : i32
        %div3A_2871 = arith.divsi %squeeze3A_2869, %jit3A_2870 : i32
        %sign3A_2872 = arith.constant 0 : i32
        %sign3A_2873 = arith.cmpi sgt, %squeeze3A_2869, %sign3A_2872 : i32
        %sign3A_2874 = arith.extui %sign3A_2873 : i1 to i32
        %sign3A_2875 = arith.constant 0 : i32
        %sign3A_2876 = arith.cmpi slt, %squeeze3A_2869, %sign3A_2875 : i32
        %sign3A_2877 = arith.extui %sign3A_2876 : i1 to i32
        %sign3A_2878 = arith.subi %sign3A_2874, %sign3A_2877 : i32
        %sign3A_2879 = arith.constant 0 : i32
        %sign3A_2880 = arith.cmpi sgt, %jit3A_2870, %sign3A_2879 : i32
        %sign3A_2881 = arith.extui %sign3A_2880 : i1 to i32
        %sign3A_2882 = arith.constant 0 : i32
        %sign3A_2883 = arith.cmpi slt, %jit3A_2870, %sign3A_2882 : i32
        %sign3A_2884 = arith.extui %sign3A_2883 : i1 to i32
        %sign3A_2885 = arith.subi %sign3A_2881, %sign3A_2884 : i32
        %ne3A_2886 = arith.cmpi ne, %sign3A_2878, %sign3A_2885 : i32
        %rem3A_2887 = arith.remsi %squeeze3A_2869, %jit3A_2870 : i32
        %ne3A_2888 = arith.constant 0 : i32
        %ne3A_2889 = arith.cmpi ne, %rem3A_2887, %ne3A_2888 : i32
        %and3A_2890 = arith.andi %ne3A_2886, %ne3A_2889 : i1
        %sub3A_2891 = arith.constant 1 : i32
        %sub3A_2892 = arith.subi %div3A_2871, %sub3A_2891 : i32
        %select_n3A_2893 = arith.select %and3A_2890, %sub3A_2892, %div3A_2871 : i32
        %mul3A_2894 = arith.constant 128 : i32
        %mul3A_2895 = arith.muli %select_n3A_2893, %mul3A_2894 : i32
        %multiple_of3A_2896 = tpu.assume_multiple %mul3A_2895, 128 : i32
        %slice3A_2897 = vector.extract_strided_slice %get3A_704 {offsets = [6], sizes = [1], strides = [1]} : vector<16xi32> to vector<1xi32>
        %squeeze3A_2898 = vector.extract %slice3A_2897[0] : i32 from vector<1xi32>
        %jit3A_2899 = arith.constant 128 : i32
        %div3A_2900 = arith.divsi %squeeze3A_2898, %jit3A_2899 : i32
        %sign3A_2901 = arith.constant 0 : i32
        %sign3A_2902 = arith.cmpi sgt, %squeeze3A_2898, %sign3A_2901 : i32
        %sign3A_2903 = arith.extui %sign3A_2902 : i1 to i32
        %sign3A_2904 = arith.constant 0 : i32
        %sign3A_2905 = arith.cmpi slt, %squeeze3A_2898, %sign3A_2904 : i32
        %sign3A_2906 = arith.extui %sign3A_2905 : i1 to i32
        %sign3A_2907 = arith.subi %sign3A_2903, %sign3A_2906 : i32
        %sign3A_2908 = arith.constant 0 : i32
        %sign3A_2909 = arith.cmpi sgt, %jit3A_2899, %sign3A_2908 : i32
        %sign3A_2910 = arith.extui %sign3A_2909 : i1 to i32
        %sign3A_2911 = arith.constant 0 : i32
        %sign3A_2912 = arith.cmpi slt, %jit3A_2899, %sign3A_2911 : i32
        %sign3A_2913 = arith.extui %sign3A_2912 : i1 to i32
        %sign3A_2914 = arith.subi %sign3A_2910, %sign3A_2913 : i32
        %ne3A_2915 = arith.cmpi ne, %sign3A_2907, %sign3A_2914 : i32
        %rem3A_2916 = arith.remsi %squeeze3A_2898, %jit3A_2899 : i32
        %ne3A_2917 = arith.constant 0 : i32
        %ne3A_2918 = arith.cmpi ne, %rem3A_2916, %ne3A_2917 : i32
        %and3A_2919 = arith.andi %ne3A_2915, %ne3A_2918 : i1
        %sub3A_2920 = arith.constant 1 : i32
        %sub3A_2921 = arith.subi %div3A_2900, %sub3A_2920 : i32
        %select_n3A_2922 = arith.select %and3A_2919, %sub3A_2921, %div3A_2900 : i32
        %mul3A_2923 = arith.constant 128 : i32
        %mul3A_2924 = arith.muli %select_n3A_2922, %mul3A_2923 : i32
        %multiple_of3A_2925 = tpu.assume_multiple %mul3A_2924, 128 : i32
        %dma_start3A_2926 = arith.constant 6 : i32
        %dma_start3A_2927 = arith.constant 0 : i32
        %dma_start3A_2928 = arith.constant 0 : i32
        %dma_start3A_2929 = arith.constant 0 : i32
        %dma_start3A_2930 = tpu.memref_slice %arg9[%dma_start3A_2926, %dma_start3A_2927, %dma_start3A_2928, %dma_start3A_2929] : memref<8x1x32x128xf32, #tpu.memory_space<vmem>> -> memref<1x1x32x128xf32, #tpu.memory_space<vmem>>
        %dma_start3A_2931 = tpu.memref_squeeze %dma_start3A_2930 : memref<1x1x32x128xf32, #tpu.memory_space<vmem>> -> memref<32x128xf32, #tpu.memory_space<vmem>>
        %dma_start3A_2932 = arith.constant 0 : i32
        %dma_start3A_2933 = tpu.memref_slice %arg4[%dma_start3A_2932, %multiple_of3A_2896] : memref<32x1000001xf32, #tpu.memory_space<hbm>> -> memref<32x128xf32, #tpu.memory_space<hbm>>
        %dma_start3A_2934 = arith.constant 0 : i32
        %dma_start3A_2935 = arith.constant 0 : i32
        %dma_start3A_2936 = tpu.memref_slice %arg9[%dma_start3A_2926, %dma_start3A_2927, %dma_start3A_2934, %dma_start3A_2935] : memref<8x1x32x128xf32, #tpu.memory_space<vmem>> -> memref<1x1x32x128xf32, #tpu.memory_space<vmem>>
        %dma_start3A_2937 = tpu.memref_squeeze %dma_start3A_2936 : memref<1x1x32x128xf32, #tpu.memory_space<vmem>> -> memref<32x128xf32, #tpu.memory_space<vmem>>
        %dma_start3A_2938 = arith.constant 0 : i32
        %dma_start3A_2939 = tpu.memref_slice %arg4[%dma_start3A_2938, %multiple_of3A_2896] : memref<32x1000001xf32, #tpu.memory_space<hbm>> -> memref<32x128xf32, #tpu.memory_space<hbm>>
        tpu.enqueue_dma source(%dma_start3A_2939 : memref<32x128xf32, #tpu.memory_space<hbm>>) target(%dma_start3A_2937 : memref<32x128xf32, #tpu.memory_space<vmem>>) target_semaphore(%arg18 : memref<!tpu.dma_semaphore, #tpu.memory_space<semaphore_mem>>)
        %dma_start3A_2940 = arith.constant 6 : i32
        %dma_start3A_2941 = arith.constant 0 : i32
        %dma_start3A_2942 = arith.constant 0 : i32
        %dma_start3A_2943 = arith.constant 0 : i32
        %dma_start3A_2944 = tpu.memref_slice %arg10[%dma_start3A_2940, %dma_start3A_2941, %dma_start3A_2942, %dma_start3A_2943] : memref<8x1x32x128xf32, #tpu.memory_space<vmem>> -> memref<1x1x32x128xf32, #tpu.memory_space<vmem>>
        %dma_start3A_2945 = tpu.memref_squeeze %dma_start3A_2944 : memref<1x1x32x128xf32, #tpu.memory_space<vmem>> -> memref<32x128xf32, #tpu.memory_space<vmem>>
        %dma_start3A_2946 = arith.constant 0 : i32
        %dma_start3A_2947 = tpu.memref_slice %arg5[%dma_start3A_2946, %multiple_of3A_2925] : memref<32x1000001xf32, #tpu.memory_space<hbm>> -> memref<32x128xf32, #tpu.memory_space<hbm>>
        %dma_start3A_2948 = arith.constant 0 : i32
        %dma_start3A_2949 = arith.constant 0 : i32
        %dma_start3A_2950 = tpu.memref_slice %arg10[%dma_start3A_2940, %dma_start3A_2941, %dma_start3A_2948, %dma_start3A_2949] : memref<8x1x32x128xf32, #tpu.memory_space<vmem>> -> memref<1x1x32x128xf32, #tpu.memory_space<vmem>>
        %dma_start3A_2951 = tpu.memref_squeeze %dma_start3A_2950 : memref<1x1x32x128xf32, #tpu.memory_space<vmem>> -> memref<32x128xf32, #tpu.memory_space<vmem>>
        %dma_start3A_2952 = arith.constant 0 : i32
        %dma_start3A_2953 = tpu.memref_slice %arg5[%dma_start3A_2952, %multiple_of3A_2925] : memref<32x1000001xf32, #tpu.memory_space<hbm>> -> memref<32x128xf32, #tpu.memory_space<hbm>>
        tpu.enqueue_dma source(%dma_start3A_2953 : memref<32x128xf32, #tpu.memory_space<hbm>>) target(%dma_start3A_2951 : memref<32x128xf32, #tpu.memory_space<vmem>>) target_semaphore(%arg18 : memref<!tpu.dma_semaphore, #tpu.memory_space<semaphore_mem>>)
      } else {
      }
      %dma_wait3A_2772 = arith.constant 7 : i32
      %dma_wait3A_2773 = arith.constant 0 : i32
      %dma_wait3A_2774 = arith.constant 0 : i32
      %dma_wait3A_2775 = arith.constant 0 : i32
      %dma_wait3A_2776 = tpu.memref_slice %arg9[%dma_wait3A_2772, %dma_wait3A_2773, %dma_wait3A_2774, %dma_wait3A_2775] : memref<8x1x32x128xf32, #tpu.memory_space<vmem>> -> memref<1x1x32x128xf32, #tpu.memory_space<vmem>>
      %dma_wait3A_2777 = tpu.memref_squeeze %dma_wait3A_2776 : memref<1x1x32x128xf32, #tpu.memory_space<vmem>> -> memref<32x128xf32, #tpu.memory_space<vmem>>
      %dma_wait3A_2778 = arith.constant 0 : i32
      %dma_wait3A_2779 = arith.constant 0 : i32
      %dma_wait3A_2780 = tpu.memref_slice %arg4[%dma_wait3A_2778, %dma_wait3A_2779] : memref<32x1000001xf32, #tpu.memory_space<hbm>> -> memref<32x128xf32, #tpu.memory_space<hbm>>
      %dma_wait3A_2781 = arith.constant 0 : i32
      %dma_wait3A_2782 = arith.constant 0 : i32
      %dma_wait3A_2783 = tpu.memref_slice %arg9[%dma_wait3A_2772, %dma_wait3A_2773, %dma_wait3A_2781, %dma_wait3A_2782] : memref<8x1x32x128xf32, #tpu.memory_space<vmem>> -> memref<1x1x32x128xf32, #tpu.memory_space<vmem>>
      %dma_wait3A_2784 = tpu.memref_squeeze %dma_wait3A_2783 : memref<1x1x32x128xf32, #tpu.memory_space<vmem>> -> memref<32x128xf32, #tpu.memory_space<vmem>>
      %dma_wait3A_2785 = arith.constant 0 : i32
      %dma_wait3A_2786 = arith.constant 0 : i32
      %dma_wait3A_2787 = tpu.memref_slice %arg4[%dma_wait3A_2785, %dma_wait3A_2786] : memref<32x1000001xf32, #tpu.memory_space<hbm>> -> memref<32x128xf32, #tpu.memory_space<hbm>>
      tpu.wait_dma2 semaphore(%arg19 : memref<!tpu.dma_semaphore, #tpu.memory_space<semaphore_mem>>) src(%dma_wait3A_2787 : memref<32x128xf32, #tpu.memory_space<hbm>>) dst(%dma_wait3A_2784 : memref<32x128xf32, #tpu.memory_space<vmem>>)
      %dma_wait3A_2788 = arith.constant 7 : i32
      %dma_wait3A_2789 = arith.constant 0 : i32
      %dma_wait3A_2790 = arith.constant 0 : i32
      %dma_wait3A_2791 = arith.constant 0 : i32
      %dma_wait3A_2792 = tpu.memref_slice %arg10[%dma_wait3A_2788, %dma_wait3A_2789, %dma_wait3A_2790, %dma_wait3A_2791] : memref<8x1x32x128xf32, #tpu.memory_space<vmem>> -> memref<1x1x32x128xf32, #tpu.memory_space<vmem>>
      %dma_wait3A_2793 = tpu.memref_squeeze %dma_wait3A_2792 : memref<1x1x32x128xf32, #tpu.memory_space<vmem>> -> memref<32x128xf32, #tpu.memory_space<vmem>>
      %dma_wait3A_2794 = arith.constant 0 : i32
      %dma_wait3A_2795 = arith.constant 0 : i32
      %dma_wait3A_2796 = tpu.memref_slice %arg4[%dma_wait3A_2794, %dma_wait3A_2795] : memref<32x1000001xf32, #tpu.memory_space<hbm>> -> memref<32x128xf32, #tpu.memory_space<hbm>>
      %dma_wait3A_2797 = arith.constant 0 : i32
      %dma_wait3A_2798 = arith.constant 0 : i32
      %dma_wait3A_2799 = tpu.memref_slice %arg10[%dma_wait3A_2788, %dma_wait3A_2789, %dma_wait3A_2797, %dma_wait3A_2798] : memref<8x1x32x128xf32, #tpu.memory_space<vmem>> -> memref<1x1x32x128xf32, #tpu.memory_space<vmem>>
      %dma_wait3A_2800 = tpu.memref_squeeze %dma_wait3A_2799 : memref<1x1x32x128xf32, #tpu.memory_space<vmem>> -> memref<32x128xf32, #tpu.memory_space<vmem>>
      %dma_wait3A_2801 = arith.constant 0 : i32
      %dma_wait3A_2802 = arith.constant 0 : i32
      %dma_wait3A_2803 = tpu.memref_slice %arg4[%dma_wait3A_2801, %dma_wait3A_2802] : memref<32x1000001xf32, #tpu.memory_space<hbm>> -> memref<32x128xf32, #tpu.memory_space<hbm>>
      tpu.wait_dma2 semaphore(%arg19 : memref<!tpu.dma_semaphore, #tpu.memory_space<semaphore_mem>>) src(%dma_wait3A_2803 : memref<32x128xf32, #tpu.memory_space<hbm>>) dst(%dma_wait3A_2800 : memref<32x128xf32, #tpu.memory_space<vmem>>)
      %slice3A_2804 = vector.extract_strided_slice %get3A_694 {offsets = [15], sizes = [1], strides = [1]} : vector<16xi32> to vector<1xi32>
      %squeeze3A_2805 = vector.extract %slice3A_2804[0] : i32 from vector<1xi32>
      %jit3A_2806 = arith.constant 128 : i32
      %eq3A_2807 = arith.constant 0 : i32
      %eq3A_2808 = arith.cmpi eq, %jit3A_2806, %eq3A_2807 : i32
      %jit3A_2809 = arith.constant 1 : i32
      %select_n3A_2810 = arith.select %eq3A_2808, %jit3A_2809, %jit3A_2806 : i32
      %rem3A_2811 = arith.remsi %squeeze3A_2805, %select_n3A_2810 : i32
      %ne3A_2812 = arith.constant 0 : i32
      %ne3A_2813 = arith.cmpi ne, %rem3A_2811, %ne3A_2812 : i32
      %lt3A_2814 = arith.constant 0 : i32
      %lt3A_2815 = arith.cmpi slt, %rem3A_2811, %lt3A_2814 : i32
      %lt3A_2816 = arith.constant 0 : i32
      %lt3A_2817 = arith.cmpi slt, %select_n3A_2810, %lt3A_2816 : i32
      %ne3A_2818 = arith.xori %lt3A_2815, %lt3A_2817 : i1
      %and3A_2819 = arith.andi %ne3A_2818, %ne3A_2813 : i1
      %add3A_2820 = arith.addi %rem3A_2811, %select_n3A_2810 : i32
      %select_n3A_2821 = arith.select %and3A_2819, %add3A_2820, %rem3A_2811 : i32
      %broadcast_in_dim3A_2822 = vector.broadcast %select_n3A_2821 : i32 to vector<16xi32>
      %slice3A_2823 = vector.extract_strided_slice %get3A_696 {offsets = [15], sizes = [1], strides = [1]} : vector<16xi32> to vector<1xi32>
      %squeeze3A_2824 = vector.extract %slice3A_2823[0] : i32 from vector<1xi32>
      %jit3A_2825 = arith.constant 128 : i32
      %eq3A_2826 = arith.constant 0 : i32
      %eq3A_2827 = arith.cmpi eq, %jit3A_2825, %eq3A_2826 : i32
      %jit3A_2828 = arith.constant 1 : i32
      %select_n3A_2829 = arith.select %eq3A_2827, %jit3A_2828, %jit3A_2825 : i32
      %rem3A_2830 = arith.remsi %squeeze3A_2824, %select_n3A_2829 : i32
      %ne3A_2831 = arith.constant 0 : i32
      %ne3A_2832 = arith.cmpi ne, %rem3A_2830, %ne3A_2831 : i32
      %lt3A_2833 = arith.constant 0 : i32
      %lt3A_2834 = arith.cmpi slt, %rem3A_2830, %lt3A_2833 : i32
      %lt3A_2835 = arith.constant 0 : i32
      %lt3A_2836 = arith.cmpi slt, %select_n3A_2829, %lt3A_2835 : i32
      %ne3A_2837 = arith.xori %lt3A_2834, %lt3A_2836 : i1
      %and3A_2838 = arith.andi %ne3A_2837, %ne3A_2832 : i1
      %add3A_2839 = arith.addi %rem3A_2830, %select_n3A_2829 : i32
      %select_n3A_2840 = arith.select %and3A_2838, %add3A_2839, %rem3A_2830 : i32
      %broadcast_in_dim3A_2841 = vector.broadcast %select_n3A_2840 : i32 to vector<16xi32>
      %broadcast_in_dim3A_2842 = arith.constant 7 : i32
      %broadcast_in_dim3A_2843 = vector.broadcast %broadcast_in_dim3A_2842 : i32 to vector<16xi32>
      %broadcast_in_dim3A_2844 = arith.constant 0 : i32
      %broadcast_in_dim3A_2845 = vector.broadcast %broadcast_in_dim3A_2844 : i32 to vector<16xi32>
      %gather3A_2846 = tpu.vector_load_idx %arg9[%broadcast_in_dim3A_2843, %broadcast_in_dim3A_2845, %iota3A, %broadcast_in_dim3A_2822] : memref<8x1x32x128xf32, #tpu.memory_space<vmem>>[vector<16xi32>, vector<16xi32>, vector<16xi32>, vector<16xi32>], vector<16xf32>,
      %gather3A_2847 = tpu.vector_load_idx %arg9[%broadcast_in_dim3A_2843, %broadcast_in_dim3A_2845, %add3A_5, %broadcast_in_dim3A_2822] : memref<8x1x32x128xf32, #tpu.memory_space<vmem>>[vector<16xi32>, vector<16xi32>, vector<16xi32>, vector<16xi32>], vector<16xf32>,
      %gather3A_2848 = tpu.vector_load_idx %arg10[%broadcast_in_dim3A_2843, %broadcast_in_dim3A_2845, %iota3A, %broadcast_in_dim3A_2841] : memref<8x1x32x128xf32, #tpu.memory_space<vmem>>[vector<16xi32>, vector<16xi32>, vector<16xi32>, vector<16xi32>], vector<16xf32>,
      %gather3A_2849 = tpu.vector_load_idx %arg10[%broadcast_in_dim3A_2843, %broadcast_in_dim3A_2845, %add3A_5, %broadcast_in_dim3A_2841] : memref<8x1x32x128xf32, #tpu.memory_space<vmem>>[vector<16xi32>, vector<16xi32>, vector<16xi32>, vector<16xi32>], vector<16xf32>,
      %mul3A_2850 = arith.mulf %gather3A_2846, %gather3A_2848 : vector<16xf32>
      %mul3A_2851 = arith.mulf %gather3A_2847, %gather3A_2849 : vector<16xf32>
      %add3A_2852 = arith.addf %mul3A_2850, %mul3A_2851 : vector<16xf32>
      %reduce_sum3A_2853 = arith.constant true
      %reduce_sum3A_2854 = vector.broadcast %reduce_sum3A_2853 : i1 to vector<16xi1>
      %reduce_sum3A_2855 = tpu.scan <sum>, %add3A_2852 masked %reduce_sum3A_2854 : vector<16xf32>, vector<16xi1> -> vector<16xf32>
      %reduce_sum3A_2856 = vector.extract %reduce_sum3A_2855[15] : f32 from vector<16xf32>
      %eq3A_2857 = arith.constant 15 : i32
      %eq3A_2858 = vector.broadcast %eq3A_2857 : i32 to vector<16xi32>
      %eq3A_2859 = arith.cmpi eq, %iota3A, %eq3A_2858 : vector<16xi32>
      %broadcast_in_dim3A_2860 = vector.broadcast %reduce_sum3A_2856 : f32 to vector<16xf32>
      %select_n3A_2861 = arith.select %eq3A_2859, %broadcast_in_dim3A_2860, %select_n3A_2766 : vector<16xi1>, vector<16xf32>
      %lt3A_2862 = arith.constant 31 : i32
      %lt3A_2863 = arith.cmpi slt, %scan3A_690, %lt3A_2862 : i32
      %convert_element_type3A_2864 = arith.extui %lt3A_2863 : i1 to i32
      %cond3A_2865 = arith.constant 0 : i32
      %cond3A_2866 = arith.cmpi ne, %convert_element_type3A_2864, %cond3A_2865 : i32
      scf.if %cond3A_2866 {
        %slice3A_2868 = vector.extract_strided_slice %get3A_700 {offsets = [7], sizes = [1], strides = [1]} : vector<16xi32> to vector<1xi32>
        %squeeze3A_2869 = vector.extract %slice3A_2868[0] : i32 from vector<1xi32>
        %jit3A_2870 = arith.constant 128 : i32
        %div3A_2871 = arith.divsi %squeeze3A_2869, %jit3A_2870 : i32
        %sign3A_2872 = arith.constant 0 : i32
        %sign3A_2873 = arith.cmpi sgt, %squeeze3A_2869, %sign3A_2872 : i32
        %sign3A_2874 = arith.extui %sign3A_2873 : i1 to i32
        %sign3A_2875 = arith.constant 0 : i32
        %sign3A_2876 = arith.cmpi slt, %squeeze3A_2869, %sign3A_2875 : i32
        %sign3A_2877 = arith.extui %sign3A_2876 : i1 to i32
        %sign3A_2878 = arith.subi %sign3A_2874, %sign3A_2877 : i32
        %sign3A_2879 = arith.constant 0 : i32
        %sign3A_2880 = arith.cmpi sgt, %jit3A_2870, %sign3A_2879 : i32
        %sign3A_2881 = arith.extui %sign3A_2880 : i1 to i32
        %sign3A_2882 = arith.constant 0 : i32
        %sign3A_2883 = arith.cmpi slt, %jit3A_2870, %sign3A_2882 : i32
        %sign3A_2884 = arith.extui %sign3A_2883 : i1 to i32
        %sign3A_2885 = arith.subi %sign3A_2881, %sign3A_2884 : i32
        %ne3A_2886 = arith.cmpi ne, %sign3A_2878, %sign3A_2885 : i32
        %rem3A_2887 = arith.remsi %squeeze3A_2869, %jit3A_2870 : i32
        %ne3A_2888 = arith.constant 0 : i32
        %ne3A_2889 = arith.cmpi ne, %rem3A_2887, %ne3A_2888 : i32
        %and3A_2890 = arith.andi %ne3A_2886, %ne3A_2889 : i1
        %sub3A_2891 = arith.constant 1 : i32
        %sub3A_2892 = arith.subi %div3A_2871, %sub3A_2891 : i32
        %select_n3A_2893 = arith.select %and3A_2890, %sub3A_2892, %div3A_2871 : i32
        %mul3A_2894 = arith.constant 128 : i32
        %mul3A_2895 = arith.muli %select_n3A_2893, %mul3A_2894 : i32
        %multiple_of3A_2896 = tpu.assume_multiple %mul3A_2895, 128 : i32
        %slice3A_2897 = vector.extract_strided_slice %get3A_704 {offsets = [7], sizes = [1], strides = [1]} : vector<16xi32> to vector<1xi32>
        %squeeze3A_2898 = vector.extract %slice3A_2897[0] : i32 from vector<1xi32>
        %jit3A_2899 = arith.constant 128 : i32
        %div3A_2900 = arith.divsi %squeeze3A_2898, %jit3A_2899 : i32
        %sign3A_2901 = arith.constant 0 : i32
        %sign3A_2902 = arith.cmpi sgt, %squeeze3A_2898, %sign3A_2901 : i32
        %sign3A_2903 = arith.extui %sign3A_2902 : i1 to i32
        %sign3A_2904 = arith.constant 0 : i32
        %sign3A_2905 = arith.cmpi slt, %squeeze3A_2898, %sign3A_2904 : i32
        %sign3A_2906 = arith.extui %sign3A_2905 : i1 to i32
        %sign3A_2907 = arith.subi %sign3A_2903, %sign3A_2906 : i32
        %sign3A_2908 = arith.constant 0 : i32
        %sign3A_2909 = arith.cmpi sgt, %jit3A_2899, %sign3A_2908 : i32
        %sign3A_2910 = arith.extui %sign3A_2909 : i1 to i32
        %sign3A_2911 = arith.constant 0 : i32
        %sign3A_2912 = arith.cmpi slt, %jit3A_2899, %sign3A_2911 : i32
        %sign3A_2913 = arith.extui %sign3A_2912 : i1 to i32
        %sign3A_2914 = arith.subi %sign3A_2910, %sign3A_2913 : i32
        %ne3A_2915 = arith.cmpi ne, %sign3A_2907, %sign3A_2914 : i32
        %rem3A_2916 = arith.remsi %squeeze3A_2898, %jit3A_2899 : i32
        %ne3A_2917 = arith.constant 0 : i32
        %ne3A_2918 = arith.cmpi ne, %rem3A_2916, %ne3A_2917 : i32
        %and3A_2919 = arith.andi %ne3A_2915, %ne3A_2918 : i1
        %sub3A_2920 = arith.constant 1 : i32
        %sub3A_2921 = arith.subi %div3A_2900, %sub3A_2920 : i32
        %select_n3A_2922 = arith.select %and3A_2919, %sub3A_2921, %div3A_2900 : i32
        %mul3A_2923 = arith.constant 128 : i32
        %mul3A_2924 = arith.muli %select_n3A_2922, %mul3A_2923 : i32
        %multiple_of3A_2925 = tpu.assume_multiple %mul3A_2924, 128 : i32
        %dma_start3A_2926 = arith.constant 7 : i32
        %dma_start3A_2927 = arith.constant 0 : i32
        %dma_start3A_2928 = arith.constant 0 : i32
        %dma_start3A_2929 = arith.constant 0 : i32
        %dma_start3A_2930 = tpu.memref_slice %arg9[%dma_start3A_2926, %dma_start3A_2927, %dma_start3A_2928, %dma_start3A_2929] : memref<8x1x32x128xf32, #tpu.memory_space<vmem>> -> memref<1x1x32x128xf32, #tpu.memory_space<vmem>>
        %dma_start3A_2931 = tpu.memref_squeeze %dma_start3A_2930 : memref<1x1x32x128xf32, #tpu.memory_space<vmem>> -> memref<32x128xf32, #tpu.memory_space<vmem>>
        %dma_start3A_2932 = arith.constant 0 : i32
        %dma_start3A_2933 = tpu.memref_slice %arg4[%dma_start3A_2932, %multiple_of3A_2896] : memref<32x1000001xf32, #tpu.memory_space<hbm>> -> memref<32x128xf32, #tpu.memory_space<hbm>>
        %dma_start3A_2934 = arith.constant 0 : i32
        %dma_start3A_2935 = arith.constant 0 : i32
        %dma_start3A_2936 = tpu.memref_slice %arg9[%dma_start3A_2926, %dma_start3A_2927, %dma_start3A_2934, %dma_start3A_2935] : memref<8x1x32x128xf32, #tpu.memory_space<vmem>> -> memref<1x1x32x128xf32, #tpu.memory_space<vmem>>
        %dma_start3A_2937 = tpu.memref_squeeze %dma_start3A_2936 : memref<1x1x32x128xf32, #tpu.memory_space<vmem>> -> memref<32x128xf32, #tpu.memory_space<vmem>>
        %dma_start3A_2938 = arith.constant 0 : i32
        %dma_start3A_2939 = tpu.memref_slice %arg4[%dma_start3A_2938, %multiple_of3A_2896] : memref<32x1000001xf32, #tpu.memory_space<hbm>> -> memref<32x128xf32, #tpu.memory_space<hbm>>
        tpu.enqueue_dma source(%dma_start3A_2939 : memref<32x128xf32, #tpu.memory_space<hbm>>) target(%dma_start3A_2937 : memref<32x128xf32, #tpu.memory_space<vmem>>) target_semaphore(%arg19 : memref<!tpu.dma_semaphore, #tpu.memory_space<semaphore_mem>>)
        %dma_start3A_2940 = arith.constant 7 : i32
        %dma_start3A_2941 = arith.constant 0 : i32
        %dma_start3A_2942 = arith.constant 0 : i32
        %dma_start3A_2943 = arith.constant 0 : i32
        %dma_start3A_2944 = tpu.memref_slice %arg10[%dma_start3A_2940, %dma_start3A_2941, %dma_start3A_2942, %dma_start3A_2943] : memref<8x1x32x128xf32, #tpu.memory_space<vmem>> -> memref<1x1x32x128xf32, #tpu.memory_space<vmem>>
        %dma_start3A_2945 = tpu.memref_squeeze %dma_start3A_2944 : memref<1x1x32x128xf32, #tpu.memory_space<vmem>> -> memref<32x128xf32, #tpu.memory_space<vmem>>
        %dma_start3A_2946 = arith.constant 0 : i32
        %dma_start3A_2947 = tpu.memref_slice %arg5[%dma_start3A_2946, %multiple_of3A_2925] : memref<32x1000001xf32, #tpu.memory_space<hbm>> -> memref<32x128xf32, #tpu.memory_space<hbm>>
        %dma_start3A_2948 = arith.constant 0 : i32
        %dma_start3A_2949 = arith.constant 0 : i32
        %dma_start3A_2950 = tpu.memref_slice %arg10[%dma_start3A_2940, %dma_start3A_2941, %dma_start3A_2948, %dma_start3A_2949] : memref<8x1x32x128xf32, #tpu.memory_space<vmem>> -> memref<1x1x32x128xf32, #tpu.memory_space<vmem>>
        %dma_start3A_2951 = tpu.memref_squeeze %dma_start3A_2950 : memref<1x1x32x128xf32, #tpu.memory_space<vmem>> -> memref<32x128xf32, #tpu.memory_space<vmem>>
        %dma_start3A_2952 = arith.constant 0 : i32
        %dma_start3A_2953 = tpu.memref_slice %arg5[%dma_start3A_2952, %multiple_of3A_2925] : memref<32x1000001xf32, #tpu.memory_space<hbm>> -> memref<32x128xf32, #tpu.memory_space<hbm>>
        tpu.enqueue_dma source(%dma_start3A_2953 : memref<32x128xf32, #tpu.memory_space<hbm>>) target(%dma_start3A_2951 : memref<32x128xf32, #tpu.memory_space<vmem>>) target_semaphore(%arg19 : memref<!tpu.dma_semaphore, #tpu.memory_space<semaphore_mem>>)
      } else {
      }
      %swap3A = arith.index_cast %mul3A_692 : i32 to index
      %swap3A_2867 = tpu.vector_load %arg11[%swap3A] {strides = array<i32>} : memref<512xf32, #tpu.memory_space<vmem>>, vector<16xf32>,
      tpu.vector_store %arg11[%swap3A], %select_n3A_2861 {strides = array<i32>} : memref<512xf32, #tpu.memory_space<vmem>>, vector<16xf32>,
    }
    %scan3A_689 = arith.constant 32 : i32
    "tpu.region"() ({
      %run_scoped3A = tpu.sem_alloc : memref<!tpu.dma_semaphore, #tpu.memory_space<semaphore_mem>>
      %dma_start3A_690 = tpu.memref_slice %arg6[%mul3A_2] : memref<16384xf32, #tpu.memory_space<hbm>> -> memref<512xf32, #tpu.memory_space<hbm>>
      %dma_start3A_691 = tpu.memref_slice %arg6[%mul3A_2] : memref<16384xf32, #tpu.memory_space<hbm>> -> memref<512xf32, #tpu.memory_space<hbm>>
      tpu.enqueue_dma source(%arg11 : memref<512xf32, #tpu.memory_space<vmem>>) target(%dma_start3A_691 : memref<512xf32, #tpu.memory_space<hbm>>) target_semaphore(%run_scoped3A : memref<!tpu.dma_semaphore, #tpu.memory_space<semaphore_mem>>)
      %dma_wait3A = tpu.memref_slice %arg6[%mul3A_2] : memref<16384xf32, #tpu.memory_space<hbm>> -> memref<512xf32, #tpu.memory_space<hbm>>
      %dma_wait3A_692 = tpu.memref_slice %arg6[%mul3A_2] : memref<16384xf32, #tpu.memory_space<hbm>> -> memref<512xf32, #tpu.memory_space<hbm>>
      tpu.wait_dma2 semaphore(%run_scoped3A : memref<!tpu.dma_semaphore, #tpu.memory_space<semaphore_mem>>) src(%arg11 : memref<512xf32, #tpu.memory_space<vmem>>) dst(%dma_wait3A_692 : memref<512xf32, #tpu.memory_space<hbm>>)
      tpu.yield
    }) : () -> ()
    return
  }
}

</mosaic_0001>

<sc_bundles>
// kernel: kernel.3.cloned.1.call-start
scs
__scs_entry_jumppad:
0x0: {  	(pc) =	sbr.rel $0x88, $3  }
0x1: {  	(tag) =	ssettag $0x0;
	lr =	simm.s32 $0x1  }
0x2: {  	[smem:$0x3F9D] =	sst lr;
	_ =	strace $0xD0000000  }
0x3: {  	_ = 	snop  }
0x4: {  	_ = 	snop  }
0x5: {  	_ = 	snop  }
0x6: {  	_ = 	snop  }
0x7: {  	_ = 	snop  }
__scs_overlays_trampoline_lowered:
0x8: {  	[smem:$0x3FAC] =	sst s0  }
0x9: {  	[smem:$0x3FAD] =	sst s1  }
0xa: {  	[smem:$0x3FAE] =	sst s2  }
0xb: {  	[smem:$0x3FAF] =	sst s3  }
0xc: {  	[smem:$0x3FB0] =	sst s4  }
0xd: {  	[smem:$0x3FB1] =	sst s5  }
0xe: {  	[smem:$0x3FB2] =	sst s6  }
0xf: {  	[smem:$0x3FB3] =	sst s7  }
0x10: {  	[smem:$0x3FB4] =	sst s8  }
0x11: {  	[smem:$0x3FB5] =	sst s9;
	s0 =	simm.s32 @!p0 $0x0  }
0x12: {  	s1 =	sld [smem:$0x3F9B];
	s0 =	simm.s32 @p0 $0x1  }
0x13: {  	[smem:$0x3FB6] =	sst s0;
	s0 =	simm.s32 @!p1 $0x0  }
0x14: {  	s2 =	sld [smem:$0x3F9A];
	s0 =	simm.s32 @p1 $0x1  }
0x15: {  	[smem:$0x3FB7] =	sst s0;
	s0 =	simm.s32 @!p2 $0x0  }
0x16: {  	s3 =	sld [smem:$0x3FDB];
	s0 =	simm.s32 @p2 $0x1  }
0x17: {  	s4 =	simm.s32 $0x1BF5;
	[smem:$0x3FB9] =	sst s0  }
0x18: {  	s0 =	sld [smem:$0x3F9C];
	_ =	swait.ge [sflag:s4], $0x0  }
0x19: {  	s7 =	sld [smem:$0x3F9D]  }
0x1a: {  	s8 =	sadd.s32 $0xFFFFE003, lr  }
0x1b: {  	s9 =	sadd.s32 $0xFFFFFEF7, lr;
	s5 =	simm.s32 $0xFFFFFFFF;
	p2 =	slt.u32 s8, $0xFFFFF086  }
0x1c: {  	p1 =	slt.u32 s9, $0xF7A;
	s5 =	simm.s32 @!p2 $0x0  }
0x1d: {  	s5 =	simm.s32 @p1 $0x1;
	p0 =	seq.s32 s7, s2  }
0x1e: {  	s7 =	smul.u32 @!p0 $0xF7A, s2;
	p2 =	seq.s32 @!p0 s5, $0x0  }
0x1f: {  	s9 =	smul.u32 $0xF7A, s1;
	s8 =	simm.s32 @!p0 $0x1BF5;
	p2 =	por !p2, p0  }
0x20: {  	[sflag:s8] =	ssyncset.s32 @!p0 $0xFFFFF086;
	s6 =	sadd.s32 @!p0 s3, s7;
	s7 =	simm.s32 @!p0 $0x108  }
0x21: {  	s3 =	sadd.s32 s3, s9;
	s6 =	sadd.s32 @!p0 $0x88, s6;
	s7 =	simm.s32 @p2 $0x1082  }
0x22: {  	[simem:s7], [sflag:s8] =	dma.local @!p0 [hbm:s6], $0xF7A  }
0x23: {  	s9 =	sor.u32 $0xD0000000, s2;
	s6 =	simm.s32 $0x108;
	_ =	swait.ge @!p0 [sflag:s8], $0x0  }
0x24: {  	s3 =	sadd.s32 $0x88, s3;
	s6 =	simm.s32 @!p1 $0x1082;
	[sflag:s4] =	ssyncset.s32 $0xFFFFF086  }
0x25: {  	[simem:s6], [sflag:s4] =	dma.local [hbm:s3], $0xF7A  }
0x26: {  	[smem:$0x3F9D] =	sst s1;
	(tag) =	ssettag s2;
	_ =	strace s9  }
0x27: {  	s1 =	sld [smem:$0x3FAD]  }
0x28: {  	s2 =	sld [smem:$0x3FAE]  }
0x29: {  	s4 =	sld [smem:$0x3FB0]  }
0x2a: {  	p0 =	seq.s32 s5, $0x0;
	s5 =	sld [smem:$0x3FB1]  }
0x2b: {  	s6 =	sld [smem:$0x3FB2]  }
0x2c: {  	s7 =	sld [smem:$0x3FB3]  }
0x2d: {  	s3 =	simm.s32 $0x108;
	s8 =	sld [smem:$0x3FB4]  }
0x2e: {  	s3 =	simm.s32 @!p0 $0x1082;
	s9 =	sld [smem:$0x3FB5]  }
0x2f: {  	lr =	sadd.s32 s0, s3;
	s0 =	sld [smem:$0x3FAC]  }
0x30: {  	s3 =	sld [smem:$0x3FAF]  }
0x31: {  	[smem:$0x3FB8] =	sst s10  }
0x32: {  	s10 =	sld [smem:$0x3FB6];
	_ =	sdelay $0x3  }
0x33: {  	p0 =	seq.s32 s10, $0x1;
	s10 =	sld [smem:$0x3FB8];
	_ =	sdelay $0x3  }
0x34: {  	[smem:$0x3FB8] =	sst s10  }
0x35: {  	s10 =	sld [smem:$0x3FB7];
	_ =	sdelay $0x3  }
0x36: {  	p1 =	seq.s32 s10, $0x1;
	s10 =	sld [smem:$0x3FB8];
	_ =	sdelay $0x3  }
0x37: {  	[smem:$0x3FB8] =	sst s10  }
0x38: {  	s10 =	sld [smem:$0x3FB9]  }
0x39: {  	_ = 	snop;
	(pc) =	sbr.ind lr, $3  }
0x3a: {  	_ = 	snop  }
0x3b: {  	_ = 	snop  }
0x3c: {  	p2 =	seq.s32 s10, $0x1;
	s10 =	sld [smem:$0x3FB8]  }
0x3d: {  	_ =	shalt  }
0x3e: {  	_ =	shalt  }
0x3f: {  	_ =	shalt  }
0x40: {  	_ =	shalt  }
0x41: {  	_ =	shalt  }
0x42: {  	_ =	shalt  }
0x43: {  	_ =	shalt  }
0x44: {  	_ =	shalt  }
0x45: {  	_ =	shalt  }
0x46: {  	_ =	shalt  }
0x47: {  	_ =	shalt  }
0x48: {  	_ =	shalt  }
0x49: {  	_ =	shalt  }
0x4a: {  	_ =	shalt  }
0x4b: {  	_ =	shalt  }
0x4c: {  	_ =	shalt  }
0x4d: {  	_ =	shalt  }
0x4e: {  	_ =	shalt  }
0x4f: {  	_ =	shalt  }
0x50: {  	_ =	shalt  }
0x51: {  	_ =	shalt  }
0x52: {  	_ =	shalt  }
0x53: {  	_ =	shalt  }
0x54: {  	_ =	shalt  }
0x55: {  	_ =	shalt  }
0x56: {  	_ =	shalt  }
0x57: {  	_ =	shalt  }
0x58: {  	_ =	shalt  }
0x59: {  	_ =	shalt  }
0x5a: {  	_ =	shalt  }
0x5b: {  	_ =	shalt  }
0x5c: {  	_ =	shalt  }
0x5d: {  	_ =	shalt  }
0x5e: {  	_ =	shalt  }
0x5f: {  	_ =	shalt  }
0x60: {  	_ =	shalt  }
0x61: {  	_ =	shalt  }
0x62: {  	_ =	shalt  }
0x63: {  	_ =	shalt  }
0x64: {  	_ =	shalt  }
0x65: {  	_ =	shalt  }
0x66: {  	_ =	shalt  }
0x67: {  	_ =	shalt  }
0x68: {  	_ =	shalt  }
0x69: {  	_ =	shalt  }
0x6a: {  	_ =	shalt  }
0x6b: {  	_ =	shalt  }
0x6c: {  	_ =	shalt  }
0x6d: {  	_ =	shalt  }
0x6e: {  	_ =	shalt  }
0x6f: {  	_ =	shalt  }
0x70: {  	_ =	shalt  }
0x71: {  	_ =	shalt  }
0x72: {  	_ =	shalt  }
0x73: {  	_ =	shalt  }
0x74: {  	_ =	shalt  }
0x75: {  	_ =	shalt  }
0x76: {  	_ =	shalt  }
0x77: {  	_ =	shalt  }
0x78: {  	_ =	shalt  }
0x79: {  	_ =	shalt  }
0x7a: {  	_ =	shalt  }
0x7b: {  	_ =	shalt  }
0x7c: {  	_ =	shalt  }
0x7d: {  	_ =	shalt  }
0x7e: {  	_ =	shalt  }
0x7f: {  	_ =	shalt  }
0x80: {  	_ =	shalt  }
0x81: {  	_ =	shalt  }
0x82: {  	_ =	shalt  }
0x83: {  	_ =	shalt  }
0x84: {  	_ =	shalt  }
0x85: {  	_ =	shalt  }
0x86: {  	_ =	shalt  }
0x87: {  	_ =	shalt  }
.Lfunc_end0:
.L_simem_size_0:
called_computation_lowered:
.L_overlay_start_0:
0x88: {  	s2 =	sld [smem:$0x3FD9]  }
0x89: {  	s3 =	sld [smem:$0x3FFE];
	_ =	sdelay $0x1  }
0x8a: {  	s1 =	srdreg.scid  }
0x8b: {  	s0 =	sand.u32 $0x1, s1  }
0x8c: {  	s18 =	sshll.u32 s0, $0xA;
	s2 =	sadd.s32 s3, s2  }
0x8d: {  	s2 =	sadd.s32 s2, s18  }
0x8e: {  	[smem:$0x3FC4] =	sst s2  }
0x8f: {  	_ = 	snop  }
0x90: {  	s2 =	sld [smem:$0x3FC9]  }
0x91: {  	s19 =	sld [smem:$0x3FC8]  }
0x92: {  	s4 =	sld [smem:$0x3FC7]  }
0x93: {  	s5 =	sld [smem:$0x3FC6]  }
0x94: {  	s6 =	sld [smem:$0x3FD0];
	(tm) =	ssettm $0x1  }
0x95: {  	s7 =	sld [smem:$0x3FFB];
	_ =	sdelay $0x3  }
0x96: {  	_ =	strace s7  }
0x97: {  	s7 =	sld [smem:$0x3FFC];
	_ =	sdelay $0x3  }
0x98: {  	_ =	strace s7  }
0x99: {  	s7 =	sld [smem:$0x3FFD];
	_ =	sdelay $0x3  }
0x9a: {  	_ =	strace s7  }
0x9b: {  	_ =	strace $0x8FFFFFFF  }
0x9c: {  	s20 =	sld [smem:$0x3FDB];
	_ =	sdelay $0x1  }
0x9d: {  	s8 =	simm.s32 $_scs_section_size  }
0x9e: {  	s9 =	simm.s32 $_size__tile_overlayer_lowered;
	s10 =	simm.s32 $_tile_overlayer_lowered  }
0x9f: {  	s23 =	simm.s32 $0x1BFF;
	s22 =	sshll.u32 s10, $0x1;
	s7 =	sadd.s32 s8, s20  }
0xa0: {  	s11 =	simm.s32 $0x0;
	s21 =	sshll.u32 s9, $0x1;
	s9 =	sadd.s32 s22, s7  }
0xa1: {  	[timem:s11], [sflag:s23] =	dma.local [hbm:s9], s21  }
0xa2: {  	_ =	swait.ge [sflag:s23], s21  }
0xa3: {  	s8 =	ssub.s32 $0x0, s21;
	[sflag:s23] =	ssyncset.done $0x0  }
0xa4: {  	[sflag:s23] =	ssyncadd.s32 s8;
	_ =	sdelay $0x1  }
0xa5: {  	s24 =	simm.s32 $0x1B8B  }
0xa6: {  	_ =	swait.ge [sflag:s24], $0x1  }
0xa7: {  	[sflag:s24] =	ssyncset.done $0x0  }
0xa8: {  	s25 =	simm.s32 $0x1B8E;
	[sflag:s24] =	ssyncadd.s32 $0xFFFFFFFF  }
0xa9: {  	s26 =	simm.s32 $execute0_lowered;
	[smem:$0x3FD2] =	sst s25  }
0xaa: {  	s8 =	sshll.u32 s26, $0x1;
	_ =	strace $0x80000046;
	[dreg:$0x1] =	wrdreg $0xFFFFFFFF  }
0xab: {  	s28 =	simm.s32 $_size_execute0_lowered;
	s7 =	sadd.s32 s7, s8;
	[dreg:$0x0] =	wrdreg $0x0  }
0xac: {  	s8 =	sshll.u32 s28, $0x1;
	[dreg:$0x2] =	wrdreg s7  }
0xad: {  	[dreg:$0x3] =	wrdreg s8  }
0xae: {  	[dreg:$0x4] =	wrdreg $0xC0  }
0xaf: {  	_ =	task [dreg:s11], $0x5FFFF  }
0xb0: {  	[dreg:$0x1] =	wrdreg $0xFFFFFFFF  }
0xb1: {  	[dreg:$0x0] =	wrdreg $0x60  }
0xb2: {  	[dreg:$0x2] =	wrdreg s2  }
0xb3: {  	[dreg:$0x3] =	wrdreg s19  }
0xb4: {  	[dreg:$0x4] =	wrdreg s4  }
0xb5: {  	[dreg:$0x5] =	wrdreg s5  }
0xb6: {  	[dreg:$0x6] =	wrdreg s6  }
0xb7: {  	[dreg:$0x7] =	wrdreg $0x9  }
0xb8: {  	_ =	task.clear_ibuf [dreg:s11], $0x8FFFF;
	_ =	strace $0x90000046  }
0xb9: {  	s29 =	simm.s32 $0x9;
	_ =	strace $0x80000048  }
0xba: {  	_ =	swait.ge [sflag:s29], $0x1  }
0xbb: {  	[sflag:s29] =	ssyncadd.s32 $0xFFFFFFFF  }
0xbc: {  	_ =	strace $0x90000048  }
0xbd: {  	_ =	sfence  }
0xbe: {  	s30 =	sld [smem:$0x0];
	_ =	sdelay $0x2  }
0xbf: {  	s31 =	sshll.u32 s1, $0xD;
	s1 =	sshrl.u32 s1, $0x2  }
0xc0: {  	s3 =	sand.u32 $0x4000, s31;
	s1 =	sadd.s32 s1, s30  }
0xc1: {  	s0 =	sor.u32 s3, s0;
	s1 =	sshll.u32 s1, $0x11  }
0xc2: {  	s0 =	sor.u32 s1, s0  }
0xc3: {  	s0 =	sadd.s32 $0x8F2B, s0  }
0xc4: {  	[sflag:s0] =	ssyncadd.remote.s32 $0x1  }
0xc5: {  	_ =	sfence.sel $0xFFFF  }
0xc6: {  	[dreg:$0x0] =	wrdreg $0xFFFFFFFF;
	(pc) =	sbr.abs _section_cstart, $3  }
0xc7: {  	[dreg:$0x1] =	wrdreg $0xFFFFFFFF  }
0xc8: {  	_ =	task.clear_ibuf [dreg:s11], $0x2FFFF;
	_ =	strace $0x9FFFFFFF  }
0xc9: {  	(tm) =	ssettm $0x7FFFFFFF  }
tec
execute0_lowered:
.L_overlay_start_1:
0x0: {  	(tag) =	ssettag $0x1  }
0x1: {  	s0 =	rddreg [dreg:$0x0]  }
0x2: {  	s3 =	rddreg [dreg:$0x1]  }
0x3: {  	s1 =	rddreg [dreg:$0x2]  }
0x4: {  	s2 =	rddreg [dreg:$0x3]  }
0x5: {  	s4 =	rddreg [dreg:$0x4];
	s5 =	srdreg.scid;
	v0 =	vlaneseq.u32;
	vm0 =	vmmov $0x1  }
0x6: {  	s9 =	simm.s32 $0x0;
	s7 =	stileid.u32;
	s12 =	simm.s32 $0x400;
	vm1 =	vmmov $0x3;
	vm2 =	vmmov $0x7;
	vm3 =	vmmov $0xf  }
0x7: {  	s10 =	simm.s32 $0x500;
	vm4 =	vmmov $0x1f;
	vm5 =	vmmov $0x3f;
	s11 =	simm.s32 $0xF500;
	vm6 =	vmmov $0x7f;
	s15 =	simm.s32 $0x500  }
0x8: {  	vm7 =	vmmov $0xff;
	vm8 =	vcmask $0x2724;
	vm9 =	vcmask $0x2B28;
	s13 =	simm.s32 $0x8;
	s5 =	sand.u32 $0x1, s5;
	s7 =	sshll.u32 s7, $0x7  }
0x9: {  	vm10 =	vcmask $0x2F2C;
	vm11 =	vcmask $0x3330;
	[smem:$0x7FF] =	sst s9;
	v0 =	vmul.u32 $0x80, v0;
	s6 =	ssub.s32 $0x2, s5;
	s5 =	sshll.u32 s5, $0x6  }
0xa: {  	vm12 =	vcmask $0x3734;
	vm13 =	vcmask $0x3B38;
	vm14 =	vmmov $0x7fff;
	_ =	strace $0x80000047;
	s8 =	sshrl.u32 s6, $0x1;
	s5 =	sor.u32 s5, s7  }
.Ltmp0:
0xb: {  	v1 =	vor.u32 $0x800, v0;
	v2 =	vor.u32 $0x1000, v0;
	v3 =	vor.u32 $0x1800, v0;
	s7 =	simm.s32 $0x0;
	s0 =	sadd.s32 s0, s5;
	(pc) =	sbr.rel .LBB2_1-.Ltmp0, $4  }
0xc: {  	v4 =	vor.u32 $0x2000, v0;
	v5 =	vor.u32 $0x2800, v0;
	v6 =	vor.u32 $0x3000, v0;
	s6 =	ssub.s32 s6, s8;
	s29 =	sadd.s32 s3, s5;
	[dreg:$0x6] =	wrdreg s0  }
0xd: {  	v7 =	vor.u32 $0x3800, v0;
	v8 =	vor.u32 $0x4000, v0;
	v9 =	vor.u32 $0x4800, v0;
	s30 =	sadd.s32 s4, s5;
	s4 =	simm.s32 $0x9;
	[dreg:$0x7] =	wrdreg s29  }
0xe: {  	v10 =	vor.u32 $0x5000, v0;
	v11 =	vor.u32 $0x5800, v0;
	v12 =	vor.u32 $0x6000, v0;
	s5 =	simm.s32 $0x8500;
	[dreg:$0x8] =	wrdreg s30;
	s31 =	smax.u32 s6, $0x1  }
0xf: {  	v13 =	vor.u32 $0x6800, v0;
	v14 =	vor.u32 $0x7000, v0;
	v15 =	vor.u32 $0x7800, v0;
	s3 =	simm.s32 $0x7500;
	s6 =	simm.s32 $0x7A1400;
	[dreg:$0x9] =	wrdreg s31  }
.LBB2_4:
0x10: {  	s0 =	rddreg [dreg:$0xc];
	s9 =	simm.s32 $0x0  }
0x11: {  	s30 =	rddreg [dreg:$0x8];
	s3 =	simm.s32 $0x10500;
	s4 =	simm.s32 $0x9;
	[tilespmem:s0+$0x10500] =	vst v18  }
0x12: {  	[hbm4b:s30+s9] =	stream.linear.scatter [tilespmem:s3], [sflag:$0x9], $0x200, $0x38;
	[tilespmem:$0x10700] =	vst v63  }
0x13: {  	_ =	swait.ge [sflag:s4], $0x200  }
0x14: {  	s7 =	rddreg [dreg:$0xa]  }
0x15: {  	s31 =	rddreg [dreg:$0x9];
	s7 =	sadd.s32 $0x1, s7  }
0x16: {  	p0 =	sne.s32 s7, s31  }
.Ltmp1:
0x17: {  	_ = 	snop;
	(pc) =	sbr.rel @!p0 .LBB2_5-.Ltmp1, $3  }
0x18: {  	_ =	sdelay $0x1  }
0x19: {  	s11 =	simm.s32 $0xF500;
	s12 =	simm.s32 $0x400;
	[sflag:s4] =	ssyncset.done $0x0  }
0x1a: {  	s6 =	simm.s32 $0x7A1400;
	s3 =	simm.s32 $0x7500;
	[sflag:s4] =	ssyncadd.s32 $0xFFFFFE00  }
.LBB2_1:
0x1b: {  	[dreg:$0xa] =	wrdreg s7  }
0x1c: {  	s0 =	rddreg [dreg:$0x6]  }
0x1d: {  	[tilespmem:s9], [sflag:$0x9] =	stream.linear.gather [hbm4b:s0+s9], $0x200, $0x38;
	[tilespmem:$0x10700] =	vst v63  }
0x1e: {  	_ =	swait.ge [sflag:s4], $0x200  }
0x1f: {  	[sflag:s4] =	ssyncset.done $0x0  }
0x20: {  	s8 =	simm.s32 $0x280;
	s23 =	rddreg [dreg:$0x7];
	[sflag:s4] =	ssyncadd.s32 $0xFFFFFE00  }
0x21: {  	[tilespmem:s8], [sflag:$0x9] =	stream.linear.gather [hbm4b:s23+s9], $0x200, $0x38;
	[tilespmem:$0x10700] =	vst v63  }
0x22: {  	_ =	swait.ge [sflag:s4], $0x200  }
0x23: {  	[sflag:s4] =	ssyncset.done $0x0  }
0x24: {  	[sflag:s4] =	ssyncadd.s32 $0xFFFFFE00  }
0x25: {  	v17 =	vld [tilespmem:$0x280];
	_ =	sdelay $0x4  }
0x26: {  	(v2sf) =	vpush v17, $0x0;
	_ =	sdelay $0x5  }
0x27: {  	v16 =	vld [tilespmem:$0x0];
	_ =	sdelay $0x4  }
0x28: {  	(v2sf) =	vpush v16, $0x0;
	_ =	sdelay $0x2  }
0x29: {  	(v2sf) =	vpush v17, $0x1  }
0x2a: {  	s24 =	spop (v2sf);
	(v2sf) =	vpush v16, $0x1;
	_ =	sdelay $0xa  }
0x2b: {  	s9 =	simm.s32 $0x1;
	s25 =	sand.u32 $0x7F, s24;
	s26 =	spop (v2sf);
	(v2sf) =	vpush v17, $0x2  }
0x2c: {  	s16 =	sshra.s32 s24, $0x1F;
	p6 =	slt.s32 s24, $0x1;
	p0 =	sne.s32 s25, $0x0  }
0x2d: {  	s28 =	sand.u32 $0x7F, s26;
	s29 =	sshra.s32 s26, $0x1F;
	p2 =	slt.s32 s26, $0x1  }
0x2e: {  	s16 =	sshrl.u32 s16, $0x19;
	s30 =	spop (v2sf);
	p1 =	sne.s32 s28, $0x0  }
0x2f: {  	s8 =	sshrl.u32 s29, $0x19;
	p1 =	por !p2, !p1;
	s0 =	spop (v2sf);
	(v2sf) =	vpush v16, $0x2  }
0x30: {  	s4 =	sadd.s32 s16, s24;
	s8 =	sadd.s32 s8, s26;
	p1 =	por !p1, !p1  }
0x31: {  	p0 =	por !p6, !p0;
	s8 =	sshrl.u32 s8, $0x7;
	s9 =	simm.s32 @!p1 $0x0  }
0x32: {  	p0 =	por !p0, !p0;
	s8 =	ssub.s32 s8, s9;
	s9 =	simm.s32 $0x1  }
0x33: {  	s4 =	sshrl.u32 s4, $0x7;
	s8 =	sshll.u32 s8, $0x7;
	s9 =	simm.s32 @!p0 $0x0  }
0x34: {  	s14 =	simm.s32 $0x1500;
	s8 =	sand.u32 $0x1FFFFF80, s8;
	s4 =	ssub.s32 s4, s9  }
0x35: {  	s31 =	sand.u32 $0x7F, s30;
	s8 =	sadd.s32 s1, s8;
	s4 =	sshll.u32 s4, $0x7  }
0x36: {  	[tilespmem:s10], [sflag:$0x1] =	stream.strided.gather [hbm4b:s8+s12], $0x1000, s6, s12, $0x38;
	[tilespmem:$0x10700] =	vst v63  }
0x37: {  	p6 =	slt.s32 s30, $0x1;
	p3 =	sne.s32 s31, $0x0;
	s4 =	sand.u32 $0x1FFFFF80, s4  }
0x38: {  	p0 =	por !p6, !p3;
	s9 =	simm.s32 $0x1;
	s4 =	sadd.s32 s2, s4  }
0x39: {  	[tilespmem:s5], [sflag:$0x1] =	stream.strided.gather [hbm4b:s4+s12], $0x1000, s6, s12, $0x38;
	[tilespmem:$0x10700] =	vst v63  }
0x3a: {  	p0 =	por !p0, !p0;
	s7 =	sand.u32 $0x7F, s0;
	s17 =	spop (v2sf);
	(v2sf) =	vpush v17, $0x3  }
0x3b: {  	s10 =	sshra.s32 s0, $0x1F;
	p5 =	slt.s32 s0, $0x1;
	p4 =	sne.s32 s7, $0x0  }
0x3c: {  	s5 =	sshra.s32 s30, $0x1F;
	s4 =	sshrl.u32 s10, $0x19;
	p1 =	por !p5, !p4  }
0x3d: {  	s16 =	sshrl.u32 s5, $0x19;
	s4 =	sadd.s32 s4, s0;
	p1 =	por !p1, !p1  }
0x3e: {  	s4 =	sshrl.u32 s4, $0x7;
	s9 =	simm.s32 @!p1 $0x0;
	s20 =	spop (v2sf);
	(v2sf) =	vpush v16, $0x3  }
0x3f: {  	s8 =	sadd.s32 s16, s30;
	s4 =	ssub.s32 s4, s9;
	s9 =	simm.s32 $0x1  }
0x40: {  	s8 =	sshrl.u32 s8, $0x7;
	s4 =	sshll.u32 s4, $0x7;
	s9 =	simm.s32 @!p0 $0x0  }
0x41: {  	s18 =	simm.s32 $0x9500;
	s4 =	sand.u32 $0x1FFFFF80, s4;
	s8 =	ssub.s32 s8, s9  }
0x42: {  	s19 =	sand.u32 $0x7F, s17;
	s4 =	sadd.s32 s1, s4;
	s16 =	sshll.u32 s8, $0x7  }
0x43: {  	[tilespmem:s14], [sflag:$0x2] =	stream.strided.gather [hbm4b:s4+s12], $0x1000, s6, s12, $0x38;
	[tilespmem:$0x10700] =	vst v63  }
0x44: {  	p6 =	slt.s32 s17, $0x1;
	p3 =	sne.s32 s19, $0x0;
	s4 =	sand.u32 $0x1FFFFF80, s16  }
0x45: {  	s21 =	sshra.s32 s17, $0x1F;
	p0 =	por !p6, !p3;
	s4 =	sadd.s32 s2, s4  }
0x46: {  	[tilespmem:s18], [sflag:$0x2] =	stream.strided.gather [hbm4b:s4+s12], $0x1000, s6, s12, $0x38;
	[tilespmem:$0x10700] =	vst v63  }
0x47: {  	s9 =	simm.s32 $0x1;
	p0 =	por !p0, !p0;
	s22 =	sand.u32 $0x7F, s20  }
0x48: {  	s23 =	sshra.s32 s20, $0x1F;
	p5 =	slt.s32 s20, $0x1;
	p4 =	sne.s32 s22, $0x0  }
0x49: {  	s26 =	spop (v2sf);
	(v2sf) =	vpush v17, $0x4;
	s4 =	sshrl.u32 s23, $0x19;
	p1 =	por !p5, !p4  }
0x4a: {  	s16 =	sshrl.u32 s21, $0x19;
	s4 =	sadd.s32 s4, s20;
	p1 =	por !p1, !p1  }
0x4b: {  	s8 =	sadd.s32 s16, s17;
	s4 =	sshrl.u32 s4, $0x7;
	s9 =	simm.s32 @!p1 $0x0  }
0x4c: {  	s8 =	sshrl.u32 s8, $0x7;
	s4 =	ssub.s32 s4, s9;
	s9 =	simm.s32 $0x1  }
0x4d: {  	s4 =	sshll.u32 s4, $0x7;
	s9 =	simm.s32 @!p0 $0x0;
	s30 =	spop (v2sf);
	(v2sf) =	vpush v16, $0x4  }
0x4e: {  	s24 =	simm.s32 $0x2500;
	s4 =	sand.u32 $0x1FFFFF80, s4;
	s8 =	ssub.s32 s8, s9  }
0x4f: {  	s28 =	simm.s32 $0xA500;
	s4 =	sadd.s32 s1, s4;
	s25 =	sshll.u32 s8, $0x7  }
0x50: {  	[tilespmem:s24], [sflag:$0x3] =	stream.strided.gather [hbm4b:s4+s12], $0x1000, s6, s12, $0x38;
	[tilespmem:$0x10700] =	vst v63  }
0x51: {  	s29 =	sand.u32 $0x7F, s26;
	s31 =	sshra.s32 s26, $0x1F;
	s4 =	sand.u32 $0x1FFFFF80, s25  }
0x52: {  	p6 =	slt.s32 s26, $0x1;
	p3 =	sne.s32 s29, $0x0;
	s4 =	sadd.s32 s2, s4  }
0x53: {  	[tilespmem:s28], [sflag:$0x3] =	stream.strided.gather [hbm4b:s4+s12], $0x1000, s6, s12, $0x38;
	[tilespmem:$0x10700] =	vst v63  }
0x54: {  	s16 =	sshrl.u32 s31, $0x19;
	p0 =	por !p6, !p3;
	s0 =	sand.u32 $0x7F, s30  }
0x55: {  	s5 =	sshra.s32 s30, $0x1F;
	p5 =	slt.s32 s30, $0x1;
	p4 =	sne.s32 s0, $0x0  }
0x56: {  	s9 =	simm.s32 $0x1;
	s4 =	sshrl.u32 s5, $0x19;
	p1 =	por !p5, !p4  }
0x57: {  	p0 =	por !p0, !p0;
	s4 =	sadd.s32 s4, s30;
	p1 =	por !p1, !p1  }
0x58: {  	s10 =	spop (v2sf);
	(v2sf) =	vpush v17, $0x5;
	s4 =	sshrl.u32 s4, $0x7;
	s9 =	simm.s32 @!p1 $0x0  }
0x59: {  	s8 =	sadd.s32 s16, s26;
	s4 =	ssub.s32 s4, s9;
	s9 =	simm.s32 $0x1  }
0x5a: {  	s8 =	sshrl.u32 s8, $0x7;
	s4 =	sshll.u32 s4, $0x7;
	s9 =	simm.s32 @!p0 $0x0  }
0x5b: {  	s7 =	simm.s32 $0x3500;
	s4 =	sand.u32 $0x1FFFFF80, s4;
	s8 =	ssub.s32 s8, s9  }
0x5c: {  	s4 =	sadd.s32 s1, s4;
	s9 =	sshll.u32 s8, $0x7;
	s17 =	spop (v2sf);
	(v2sf) =	vpush v16, $0x5  }
0x5d: {  	[tilespmem:s7], [sflag:$0x4] =	stream.strided.gather [hbm4b:s4+s12], $0x1000, s6, s12, $0x38;
	[tilespmem:$0x10700] =	vst v63  }
0x5e: {  	s14 =	simm.s32 $0xB500;
	s4 =	sand.u32 $0x1FFFFF80, s9  }
0x5f: {  	s16 =	sand.u32 $0x7F, s10;
	s18 =	sshra.s32 s10, $0x1F;
	s4 =	sadd.s32 s2, s4  }
0x60: {  	[tilespmem:s14], [sflag:$0x4] =	stream.strided.gather [hbm4b:s4+s12], $0x1000, s6, s12, $0x38;
	[tilespmem:$0x10700] =	vst v63  }
0x61: {  	p6 =	slt.s32 s10, $0x1;
	p3 =	sne.s32 s16, $0x0;
	s19 =	sand.u32 $0x7F, s17  }
0x62: {  	s20 =	sshra.s32 s17, $0x1F;
	p5 =	slt.s32 s17, $0x1;
	p4 =	sne.s32 s19, $0x0  }
0x63: {  	s16 =	sshrl.u32 s18, $0x19;
	s4 =	sshrl.u32 s20, $0x19;
	p1 =	por !p5, !p4  }
0x64: {  	s9 =	simm.s32 $0x1;
	s4 =	sadd.s32 s4, s17;
	p1 =	por !p1, !p1  }
0x65: {  	p0 =	por !p6, !p3;
	s4 =	sshrl.u32 s4, $0x7;
	s9 =	simm.s32 @!p1 $0x0  }
0x66: {  	p0 =	por !p0, !p0;
	s8 =	sadd.s32 s16, s10;
	s4 =	ssub.s32 s4, s9  }
0x67: {  	s23 =	spop (v2sf);
	(v2sf) =	vpush v17, $0x6;
	s9 =	simm.s32 $0x1;
	s4 =	sshll.u32 s4, $0x7  }
0x68: {  	s8 =	sshrl.u32 s8, $0x7;
	s9 =	simm.s32 @!p0 $0x0;
	s4 =	sand.u32 $0x1FFFFF80, s4  }
0x69: {  	s21 =	simm.s32 $0x4500;
	s8 =	ssub.s32 s8, s9;
	s4 =	sadd.s32 s1, s4  }
0x6a: {  	[tilespmem:s21], [sflag:$0x5] =	stream.strided.gather [hbm4b:s4+s12], $0x1000, s6, s12, $0x38;
	[tilespmem:$0x10700] =	vst v63  }
0x6b: {  	s31 =	simm.s32 $0x5500;
	s22 =	sshll.u32 s8, $0x7;
	s26 =	spop (v2sf);
	(v2sf) =	vpush v16, $0x6  }
0x6c: {  	s24 =	simm.s32 $0xC500;
	s25 =	sand.u32 $0x7F, s23;
	s4 =	sand.u32 $0x1FFFFF80, s22  }
0x6d: {  	s28 =	sshra.s32 s23, $0x1F;
	p6 =	slt.s32 s23, $0x1;
	s4 =	sadd.s32 s2, s4  }
0x6e: {  	[tilespmem:s24], [sflag:$0x5] =	stream.strided.gather [hbm4b:s4+s12], $0x1000, s6, s12, $0x38;
	[tilespmem:$0x10700] =	vst v63  }
0x6f: {  	p3 =	sne.s32 s25, $0x0;
	s16 =	sshrl.u32 s28, $0x19;
	s29 =	sand.u32 $0x7F, s26  }
0x70: {  	s30 =	sshra.s32 s26, $0x1F;
	p5 =	slt.s32 s26, $0x1;
	p4 =	sne.s32 s29, $0x0  }
0x71: {  	p0 =	por !p6, !p3;
	s4 =	sshrl.u32 s30, $0x19;
	p1 =	por !p5, !p4  }
0x72: {  	s9 =	simm.s32 $0x1;
	s4 =	sadd.s32 s4, s26;
	p1 =	por !p1, !p1  }
0x73: {  	p0 =	por !p0, !p0;
	s4 =	sshrl.u32 s4, $0x7;
	s9 =	simm.s32 @!p1 $0x0  }
0x74: {  	s8 =	sadd.s32 s16, s23;
	s4 =	ssub.s32 s4, s9;
	s9 =	simm.s32 $0x1  }
0x75: {  	s8 =	sshrl.u32 s8, $0x7;
	s4 =	sshll.u32 s4, $0x7;
	s9 =	simm.s32 @!p0 $0x0  }
0x76: {  	s7 =	spop (v2sf);
	s4 =	sand.u32 $0x1FFFFF80, s4;
	s8 =	ssub.s32 s8, s9  }
0x77: {  	(v2sf) =	vpush v17, $0x7;
	s10 =	sand.u32 $0x7F, s7;
	s4 =	sadd.s32 s1, s4;
	s5 =	sshll.u32 s8, $0x7  }
0x78: {  	[tilespmem:s31], [sflag:$0x6] =	stream.strided.gather [hbm4b:s4+s12], $0x1000, s6, s12, $0x38;
	[tilespmem:$0x10700] =	vst v63  }
0x79: {  	s17 =	sshra.s32 s7, $0x1F;
	p6 =	slt.s32 s7, $0x1;
	s4 =	sand.u32 $0x1FFFFF80, s5  }
0x7a: {  	s9 =	simm.s32 $0xD500;
	s4 =	sadd.s32 s2, s4;
	s14 =	spop (v2sf);
	(v2sf) =	vpush v16, $0x7  }
0x7b: {  	[tilespmem:s9], [sflag:$0x6] =	stream.strided.gather [hbm4b:s4+s12], $0x1000, s6, s12, $0x38;
	[tilespmem:$0x10700] =	vst v63  }
0x7c: {  	p3 =	sne.s32 s10, $0x0;
	s16 =	sshrl.u32 s17, $0x19;
	s18 =	sand.u32 $0x7F, s14  }
0x7d: {  	s19 =	sshra.s32 s14, $0x1F;
	p5 =	slt.s32 s14, $0x1;
	p4 =	sne.s32 s18, $0x0  }
0x7e: {  	p0 =	por !p6, !p3;
	s4 =	sshrl.u32 s19, $0x19;
	p1 =	por !p5, !p4  }
0x7f: {  	s9 =	simm.s32 $0x1;
	s4 =	sadd.s32 s4, s14;
	p1 =	por !p1, !p1  }
0x80: {  	p0 =	por !p0, !p0;
	s4 =	sshrl.u32 s4, $0x7;
	s9 =	simm.s32 @!p1 $0x0  }
0x81: {  	s8 =	sadd.s32 s16, s7;
	s4 =	ssub.s32 s4, s9;
	s9 =	simm.s32 $0x1  }
0x82: {  	s8 =	sshrl.u32 s8, $0x7;
	s4 =	sshll.u32 s4, $0x7;
	s9 =	simm.s32 @!p0 $0x0  }
0x83: {  	s4 =	sand.u32 $0x1FFFFF80, s4;
	s8 =	ssub.s32 s8, s9  }
0x84: {  	s20 =	simm.s32 $0x6500;
	s4 =	sadd.s32 s1, s4;
	s21 =	sshll.u32 s8, $0x7  }
0x85: {  	[tilespmem:s20], [sflag:$0x7] =	stream.strided.gather [hbm4b:s4+s12], $0x1000, s6, s12, $0x38;
	[tilespmem:$0x10700] =	vst v63  }
0x86: {  	s22 =	spop (v2sf);
	s4 =	sand.u32 $0x1FFFFF80, s21  }
0x87: {  	s23 =	simm.s32 $0xE500;
	s24 =	sand.u32 $0x7F, s22;
	s4 =	sadd.s32 s2, s4  }
0x88: {  	[tilespmem:s23], [sflag:$0x7] =	stream.strided.gather [hbm4b:s4+s12], $0x1000, s6, s12, $0x38;
	[tilespmem:$0x10700] =	vst v63  }
0x89: {  	s26 =	sshra.s32 s22, $0x1F;
	p6 =	slt.s32 s22, $0x1;
	s25 =	spop (v2sf)  }
0x8a: {  	p3 =	sne.s32 s24, $0x0;
	s16 =	sshrl.u32 s26, $0x19;
	s28 =	sand.u32 $0x7F, s25  }
0x8b: {  	s29 =	sshra.s32 s25, $0x1F;
	p5 =	slt.s32 s25, $0x1;
	p4 =	sne.s32 s28, $0x0  }
0x8c: {  	p0 =	por !p6, !p3;
	s4 =	sshrl.u32 s29, $0x19;
	p1 =	por !p5, !p4  }
0x8d: {  	s9 =	simm.s32 $0x1;
	s4 =	sadd.s32 s4, s25;
	p1 =	por !p1, !p1  }
0x8e: {  	p0 =	por !p0, !p0;
	s4 =	sshrl.u32 s4, $0x7;
	s9 =	simm.s32 @!p1 $0x0  }
0x8f: {  	s8 =	sadd.s32 s16, s22;
	s4 =	ssub.s32 s4, s9;
	s9 =	simm.s32 $0x1  }
0x90: {  	s8 =	sshrl.u32 s8, $0x7;
	s4 =	sshll.u32 s4, $0x7;
	s9 =	simm.s32 @!p0 $0x0  }
0x91: {  	s4 =	sand.u32 $0x1FFFFF80, s4;
	s8 =	ssub.s32 s8, s9  }
0x92: {  	s4 =	sadd.s32 s1, s4;
	s30 =	sshll.u32 s8, $0x7  }
0x93: {  	[tilespmem:s3], [sflag:$0x8] =	stream.strided.gather [hbm4b:s4+s12], $0x1000, s6, s12, $0x38;
	[tilespmem:$0x10700] =	vst v63  }
0x94: {  	s31 =	simm.s32 $0x0;
	s4 =	sand.u32 $0x1FFFFF80, s30  }
0x95: {  	[dreg:$0xb] =	wrdreg s31;
	s4 =	sadd.s32 s2, s4  }
0x96: {  	[tilespmem:s11], [sflag:$0x8] =	stream.strided.gather [hbm4b:s4+s12], $0x1000, s6, s12, $0x38;
	[tilespmem:$0x10700] =	vst v63  }
.LBB2_2:
0x97: {  	s0 =	rddreg [dreg:$0xb]  }
0x98: {  	[dreg:$0xb] =	wrdreg s0;
	s0 =	sshra.s32 s0, $0x2  }
0x99: {  	v25 =	vld [tilespmem:s0+$0x0]  }
0x9a: {  	v26 =	vld [tilespmem:s0+$0x280]  }
0x9b: {  	s5 =	simm.s32 $0x1;
	v16 =	vld [tilespmem:s0+$0x10];
	[dreg:$0xc] =	wrdreg s0  }
0x9c: {  	v17 =	vld [tilespmem:s0+$0x290];
	_ =	swait.ge [sflag:s5], $0x1000  }
0x9d: {  	[sflag:s5] =	ssyncset.done $0x0  }
0x9e: {  	[sflag:s5] =	ssyncadd.s32 $0xFFFFF000  }
0x9f: {  	_ =	swait.ge [sflag:s5], $0x1000  }
0xa0: {  	(v2sf) =	vpush v25, $0x0;
	_ =	sdelay $0x1  }
0xa1: {  	(v2sf) =	vpush v26, $0x0;
	_ =	sdelay $0xa  }
0xa2: {  	(v2sf) =	vpush v25, $0x8;
	_ =	sdelay $0x1  }
0xa3: {  	(v2sf) =	vpush v26, $0x8;
	s4 =	spop (v2sf)  }
0xa4: {  	s4 =	sand.u32 $0x7F, s4  }
0xa5: {  	s8 =	spop (v2sf);
	v18 =	vor.u32 s4, v0  }
0xa6: {  	s8 =	sand.u32 $0x7F, s8;
	v19 =	vor.u32 s4, v1  }
0xa7: {  	v20 =	vor.u32 s8, v0  }
0xa8: {  	[sflag:s5] =	ssyncset.done $0x0;
	v21 =	vor.u32 s8, v1  }
0xa9: {  	[sflag:s5] =	ssyncadd.s32 $0xFFFFF000  }
0xaa: {  	v18 =	vld.idx.msk [tilespmem:v18+s15+$0x0], $0xffff  }
0xab: {  	s3 =	simm.s32 $0x8500;
	v19 =	vld.idx.msk [tilespmem:v19+s15+$0x0], $0xffff  }
0xac: {  	v20 =	vld.idx.msk [tilespmem:v20+s3+$0x0], $0xffff  }
0xad: {  	v21 =	vld.idx.msk [tilespmem:v21+s3+$0x0], $0xffff;
	_ =	sdelay $0x2  }
0xae: {  	s24 =	spop (v2sf)  }
0xaf: {  	s25 =	sshra.s32 s24, $0x1F  }
0xb0: {  	s21 =	spop (v2sf);
	s4 =	sshrl.u32 s25, $0x19;
	v18 =	vmul.f32 v20, v18;
	v19 =	vmul.f32 v21, v19  }
0xb1: {  	s17 =	sshra.s32 s21, $0x1F;
	s26 =	sadd.s32 s4, s24  }
0xb2: {  	s17 =	sshrl.u32 s17, $0x19;
	s16 =	sand.u32 $0xFFFFFF80, s26;
	v18 =	vadd.f32 v19, v18  }
0xb3: {  	p0 =	slt.s32 s24, $0x1;
	s28 =	sadd.s32 s17, s21;
	p1 =	sne.s32 s24, s16  }
0xb4: {  	s18 =	simm.s32 $0x1;
	s17 =	sand.u32 $0xFFFFFF80, s28;
	p0 =	por !p0, !p1;
	(xrf2) =	vadd.scan.msk.f32 $0xffff, v18  }
0xb5: {  	p6 =	slt.s32 s21, $0x1;
	p2 =	sne.s32 s21, s17;
	p0 =	por !p0, !p0  }
0xb6: {  	s8 =	sshrl.u32 s26, $0x7;
	p2 =	por !p6, !p2;
	s18 =	simm.s32 @!p0 $0x0  }
0xb7: {  	s17 =	simm.s32 $0x1;
	p0 =	por !p2, !p2;
	s8 =	ssub.s32 s8, s18  }
0xb8: {  	s16 =	sshrl.u32 s28, $0x7;
	s17 =	simm.s32 @!p0 $0x0;
	s8 =	sshll.u32 s8, $0x7  }
0xb9: {  	s16 =	ssub.s32 s16, s17;
	s8 =	sand.u32 $0x1FFFFF80, s8  }
0xba: {  	s29 =	sshll.u32 s16, $0x7;
	s8 =	sadd.s32 s1, s8  }
0xbb: {  	[tilespmem:s15], [sflag:$0x1] =	stream.strided.gather [hbm4b:s8+s12], $0x1000, s6, s12, $0x38;
	[tilespmem:$0x10700] =	vst v63  }
0xbc: {  	s8 =	sand.u32 $0x1FFFFF80, s29  }
0xbd: {  	s10 =	simm.s32 $0x2;
	[dreg:$0xe] =	wrdreg s24;
	s8 =	sadd.s32 s2, s8  }
0xbe: {  	[tilespmem:s3], [sflag:$0x1] =	stream.strided.gather [hbm4b:s8+s12], $0x1000, s6, s12, $0x38;
	v18, _, _ =	vpop (xrf2);
	[tilespmem:$0x10700] =	vst v63  }
0xbf: {  	_ =	swait.ge [sflag:s10], $0x1000  }
0xc0: {  	[sflag:s10] =	ssyncset.done $0x0  }
0xc1: {  	[sflag:s10] =	ssyncadd.s32 $0xFFFFF000  }
0xc2: {  	_ =	swait.ge [sflag:s10], $0x1000  }
0xc3: {  	(v2sf) =	vpush v25, $0x1;
	_ =	sdelay $0x1  }
0xc4: {  	(v2sf) =	vpush v26, $0x1  }
0xc5: {  	(v2sf) =	vpush v25, $0x9;
	_ =	sdelay $0xb  }
0xc6: {  	s30 =	spop (v2sf);
	(v2sf) =	vpush v26, $0x9  }
0xc7: {  	s8 =	sand.u32 $0x7F, s30  }
0xc8: {  	s31 =	spop (v2sf);
	v19 =	vor.u32 s8, v2  }
0xc9: {  	s16 =	sand.u32 $0x7F, s31;
	v20 =	vor.u32 s8, v3;
	s8 =	spop (v2sf)  }
0xca: {  	v50 =	vor.u32 s16, v2;
	s0 =	sshra.s32 s8, $0x1F  }
0xcb: {  	[sflag:s10] =	ssyncset.done $0x0;
	v22 =	vor.u32 s16, v3;
	s16 =	sshrl.u32 s0, $0x19  }
0xcc: {  	[sflag:s10] =	ssyncadd.s32 $0xFFFFF000;
	s16 =	sadd.s32 s16, s8  }
0xcd: {  	s4 =	sand.u32 $0xFFFFFF80, s16;
	v19 =	vld.idx.msk [tilespmem:v19+s15+$0x0], $0xffff  }
0xce: {  	p3 =	slt.s32 s8, $0x1;
	v20 =	vld.idx.msk [tilespmem:v20+s15+$0x0], $0xffff;
	p4 =	sne.s32 s8, s4  }
0xcf: {  	v21 =	vld.idx.msk [tilespmem:v50+s3+$0x0], $0xffff;
	p0 =	por !p3, !p4  }
0xd0: {  	s19 =	simm.s32 $0x1;
	v22 =	vld.idx.msk [tilespmem:v22+s3+$0x0], $0xffff;
	p0 =	por !p0, !p0  }
0xd1: {  	s16 =	sshrl.u32 s16, $0x7;
	s19 =	simm.s32 @!p0 $0x0  }
0xd2: {  	s16 =	ssub.s32 s16, s19  }
0xd3: {  	s16 =	sshll.u32 s16, $0x7  }
0xd4: {  	s16 =	sand.u32 $0x1FFFFF80, s16  }
0xd5: {  	s11 =	simm.s32 $0x1500;
	v19 =	vmul.f32 v21, v19;
	v20 =	vmul.f32 v22, v20;
	s16 =	sadd.s32 s1, s16;
	s22 =	spop (v2sf)  }
0xd6: {  	[tilespmem:s11], [sflag:$0x2] =	stream.strided.gather [hbm4b:s16+s12], $0x1000, s6, s12, $0x38;
	[tilespmem:$0x10700] =	vst v63  }
0xd7: {  	v19 =	vadd.f32 v20, v19;
	s7 =	sshra.s32 s22, $0x1F  }
0xd8: {  	s18 =	sshrl.u32 s7, $0x19  }
0xd9: {  	(xrf2) =	vadd.scan.msk.f32 $0xffff, v19;
	s9 =	sadd.s32 s18, s22  }
0xda: {  	s18 =	sand.u32 $0xFFFFFF80, s9  }
0xdb: {  	p5 =	slt.s32 s22, $0x1;
	p6 =	sne.s32 s22, s18  }
0xdc: {  	p2 =	por !p5, !p6  }
0xdd: {  	s18 =	simm.s32 $0x1;
	p0 =	por !p2, !p2  }
0xde: {  	s17 =	sshrl.u32 s9, $0x7;
	s18 =	simm.s32 @!p0 $0x0  }
0xdf: {  	s17 =	ssub.s32 s17, s18  }
0xe0: {  	s14 =	sshll.u32 s17, $0x7  }
0xe1: {  	s16 =	sand.u32 $0x1FFFFF80, s14  }
0xe2: {  	s9 =	simm.s32 $0x3;
	s17 =	simm.s32 $0x9500;
	s16 =	sadd.s32 s2, s16  }
0xe3: {  	v19, _, _ =	vpop (xrf2);
	[tilespmem:s17], [sflag:$0x2] =	stream.strided.gather [hbm4b:s16+s12], $0x1000, s6, s12, $0x38;
	[tilespmem:$0x10700] =	vst v63  }
0xe4: {  	_ =	swait.ge [sflag:s9], $0x1000  }
0xe5: {  	[sflag:s9] =	ssyncset.done $0x0  }
0xe6: {  	[sflag:s9] =	ssyncadd.s32 $0xFFFFF000  }
0xe7: {  	_ =	swait.ge [sflag:s9], $0x1000  }
0xe8: {  	(v2sf) =	vpush v25, $0x2;
	_ =	sdelay $0x1  }
0xe9: {  	(v2sf) =	vpush v26, $0x2  }
0xea: {  	(v2sf) =	vpush v25, $0xA;
	_ =	sdelay $0xb  }
0xeb: {  	s18 =	spop (v2sf);
	(v2sf) =	vpush v26, $0xA;
	_ =	sdelay $0x1  }
0xec: {  	s16 =	sand.u32 $0x7F, s18;
	s19 =	spop (v2sf)  }
0xed: {  	v20 =	vor.u32 s16, v4;
	s20 =	spop (v2sf)  }
0xee: {  	s17 =	sand.u32 $0x7F, s19;
	v51 =	vor.u32 s16, v5;
	s23 =	sshra.s32 s20, $0x1F  }
0xef: {  	v52 =	vor.u32 s17, v4;
	v23 =	vor.u32 s17, v5;
	s17 =	sshrl.u32 s23, $0x19  }
0xf0: {  	[sflag:s9] =	ssyncset.done $0x0;
	s17 =	sadd.s32 s17, s20  }
0xf1: {  	[sflag:s9] =	ssyncadd.s32 $0xFFFFF000;
	s24 =	sand.u32 $0xFFFFFF80, s17  }
0xf2: {  	p3 =	slt.s32 s20, $0x1;
	v20 =	vld.idx.msk [tilespmem:v20+s15+$0x0], $0xffff;
	p4 =	sne.s32 s20, s24  }
0xf3: {  	v21 =	vld.idx.msk [tilespmem:v51+s15+$0x0], $0xffff;
	p0 =	por !p3, !p4  }
0xf4: {  	[dreg:$0xd] =	wrdreg s20;
	s20 =	simm.s32 $0x1;
	v22 =	vld.idx.msk [tilespmem:v52+s3+$0x0], $0xffff;
	p0 =	por !p0, !p0  }
0xf5: {  	s17 =	sshrl.u32 s17, $0x7;
	v23 =	vld.idx.msk [tilespmem:v23+s3+$0x0], $0xffff;
	s20 =	simm.s32 @!p0 $0x0  }
0xf6: {  	s17 =	ssub.s32 s17, s20  }
0xf7: {  	s17 =	sshll.u32 s17, $0x7  }
0xf8: {  	s28 =	simm.s32 $0x2500;
	s17 =	sand.u32 $0x1FFFFF80, s17  }
0xf9: {  	s14 =	simm.s32 $0x400;
	s17 =	sadd.s32 s1, s17;
	s23 =	spop (v2sf)  }
0xfa: {  	v20 =	vmul.f32 v22, v20;
	v21 =	vmul.f32 v23, v21;
	[tilespmem:s28], [sflag:$0x3] =	stream.strided.gather [hbm4b:s17+s14], $0x1000, s6, s14, $0x38;
	[tilespmem:$0x10700] =	vst v63  }
0xfb: {  	s25 =	sshra.s32 s23, $0x1F  }
0xfc: {  	v20 =	vadd.f32 v21, v20;
	s19 =	sshrl.u32 s25, $0x19  }
0xfd: {  	s26 =	sadd.s32 s19, s23  }
0xfe: {  	(xrf2) =	vadd.scan.msk.f32 $0xffff, v20;
	s19 =	sand.u32 $0xFFFFFF80, s26  }
0xff: {  	p5 =	slt.s32 s23, $0x1;
	p6 =	sne.s32 s23, s19  }
0x100: {  	p2 =	por !p5, !p6  }
0x101: {  	s19 =	simm.s32 $0x1;
	p0 =	por !p2, !p2  }
0x102: {  	s18 =	sshrl.u32 s26, $0x7;
	s19 =	simm.s32 @!p0 $0x0  }
0x103: {  	s18 =	ssub.s32 s18, s19  }
0x104: {  	s29 =	sshll.u32 s18, $0x7  }
0x105: {  	s17 =	sand.u32 $0x1FFFFF80, s29  }
0x106: {  	s30 =	simm.s32 $0xA500;
	s17 =	sadd.s32 s2, s17  }
0x107: {  	[tilespmem:s30], [sflag:$0x3] =	stream.strided.gather [hbm4b:s17+s14], $0x1000, s6, s14, $0x38;
	[tilespmem:$0x10700] =	vst v63  }
0x108: {  	v20, _, _ =	vpop (xrf2);
	s6 =	simm.s32 $0x4  }
0x109: {  	_ =	swait.ge [sflag:s6], $0x1000  }
0x10a: {  	[sflag:s6] =	ssyncset.done $0x0  }
0x10b: {  	[sflag:s6] =	ssyncadd.s32 $0xFFFFF000  }
0x10c: {  	_ =	swait.ge [sflag:s6], $0x1000  }
0x10d: {  	(v2sf) =	vpush v25, $0x3;
	_ =	sdelay $0x1  }
0x10e: {  	(v2sf) =	vpush v26, $0x3  }
0x10f: {  	(v2sf) =	vpush v25, $0xB;
	_ =	sdelay $0xb  }
0x110: {  	s31 =	spop (v2sf);
	(v2sf) =	vpush v26, $0xB  }
0x111: {  	s17 =	sand.u32 $0x7F, s31  }
0x112: {  	s0 =	spop (v2sf);
	v53 =	vor.u32 s17, v6  }
0x113: {  	s18 =	sand.u32 $0x7F, s0;
	v54 =	vor.u32 s17, v7;
	s17 =	spop (v2sf)  }
0x114: {  	v55 =	vor.u32 s18, v6;
	s7 =	sshra.s32 s17, $0x1F  }
0x115: {  	[sflag:s6] =	ssyncset.done $0x0;
	v24 =	vor.u32 s18, v7;
	s18 =	sshrl.u32 s7, $0x19  }
0x116: {  	[sflag:s6] =	ssyncadd.s32 $0xFFFFF000;
	s18 =	sadd.s32 s18, s17  }
0x117: {  	s11 =	sand.u32 $0xFFFFFF80, s18;
	v21 =	vld.idx.msk [tilespmem:v53+s15+$0x0], $0xffff  }
0x118: {  	p3 =	slt.s32 s17, $0x1;
	v22 =	vld.idx.msk [tilespmem:v54+s15+$0x0], $0xffff;
	p4 =	sne.s32 s17, s11  }
0x119: {  	v23 =	vld.idx.msk [tilespmem:v55+s3+$0x0], $0xffff;
	p0 =	por !p3, !p4  }
0x11a: {  	s25 =	simm.s32 $0x1;
	v24 =	vld.idx.msk [tilespmem:v24+s3+$0x0], $0xffff;
	p0 =	por !p0, !p0  }
0x11b: {  	s18 =	sshrl.u32 s18, $0x7;
	s25 =	simm.s32 @!p0 $0x0  }
0x11c: {  	s18 =	ssub.s32 s18, s25  }
0x11d: {  	s18 =	sshll.u32 s18, $0x7  }
0x11e: {  	s4 =	simm.s32 $0x7A1400;
	s18 =	sand.u32 $0x1FFFFF80, s18  }
0x11f: {  	s26 =	simm.s32 $0x3500;
	v21 =	vmul.f32 v23, v21;
	v22 =	vmul.f32 v24, v22;
	s18 =	sadd.s32 s1, s18;
	s24 =	spop (v2sf)  }
0x120: {  	[tilespmem:s26], [sflag:$0x4] =	stream.strided.gather [hbm4b:s18+s14], $0x1000, s4, s14, $0x38;
	[tilespmem:$0x10700] =	vst v63  }
0x121: {  	v21 =	vadd.f32 v22, v21;
	s12 =	sshra.s32 s24, $0x1F  }
0x122: {  	s20 =	sshrl.u32 s12, $0x19  }
0x123: {  	(xrf2) =	vadd.scan.msk.f32 $0xffff, v21;
	s16 =	sadd.s32 s20, s24  }
0x124: {  	s20 =	sand.u32 $0xFFFFFF80, s16  }
0x125: {  	p5 =	slt.s32 s24, $0x1;
	p6 =	sne.s32 s24, s20  }
0x126: {  	p2 =	por !p5, !p6  }
0x127: {  	s20 =	simm.s32 $0x1;
	p0 =	por !p2, !p2  }
0x128: {  	s19 =	sshrl.u32 s16, $0x7;
	s20 =	simm.s32 @!p0 $0x0  }
0x129: {  	s19 =	ssub.s32 s19, s20  }
0x12a: {  	s28 =	sshll.u32 s19, $0x7  }
0x12b: {  	s18 =	sand.u32 $0x1FFFFF80, s28  }
0x12c: {  	s29 =	simm.s32 $0xB500;
	s7 =	simm.s32 $0x5;
	s18 =	sadd.s32 s2, s18  }
0x12d: {  	v21, _, _ =	vpop (xrf2);
	[tilespmem:s29], [sflag:$0x4] =	stream.strided.gather [hbm4b:s18+s14], $0x1000, s4, s14, $0x38;
	[tilespmem:$0x10700] =	vst v63  }
0x12e: {  	_ =	swait.ge [sflag:s7], $0x1000  }
0x12f: {  	[sflag:s7] =	ssyncset.done $0x0  }
0x130: {  	[sflag:s7] =	ssyncadd.s32 $0xFFFFF000  }
0x131: {  	_ =	swait.ge [sflag:s7], $0x1000  }
0x132: {  	(v2sf) =	vpush v25, $0x4;
	_ =	sdelay $0x1  }
0x133: {  	(v2sf) =	vpush v26, $0x4  }
0x134: {  	(v2sf) =	vpush v25, $0xC;
	_ =	sdelay $0xb  }
0x135: {  	s30 =	spop (v2sf);
	(v2sf) =	vpush v26, $0xC  }
0x136: {  	s18 =	sand.u32 $0x7F, s30  }
0x137: {  	s31 =	spop (v2sf);
	v56 =	vor.u32 s18, v8  }
0x138: {  	s19 =	sand.u32 $0x7F, s31;
	v57 =	vor.u32 s18, v9;
	s18 =	spop (v2sf)  }
0x139: {  	v58 =	vor.u32 s19, v8;
	s0 =	sshra.s32 s18, $0x1F  }
0x13a: {  	[sflag:s7] =	ssyncset.done $0x0;
	v27 =	vor.u32 s19, v9;
	s19 =	sshrl.u32 s0, $0x19  }
0x13b: {  	[sflag:s7] =	ssyncadd.s32 $0xFFFFF000;
	s19 =	sadd.s32 s19, s18  }
0x13c: {  	s11 =	sand.u32 $0xFFFFFF80, s19;
	v22 =	vld.idx.msk [tilespmem:v56+s15+$0x0], $0xffff  }
0x13d: {  	p3 =	slt.s32 s18, $0x1;
	v23 =	vld.idx.msk [tilespmem:v57+s15+$0x0], $0xffff;
	p4 =	sne.s32 s18, s11  }
0x13e: {  	v24 =	vld.idx.msk [tilespmem:v58+s3+$0x0], $0xffff;
	p0 =	por !p3, !p4  }
0x13f: {  	s28 =	simm.s32 $0x1;
	v27 =	vld.idx.msk [tilespmem:v27+s3+$0x0], $0xffff;
	p0 =	por !p0, !p0  }
0x140: {  	s19 =	sshrl.u32 s19, $0x7;
	s28 =	simm.s32 @!p0 $0x0  }
0x141: {  	s19 =	ssub.s32 s19, s28  }
0x142: {  	s19 =	sshll.u32 s19, $0x7  }
0x143: {  	s19 =	sand.u32 $0x1FFFFF80, s19  }
0x144: {  	s16 =	simm.s32 $0x4500;
	v22 =	vmul.f32 v24, v22;
	v23 =	vmul.f32 v27, v23;
	s19 =	sadd.s32 s1, s19;
	s25 =	spop (v2sf)  }
0x145: {  	[tilespmem:s16], [sflag:$0x5] =	stream.strided.gather [hbm4b:s19+s14], $0x1000, s4, s14, $0x38;
	[tilespmem:$0x10700] =	vst v63  }
0x146: {  	v22 =	vadd.f32 v23, v22;
	s26 =	sshra.s32 s25, $0x1F  }
0x147: {  	s26 =	sshrl.u32 s26, $0x19  }
0x148: {  	(xrf2) =	vadd.scan.msk.f32 $0xffff, v22;
	s12 =	sadd.s32 s26, s25  }
0x149: {  	s26 =	sand.u32 $0xFFFFFF80, s12  }
0x14a: {  	p5 =	slt.s32 s25, $0x1;
	p6 =	sne.s32 s25, s26  }
0x14b: {  	p2 =	por !p5, !p6  }
0x14c: {  	s26 =	simm.s32 $0x1;
	p0 =	por !p2, !p2  }
0x14d: {  	s20 =	sshrl.u32 s12, $0x7;
	s26 =	simm.s32 @!p0 $0x0  }
0x14e: {  	s20 =	ssub.s32 s20, s26  }
0x14f: {  	s20 =	sshll.u32 s20, $0x7  }
0x150: {  	s19 =	sand.u32 $0x1FFFFF80, s20  }
0x151: {  	s12 =	simm.s32 $0x6;
	s26 =	simm.s32 $0xC500;
	s19 =	sadd.s32 s2, s19  }
0x152: {  	v22, _, _ =	vpop (xrf2);
	[tilespmem:s26], [sflag:$0x5] =	stream.strided.gather [hbm4b:s19+s14], $0x1000, s4, s14, $0x38;
	[tilespmem:$0x10700] =	vst v63  }
0x153: {  	_ =	swait.ge [sflag:s12], $0x1000  }
0x154: {  	[sflag:s12] =	ssyncset.done $0x0  }
0x155: {  	[sflag:s12] =	ssyncadd.s32 $0xFFFFF000  }
0x156: {  	_ =	swait.ge [sflag:s12], $0x1000  }
0x157: {  	(v2sf) =	vpush v25, $0x5;
	_ =	sdelay $0x1  }
0x158: {  	(v2sf) =	vpush v26, $0x5  }
0x159: {  	(v2sf) =	vpush v25, $0xD;
	_ =	sdelay $0xb  }
0x15a: {  	s28 =	spop (v2sf);
	(v2sf) =	vpush v26, $0xD  }
0x15b: {  	s19 =	sand.u32 $0x7F, s28  }
0x15c: {  	s29 =	spop (v2sf);
	v59 =	vor.u32 s19, v10  }
0x15d: {  	s20 =	sand.u32 $0x7F, s29;
	v60 =	vor.u32 s19, v11;
	s19 =	spop (v2sf)  }
0x15e: {  	v61 =	vor.u32 s20, v10;
	s30 =	sshra.s32 s19, $0x1F  }
0x15f: {  	[sflag:s12] =	ssyncset.done $0x0;
	v28 =	vor.u32 s20, v11;
	s20 =	sshrl.u32 s30, $0x19  }
0x160: {  	[sflag:s12] =	ssyncadd.s32 $0xFFFFF000;
	s20 =	sadd.s32 s20, s19  }
0x161: {  	s31 =	sand.u32 $0xFFFFFF80, s20;
	v23 =	vld.idx.msk [tilespmem:v59+s15+$0x0], $0xffff  }
0x162: {  	p3 =	slt.s32 s19, $0x1;
	v24 =	vld.idx.msk [tilespmem:v60+s15+$0x0], $0xffff;
	p4 =	sne.s32 s19, s31  }
0x163: {  	v27 =	vld.idx.msk [tilespmem:v61+s3+$0x0], $0xffff;
	p0 =	por !p3, !p4  }
0x164: {  	s30 =	simm.s32 $0x1;
	v28 =	vld.idx.msk [tilespmem:v28+s3+$0x0], $0xffff;
	p0 =	por !p0, !p0  }
0x165: {  	s20 =	sshrl.u32 s20, $0x7;
	s30 =	simm.s32 @!p0 $0x0  }
0x166: {  	s20 =	ssub.s32 s20, s30  }
0x167: {  	s20 =	sshll.u32 s20, $0x7  }
0x168: {  	s20 =	sand.u32 $0x1FFFFF80, s20  }
0x169: {  	s11 =	simm.s32 $0x5500;
	v23 =	vmul.f32 v27, v23;
	v24 =	vmul.f32 v28, v24;
	s20 =	sadd.s32 s1, s20;
	s26 =	spop (v2sf)  }
0x16a: {  	[tilespmem:s11], [sflag:$0x6] =	stream.strided.gather [hbm4b:s20+s14], $0x1000, s4, s14, $0x38;
	[tilespmem:$0x10700] =	vst v63  }
0x16b: {  	v23 =	vadd.f32 v24, v23;
	s29 =	sshra.s32 s26, $0x1F  }
0x16c: {  	s29 =	sshrl.u32 s29, $0x19  }
0x16d: {  	(xrf2) =	vadd.scan.msk.f32 $0xffff, v23;
	s0 =	sadd.s32 s29, s26  }
0x16e: {  	s29 =	sand.u32 $0xFFFFFF80, s0  }
0x16f: {  	p5 =	slt.s32 s26, $0x1;
	p6 =	sne.s32 s26, s29  }
0x170: {  	p2 =	por !p5, !p6  }
0x171: {  	s29 =	simm.s32 $0x1;
	p0 =	por !p2, !p2  }
0x172: {  	s28 =	sshrl.u32 s0, $0x7;
	s29 =	simm.s32 @!p0 $0x0  }
0x173: {  	s28 =	ssub.s32 s28, s29  }
0x174: {  	s16 =	sshll.u32 s28, $0x7  }
0x175: {  	s20 =	sand.u32 $0x1FFFFF80, s16  }
0x176: {  	s28 =	simm.s32 $0xD500;
	s16 =	simm.s32 $0x7;
	s20 =	sadd.s32 s2, s20  }
0x177: {  	v23, _, _ =	vpop (xrf2);
	[tilespmem:s28], [sflag:$0x6] =	stream.strided.gather [hbm4b:s20+s14], $0x1000, s4, s14, $0x38;
	[tilespmem:$0x10700] =	vst v63  }
0x178: {  	_ =	swait.ge [sflag:s16], $0x1000  }
0x179: {  	[sflag:s16] =	ssyncset.done $0x0  }
0x17a: {  	[sflag:s16] =	ssyncadd.s32 $0xFFFFF000  }
0x17b: {  	_ =	swait.ge [sflag:s16], $0x1000  }
0x17c: {  	(v2sf) =	vpush v25, $0x6;
	_ =	sdelay $0x1  }
0x17d: {  	(v2sf) =	vpush v26, $0x6  }
0x17e: {  	(v2sf) =	vpush v25, $0xE;
	_ =	sdelay $0xb  }
0x17f: {  	s29 =	spop (v2sf);
	(v2sf) =	vpush v26, $0xE  }
0x180: {  	s20 =	sand.u32 $0x7F, s29  }
0x181: {  	s30 =	spop (v2sf);
	v62 =	vor.u32 s20, v12  }
0x182: {  	s28 =	sand.u32 $0x7F, s30;
	v63 =	vor.u32 s20, v13;
	s20 =	spop (v2sf)  }
0x183: {  	v32 =	vor.u32 s28, v12;
	s31 =	sshra.s32 s20, $0x1F  }
0x184: {  	[sflag:s16] =	ssyncset.done $0x0;
	v29 =	vor.u32 s28, v13;
	s28 =	sshrl.u32 s31, $0x19  }
0x185: {  	[sflag:s16] =	ssyncadd.s32 $0xFFFFF000;
	s0 =	sadd.s32 s28, s20  }
0x186: {  	s31 =	sand.u32 $0xFFFFFF80, s0;
	v24 =	vld.idx.msk [tilespmem:v62+s15+$0x0], $0xffff  }
0x187: {  	p3 =	slt.s32 s20, $0x1;
	v27 =	vld.idx.msk [tilespmem:v63+s15+$0x0], $0xffff;
	p4 =	sne.s32 s20, s31  }
0x188: {  	v28 =	vld.idx.msk [tilespmem:v32+s3+$0x0], $0xffff;
	p0 =	por !p3, !p4  }
0x189: {  	s31 =	simm.s32 $0x1;
	v29 =	vld.idx.msk [tilespmem:v29+s3+$0x0], $0xffff;
	p0 =	por !p0, !p0  }
0x18a: {  	s29 =	sshrl.u32 s0, $0x7;
	s31 =	simm.s32 @!p0 $0x0  }
0x18b: {  	s29 =	ssub.s32 s29, s31  }
0x18c: {  	s29 =	sshll.u32 s29, $0x7  }
0x18d: {  	s29 =	sand.u32 $0x1FFFFF80, s29  }
0x18e: {  	s31 =	simm.s32 $0x6500;
	v24 =	vmul.f32 v28, v24;
	v27 =	vmul.f32 v29, v27;
	s29 =	sadd.s32 s1, s29;
	s28 =	spop (v2sf)  }
0x18f: {  	[tilespmem:s31], [sflag:$0x7] =	stream.strided.gather [hbm4b:s29+s14], $0x1000, s4, s14, $0x38;
	[tilespmem:$0x10700] =	vst v63  }
0x190: {  	v24 =	vadd.f32 v27, v24;
	s11 =	sshra.s32 s28, $0x1F  }
0x191: {  	s11 =	sshrl.u32 s11, $0x19  }
0x192: {  	(xrf2) =	vadd.scan.msk.f32 $0xffff, v24;
	s11 =	sadd.s32 s11, s28  }
0x193: {  	s0 =	sand.u32 $0xFFFFFF80, s11  }
0x194: {  	p5 =	slt.s32 s28, $0x1;
	p6 =	sne.s32 s28, s0  }
0x195: {  	p1 =	por !p5, !p6  }
0x196: {  	s30 =	simm.s32 $0x1;
	p0 =	por !p1, !p1  }
0x197: {  	s11 =	sshrl.u32 s11, $0x7;
	s30 =	simm.s32 @!p0 $0x0  }
0x198: {  	s11 =	ssub.s32 s11, s30  }
0x199: {  	s11 =	sshll.u32 s11, $0x7  }
0x19a: {  	s11 =	sand.u32 $0x1FFFFF80, s11  }
0x19b: {  	s29 =	simm.s32 $0xE500;
	s11 =	sadd.s32 s2, s11  }
0x19c: {  	v24, _, _ =	vpop (xrf2);
	[tilespmem:s29], [sflag:$0x7] =	stream.strided.gather [hbm4b:s11+s14], $0x1000, s4, s14, $0x38;
	[tilespmem:$0x10700] =	vst v63  }
0x19d: {  	_ =	swait.ge [sflag:s13], $0x1000  }
0x19e: {  	[sflag:s13] =	ssyncset.done $0x0  }
0x19f: {  	[sflag:s13] =	ssyncadd.s32 $0xFFFFF000  }
0x1a0: {  	_ =	swait.ge [sflag:s13], $0x1000  }
0x1a1: {  	(v2sf) =	vpush v25, $0x7;
	_ =	sdelay $0x1  }
0x1a2: {  	(v2sf) =	vpush v26, $0x7;
	_ =	sdelay $0xa  }
0x1a3: {  	(v2sf) =	vpush v25, $0xF;
	_ =	sdelay $0x1  }
0x1a4: {  	(v2sf) =	vpush v26, $0xF;
	s30 =	spop (v2sf)  }
0x1a5: {  	s11 =	sand.u32 $0x7F, s30  }
0x1a6: {  	s31 =	spop (v2sf);
	v33 =	vor.u32 s11, v14  }
0x1a7: {  	s29 =	sand.u32 $0x7F, s31;
	v34 =	vor.u32 s11, v15  }
0x1a8: {  	v35 =	vor.u32 s29, v14  }
0x1a9: {  	[sflag:s13] =	ssyncset.done $0x0;
	v36 =	vor.u32 s29, v15  }
0x1aa: {  	[sflag:s13] =	ssyncadd.s32 $0xFFFFF000  }
0x1ab: {  	v25 =	vld.idx.msk [tilespmem:v33+s15+$0x0], $0xffff  }
0x1ac: {  	v26 =	vld.idx.msk [tilespmem:v34+s15+$0x0], $0xffff  }
0x1ad: {  	v27 =	vld.idx.msk [tilespmem:v35+s3+$0x0], $0xffff  }
0x1ae: {  	v28 =	vld.idx.msk [tilespmem:v36+s3+$0x0], $0xffff;
	_ =	sdelay $0x2  }
0x1af: {  	s29 =	spop (v2sf)  }
0x1b0: {  	s0 =	sshra.s32 s29, $0x1F  }
0x1b1: {  	s30 =	spop (v2sf);
	s11 =	sshrl.u32 s0, $0x19;
	v25 =	vmul.f32 v27, v25;
	v26 =	vmul.f32 v28, v26  }
0x1b2: {  	s31 =	sshra.s32 s30, $0x1F;
	s11 =	sadd.s32 s11, s29  }
0x1b3: {  	s31 =	sshrl.u32 s31, $0x19;
	s0 =	sand.u32 $0xFFFFFF80, s11;
	v25 =	vadd.f32 v26, v25  }
0x1b4: {  	p2 =	slt.s32 s29, $0x1;
	s31 =	sadd.s32 s31, s30;
	p3 =	sne.s32 s29, s0  }
0x1b5: {  	p5 =	slt.s32 s30, $0x1;
	s0 =	sand.u32 $0xFFFFFF80, s31;
	p0 =	por !p2, !p3;
	(xrf2) =	vadd.scan.msk.f32 $0xffff, v25  }
0x1b6: {  	p4 =	sne.s32 s30, s0;
	s0 =	simm.s32 $0x1;
	p0 =	por !p0, !p0  }
0x1b7: {  	s11 =	sshrl.u32 s11, $0x7;
	p6 =	por !p5, !p4;
	s0 =	simm.s32 @!p0 $0x0  }
0x1b8: {  	p0 =	por !p6, !p6;
	s0 =	ssub.s32 s11, s0;
	s11 =	simm.s32 $0x1  }
0x1b9: {  	s31 =	sshrl.u32 s31, $0x7;
	s0 =	sshll.u32 s0, $0x7;
	s11 =	simm.s32 @!p0 $0x0  }
0x1ba: {  	s0 =	sand.u32 $0x1FFFFF80, s0;
	s11 =	ssub.s32 s31, s11  }
0x1bb: {  	s31 =	simm.s32 $0x7500;
	s0 =	sadd.s32 s1, s0;
	s11 =	sshll.u32 s11, $0x7  }
0x1bc: {  	[tilespmem:s31], [sflag:$0x8] =	stream.strided.gather [hbm4b:s0+s14], $0x1000, s4, s14, $0x38;
	[tilespmem:$0x10700] =	vst v63  }
0x1bd: {  	s0 =	sand.u32 $0x1FFFFF80, s11  }
0x1be: {  	s31 =	simm.s32 $0xF500;
	s0 =	sadd.s32 s2, s0  }
0x1bf: {  	[tilespmem:s31], [sflag:$0x8] =	stream.strided.gather [hbm4b:s0+s14], $0x1000, s4, s14, $0x38;
	v25, _, _ =	vpop (xrf2);
	[tilespmem:$0x10700] =	vst v63  }
0x1c0: {  	_ =	swait.ge [sflag:s5], $0x1000  }
0x1c1: {  	[sflag:s5] =	ssyncset.done $0x0  }
0x1c2: {  	[sflag:s5] =	ssyncadd.s32 $0xFFFFF000  }
0x1c3: {  	_ =	swait.ge [sflag:s5], $0x1000  }
0x1c4: {  	s4 =	rddreg [dreg:$0xb]  }
0x1c5: {  	p0 =	seq.s32 s4, $0x7C0  }
0x1c6: {  	(v2sf) =	vpush @!p0 v17, $0x0  }
0x1c7: {  	(v2sf) =	vpush @!p0 v16, $0x0;
	_ =	sdelay $0x8  }
0x1c8: {  	s21 =	sand.u32 $0x7F, s21  }
0x1c9: {  	v39 =	vor.u32 s21, v0;
	s11 =	rddreg [dreg:$0xe]  }
0x1ca: {  	v40 =	vor.u32 s21, v1;
	s0 =	sand.u32 $0x7F, s11  }
0x1cb: {  	v37 =	vor.u32 s0, v0  }
0x1cc: {  	[sflag:s5] =	ssyncset.done $0x0;
	v38 =	vor.u32 s0, v1  }
0x1cd: {  	[sflag:s5] =	ssyncadd.s32 $0xFFFFF000;
	s0 =	spop @!p0 (v2sf)  }
0x1ce: {  	v28 =	vld.idx.msk [tilespmem:v39+s3+$0x0], $0xffff;
	s4 =	spop @!p0 (v2sf)  }
0x1cf: {  	v29 =	vld.idx.msk [tilespmem:v40+s3+$0x0], $0xffff;
	s11 =	sand.u32 @!p0 $0x7F, s4  }
0x1d0: {  	v26 =	vld.idx.msk [tilespmem:v37+s15+$0x0], $0xffff;
	p1 =	slt.s32 @!p0 s4, $0x1;
	p2 =	sne.s32 @!p0 s11, $0x0  }
0x1d1: {  	v27 =	vld.idx.msk [tilespmem:v38+s15+$0x0], $0xffff;
	s11 =	sshra.s32 @!p0 s4, $0x1F;
	p1 =	por @!p0 !p1, !p2  }
0x1d2: {  	s11 =	sshrl.u32 @!p0 s11, $0x19;
	p1 =	por @!p0 !p1, !p1  }
0x1d3: {  	s4 =	sadd.s32 @!p0 s11, s4;
	s11 =	simm.s32 @!p0 $0x1;
	p1 =	por !p1, p0  }
0x1d4: {  	s4 =	sshrl.u32 @!p0 s4, $0x7;
	s11 =	simm.s32 @p1 $0x0  }
0x1d5: {  	s4 =	ssub.s32 @!p0 s4, s11  }
0x1d6: {  	v26 =	vmul.f32 v28, v26;
	v27 =	vmul.f32 v29, v27;
	s4 =	sshll.u32 @!p0 s4, $0x7  }
0x1d7: {  	s21 =	simm.s32 @!p0 $0x7A1400;
	s4 =	sand.u32 @!p0 $0x1FFFFF80, s4  }
0x1d8: {  	s31 =	simm.s32 @!p0 $0x500;
	v26 =	vadd.f32 v27, v26;
	s11 =	sadd.s32 @!p0 s1, s4;
	s4 =	simm.s32 @!p0 $0x400  }
0x1d9: {  	[tilespmem:s31], [sflag:$0x1] =	stream.strided.gather @!p0 [hbm4b:s11+s4], $0x1000, s21, s4, $0x38;
	[tilespmem:$0x10700] =	vst v63  }
0x1da: {  	(xrf2) =	vadd.scan.msk.f32 $0xffff, v26;
	s11 =	sand.u32 @!p0 $0x7F, s0  }
0x1db: {  	p1 =	slt.s32 @!p0 s0, $0x1;
	p2 =	sne.s32 @!p0 s11, $0x0  }
0x1dc: {  	s11 =	sshra.s32 @!p0 s0, $0x1F;
	p1 =	por @!p0 !p1, !p2  }
0x1dd: {  	s11 =	sshrl.u32 @!p0 s11, $0x19;
	p1 =	por @!p0 !p1, !p1  }
0x1de: {  	s0 =	sadd.s32 @!p0 s11, s0;
	s11 =	simm.s32 @!p0 $0x1;
	p1 =	por !p1, p0  }
0x1df: {  	s0 =	sshrl.u32 @!p0 s0, $0x7;
	s11 =	simm.s32 @p1 $0x0  }
0x1e0: {  	s0 =	ssub.s32 @!p0 s0, s11  }
0x1e1: {  	s0 =	sshll.u32 @!p0 s0, $0x7  }
0x1e2: {  	s0 =	sand.u32 @!p0 $0x1FFFFF80, s0  }
0x1e3: {  	s11 =	simm.s32 @!p0 $0x8500;
	s0 =	sadd.s32 @!p0 s2, s0  }
0x1e4: {  	v26, _, _ =	vpop (xrf2);
	[tilespmem:s11], [sflag:$0x1] =	stream.strided.gather @!p0 [hbm4b:s0+s4], $0x1000, s21, s4, $0x38;
	[tilespmem:$0x10700] =	vst v63  }
0x1e5: {  	_ =	swait.ge [sflag:s10], $0x1000  }
0x1e6: {  	[sflag:s10] =	ssyncset.done $0x0  }
0x1e7: {  	[sflag:s10] =	ssyncadd.s32 $0xFFFFF000  }
0x1e8: {  	_ =	swait.ge [sflag:s10], $0x1000  }
0x1e9: {  	(v2sf) =	vpush @!p0 v17, $0x1  }
0x1ea: {  	(v2sf) =	vpush @!p0 v16, $0x1;
	_ =	sdelay $0x8  }
0x1eb: {  	s31 =	sand.u32 $0x7F, s8  }
0x1ec: {  	v41 =	vor.u32 s31, v2  }
0x1ed: {  	s5 =	sand.u32 $0x7F, s22;
	v42 =	vor.u32 s31, v3  }
0x1ee: {  	v43 =	vor.u32 s5, v2  }
0x1ef: {  	v30 =	vor.u32 s5, v3;
	[sflag:s10] =	ssyncset.done $0x0  }
0x1f0: {  	[sflag:s10] =	ssyncadd.s32 $0xFFFFF000;
	s0 =	spop @!p0 (v2sf)  }
0x1f1: {  	v27 =	vld.idx.msk [tilespmem:v41+s15+$0x0], $0xffff;
	s8 =	spop @!p0 (v2sf)  }
0x1f2: {  	v28 =	vld.idx.msk [tilespmem:v42+s15+$0x0], $0xffff;
	s11 =	sand.u32 @!p0 $0x7F, s8  }
0x1f3: {  	v29 =	vld.idx.msk [tilespmem:v43+s3+$0x0], $0xffff;
	p1 =	slt.s32 @!p0 s8, $0x1;
	p2 =	sne.s32 @!p0 s11, $0x0  }
0x1f4: {  	v30 =	vld.idx.msk [tilespmem:v30+s3+$0x0], $0xffff;
	s11 =	sshra.s32 @!p0 s8, $0x1F;
	p1 =	por @!p0 !p1, !p2  }
0x1f5: {  	s11 =	sshrl.u32 @!p0 s11, $0x19;
	p1 =	por @!p0 !p1, !p1  }
0x1f6: {  	s8 =	sadd.s32 @!p0 s11, s8;
	s11 =	simm.s32 @!p0 $0x1;
	p1 =	por !p1, p0  }
0x1f7: {  	s8 =	sshrl.u32 @!p0 s8, $0x7;
	s11 =	simm.s32 @p1 $0x0  }
0x1f8: {  	s8 =	ssub.s32 @!p0 s8, s11  }
0x1f9: {  	v27 =	vmul.f32 v29, v27;
	v28 =	vmul.f32 v30, v28;
	s8 =	sshll.u32 @!p0 s8, $0x7  }
0x1fa: {  	s8 =	sand.u32 @!p0 $0x1FFFFF80, s8  }
0x1fb: {  	v27 =	vadd.f32 v28, v27;
	s11 =	simm.s32 @!p0 $0x1500;
	s8 =	sadd.s32 @!p0 s1, s8  }
0x1fc: {  	[tilespmem:s11], [sflag:$0x2] =	stream.strided.gather @!p0 [hbm4b:s8+s4], $0x1000, s21, s4, $0x38;
	[tilespmem:$0x10700] =	vst v63  }
0x1fd: {  	(xrf2) =	vadd.scan.msk.f32 $0xffff, v27;
	s8 =	sand.u32 @!p0 $0x7F, s0  }
0x1fe: {  	p1 =	slt.s32 @!p0 s0, $0x1;
	p2 =	sne.s32 @!p0 s8, $0x0  }
0x1ff: {  	s8 =	sshra.s32 @!p0 s0, $0x1F;
	p1 =	por @!p0 !p1, !p2  }
0x200: {  	s8 =	sshrl.u32 @!p0 s8, $0x19;
	p1 =	por @!p0 !p1, !p1  }
0x201: {  	s0 =	sadd.s32 @!p0 s8, s0;
	s8 =	simm.s32 @!p0 $0x1;
	p1 =	por !p1, p0  }
0x202: {  	s0 =	sshrl.u32 @!p0 s0, $0x7;
	s8 =	simm.s32 @p1 $0x0  }
0x203: {  	s0 =	ssub.s32 @!p0 s0, s8  }
0x204: {  	s0 =	sshll.u32 @!p0 s0, $0x7  }
0x205: {  	s0 =	sand.u32 @!p0 $0x1FFFFF80, s0  }
0x206: {  	s8 =	simm.s32 @!p0 $0x9500;
	s0 =	sadd.s32 @!p0 s2, s0  }
0x207: {  	v27, _, _ =	vpop (xrf2);
	[tilespmem:s8], [sflag:$0x2] =	stream.strided.gather @!p0 [hbm4b:s0+s4], $0x1000, s21, s4, $0x38;
	[tilespmem:$0x10700] =	vst v63  }
0x208: {  	_ =	swait.ge [sflag:s9], $0x1000  }
0x209: {  	[sflag:s9] =	ssyncset.done $0x0  }
0x20a: {  	[sflag:s9] =	ssyncadd.s32 $0xFFFFF000  }
0x20b: {  	_ =	swait.ge [sflag:s9], $0x1000  }
0x20c: {  	(v2sf) =	vpush @!p0 v17, $0x2  }
0x20d: {  	(v2sf) =	vpush @!p0 v16, $0x2;
	_ =	sdelay $0x8  }
0x20e: {  	s10 =	sand.u32 $0x7F, s23  }
0x20f: {  	v46 =	vor.u32 s10, v4;
	s8 =	rddreg [dreg:$0xd]  }
0x210: {  	v31 =	vor.u32 s10, v5;
	s0 =	sand.u32 $0x7F, s8  }
0x211: {  	v44 =	vor.u32 s0, v4  }
0x212: {  	[sflag:s9] =	ssyncset.done $0x0;
	v45 =	vor.u32 s0, v5  }
0x213: {  	[sflag:s9] =	ssyncadd.s32 $0xFFFFF000;
	s0 =	spop @!p0 (v2sf)  }
0x214: {  	v30 =	vld.idx.msk [tilespmem:v46+s3+$0x0], $0xffff;
	s8 =	spop @!p0 (v2sf)  }
0x215: {  	v31 =	vld.idx.msk [tilespmem:v31+s3+$0x0], $0xffff;
	s11 =	sand.u32 @!p0 $0x7F, s8  }
0x216: {  	v28 =	vld.idx.msk [tilespmem:v44+s15+$0x0], $0xffff;
	p1 =	slt.s32 @!p0 s8, $0x1;
	p2 =	sne.s32 @!p0 s11, $0x0  }
0x217: {  	v29 =	vld.idx.msk [tilespmem:v45+s15+$0x0], $0xffff;
	s11 =	sshra.s32 @!p0 s8, $0x1F;
	p1 =	por @!p0 !p1, !p2  }
0x218: {  	s11 =	sshrl.u32 @!p0 s11, $0x19;
	p1 =	por @!p0 !p1, !p1  }
0x219: {  	s8 =	sadd.s32 @!p0 s11, s8;
	s11 =	simm.s32 @!p0 $0x1;
	p1 =	por !p1, p0  }
0x21a: {  	s8 =	sshrl.u32 @!p0 s8, $0x7;
	s11 =	simm.s32 @p1 $0x0  }
0x21b: {  	s8 =	ssub.s32 @!p0 s8, s11  }
0x21c: {  	v28 =	vmul.f32 v30, v28;
	v29 =	vmul.f32 v31, v29;
	s8 =	sshll.u32 @!p0 s8, $0x7  }
0x21d: {  	s8 =	sand.u32 @!p0 $0x1FFFFF80, s8  }
0x21e: {  	v28 =	vadd.f32 v29, v28;
	s11 =	simm.s32 @!p0 $0x2500;
	s8 =	sadd.s32 @!p0 s1, s8  }
0x21f: {  	[tilespmem:s11], [sflag:$0x3] =	stream.strided.gather @!p0 [hbm4b:s8+s4], $0x1000, s21, s4, $0x38;
	[tilespmem:$0x10700] =	vst v63  }
0x220: {  	(xrf2) =	vadd.scan.msk.f32 $0xffff, v28;
	s8 =	sand.u32 @!p0 $0x7F, s0  }
0x221: {  	p1 =	slt.s32 @!p0 s0, $0x1;
	p2 =	sne.s32 @!p0 s8, $0x0  }
0x222: {  	s8 =	sshra.s32 @!p0 s0, $0x1F;
	p1 =	por @!p0 !p1, !p2  }
0x223: {  	s8 =	sshrl.u32 @!p0 s8, $0x19;
	p1 =	por @!p0 !p1, !p1  }
0x224: {  	s0 =	sadd.s32 @!p0 s8, s0;
	s8 =	simm.s32 @!p0 $0x1;
	p1 =	por !p1, p0  }
0x225: {  	s0 =	sshrl.u32 @!p0 s0, $0x7;
	s8 =	simm.s32 @p1 $0x0  }
0x226: {  	s0 =	ssub.s32 @!p0 s0, s8  }
0x227: {  	s0 =	sshll.u32 @!p0 s0, $0x7  }
0x228: {  	s0 =	sand.u32 @!p0 $0x1FFFFF80, s0  }
0x229: {  	s8 =	simm.s32 @!p0 $0xA500;
	s0 =	sadd.s32 @!p0 s2, s0  }
0x22a: {  	v28, _, _ =	vpop (xrf2);
	[tilespmem:s8], [sflag:$0x3] =	stream.strided.gather @!p0 [hbm4b:s0+s4], $0x1000, s21, s4, $0x38;
	[tilespmem:$0x10700] =	vst v63  }
0x22b: {  	_ =	swait.ge [sflag:s6], $0x1000  }
0x22c: {  	[sflag:s6] =	ssyncset.done $0x0  }
0x22d: {  	[sflag:s6] =	ssyncadd.s32 $0xFFFFF000  }
0x22e: {  	_ =	swait.ge [sflag:s6], $0x1000  }
0x22f: {  	(v2sf) =	vpush @!p0 v17, $0x3  }
0x230: {  	(v2sf) =	vpush @!p0 v16, $0x3;
	_ =	sdelay $0x8  }
0x231: {  	s11 =	sand.u32 $0x7F, s17  }
0x232: {  	v47 =	vor.u32 s11, v6  }
0x233: {  	s17 =	sand.u32 $0x7F, s24;
	v48 =	vor.u32 s11, v7  }
0x234: {  	v49 =	vor.u32 s17, v6  }
0x235: {  	v32 =	vor.u32 s17, v7;
	[sflag:s6] =	ssyncset.done $0x0  }
0x236: {  	[sflag:s6] =	ssyncadd.s32 $0xFFFFF000;
	s0 =	spop @!p0 (v2sf)  }
0x237: {  	v29 =	vld.idx.msk [tilespmem:v47+s15+$0x0], $0xffff;
	s8 =	spop @!p0 (v2sf)  }
0x238: {  	v30 =	vld.idx.msk [tilespmem:v48+s15+$0x0], $0xffff;
	s11 =	sand.u32 @!p0 $0x7F, s8  }
0x239: {  	v31 =	vld.idx.msk [tilespmem:v49+s3+$0x0], $0xffff;
	p1 =	slt.s32 @!p0 s8, $0x1;
	p2 =	sne.s32 @!p0 s11, $0x0  }
0x23a: {  	v32 =	vld.idx.msk [tilespmem:v32+s3+$0x0], $0xffff;
	s11 =	sshra.s32 @!p0 s8, $0x1F;
	p1 =	por @!p0 !p1, !p2  }
0x23b: {  	s11 =	sshrl.u32 @!p0 s11, $0x19;
	p1 =	por @!p0 !p1, !p1  }
0x23c: {  	s8 =	sadd.s32 @!p0 s11, s8;
	s11 =	simm.s32 @!p0 $0x1;
	p1 =	por !p1, p0  }
0x23d: {  	s8 =	sshrl.u32 @!p0 s8, $0x7;
	s11 =	simm.s32 @p1 $0x0  }
0x23e: {  	s8 =	ssub.s32 @!p0 s8, s11  }
0x23f: {  	v29 =	vmul.f32 v31, v29;
	v30 =	vmul.f32 v32, v30;
	s8 =	sshll.u32 @!p0 s8, $0x7  }
0x240: {  	s8 =	sand.u32 @!p0 $0x1FFFFF80, s8  }
0x241: {  	v29 =	vadd.f32 v30, v29;
	s11 =	simm.s32 @!p0 $0x3500;
	s8 =	sadd.s32 @!p0 s1, s8  }
0x242: {  	[tilespmem:s11], [sflag:$0x4] =	stream.strided.gather @!p0 [hbm4b:s8+s4], $0x1000, s21, s4, $0x38;
	[tilespmem:$0x10700] =	vst v63  }
0x243: {  	(xrf2) =	vadd.scan.msk.f32 $0xffff, v29;
	s8 =	sand.u32 @!p0 $0x7F, s0  }
0x244: {  	p1 =	slt.s32 @!p0 s0, $0x1;
	p2 =	sne.s32 @!p0 s8, $0x0  }
0x245: {  	s8 =	sshra.s32 @!p0 s0, $0x1F;
	p1 =	por @!p0 !p1, !p2  }
0x246: {  	s8 =	sshrl.u32 @!p0 s8, $0x19;
	p1 =	por @!p0 !p1, !p1  }
0x247: {  	s0 =	sadd.s32 @!p0 s8, s0;
	s8 =	simm.s32 @!p0 $0x1;
	p1 =	por !p1, p0  }
0x248: {  	s0 =	sshrl.u32 @!p0 s0, $0x7;
	s8 =	simm.s32 @p1 $0x0  }
0x249: {  	s0 =	ssub.s32 @!p0 s0, s8  }
0x24a: {  	s0 =	sshll.u32 @!p0 s0, $0x7  }
0x24b: {  	s0 =	sand.u32 @!p0 $0x1FFFFF80, s0  }
0x24c: {  	s8 =	simm.s32 @!p0 $0xB500;
	s0 =	sadd.s32 @!p0 s2, s0  }
0x24d: {  	v29, _, _ =	vpop (xrf2);
	[tilespmem:s8], [sflag:$0x4] =	stream.strided.gather @!p0 [hbm4b:s0+s4], $0x1000, s21, s4, $0x38;
	[tilespmem:$0x10700] =	vst v63  }
0x24e: {  	_ =	swait.ge [sflag:s7], $0x1000  }
0x24f: {  	[sflag:s7] =	ssyncset.done $0x0  }
0x250: {  	[sflag:s7] =	ssyncadd.s32 $0xFFFFF000  }
0x251: {  	_ =	swait.ge [sflag:s7], $0x1000  }
0x252: {  	(v2sf) =	vpush @!p0 v17, $0x4  }
0x253: {  	(v2sf) =	vpush @!p0 v16, $0x4;
	_ =	sdelay $0x8  }
0x254: {  	s22 =	sand.u32 $0x7F, s18  }
0x255: {  	v50 =	vor.u32 s22, v8  }
0x256: {  	v51 =	vor.u32 s22, v9;
	s23 =	sand.u32 $0x7F, s25  }
0x257: {  	v52 =	vor.u32 s23, v8  }
0x258: {  	v33 =	vor.u32 s23, v9;
	[sflag:s7] =	ssyncset.done $0x0  }
0x259: {  	[sflag:s7] =	ssyncadd.s32 $0xFFFFF000;
	s0 =	spop @!p0 (v2sf)  }
0x25a: {  	v30 =	vld.idx.msk [tilespmem:v50+s15+$0x0], $0xffff;
	s8 =	spop @!p0 (v2sf)  }
0x25b: {  	v31 =	vld.idx.msk [tilespmem:v51+s15+$0x0], $0xffff;
	s11 =	sand.u32 @!p0 $0x7F, s8  }
0x25c: {  	v32 =	vld.idx.msk [tilespmem:v52+s3+$0x0], $0xffff;
	p1 =	slt.s32 @!p0 s8, $0x1;
	p2 =	sne.s32 @!p0 s11, $0x0  }
0x25d: {  	v33 =	vld.idx.msk [tilespmem:v33+s3+$0x0], $0xffff;
	s11 =	sshra.s32 @!p0 s8, $0x1F;
	p1 =	por @!p0 !p1, !p2  }
0x25e: {  	s11 =	sshrl.u32 @!p0 s11, $0x19;
	p1 =	por @!p0 !p1, !p1  }
0x25f: {  	s8 =	sadd.s32 @!p0 s11, s8;
	s11 =	simm.s32 @!p0 $0x1;
	p1 =	por !p1, p0  }
0x260: {  	s8 =	sshrl.u32 @!p0 s8, $0x7;
	s11 =	simm.s32 @p1 $0x0  }
0x261: {  	s8 =	ssub.s32 @!p0 s8, s11  }
0x262: {  	v30 =	vmul.f32 v32, v30;
	v31 =	vmul.f32 v33, v31;
	s8 =	sshll.u32 @!p0 s8, $0x7  }
0x263: {  	s8 =	sand.u32 @!p0 $0x1FFFFF80, s8  }
0x264: {  	v30 =	vadd.f32 v31, v30;
	s11 =	simm.s32 @!p0 $0x4500;
	s8 =	sadd.s32 @!p0 s1, s8  }
0x265: {  	[tilespmem:s11], [sflag:$0x5] =	stream.strided.gather @!p0 [hbm4b:s8+s4], $0x1000, s21, s4, $0x38;
	[tilespmem:$0x10700] =	vst v63  }
0x266: {  	(xrf2) =	vadd.scan.msk.f32 $0xffff, v30;
	s8 =	sand.u32 @!p0 $0x7F, s0  }
0x267: {  	p1 =	slt.s32 @!p0 s0, $0x1;
	p2 =	sne.s32 @!p0 s8, $0x0  }
0x268: {  	s8 =	sshra.s32 @!p0 s0, $0x1F;
	p1 =	por @!p0 !p1, !p2  }
0x269: {  	s8 =	sshrl.u32 @!p0 s8, $0x19;
	p1 =	por @!p0 !p1, !p1  }
0x26a: {  	s0 =	sadd.s32 @!p0 s8, s0;
	s8 =	simm.s32 @!p0 $0x1;
	p1 =	por !p1, p0  }
0x26b: {  	s0 =	sshrl.u32 @!p0 s0, $0x7;
	s8 =	simm.s32 @p1 $0x0  }
0x26c: {  	s0 =	ssub.s32 @!p0 s0, s8  }
0x26d: {  	s0 =	sshll.u32 @!p0 s0, $0x7  }
0x26e: {  	s0 =	sand.u32 @!p0 $0x1FFFFF80, s0  }
0x26f: {  	s8 =	simm.s32 @!p0 $0xC500;
	s0 =	sadd.s32 @!p0 s2, s0  }
0x270: {  	v30, _, _ =	vpop (xrf2);
	[tilespmem:s8], [sflag:$0x5] =	stream.strided.gather @!p0 [hbm4b:s0+s4], $0x1000, s21, s4, $0x38;
	[tilespmem:$0x10700] =	vst v63  }
0x271: {  	_ =	swait.ge [sflag:s12], $0x1000  }
0x272: {  	[sflag:s12] =	ssyncset.done $0x0  }
0x273: {  	[sflag:s12] =	ssyncadd.s32 $0xFFFFF000  }
0x274: {  	_ =	swait.ge [sflag:s12], $0x1000  }
0x275: {  	(v2sf) =	vpush @!p0 v17, $0x5  }
0x276: {  	(v2sf) =	vpush @!p0 v16, $0x5;
	_ =	sdelay $0x8  }
0x277: {  	s24 =	sand.u32 $0x7F, s19  }
0x278: {  	v53 =	vor.u32 s24, v10  }
0x279: {  	s25 =	sand.u32 $0x7F, s26;
	v54 =	vor.u32 s24, v11  }
0x27a: {  	v55 =	vor.u32 s25, v10  }
0x27b: {  	v34 =	vor.u32 s25, v11;
	[sflag:s12] =	ssyncset.done $0x0  }
0x27c: {  	[sflag:s12] =	ssyncadd.s32 $0xFFFFF000;
	s0 =	spop @!p0 (v2sf)  }
0x27d: {  	v31 =	vld.idx.msk [tilespmem:v53+s15+$0x0], $0xffff;
	s8 =	spop @!p0 (v2sf)  }
0x27e: {  	v32 =	vld.idx.msk [tilespmem:v54+s15+$0x0], $0xffff;
	s11 =	sand.u32 @!p0 $0x7F, s8  }
0x27f: {  	v33 =	vld.idx.msk [tilespmem:v55+s3+$0x0], $0xffff;
	p1 =	slt.s32 @!p0 s8, $0x1;
	p2 =	sne.s32 @!p0 s11, $0x0  }
0x280: {  	v34 =	vld.idx.msk [tilespmem:v34+s3+$0x0], $0xffff;
	s11 =	sshra.s32 @!p0 s8, $0x1F;
	p1 =	por @!p0 !p1, !p2  }
0x281: {  	s11 =	sshrl.u32 @!p0 s11, $0x19;
	p1 =	por @!p0 !p1, !p1  }
0x282: {  	s8 =	sadd.s32 @!p0 s11, s8;
	s11 =	simm.s32 @!p0 $0x1;
	p1 =	por !p1, p0  }
0x283: {  	s8 =	sshrl.u32 @!p0 s8, $0x7;
	s11 =	simm.s32 @p1 $0x0  }
0x284: {  	s8 =	ssub.s32 @!p0 s8, s11  }
0x285: {  	v31 =	vmul.f32 v33, v31;
	v32 =	vmul.f32 v34, v32;
	s8 =	sshll.u32 @!p0 s8, $0x7  }
0x286: {  	s8 =	sand.u32 @!p0 $0x1FFFFF80, s8  }
0x287: {  	v31 =	vadd.f32 v32, v31;
	s11 =	simm.s32 @!p0 $0x5500;
	s8 =	sadd.s32 @!p0 s1, s8  }
0x288: {  	[tilespmem:s11], [sflag:$0x6] =	stream.strided.gather @!p0 [hbm4b:s8+s4], $0x1000, s21, s4, $0x38;
	[tilespmem:$0x10700] =	vst v63  }
0x289: {  	(xrf2) =	vadd.scan.msk.f32 $0xffff, v31;
	s8 =	sand.u32 @!p0 $0x7F, s0  }
0x28a: {  	p1 =	slt.s32 @!p0 s0, $0x1;
	p2 =	sne.s32 @!p0 s8, $0x0  }
0x28b: {  	s8 =	sshra.s32 @!p0 s0, $0x1F;
	p1 =	por @!p0 !p1, !p2  }
0x28c: {  	s8 =	sshrl.u32 @!p0 s8, $0x19;
	p1 =	por @!p0 !p1, !p1  }
0x28d: {  	s0 =	sadd.s32 @!p0 s8, s0;
	s8 =	simm.s32 @!p0 $0x1;
	p1 =	por !p1, p0  }
0x28e: {  	s0 =	sshrl.u32 @!p0 s0, $0x7;
	s8 =	simm.s32 @p1 $0x0  }
0x28f: {  	s0 =	ssub.s32 @!p0 s0, s8  }
0x290: {  	s0 =	sshll.u32 @!p0 s0, $0x7  }
0x291: {  	s0 =	sand.u32 @!p0 $0x1FFFFF80, s0  }
0x292: {  	s8 =	simm.s32 @!p0 $0xD500;
	s0 =	sadd.s32 @!p0 s2, s0  }
0x293: {  	v31, _, _ =	vpop (xrf2);
	[tilespmem:s8], [sflag:$0x6] =	stream.strided.gather @!p0 [hbm4b:s0+s4], $0x1000, s21, s4, $0x38;
	[tilespmem:$0x10700] =	vst v63  }
0x294: {  	_ =	swait.ge [sflag:s16], $0x1000  }
0x295: {  	[sflag:s16] =	ssyncset.done $0x0  }
0x296: {  	[sflag:s16] =	ssyncadd.s32 $0xFFFFF000  }
0x297: {  	_ =	swait.ge [sflag:s16], $0x1000  }
0x298: {  	(v2sf) =	vpush @!p0 v17, $0x6  }
0x299: {  	(v2sf) =	vpush @!p0 v16, $0x6;
	_ =	sdelay $0x8  }
0x29a: {  	s26 =	sand.u32 $0x7F, s20  }
0x29b: {  	v56 =	vor.u32 s26, v12  }
0x29c: {  	s28 =	sand.u32 $0x7F, s28;
	v57 =	vor.u32 s26, v13  }
0x29d: {  	v58 =	vor.u32 s28, v12  }
0x29e: {  	v35 =	vor.u32 s28, v13;
	[sflag:s16] =	ssyncset.done $0x0  }
0x29f: {  	[sflag:s16] =	ssyncadd.s32 $0xFFFFF000;
	s0 =	spop @!p0 (v2sf)  }
0x2a0: {  	v32 =	vld.idx.msk [tilespmem:v56+s15+$0x0], $0xffff;
	s8 =	spop @!p0 (v2sf)  }
0x2a1: {  	v33 =	vld.idx.msk [tilespmem:v57+s15+$0x0], $0xffff;
	s11 =	sand.u32 @!p0 $0x7F, s8  }
0x2a2: {  	v34 =	vld.idx.msk [tilespmem:v58+s3+$0x0], $0xffff;
	p1 =	slt.s32 @!p0 s8, $0x1;
	p2 =	sne.s32 @!p0 s11, $0x0  }
0x2a3: {  	v35 =	vld.idx.msk [tilespmem:v35+s3+$0x0], $0xffff;
	s11 =	sshra.s32 @!p0 s8, $0x1F;
	p1 =	por @!p0 !p1, !p2  }
0x2a4: {  	s11 =	sshrl.u32 @!p0 s11, $0x19;
	p1 =	por @!p0 !p1, !p1  }
0x2a5: {  	s8 =	sadd.s32 @!p0 s11, s8;
	s11 =	simm.s32 @!p0 $0x1;
	p1 =	por !p1, p0  }
0x2a6: {  	s8 =	sshrl.u32 @!p0 s8, $0x7;
	s11 =	simm.s32 @p1 $0x0  }
0x2a7: {  	s8 =	ssub.s32 @!p0 s8, s11  }
0x2a8: {  	v32 =	vmul.f32 v34, v32;
	v33 =	vmul.f32 v35, v33;
	s8 =	sshll.u32 @!p0 s8, $0x7  }
0x2a9: {  	s8 =	sand.u32 @!p0 $0x1FFFFF80, s8  }
0x2aa: {  	v32 =	vadd.f32 v33, v32;
	s11 =	simm.s32 @!p0 $0x6500;
	s8 =	sadd.s32 @!p0 s1, s8  }
0x2ab: {  	[tilespmem:s11], [sflag:$0x7] =	stream.strided.gather @!p0 [hbm4b:s8+s4], $0x1000, s21, s4, $0x38;
	[tilespmem:$0x10700] =	vst v63  }
0x2ac: {  	(xrf2) =	vadd.scan.msk.f32 $0xffff, v32;
	s8 =	sand.u32 @!p0 $0x7F, s0  }
0x2ad: {  	p1 =	slt.s32 @!p0 s0, $0x1;
	p2 =	sne.s32 @!p0 s8, $0x0  }
0x2ae: {  	s8 =	sshra.s32 @!p0 s0, $0x1F;
	p1 =	por @!p0 !p1, !p2  }
0x2af: {  	s8 =	sshrl.u32 @!p0 s8, $0x19;
	p1 =	por @!p0 !p1, !p1  }
0x2b0: {  	s0 =	sadd.s32 @!p0 s8, s0;
	s8 =	simm.s32 @!p0 $0x1;
	p1 =	por !p1, p0  }
0x2b1: {  	s0 =	sshrl.u32 @!p0 s0, $0x7;
	s8 =	simm.s32 @p1 $0x0  }
0x2b2: {  	s0 =	ssub.s32 @!p0 s0, s8  }
0x2b3: {  	s0 =	sshll.u32 @!p0 s0, $0x7  }
0x2b4: {  	s0 =	sand.u32 @!p0 $0x1FFFFF80, s0  }
0x2b5: {  	s8 =	simm.s32 @!p0 $0xE500;
	s0 =	sadd.s32 @!p0 s2, s0  }
0x2b6: {  	v32, _, _ =	vpop (xrf2);
	[tilespmem:s8], [sflag:$0x7] =	stream.strided.gather @!p0 [hbm4b:s0+s4], $0x1000, s21, s4, $0x38;
	[tilespmem:$0x10700] =	vst v63  }
0x2b7: {  	s29 =	sand.u32 $0x7F, s29;
	_ =	swait.ge [sflag:s13], $0x1000  }
0x2b8: {  	v59 =	vor.u32 s29, v14;
	s31 =	sand.u32 $0x7F, s30;
	[sflag:s13] =	ssyncset.done $0x0  }
0x2b9: {  	v60 =	vor.u32 s31, v14;
	[sflag:s13] =	ssyncadd.s32 $0xFFFFF000  }
0x2ba: {  	v61 =	vor.u32 s29, v15;
	_ =	swait.ge [sflag:s13], $0x1000  }
0x2bb: {  	v36 =	vor.u32 s31, v15;
	[sflag:s13] =	ssyncset.done $0x0  }
0x2bc: {  	[sflag:s13] =	ssyncadd.s32 $0xFFFFF000  }
0x2bd: {  	v33 =	vld.idx.msk [tilespmem:v59+s15+$0x0], $0xffff  }
0x2be: {  	v34 =	vld.idx.msk [tilespmem:v60+s3+$0x0], $0xffff  }
0x2bf: {  	v35 =	vld.idx.msk [tilespmem:v61+s15+$0x0], $0xffff  }
0x2c0: {  	v36 =	vld.idx.msk [tilespmem:v36+s3+$0x0], $0xffff;
	_ =	sdelay $0x2  }
0x2c1: {  	v18 =	vbroadcast v18, $0xF  }
0x2c2: {  	v19 =	vbroadcast v19, $0xF;
	v20 =	vbroadcast v20, $0xF  }
0x2c3: {  	v33 =	vmul.f32 v34, v33;
	v62 =	vmul.f32 v36, v35  }
0x2c4: {  	v18 =	vsel vm0, v18, v19;
	v19 =	vbroadcast v21, $0xF  }
0x2c5: {  	v18 =	vsel vm1, v18, v20;
	v63 =	vbroadcast v22, $0xF;
	v20 =	vadd.f32 v62, v33  }
0x2c6: {  	v18 =	vsel vm2, v18, v19;
	v19 =	vbroadcast v23, $0xF  }
0x2c7: {  	v18 =	vsel vm3, v18, v63;
	(xrf2) =	vadd.scan.msk.f32 $0xffff, v20;
	v20 =	vbroadcast v24, $0xF  }
0x2c8: {  	v18 =	vsel vm4, v18, v19;
	v19 =	vbroadcast v25, $0xF  }
0x2c9: {  	v18 =	vsel vm5, v18, v20;
	v20 =	vbroadcast v26, $0xF  }
0x2ca: {  	v18 =	vsel vm6, v18, v19;
	v19 =	vbroadcast v27, $0xF  }
0x2cb: {  	v18 =	vsel vm7, v18, v20;
	v20 =	vbroadcast v28, $0xF  }
0x2cc: {  	v18 =	vsel vm8, v19, v18;
	v19 =	vbroadcast v29, $0xF  }
0x2cd: {  	v18 =	vsel vm9, v20, v18  }
0x2ce: {  	v20 =	vbroadcast v30, $0xF;
	v18 =	vsel vm10, v19, v18;
	v19 =	vbroadcast v31, $0xF  }
.Ltmp2:
0x2cf: {  	_ = 	snop;
	(pc) =	sbr.rel @p0 .LBB2_4-.Ltmp2, $4  }
0x2d0: {  	v18 =	vsel vm11, v20, v18;
	v20 =	vbroadcast v32, $0xF  }
0x2d1: {  	v18 =	vsel vm12, v19, v18  }
0x2d2: {  	v18 =	vsel vm13, v20, v18;
	v19, _, _ =	vpop (xrf2)  }
0x2d3: {  	s14 =	simm.s32 $0x7A1400;
	s5 =	simm.s32 $0x8500;
	s10 =	simm.s32 $0x500;
	v18 =	vsel vm14, v18, v19  }
0x2d4: {  	(v2sf) =	vpush v17, $0x7;
	_ =	sdelay $0x1  }
0x2d5: {  	(v2sf) =	vpush v16, $0x7;
	_ =	sdelay $0xc  }
0x2d6: {  	s0 =	spop (v2sf)  }
0x2d7: {  	s4 =	sand.u32 $0x7F, s0  }
0x2d8: {  	s8 =	spop (v2sf);
	s11 =	sshra.s32 s0, $0x1F;
	p6 =	slt.s32 s0, $0x1  }
0x2d9: {  	p0 =	sne.s32 s4, $0x0;
	s26 =	sand.u32 $0x7F, s8;
	s28 =	sshra.s32 s8, $0x1F  }
0x2da: {  	p2 =	slt.s32 s8, $0x1;
	s11 =	sshrl.u32 s11, $0x19;
	p1 =	sne.s32 s26, $0x0  }
0x2db: {  	s4 =	sshrl.u32 s28, $0x19;
	s0 =	sadd.s32 s11, s0;
	p1 =	por !p2, !p1  }
0x2dc: {  	s4 =	sadd.s32 s4, s8;
	s8 =	simm.s32 $0x1;
	p1 =	por !p1, !p1  }
0x2dd: {  	p0 =	por !p6, !p0;
	s4 =	sshrl.u32 s4, $0x7;
	s8 =	simm.s32 @!p1 $0x0  }
0x2de: {  	p0 =	por !p0, !p0;
	s4 =	ssub.s32 s4, s8;
	s8 =	simm.s32 $0x1  }
0x2df: {  	s0 =	sshrl.u32 s0, $0x7;
	s4 =	sshll.u32 s4, $0x7;
	s8 =	simm.s32 @!p0 $0x0  }
0x2e0: {  	s3 =	simm.s32 $0x7500;
	s4 =	sand.u32 $0x1FFFFF80, s4;
	s0 =	ssub.s32 s0, s8  }
0x2e1: {  	s5 =	simm.s32 $0x400;
	s4 =	sadd.s32 s1, s4;
	s0 =	sshll.u32 s0, $0x7  }
0x2e2: {  	[tilespmem:s3], [sflag:$0x8] =	stream.strided.gather [hbm4b:s4+s5], $0x1000, s14, s5, $0x38;
	[tilespmem:$0x10700] =	vst v63  }
.Ltmp3:
0x2e3: {  	s0 =	sand.u32 $0x1FFFFF80, s0;
	(pc) =	sbr.rel .LBB2_2-.Ltmp3, $4  }
0x2e4: {  	s29 =	simm.s32 $0xF500;
	s31 =	rddreg [dreg:$0xb];
	s0 =	sadd.s32 s2, s0  }
0x2e5: {  	[tilespmem:s29], [sflag:$0x8] =	stream.strided.gather [hbm4b:s0+s5], $0x1000, s14, s5, $0x38;
	[tilespmem:$0x10700] =	vst v63  }
0x2e6: {  	s30 =	rddreg [dreg:$0xc];
	s0 =	sadd.s32 $0x40, s31  }
0x2e7: {  	s12 =	simm.s32 $0x400;
	s6 =	simm.s32 $0x7A1400;
	[tilespmem:s30+$0x10500] =	vst v18;
	[dreg:$0xb] =	wrdreg s0  }
.LBB2_5:
0x2e8: {  	_ =	sfence.sel $0x180000  }
0x2e9: {  	[bflag:$0x0] =	sbarrier.arrive $0xFFFF  }
0x2ea: {  	_ =	strace $0x90000047  }
0x2eb: {  	s0 =	stileid.u32;
	[bflag:$0x2] =	sbarrier.arrive $0xFFFF  }
0x2ec: {  	p0 =	sne.s32 s0, $0x0;
	s0 =	rddreg [dreg:$0x5]  }
0x2ed: {  	s0 =	sadd.s32 @!p0 $0x100000, s0  }
0x2ee: {  	[sflag:s0] =	ssyncadd.tile.s32 @!p0 $0x1;
	_ =	shalt  }
.Lfunc_end2:
_tile_overlayer_lowered:
.L_overlay_start_2:
0x2ef: {  	(tag) =	ssettag $0x2  }
0x2f0: {  	s0 =	rddreg [dreg:$0x0];
	s2 =	stileid.u32  }
0x2f1: {  	s1 =	rddreg [dreg:$0x1];
	p0 =	sne.s32 s2, $0x0  }
0x2f2: {  	s3 =	rddreg [dreg:$0x2];
	[bflag:$0x3] =	sbarrier.arrive $0xFFFF;
	s2 =	simm.s32 @!p0 $0x1C09  }
0x2f3: {  	[timem:s3], [sflag:s2] =	dma.local @!p0 [hbm:s0], s1  }
0x2f4: {  	s0 =	simm.s32 @!p0 $0x9  }
0x2f5: {  	_ =	swait.ge @!p0 [sflag:s0], s1  }
0x2f6: {  	s1 =	ssub.s32 @!p0 $0x0, s1;
	[sflag:s0] =	ssyncset.done @!p0 $0x0  }
0x2f7: {  	[sflag:s0] =	ssyncadd.s32 @!p0 s1  }
0x2f8: {  	[bflag:$0x3] =	sbarrier.arrive $0xFFFF  }
0x2f9: {  	_ =	shalt  }

</sc_bundles>
